<compile_context>
chip_gen: v7x
topology: tpu7x:2x2x1
jax: 0.10.2.dev20260603
libtpu: 0.0.44.dev20260713+nightly
codegen_flags: <defaults>
</compile_context>

<pallas_src>
import functools

import jax
import jax.numpy as jnp
from jax import lax
from jax.experimental import pallas as pl
from jax.experimental.pallas import tpu as pltpu
from jax.experimental.pallas import tpu_sc as plsc

_N = 10000
_D = 128
_E = 320000
_NC = 2
_NS = 16
_CHUNK = 128
_NCH = 80
_HALF = _NCH // 2
_EPAD = _NC * _NS * _NCH * _CHUNK
_RPT = 632
_NPAD = _NS * _RPT
_RB = 1000


def _make_segsum():
    mesh = plsc.VectorSubcoreMesh(core_axis_name="c", subcore_axis_name="s")

    @functools.partial(
        pl.kernel,
        out_type=jax.ShapeDtypeStruct((_NC, _NPAD, _D), jnp.float32),
        mesh=mesh,
        scratch_types=[
            pltpu.VMEM((_HALF, _CHUNK), jnp.int32),
            pltpu.VMEM((_HALF, _CHUNK), jnp.int32),
            pltpu.VMEM((_CHUNK, _D), jnp.float32),
            pltpu.VMEM((_CHUNK, _D), jnp.float32),
            pltpu.VMEM_SHARED((_NPAD, _D), jnp.float32),
            pltpu.SemaphoreType.DMA,
            pltpu.SemaphoreType.DMA,
            pltpu.SemaphoreType.DMA,
            pltpu.SemaphoreType.DMA,
        ],
    )
    def segsum(feat, srcs, dsts, zrows, out, src_v, dst_v, rows0, rows1,
               acc, gsem0, gsem1, ssem0, ssem1):
        c = lax.axis_index("c")
        s = lax.axis_index("s")
        pltpu.sync_copy(zrows, acc.at[pl.ds(s * _RPT, _RPT)])
        plsc.subcore_barrier()

        rows = (rows0, rows1)
        gsems = (gsem0, gsem1)
        ssems = (ssem0, ssem1)

        def gat(j, b):
            pltpu.async_copy(feat.at[src_v.at[j]], rows[b], gsems[b])

        def sca(j, b):
            pltpu.async_copy(rows[b], acc.at[dst_v.at[j]], ssems[b],
                             add=True)

        def gwait(b):
            pltpu.make_async_copy(feat.at[src_v.at[0]], rows[b],
                                  gsems[b]).wait()

        def swait(b):
            pltpu.make_async_copy(rows[b], acc.at[dst_v.at[0]],
                                  ssems[b]).wait()

        for h in range(2):
            pltpu.sync_copy(srcs.at[c, s, h], src_v)
            pltpu.sync_copy(dsts.at[c, s, h], dst_v)
            gat(0, 0)
            gat(1, 1)
            gwait(0)
            sca(0, 0)

            def pipe(i, carry):
                jj = 2 * i
                swait(0)
                gat(jj, 0)
                gwait(1)
                sca(jj - 1, 1)
                swait(1)
                gat(jj + 1, 1)
                gwait(0)
                sca(jj, 0)
                return carry

            lax.fori_loop(1, _HALF // 2, pipe, 0, unroll=2)

            gwait(1)
            sca(_HALF - 1, 1)
            swait(0)
            swait(1)

        plsc.subcore_barrier()
        pltpu.sync_copy(acc.at[pl.ds(s * _RPT, _RPT)],
                        out.at[c, pl.ds(s * _RPT, _RPT)])

    return segsum


def _fused_linear(p0, p1, wt, b, relu):
    def body(p0_ref, p1_ref, wt_ref, b_ref, o_ref):
        a = p0_ref[...] + p1_ref[...]
        y = jnp.dot(a, wt_ref[...], preferred_element_type=jnp.float32) + b_ref[...]
        if relu:
            y = jnp.maximum(y, 0.0)
        o_ref[...] = y

    return pl.pallas_call(
        body,
        grid=(_N // _RB,),
        in_specs=[
            pl.BlockSpec((_RB, _D), lambda i: (i, 0)),
            pl.BlockSpec((_RB, _D), lambda i: (i, 0)),
            pl.BlockSpec((_D, _D), lambda i: (0, 0)),
            pl.BlockSpec((1, _D), lambda i: (0, 0)),
        ],
        out_specs=pl.BlockSpec((_RB, _D), lambda i: (i, 0)),
        out_shape=jax.ShapeDtypeStruct((_N, _D), jnp.float32),
    )(p0, p1, wt, b)


def _proj_head(h2, p1t, pb1, p2t, pb2):
    def body(h_ref, p1t_ref, pb1_ref, p2t_ref, pb2_ref, z_ref):
        t = jnp.maximum(
            jnp.dot(h_ref[...], p1t_ref[...],
                    preferred_element_type=jnp.float32) + pb1_ref[...], 0.0)
        z_ref[...] = jnp.dot(t, p2t_ref[...],
                             preferred_element_type=jnp.float32) + pb2_ref[...]

    mat = lambda: pl.BlockSpec((_D, _D), lambda i: (0, 0))
    vec = lambda: pl.BlockSpec((1, _D), lambda i: (0, 0))
    row = lambda: pl.BlockSpec((_RB, _D), lambda i: (i, 0))
    return pl.pallas_call(
        body,
        grid=(_N // _RB,),
        in_specs=[row(), mat(), vec(), mat(), vec()],
        out_specs=row(),
        out_shape=jax.ShapeDtypeStruct((_N, _D), jnp.float32),
    )(h2, p1t, pb1, p2t, pb2)


def kernel(x, edge_index, W1, b1, bn1_g, bn1_b, bn1_m, bn1_v, W2, b2,
           bn2_g, bn2_b, bn2_m, bn2_v, W3, b3, P1, pb1, P2, pb2):
    eps = 1e-5
    s1 = bn1_g * lax.rsqrt(bn1_v + eps)
    w1t = (W1 * s1[:, None]).T
    b1e = ((b1 - bn1_m) * s1 + bn1_b)[None, :]
    s2 = bn2_g * lax.rsqrt(bn2_v + eps)
    w2t = (W2 * s2[:, None]).T
    b2e = ((b2 - bn2_m) * s2 + bn2_b)[None, :]

    pad_ar = jnp.arange(_EPAD - _E, dtype=jnp.int32)
    srcp = jnp.concatenate([edge_index[0], pad_ar % _N]).reshape(
        _NC, _NS, 2, _HALF, _CHUNK)
    dstp = jnp.concatenate([edge_index[1], _N + pad_ar % (_NPAD - _N)]).reshape(
        _NC, _NS, 2, _HALF, _CHUNK)
    zrows = jnp.zeros((_RPT, _D), jnp.float32)

    segsum = _make_segsum()
    agg1 = segsum(x, srcp, dstp, zrows)
    h1 = _fused_linear(agg1[0, :_N], agg1[1, :_N], w1t, b1e, True)
    agg2 = segsum(h1, srcp, dstp, zrows)
    h2 = _fused_linear(agg2[0, :_N], agg2[1, :_N], w2t, b2e, True)
    z = _proj_head(h2, P1.T, pb1[None, :], P2.T, pb2[None, :])
    agg3 = segsum(h2, srcp, dstp, zrows)
    logits = _fused_linear(agg3[0, :_N], agg3[1, :_N], W3.T, b3[None, :], False)
    return (logits, h2, z)

# --- scband reference (transcript-rebuilt; emitter-appended) ---
"""Pipeline reference for scband-sggcn-69002944578214 (READ-ONLY COPY).

The authoritative reference and input builder live on the scoring server;
editing this copy changes nothing except your own understanding.
"""

import jax, jax.numpy as jnp
import numpy as np

N = 10000
E = 320000
D = 128
H = 128
O = 128


def setup_inputs(seed: int = 0) -> dict:
    key = jax.random.key(seed)
    ks = jax.random.split(key, 10)
    inp = {}
    inp["x"] = jax.random.normal(ks[0], (N, D), dtype=jnp.float32)
    inp["edge_index"] = jax.random.randint(ks[1], (2, E), 0, N, dtype=jnp.int32)
    sD = 1.0 / np.sqrt(D)
    sH = 1.0 / np.sqrt(H)
    inp["W1"] = jax.random.normal(ks[2], (H, D), dtype=jnp.float32) * sD
    inp["b1"] = jnp.zeros((H,), dtype=jnp.float32)
    inp["bn1_g"] = jnp.ones((H,), dtype=jnp.float32)
    inp["bn1_b"] = jnp.zeros((H,), dtype=jnp.float32)
    inp["bn1_m"] = jnp.zeros((H,), dtype=jnp.float32)
    inp["bn1_v"] = jnp.ones((H,), dtype=jnp.float32)
    inp["W2"] = jax.random.normal(ks[3], (H, H), dtype=jnp.float32) * sH
    inp["b2"] = jnp.zeros((H,), dtype=jnp.float32)
    inp["bn2_g"] = jnp.ones((H,), dtype=jnp.float32)
    inp["bn2_b"] = jnp.zeros((H,), dtype=jnp.float32)
    inp["bn2_m"] = jnp.zeros((H,), dtype=jnp.float32)
    inp["bn2_v"] = jnp.ones((H,), dtype=jnp.float32)
    inp["W3"] = jax.random.normal(ks[4], (O, H), dtype=jnp.float32) * sH
    inp["b3"] = jnp.zeros((O,), dtype=jnp.float32)
    inp["P1"] = jax.random.normal(ks[5], (H, H), dtype=jnp.float32) * sH
    inp["pb1"] = jnp.zeros((H,), dtype=jnp.float32)
    inp["P2"] = jax.random.normal(ks[6], (H, H), dtype=jnp.float32) * sH
    inp["pb2"] = jnp.zeros((H,), dtype=jnp.float32)
    return inp


def _sgconv(x, src, dst, W, b):
    # SGConv with K=1, normalize=False, edge_weight=None: sum-aggregate neighbors then linear
    agg = jax.ops.segment_sum(x[src], dst, num_segments=N)
    return agg @ W.T + b


def _bn(x, g, b, m, v):
    # BatchNorm1d in eval mode (running stats)
    return (x - m) / jnp.sqrt(v + 1e-5) * g + b


def reference(x, edge_index, W1, b1, bn1_g, bn1_b, bn1_m, bn1_v, W2, b2, bn2_g, bn2_b, bn2_m, bn2_v, W3, b3, P1, pb1, P2, pb2):
    src = edge_index[0]
    dst = edge_index[1]
    h = _sgconv(x, src, dst, W1, b1)
    h = _bn(h, bn1_g, bn1_b, bn1_m, bn1_v)
    h = jax.nn.relu(h)
    # dropout: identity in eval mode
    h = _sgconv(h, src, dst, W2, b2)
    h = _bn(h, bn2_g, bn2_b, bn2_m, bn2_v)
    h = jax.nn.relu(h)
    # proj: Linear -> Dropout(eval: identity) -> ReLU -> Linear
    z = jax.nn.relu(h @ P1.T + pb1) @ P2.T + pb2
    logits = _sgconv(h, src, dst, W3, b3)
    return (logits, h, z)

if __name__ == "__main__":
    import jax
    _d = setup_inputs()
    print(jax.jit(kernel)(*tuple(_d.values())))

</pallas_src>

<mosaic_0001>
#map = affine_map<(d0, d1) -> (0, 0)>
#map1 = affine_map<(d0, d1) -> (0, 0, 0, 0, 0)>
#map2 = affine_map<(d0, d1) -> (0, 0, 0)>
module attributes {stable_mosaic.version = 14 : i64} {
  func.func @segsum(%arg0: i32, %arg1: i32, %arg2: memref<10000x128xf32, #tpu.memory_space<hbm>>, %arg3: memref<2x16x2x40x128xi32, #tpu.memory_space<hbm>>, %arg4: memref<2x16x2x40x128xi32, #tpu.memory_space<hbm>>, %arg5: memref<632x128xf32, #tpu.memory_space<hbm>>, %arg6: memref<2x10112x128xf32, #tpu.memory_space<hbm>>, %arg7: memref<40x128xi32, #tpu.memory_space<vmem>>, %arg8: memref<40x128xi32, #tpu.memory_space<vmem>>, %arg9: memref<128x128xf32, #tpu.memory_space<vmem>>, %arg10: memref<128x128xf32, #tpu.memory_space<vmem>>, %arg11: memref<10112x128xf32, #tpu.memory_space<vmem_shared>>, %arg12: memref<!tpu.dma_semaphore, #tpu.memory_space<semaphore_mem>>, %arg13: memref<!tpu.dma_semaphore, #tpu.memory_space<semaphore_mem>>, %arg14: memref<!tpu.dma_semaphore, #tpu.memory_space<semaphore_mem>>, %arg15: memref<!tpu.dma_semaphore, #tpu.memory_space<semaphore_mem>>) attributes {dimension_semantics = [#tpu.dimension_semantics<core_parallel>, #tpu.dimension_semantics<subcore_parallel>], iteration_bounds = array<i64: 2, 16>, scalar_prefetch = 0 : i64, scratch_operands = 9 : i64, tpu.core_type = #tpu.core_type<sc_vector_subcore>, window_params = [{transform_indices = #map}, {transform_indices = #map1}, {transform_indices = #map1}, {transform_indices = #map}, {transform_indices = #map2}]} {
    %mul3A = arith.constant 632 : i32
    %mul3A_0 = arith.muli %arg1, %mul3A : i32
    "tpu.region"() ({
      %run_scoped3A_248 = tpu.sem_alloc : memref<!tpu.dma_semaphore, #tpu.memory_space<semaphore_mem>>
      %dma_start3A_249 = arith.constant 0 : i32
      %dma_start3A_250 = tpu.memref_slice %arg11[%mul3A_0, %dma_start3A_249] : memref<10112x128xf32, #tpu.memory_space<vmem_shared>> -> memref<632x128xf32, #tpu.memory_space<vmem_shared>>
      tpu.enqueue_dma source(%arg5 : memref<632x128xf32, #tpu.memory_space<hbm>>) target(%dma_start3A_250 : memref<632x128xf32, #tpu.memory_space<vmem_shared>>) target_semaphore(%run_scoped3A_248 : memref<!tpu.dma_semaphore, #tpu.memory_space<semaphore_mem>>)
      %dma_wait3A_251 = arith.constant 0 : i32
      %dma_wait3A_252 = tpu.memref_slice %arg11[%mul3A_0, %dma_wait3A_251] : memref<10112x128xf32, #tpu.memory_space<vmem_shared>> -> memref<632x128xf32, #tpu.memory_space<vmem_shared>>
      tpu.wait_dma2 semaphore(%run_scoped3A_248 : memref<!tpu.dma_semaphore, #tpu.memory_space<semaphore_mem>>) src(%arg5 : memref<632x128xf32, #tpu.memory_space<hbm>>) dst(%dma_wait3A_252 : memref<632x128xf32, #tpu.memory_space<vmem_shared>>)
      tpu.yield
    }) : () -> ()
    %barrier3A = arith.constant 0 : index
    tpu.barrier barrier_id(%barrier3A)
    %run_scoped3A = arith.constant 0 : i32
    "tpu.region"() ({
      %run_scoped3A_248 = tpu.sem_alloc : memref<!tpu.dma_semaphore, #tpu.memory_space<semaphore_mem>>
      %dma_start3A_249 = arith.constant 0 : i32
      %dma_start3A_250 = arith.constant 0 : i32
      %dma_start3A_251 = tpu.memref_slice %arg3[%arg0, %arg1, %run_scoped3A, %dma_start3A_249, %dma_start3A_250] : memref<2x16x2x40x128xi32, #tpu.memory_space<hbm>> -> memref<1x1x1x40x128xi32, #tpu.memory_space<hbm>>
      %dma_start3A_252 = tpu.memref_squeeze %dma_start3A_251 : memref<1x1x1x40x128xi32, #tpu.memory_space<hbm>> -> memref<40x128xi32, #tpu.memory_space<hbm>>
      %dma_start3A_253 = arith.constant 0 : i32
      %dma_start3A_254 = arith.constant 0 : i32
      %dma_start3A_255 = tpu.memref_slice %arg3[%arg0, %arg1, %run_scoped3A, %dma_start3A_253, %dma_start3A_254] : memref<2x16x2x40x128xi32, #tpu.memory_space<hbm>> -> memref<1x1x1x40x128xi32, #tpu.memory_space<hbm>>
      %dma_start3A_256 = tpu.memref_squeeze %dma_start3A_255 : memref<1x1x1x40x128xi32, #tpu.memory_space<hbm>> -> memref<40x128xi32, #tpu.memory_space<hbm>>
      tpu.enqueue_dma source(%dma_start3A_256 : memref<40x128xi32, #tpu.memory_space<hbm>>) target(%arg7 : memref<40x128xi32, #tpu.memory_space<vmem>>) target_semaphore(%run_scoped3A_248 : memref<!tpu.dma_semaphore, #tpu.memory_space<semaphore_mem>>)
      %dma_wait3A_257 = arith.constant 0 : i32
      %dma_wait3A_258 = arith.constant 0 : i32
      %dma_wait3A_259 = tpu.memref_slice %arg3[%arg0, %arg1, %run_scoped3A, %dma_wait3A_257, %dma_wait3A_258] : memref<2x16x2x40x128xi32, #tpu.memory_space<hbm>> -> memref<1x1x1x40x128xi32, #tpu.memory_space<hbm>>
      %dma_wait3A_260 = tpu.memref_squeeze %dma_wait3A_259 : memref<1x1x1x40x128xi32, #tpu.memory_space<hbm>> -> memref<40x128xi32, #tpu.memory_space<hbm>>
      %dma_wait3A_261 = arith.constant 0 : i32
      %dma_wait3A_262 = arith.constant 0 : i32
      %dma_wait3A_263 = tpu.memref_slice %arg3[%arg0, %arg1, %run_scoped3A, %dma_wait3A_261, %dma_wait3A_262] : memref<2x16x2x40x128xi32, #tpu.memory_space<hbm>> -> memref<1x1x1x40x128xi32, #tpu.memory_space<hbm>>
      %dma_wait3A_264 = tpu.memref_squeeze %dma_wait3A_263 : memref<1x1x1x40x128xi32, #tpu.memory_space<hbm>> -> memref<40x128xi32, #tpu.memory_space<hbm>>
      tpu.wait_dma2 semaphore(%run_scoped3A_248 : memref<!tpu.dma_semaphore, #tpu.memory_space<semaphore_mem>>) src(%dma_wait3A_264 : memref<40x128xi32, #tpu.memory_space<hbm>>) dst(%arg7 : memref<40x128xi32, #tpu.memory_space<vmem>>)
      tpu.yield
    }) : () -> ()
    %run_scoped3A_1 = arith.constant 0 : i32
    "tpu.region"() ({
      %run_scoped3A_248 = tpu.sem_alloc : memref<!tpu.dma_semaphore, #tpu.memory_space<semaphore_mem>>
      %dma_start3A_249 = arith.constant 0 : i32
      %dma_start3A_250 = arith.constant 0 : i32
      %dma_start3A_251 = tpu.memref_slice %arg4[%arg0, %arg1, %run_scoped3A_1, %dma_start3A_249, %dma_start3A_250] : memref<2x16x2x40x128xi32, #tpu.memory_space<hbm>> -> memref<1x1x1x40x128xi32, #tpu.memory_space<hbm>>
      %dma_start3A_252 = tpu.memref_squeeze %dma_start3A_251 : memref<1x1x1x40x128xi32, #tpu.memory_space<hbm>> -> memref<40x128xi32, #tpu.memory_space<hbm>>
      %dma_start3A_253 = arith.constant 0 : i32
      %dma_start3A_254 = arith.constant 0 : i32
      %dma_start3A_255 = tpu.memref_slice %arg4[%arg0, %arg1, %run_scoped3A_1, %dma_start3A_253, %dma_start3A_254] : memref<2x16x2x40x128xi32, #tpu.memory_space<hbm>> -> memref<1x1x1x40x128xi32, #tpu.memory_space<hbm>>
      %dma_start3A_256 = tpu.memref_squeeze %dma_start3A_255 : memref<1x1x1x40x128xi32, #tpu.memory_space<hbm>> -> memref<40x128xi32, #tpu.memory_space<hbm>>
      tpu.enqueue_dma source(%dma_start3A_256 : memref<40x128xi32, #tpu.memory_space<hbm>>) target(%arg8 : memref<40x128xi32, #tpu.memory_space<vmem>>) target_semaphore(%run_scoped3A_248 : memref<!tpu.dma_semaphore, #tpu.memory_space<semaphore_mem>>)
      %dma_wait3A_257 = arith.constant 0 : i32
      %dma_wait3A_258 = arith.constant 0 : i32
      %dma_wait3A_259 = tpu.memref_slice %arg4[%arg0, %arg1, %run_scoped3A_1, %dma_wait3A_257, %dma_wait3A_258] : memref<2x16x2x40x128xi32, #tpu.memory_space<hbm>> -> memref<1x1x1x40x128xi32, #tpu.memory_space<hbm>>
      %dma_wait3A_260 = tpu.memref_squeeze %dma_wait3A_259 : memref<1x1x1x40x128xi32, #tpu.memory_space<hbm>> -> memref<40x128xi32, #tpu.memory_space<hbm>>
      %dma_wait3A_261 = arith.constant 0 : i32
      %dma_wait3A_262 = arith.constant 0 : i32
      %dma_wait3A_263 = tpu.memref_slice %arg4[%arg0, %arg1, %run_scoped3A_1, %dma_wait3A_261, %dma_wait3A_262] : memref<2x16x2x40x128xi32, #tpu.memory_space<hbm>> -> memref<1x1x1x40x128xi32, #tpu.memory_space<hbm>>
      %dma_wait3A_264 = tpu.memref_squeeze %dma_wait3A_263 : memref<1x1x1x40x128xi32, #tpu.memory_space<hbm>> -> memref<40x128xi32, #tpu.memory_space<hbm>>
      tpu.wait_dma2 semaphore(%run_scoped3A_248 : memref<!tpu.dma_semaphore, #tpu.memory_space<semaphore_mem>>) src(%dma_wait3A_264 : memref<40x128xi32, #tpu.memory_space<hbm>>) dst(%arg8 : memref<40x128xi32, #tpu.memory_space<vmem>>)
      tpu.yield
    }) : () -> ()
    %dma_start3A = arith.constant 0 : i32
    %dma_start3A_2 = arith.constant 0 : i32
    %dma_start3A_3 = tpu.memref_slice %arg7[%dma_start3A, %dma_start3A_2] : memref<40x128xi32, #tpu.memory_space<vmem>> -> memref<1x128xi32, #tpu.memory_space<vmem>>
    %dma_start3A_4 = tpu.memref_squeeze %dma_start3A_3 : memref<1x128xi32, #tpu.memory_space<vmem>> -> memref<128xi32, #tpu.memory_space<vmem>>
    %dma_start3A_5 = arith.constant 0 : i32
    %dma_start3A_6 = arith.constant 0 : i32
    %dma_start3A_7 = tpu.memref_slice %arg2[%dma_start3A_5, %dma_start3A_6] : memref<10000x128xf32, #tpu.memory_space<hbm>> -> memref<10000x128xf32, #tpu.memory_space<hbm>>
    tpu.enqueue_indirect_dma source(%dma_start3A_7 : memref<10000x128xf32, #tpu.memory_space<hbm>>) target(%arg9 : memref<128x128xf32, #tpu.memory_space<vmem>>) offsets(%dma_start3A_4 : memref<128xi32, #tpu.memory_space<vmem>>) semaphore(%arg12 : memref<!tpu.dma_semaphore, #tpu.memory_space<semaphore_mem>>)
    %dma_start3A_8 = arith.constant 1 : i32
    %dma_start3A_9 = arith.constant 0 : i32
    %dma_start3A_10 = tpu.memref_slice %arg7[%dma_start3A_8, %dma_start3A_9] : memref<40x128xi32, #tpu.memory_space<vmem>> -> memref<1x128xi32, #tpu.memory_space<vmem>>
    %dma_start3A_11 = tpu.memref_squeeze %dma_start3A_10 : memref<1x128xi32, #tpu.memory_space<vmem>> -> memref<128xi32, #tpu.memory_space<vmem>>
    %dma_start3A_12 = arith.constant 0 : i32
    %dma_start3A_13 = arith.constant 0 : i32
    %dma_start3A_14 = tpu.memref_slice %arg2[%dma_start3A_12, %dma_start3A_13] : memref<10000x128xf32, #tpu.memory_space<hbm>> -> memref<10000x128xf32, #tpu.memory_space<hbm>>
    tpu.enqueue_indirect_dma source(%dma_start3A_14 : memref<10000x128xf32, #tpu.memory_space<hbm>>) target(%arg10 : memref<128x128xf32, #tpu.memory_space<vmem>>) offsets(%dma_start3A_11 : memref<128xi32, #tpu.memory_space<vmem>>) semaphore(%arg13 : memref<!tpu.dma_semaphore, #tpu.memory_space<semaphore_mem>>)
    %dma_wait3A = arith.constant 0 : i32
    %dma_wait3A_15 = arith.constant 0 : i32
    %dma_wait3A_16 = tpu.memref_slice %arg7[%dma_wait3A, %dma_wait3A_15] : memref<40x128xi32, #tpu.memory_space<vmem>> -> memref<1x128xi32, #tpu.memory_space<vmem>>
    %dma_wait3A_17 = tpu.memref_squeeze %dma_wait3A_16 : memref<1x128xi32, #tpu.memory_space<vmem>> -> memref<128xi32, #tpu.memory_space<vmem>>
    %dma_wait3A_18 = arith.constant 0 : i32
    %dma_wait3A_19 = arith.constant 0 : i32
    %dma_wait3A_20 = tpu.memref_slice %arg2[%dma_wait3A_18, %dma_wait3A_19] : memref<10000x128xf32, #tpu.memory_space<hbm>> -> memref<10000x128xf32, #tpu.memory_space<hbm>>
    tpu.wait_indirect_dma semaphore(%arg12 : memref<!tpu.dma_semaphore, #tpu.memory_space<semaphore_mem>>) src(%dma_wait3A_20 : memref<10000x128xf32, #tpu.memory_space<hbm>>) dst(%arg9 : memref<128x128xf32, #tpu.memory_space<vmem>>)
    %dma_start3A_21 = arith.constant 0 : i32
    %dma_start3A_22 = arith.constant 0 : i32
    %dma_start3A_23 = tpu.memref_slice %arg8[%dma_start3A_21, %dma_start3A_22] : memref<40x128xi32, #tpu.memory_space<vmem>> -> memref<1x128xi32, #tpu.memory_space<vmem>>
    %dma_start3A_24 = tpu.memref_squeeze %dma_start3A_23 : memref<1x128xi32, #tpu.memory_space<vmem>> -> memref<128xi32, #tpu.memory_space<vmem>>
    %dma_start3A_25 = arith.constant 0 : i32
    %dma_start3A_26 = arith.constant 0 : i32
    %dma_start3A_27 = tpu.memref_slice %arg11[%dma_start3A_25, %dma_start3A_26] : memref<10112x128xf32, #tpu.memory_space<vmem_shared>> -> memref<10112x128xf32, #tpu.memory_space<vmem_shared>>
    tpu.enqueue_indirect_dma source(%arg9 : memref<128x128xf32, #tpu.memory_space<vmem>>) target(%dma_start3A_27 : memref<10112x128xf32, #tpu.memory_space<vmem_shared>>) offsets(%dma_start3A_24 : memref<128xi32, #tpu.memory_space<vmem>>) semaphore(%arg14 : memref<!tpu.dma_semaphore, #tpu.memory_space<semaphore_mem>>) {add = true}
    %scan3A = arith.constant 0 : i32
    %scan3A_28 = arith.constant 1 : i32
    %scan3A_29 = arith.constant 18 : i32
    %scan3A_30 = arith.addi %scan3A_28, %scan3A_29 : i32
    %scan3A_31 = arith.constant 2 : i32
    scf.for %scan3A_248 = %scan3A_28 to %scan3A_30 step %scan3A_31  : i32 {
      %mul3A_249 = arith.constant 2 : i32
      %mul3A_250 = arith.muli %mul3A_249, %scan3A_248 : i32
      %dma_wait3A_251 = arith.constant 0 : i32
      %dma_wait3A_252 = arith.constant 0 : i32
      %dma_wait3A_253 = tpu.memref_slice %arg8[%dma_wait3A_251, %dma_wait3A_252] : memref<40x128xi32, #tpu.memory_space<vmem>> -> memref<1x128xi32, #tpu.memory_space<vmem>>
      %dma_wait3A_254 = tpu.memref_squeeze %dma_wait3A_253 : memref<1x128xi32, #tpu.memory_space<vmem>> -> memref<128xi32, #tpu.memory_space<vmem>>
      %dma_wait3A_255 = arith.constant 0 : i32
      %dma_wait3A_256 = arith.constant 0 : i32
      %dma_wait3A_257 = tpu.memref_slice %arg11[%dma_wait3A_255, %dma_wait3A_256] : memref<10112x128xf32, #tpu.memory_space<vmem_shared>> -> memref<10112x128xf32, #tpu.memory_space<vmem_shared>>
      tpu.wait_indirect_dma semaphore(%arg14 : memref<!tpu.dma_semaphore, #tpu.memory_space<semaphore_mem>>) src(%arg9 : memref<128x128xf32, #tpu.memory_space<vmem>>) dst(%dma_wait3A_257 : memref<10112x128xf32, #tpu.memory_space<vmem_shared>>)
      %dma_start3A_258 = arith.constant 0 : i32
      %dma_start3A_259 = tpu.memref_slice %arg7[%mul3A_250, %dma_start3A_258] : memref<40x128xi32, #tpu.memory_space<vmem>> -> memref<1x128xi32, #tpu.memory_space<vmem>>
      %dma_start3A_260 = tpu.memref_squeeze %dma_start3A_259 : memref<1x128xi32, #tpu.memory_space<vmem>> -> memref<128xi32, #tpu.memory_space<vmem>>
      %dma_start3A_261 = arith.constant 0 : i32
      %dma_start3A_262 = arith.constant 0 : i32
      %dma_start3A_263 = tpu.memref_slice %arg2[%dma_start3A_261, %dma_start3A_262] : memref<10000x128xf32, #tpu.memory_space<hbm>> -> memref<10000x128xf32, #tpu.memory_space<hbm>>
      tpu.enqueue_indirect_dma source(%dma_start3A_263 : memref<10000x128xf32, #tpu.memory_space<hbm>>) target(%arg9 : memref<128x128xf32, #tpu.memory_space<vmem>>) offsets(%dma_start3A_260 : memref<128xi32, #tpu.memory_space<vmem>>) semaphore(%arg12 : memref<!tpu.dma_semaphore, #tpu.memory_space<semaphore_mem>>)
      %dma_wait3A_264 = arith.constant 0 : i32
      %dma_wait3A_265 = arith.constant 0 : i32
      %dma_wait3A_266 = tpu.memref_slice %arg7[%dma_wait3A_264, %dma_wait3A_265] : memref<40x128xi32, #tpu.memory_space<vmem>> -> memref<1x128xi32, #tpu.memory_space<vmem>>
      %dma_wait3A_267 = tpu.memref_squeeze %dma_wait3A_266 : memref<1x128xi32, #tpu.memory_space<vmem>> -> memref<128xi32, #tpu.memory_space<vmem>>
      %dma_wait3A_268 = arith.constant 0 : i32
      %dma_wait3A_269 = arith.constant 0 : i32
      %dma_wait3A_270 = tpu.memref_slice %arg2[%dma_wait3A_268, %dma_wait3A_269] : memref<10000x128xf32, #tpu.memory_space<hbm>> -> memref<10000x128xf32, #tpu.memory_space<hbm>>
      tpu.wait_indirect_dma semaphore(%arg13 : memref<!tpu.dma_semaphore, #tpu.memory_space<semaphore_mem>>) src(%dma_wait3A_270 : memref<10000x128xf32, #tpu.memory_space<hbm>>) dst(%arg10 : memref<128x128xf32, #tpu.memory_space<vmem>>)
      %sub3A_271 = arith.constant 1 : i32
      %sub3A_272 = arith.subi %mul3A_250, %sub3A_271 : i32
      %dma_start3A_273 = arith.constant 0 : i32
      %dma_start3A_274 = tpu.memref_slice %arg8[%sub3A_272, %dma_start3A_273] : memref<40x128xi32, #tpu.memory_space<vmem>> -> memref<1x128xi32, #tpu.memory_space<vmem>>
      %dma_start3A_275 = tpu.memref_squeeze %dma_start3A_274 : memref<1x128xi32, #tpu.memory_space<vmem>> -> memref<128xi32, #tpu.memory_space<vmem>>
      %dma_start3A_276 = arith.constant 0 : i32
      %dma_start3A_277 = arith.constant 0 : i32
      %dma_start3A_278 = tpu.memref_slice %arg11[%dma_start3A_276, %dma_start3A_277] : memref<10112x128xf32, #tpu.memory_space<vmem_shared>> -> memref<10112x128xf32, #tpu.memory_space<vmem_shared>>
      tpu.enqueue_indirect_dma source(%arg10 : memref<128x128xf32, #tpu.memory_space<vmem>>) target(%dma_start3A_278 : memref<10112x128xf32, #tpu.memory_space<vmem_shared>>) offsets(%dma_start3A_275 : memref<128xi32, #tpu.memory_space<vmem>>) semaphore(%arg15 : memref<!tpu.dma_semaphore, #tpu.memory_space<semaphore_mem>>) {add = true}
      %dma_wait3A_279 = arith.constant 0 : i32
      %dma_wait3A_280 = arith.constant 0 : i32
      %dma_wait3A_281 = tpu.memref_slice %arg8[%dma_wait3A_279, %dma_wait3A_280] : memref<40x128xi32, #tpu.memory_space<vmem>> -> memref<1x128xi32, #tpu.memory_space<vmem>>
      %dma_wait3A_282 = tpu.memref_squeeze %dma_wait3A_281 : memref<1x128xi32, #tpu.memory_space<vmem>> -> memref<128xi32, #tpu.memory_space<vmem>>
      %dma_wait3A_283 = arith.constant 0 : i32
      %dma_wait3A_284 = arith.constant 0 : i32
      %dma_wait3A_285 = tpu.memref_slice %arg11[%dma_wait3A_283, %dma_wait3A_284] : memref<10112x128xf32, #tpu.memory_space<vmem_shared>> -> memref<10112x128xf32, #tpu.memory_space<vmem_shared>>
      tpu.wait_indirect_dma semaphore(%arg15 : memref<!tpu.dma_semaphore, #tpu.memory_space<semaphore_mem>>) src(%arg10 : memref<128x128xf32, #tpu.memory_space<vmem>>) dst(%dma_wait3A_285 : memref<10112x128xf32, #tpu.memory_space<vmem_shared>>)
      %add3A_286 = arith.constant 1 : i32
      %add3A_287 = arith.addi %mul3A_250, %add3A_286 : i32
      %dma_start3A_288 = arith.constant 0 : i32
      %dma_start3A_289 = tpu.memref_slice %arg7[%add3A_287, %dma_start3A_288] : memref<40x128xi32, #tpu.memory_space<vmem>> -> memref<1x128xi32, #tpu.memory_space<vmem>>
      %dma_start3A_290 = tpu.memref_squeeze %dma_start3A_289 : memref<1x128xi32, #tpu.memory_space<vmem>> -> memref<128xi32, #tpu.memory_space<vmem>>
      %dma_start3A_291 = arith.constant 0 : i32
      %dma_start3A_292 = arith.constant 0 : i32
      %dma_start3A_293 = tpu.memref_slice %arg2[%dma_start3A_291, %dma_start3A_292] : memref<10000x128xf32, #tpu.memory_space<hbm>> -> memref<10000x128xf32, #tpu.memory_space<hbm>>
      tpu.enqueue_indirect_dma source(%dma_start3A_293 : memref<10000x128xf32, #tpu.memory_space<hbm>>) target(%arg10 : memref<128x128xf32, #tpu.memory_space<vmem>>) offsets(%dma_start3A_290 : memref<128xi32, #tpu.memory_space<vmem>>) semaphore(%arg13 : memref<!tpu.dma_semaphore, #tpu.memory_space<semaphore_mem>>)
      %dma_wait3A_294 = arith.constant 0 : i32
      %dma_wait3A_295 = arith.constant 0 : i32
      %dma_wait3A_296 = tpu.memref_slice %arg7[%dma_wait3A_294, %dma_wait3A_295] : memref<40x128xi32, #tpu.memory_space<vmem>> -> memref<1x128xi32, #tpu.memory_space<vmem>>
      %dma_wait3A_297 = tpu.memref_squeeze %dma_wait3A_296 : memref<1x128xi32, #tpu.memory_space<vmem>> -> memref<128xi32, #tpu.memory_space<vmem>>
      %dma_wait3A_298 = arith.constant 0 : i32
      %dma_wait3A_299 = arith.constant 0 : i32
      %dma_wait3A_300 = tpu.memref_slice %arg2[%dma_wait3A_298, %dma_wait3A_299] : memref<10000x128xf32, #tpu.memory_space<hbm>> -> memref<10000x128xf32, #tpu.memory_space<hbm>>
      tpu.wait_indirect_dma semaphore(%arg12 : memref<!tpu.dma_semaphore, #tpu.memory_space<semaphore_mem>>) src(%dma_wait3A_300 : memref<10000x128xf32, #tpu.memory_space<hbm>>) dst(%arg9 : memref<128x128xf32, #tpu.memory_space<vmem>>)
      %dma_start3A_301 = arith.constant 0 : i32
      %dma_start3A_302 = tpu.memref_slice %arg8[%mul3A_250, %dma_start3A_301] : memref<40x128xi32, #tpu.memory_space<vmem>> -> memref<1x128xi32, #tpu.memory_space<vmem>>
      %dma_start3A_303 = tpu.memref_squeeze %dma_start3A_302 : memref<1x128xi32, #tpu.memory_space<vmem>> -> memref<128xi32, #tpu.memory_space<vmem>>
      %dma_start3A_304 = arith.constant 0 : i32
      %dma_start3A_305 = arith.constant 0 : i32
      %dma_start3A_306 = tpu.memref_slice %arg11[%dma_start3A_304, %dma_start3A_305] : memref<10112x128xf32, #tpu.memory_space<vmem_shared>> -> memref<10112x128xf32, #tpu.memory_space<vmem_shared>>
      tpu.enqueue_indirect_dma source(%arg9 : memref<128x128xf32, #tpu.memory_space<vmem>>) target(%dma_start3A_306 : memref<10112x128xf32, #tpu.memory_space<vmem_shared>>) offsets(%dma_start3A_303 : memref<128xi32, #tpu.memory_space<vmem>>) semaphore(%arg14 : memref<!tpu.dma_semaphore, #tpu.memory_space<semaphore_mem>>) {add = true}
      %scan3A_307 = arith.constant 1 : i32
      %scan3A_308 = arith.addi %scan3A_248, %scan3A_307 : i32
      %mul3A_309 = arith.constant 2 : i32
      %mul3A_310 = arith.muli %mul3A_309, %scan3A_308 : i32
      %dma_wait3A_311 = arith.constant 0 : i32
      %dma_wait3A_312 = arith.constant 0 : i32
      %dma_wait3A_313 = tpu.memref_slice %arg8[%dma_wait3A_311, %dma_wait3A_312] : memref<40x128xi32, #tpu.memory_space<vmem>> -> memref<1x128xi32, #tpu.memory_space<vmem>>
      %dma_wait3A_314 = tpu.memref_squeeze %dma_wait3A_313 : memref<1x128xi32, #tpu.memory_space<vmem>> -> memref<128xi32, #tpu.memory_space<vmem>>
      %dma_wait3A_315 = arith.constant 0 : i32
      %dma_wait3A_316 = arith.constant 0 : i32
      %dma_wait3A_317 = tpu.memref_slice %arg11[%dma_wait3A_315, %dma_wait3A_316] : memref<10112x128xf32, #tpu.memory_space<vmem_shared>> -> memref<10112x128xf32, #tpu.memory_space<vmem_shared>>
      tpu.wait_indirect_dma semaphore(%arg14 : memref<!tpu.dma_semaphore, #tpu.memory_space<semaphore_mem>>) src(%arg9 : memref<128x128xf32, #tpu.memory_space<vmem>>) dst(%dma_wait3A_317 : memref<10112x128xf32, #tpu.memory_space<vmem_shared>>)
      %dma_start3A_318 = arith.constant 0 : i32
      %dma_start3A_319 = tpu.memref_slice %arg7[%mul3A_310, %dma_start3A_318] : memref<40x128xi32, #tpu.memory_space<vmem>> -> memref<1x128xi32, #tpu.memory_space<vmem>>
      %dma_start3A_320 = tpu.memref_squeeze %dma_start3A_319 : memref<1x128xi32, #tpu.memory_space<vmem>> -> memref<128xi32, #tpu.memory_space<vmem>>
      %dma_start3A_321 = arith.constant 0 : i32
      %dma_start3A_322 = arith.constant 0 : i32
      %dma_start3A_323 = tpu.memref_slice %arg2[%dma_start3A_321, %dma_start3A_322] : memref<10000x128xf32, #tpu.memory_space<hbm>> -> memref<10000x128xf32, #tpu.memory_space<hbm>>
      tpu.enqueue_indirect_dma source(%dma_start3A_323 : memref<10000x128xf32, #tpu.memory_space<hbm>>) target(%arg9 : memref<128x128xf32, #tpu.memory_space<vmem>>) offsets(%dma_start3A_320 : memref<128xi32, #tpu.memory_space<vmem>>) semaphore(%arg12 : memref<!tpu.dma_semaphore, #tpu.memory_space<semaphore_mem>>)
      %dma_wait3A_324 = arith.constant 0 : i32
      %dma_wait3A_325 = arith.constant 0 : i32
      %dma_wait3A_326 = tpu.memref_slice %arg7[%dma_wait3A_324, %dma_wait3A_325] : memref<40x128xi32, #tpu.memory_space<vmem>> -> memref<1x128xi32, #tpu.memory_space<vmem>>
      %dma_wait3A_327 = tpu.memref_squeeze %dma_wait3A_326 : memref<1x128xi32, #tpu.memory_space<vmem>> -> memref<128xi32, #tpu.memory_space<vmem>>
      %dma_wait3A_328 = arith.constant 0 : i32
      %dma_wait3A_329 = arith.constant 0 : i32
      %dma_wait3A_330 = tpu.memref_slice %arg2[%dma_wait3A_328, %dma_wait3A_329] : memref<10000x128xf32, #tpu.memory_space<hbm>> -> memref<10000x128xf32, #tpu.memory_space<hbm>>
      tpu.wait_indirect_dma semaphore(%arg13 : memref<!tpu.dma_semaphore, #tpu.memory_space<semaphore_mem>>) src(%dma_wait3A_330 : memref<10000x128xf32, #tpu.memory_space<hbm>>) dst(%arg10 : memref<128x128xf32, #tpu.memory_space<vmem>>)
      %sub3A_331 = arith.constant 1 : i32
      %sub3A_332 = arith.subi %mul3A_310, %sub3A_331 : i32
      %dma_start3A_333 = arith.constant 0 : i32
      %dma_start3A_334 = tpu.memref_slice %arg8[%sub3A_332, %dma_start3A_333] : memref<40x128xi32, #tpu.memory_space<vmem>> -> memref<1x128xi32, #tpu.memory_space<vmem>>
      %dma_start3A_335 = tpu.memref_squeeze %dma_start3A_334 : memref<1x128xi32, #tpu.memory_space<vmem>> -> memref<128xi32, #tpu.memory_space<vmem>>
      %dma_start3A_336 = arith.constant 0 : i32
      %dma_start3A_337 = arith.constant 0 : i32
      %dma_start3A_338 = tpu.memref_slice %arg11[%dma_start3A_336, %dma_start3A_337] : memref<10112x128xf32, #tpu.memory_space<vmem_shared>> -> memref<10112x128xf32, #tpu.memory_space<vmem_shared>>
      tpu.enqueue_indirect_dma source(%arg10 : memref<128x128xf32, #tpu.memory_space<vmem>>) target(%dma_start3A_338 : memref<10112x128xf32, #tpu.memory_space<vmem_shared>>) offsets(%dma_start3A_335 : memref<128xi32, #tpu.memory_space<vmem>>) semaphore(%arg15 : memref<!tpu.dma_semaphore, #tpu.memory_space<semaphore_mem>>) {add = true}
      %dma_wait3A_339 = arith.constant 0 : i32
      %dma_wait3A_340 = arith.constant 0 : i32
      %dma_wait3A_341 = tpu.memref_slice %arg8[%dma_wait3A_339, %dma_wait3A_340] : memref<40x128xi32, #tpu.memory_space<vmem>> -> memref<1x128xi32, #tpu.memory_space<vmem>>
      %dma_wait3A_342 = tpu.memref_squeeze %dma_wait3A_341 : memref<1x128xi32, #tpu.memory_space<vmem>> -> memref<128xi32, #tpu.memory_space<vmem>>
      %dma_wait3A_343 = arith.constant 0 : i32
      %dma_wait3A_344 = arith.constant 0 : i32
      %dma_wait3A_345 = tpu.memref_slice %arg11[%dma_wait3A_343, %dma_wait3A_344] : memref<10112x128xf32, #tpu.memory_space<vmem_shared>> -> memref<10112x128xf32, #tpu.memory_space<vmem_shared>>
      tpu.wait_indirect_dma semaphore(%arg15 : memref<!tpu.dma_semaphore, #tpu.memory_space<semaphore_mem>>) src(%arg10 : memref<128x128xf32, #tpu.memory_space<vmem>>) dst(%dma_wait3A_345 : memref<10112x128xf32, #tpu.memory_space<vmem_shared>>)
      %add3A_346 = arith.constant 1 : i32
      %add3A_347 = arith.addi %mul3A_310, %add3A_346 : i32
      %dma_start3A_348 = arith.constant 0 : i32
      %dma_start3A_349 = tpu.memref_slice %arg7[%add3A_347, %dma_start3A_348] : memref<40x128xi32, #tpu.memory_space<vmem>> -> memref<1x128xi32, #tpu.memory_space<vmem>>
      %dma_start3A_350 = tpu.memref_squeeze %dma_start3A_349 : memref<1x128xi32, #tpu.memory_space<vmem>> -> memref<128xi32, #tpu.memory_space<vmem>>
      %dma_start3A_351 = arith.constant 0 : i32
      %dma_start3A_352 = arith.constant 0 : i32
      %dma_start3A_353 = tpu.memref_slice %arg2[%dma_start3A_351, %dma_start3A_352] : memref<10000x128xf32, #tpu.memory_space<hbm>> -> memref<10000x128xf32, #tpu.memory_space<hbm>>
      tpu.enqueue_indirect_dma source(%dma_start3A_353 : memref<10000x128xf32, #tpu.memory_space<hbm>>) target(%arg10 : memref<128x128xf32, #tpu.memory_space<vmem>>) offsets(%dma_start3A_350 : memref<128xi32, #tpu.memory_space<vmem>>) semaphore(%arg13 : memref<!tpu.dma_semaphore, #tpu.memory_space<semaphore_mem>>)
      %dma_wait3A_354 = arith.constant 0 : i32
      %dma_wait3A_355 = arith.constant 0 : i32
      %dma_wait3A_356 = tpu.memref_slice %arg7[%dma_wait3A_354, %dma_wait3A_355] : memref<40x128xi32, #tpu.memory_space<vmem>> -> memref<1x128xi32, #tpu.memory_space<vmem>>
      %dma_wait3A_357 = tpu.memref_squeeze %dma_wait3A_356 : memref<1x128xi32, #tpu.memory_space<vmem>> -> memref<128xi32, #tpu.memory_space<vmem>>
      %dma_wait3A_358 = arith.constant 0 : i32
      %dma_wait3A_359 = arith.constant 0 : i32
      %dma_wait3A_360 = tpu.memref_slice %arg2[%dma_wait3A_358, %dma_wait3A_359] : memref<10000x128xf32, #tpu.memory_space<hbm>> -> memref<10000x128xf32, #tpu.memory_space<hbm>>
      tpu.wait_indirect_dma semaphore(%arg12 : memref<!tpu.dma_semaphore, #tpu.memory_space<semaphore_mem>>) src(%dma_wait3A_360 : memref<10000x128xf32, #tpu.memory_space<hbm>>) dst(%arg9 : memref<128x128xf32, #tpu.memory_space<vmem>>)
      %dma_start3A_361 = arith.constant 0 : i32
      %dma_start3A_362 = tpu.memref_slice %arg8[%mul3A_310, %dma_start3A_361] : memref<40x128xi32, #tpu.memory_space<vmem>> -> memref<1x128xi32, #tpu.memory_space<vmem>>
      %dma_start3A_363 = tpu.memref_squeeze %dma_start3A_362 : memref<1x128xi32, #tpu.memory_space<vmem>> -> memref<128xi32, #tpu.memory_space<vmem>>
      %dma_start3A_364 = arith.constant 0 : i32
      %dma_start3A_365 = arith.constant 0 : i32
      %dma_start3A_366 = tpu.memref_slice %arg11[%dma_start3A_364, %dma_start3A_365] : memref<10112x128xf32, #tpu.memory_space<vmem_shared>> -> memref<10112x128xf32, #tpu.memory_space<vmem_shared>>
      tpu.enqueue_indirect_dma source(%arg9 : memref<128x128xf32, #tpu.memory_space<vmem>>) target(%dma_start3A_366 : memref<10112x128xf32, #tpu.memory_space<vmem_shared>>) offsets(%dma_start3A_363 : memref<128xi32, #tpu.memory_space<vmem>>) semaphore(%arg14 : memref<!tpu.dma_semaphore, #tpu.memory_space<semaphore_mem>>) {add = true}
    }
    %scan3A_32 = arith.constant 18 : i32
    %scan3A_33 = arith.addi %scan3A_28, %scan3A_32 : i32
    %mul3A_34 = arith.constant 2 : i32
    %mul3A_35 = arith.muli %mul3A_34, %scan3A_33 : i32
    %dma_wait3A_36 = arith.constant 0 : i32
    %dma_wait3A_37 = arith.constant 0 : i32
    %dma_wait3A_38 = tpu.memref_slice %arg8[%dma_wait3A_36, %dma_wait3A_37] : memref<40x128xi32, #tpu.memory_space<vmem>> -> memref<1x128xi32, #tpu.memory_space<vmem>>
    %dma_wait3A_39 = tpu.memref_squeeze %dma_wait3A_38 : memref<1x128xi32, #tpu.memory_space<vmem>> -> memref<128xi32, #tpu.memory_space<vmem>>
    %dma_wait3A_40 = arith.constant 0 : i32
    %dma_wait3A_41 = arith.constant 0 : i32
    %dma_wait3A_42 = tpu.memref_slice %arg11[%dma_wait3A_40, %dma_wait3A_41] : memref<10112x128xf32, #tpu.memory_space<vmem_shared>> -> memref<10112x128xf32, #tpu.memory_space<vmem_shared>>
    tpu.wait_indirect_dma semaphore(%arg14 : memref<!tpu.dma_semaphore, #tpu.memory_space<semaphore_mem>>) src(%arg9 : memref<128x128xf32, #tpu.memory_space<vmem>>) dst(%dma_wait3A_42 : memref<10112x128xf32, #tpu.memory_space<vmem_shared>>)
    %dma_start3A_43 = arith.constant 0 : i32
    %dma_start3A_44 = tpu.memref_slice %arg7[%mul3A_35, %dma_start3A_43] : memref<40x128xi32, #tpu.memory_space<vmem>> -> memref<1x128xi32, #tpu.memory_space<vmem>>
    %dma_start3A_45 = tpu.memref_squeeze %dma_start3A_44 : memref<1x128xi32, #tpu.memory_space<vmem>> -> memref<128xi32, #tpu.memory_space<vmem>>
    %dma_start3A_46 = arith.constant 0 : i32
    %dma_start3A_47 = arith.constant 0 : i32
    %dma_start3A_48 = tpu.memref_slice %arg2[%dma_start3A_46, %dma_start3A_47] : memref<10000x128xf32, #tpu.memory_space<hbm>> -> memref<10000x128xf32, #tpu.memory_space<hbm>>
    tpu.enqueue_indirect_dma source(%dma_start3A_48 : memref<10000x128xf32, #tpu.memory_space<hbm>>) target(%arg9 : memref<128x128xf32, #tpu.memory_space<vmem>>) offsets(%dma_start3A_45 : memref<128xi32, #tpu.memory_space<vmem>>) semaphore(%arg12 : memref<!tpu.dma_semaphore, #tpu.memory_space<semaphore_mem>>)
    %dma_wait3A_49 = arith.constant 0 : i32
    %dma_wait3A_50 = arith.constant 0 : i32
    %dma_wait3A_51 = tpu.memref_slice %arg7[%dma_wait3A_49, %dma_wait3A_50] : memref<40x128xi32, #tpu.memory_space<vmem>> -> memref<1x128xi32, #tpu.memory_space<vmem>>
    %dma_wait3A_52 = tpu.memref_squeeze %dma_wait3A_51 : memref<1x128xi32, #tpu.memory_space<vmem>> -> memref<128xi32, #tpu.memory_space<vmem>>
    %dma_wait3A_53 = arith.constant 0 : i32
    %dma_wait3A_54 = arith.constant 0 : i32
    %dma_wait3A_55 = tpu.memref_slice %arg2[%dma_wait3A_53, %dma_wait3A_54] : memref<10000x128xf32, #tpu.memory_space<hbm>> -> memref<10000x128xf32, #tpu.memory_space<hbm>>
    tpu.wait_indirect_dma semaphore(%arg13 : memref<!tpu.dma_semaphore, #tpu.memory_space<semaphore_mem>>) src(%dma_wait3A_55 : memref<10000x128xf32, #tpu.memory_space<hbm>>) dst(%arg10 : memref<128x128xf32, #tpu.memory_space<vmem>>)
    %sub3A = arith.constant 1 : i32
    %sub3A_56 = arith.subi %mul3A_35, %sub3A : i32
    %dma_start3A_57 = arith.constant 0 : i32
    %dma_start3A_58 = tpu.memref_slice %arg8[%sub3A_56, %dma_start3A_57] : memref<40x128xi32, #tpu.memory_space<vmem>> -> memref<1x128xi32, #tpu.memory_space<vmem>>
    %dma_start3A_59 = tpu.memref_squeeze %dma_start3A_58 : memref<1x128xi32, #tpu.memory_space<vmem>> -> memref<128xi32, #tpu.memory_space<vmem>>
    %dma_start3A_60 = arith.constant 0 : i32
    %dma_start3A_61 = arith.constant 0 : i32
    %dma_start3A_62 = tpu.memref_slice %arg11[%dma_start3A_60, %dma_start3A_61] : memref<10112x128xf32, #tpu.memory_space<vmem_shared>> -> memref<10112x128xf32, #tpu.memory_space<vmem_shared>>
    tpu.enqueue_indirect_dma source(%arg10 : memref<128x128xf32, #tpu.memory_space<vmem>>) target(%dma_start3A_62 : memref<10112x128xf32, #tpu.memory_space<vmem_shared>>) offsets(%dma_start3A_59 : memref<128xi32, #tpu.memory_space<vmem>>) semaphore(%arg15 : memref<!tpu.dma_semaphore, #tpu.memory_space<semaphore_mem>>) {add = true}
    %dma_wait3A_63 = arith.constant 0 : i32
    %dma_wait3A_64 = arith.constant 0 : i32
    %dma_wait3A_65 = tpu.memref_slice %arg8[%dma_wait3A_63, %dma_wait3A_64] : memref<40x128xi32, #tpu.memory_space<vmem>> -> memref<1x128xi32, #tpu.memory_space<vmem>>
    %dma_wait3A_66 = tpu.memref_squeeze %dma_wait3A_65 : memref<1x128xi32, #tpu.memory_space<vmem>> -> memref<128xi32, #tpu.memory_space<vmem>>
    %dma_wait3A_67 = arith.constant 0 : i32
    %dma_wait3A_68 = arith.constant 0 : i32
    %dma_wait3A_69 = tpu.memref_slice %arg11[%dma_wait3A_67, %dma_wait3A_68] : memref<10112x128xf32, #tpu.memory_space<vmem_shared>> -> memref<10112x128xf32, #tpu.memory_space<vmem_shared>>
    tpu.wait_indirect_dma semaphore(%arg15 : memref<!tpu.dma_semaphore, #tpu.memory_space<semaphore_mem>>) src(%arg10 : memref<128x128xf32, #tpu.memory_space<vmem>>) dst(%dma_wait3A_69 : memref<10112x128xf32, #tpu.memory_space<vmem_shared>>)
    %add3A = arith.constant 1 : i32
    %add3A_70 = arith.addi %mul3A_35, %add3A : i32
    %dma_start3A_71 = arith.constant 0 : i32
    %dma_start3A_72 = tpu.memref_slice %arg7[%add3A_70, %dma_start3A_71] : memref<40x128xi32, #tpu.memory_space<vmem>> -> memref<1x128xi32, #tpu.memory_space<vmem>>
    %dma_start3A_73 = tpu.memref_squeeze %dma_start3A_72 : memref<1x128xi32, #tpu.memory_space<vmem>> -> memref<128xi32, #tpu.memory_space<vmem>>
    %dma_start3A_74 = arith.constant 0 : i32
    %dma_start3A_75 = arith.constant 0 : i32
    %dma_start3A_76 = tpu.memref_slice %arg2[%dma_start3A_74, %dma_start3A_75] : memref<10000x128xf32, #tpu.memory_space<hbm>> -> memref<10000x128xf32, #tpu.memory_space<hbm>>
    tpu.enqueue_indirect_dma source(%dma_start3A_76 : memref<10000x128xf32, #tpu.memory_space<hbm>>) target(%arg10 : memref<128x128xf32, #tpu.memory_space<vmem>>) offsets(%dma_start3A_73 : memref<128xi32, #tpu.memory_space<vmem>>) semaphore(%arg13 : memref<!tpu.dma_semaphore, #tpu.memory_space<semaphore_mem>>)
    %dma_wait3A_77 = arith.constant 0 : i32
    %dma_wait3A_78 = arith.constant 0 : i32
    %dma_wait3A_79 = tpu.memref_slice %arg7[%dma_wait3A_77, %dma_wait3A_78] : memref<40x128xi32, #tpu.memory_space<vmem>> -> memref<1x128xi32, #tpu.memory_space<vmem>>
    %dma_wait3A_80 = tpu.memref_squeeze %dma_wait3A_79 : memref<1x128xi32, #tpu.memory_space<vmem>> -> memref<128xi32, #tpu.memory_space<vmem>>
    %dma_wait3A_81 = arith.constant 0 : i32
    %dma_wait3A_82 = arith.constant 0 : i32
    %dma_wait3A_83 = tpu.memref_slice %arg2[%dma_wait3A_81, %dma_wait3A_82] : memref<10000x128xf32, #tpu.memory_space<hbm>> -> memref<10000x128xf32, #tpu.memory_space<hbm>>
    tpu.wait_indirect_dma semaphore(%arg12 : memref<!tpu.dma_semaphore, #tpu.memory_space<semaphore_mem>>) src(%dma_wait3A_83 : memref<10000x128xf32, #tpu.memory_space<hbm>>) dst(%arg9 : memref<128x128xf32, #tpu.memory_space<vmem>>)
    %dma_start3A_84 = arith.constant 0 : i32
    %dma_start3A_85 = tpu.memref_slice %arg8[%mul3A_35, %dma_start3A_84] : memref<40x128xi32, #tpu.memory_space<vmem>> -> memref<1x128xi32, #tpu.memory_space<vmem>>
    %dma_start3A_86 = tpu.memref_squeeze %dma_start3A_85 : memref<1x128xi32, #tpu.memory_space<vmem>> -> memref<128xi32, #tpu.memory_space<vmem>>
    %dma_start3A_87 = arith.constant 0 : i32
    %dma_start3A_88 = arith.constant 0 : i32
    %dma_start3A_89 = tpu.memref_slice %arg11[%dma_start3A_87, %dma_start3A_88] : memref<10112x128xf32, #tpu.memory_space<vmem_shared>> -> memref<10112x128xf32, #tpu.memory_space<vmem_shared>>
    tpu.enqueue_indirect_dma source(%arg9 : memref<128x128xf32, #tpu.memory_space<vmem>>) target(%dma_start3A_89 : memref<10112x128xf32, #tpu.memory_space<vmem_shared>>) offsets(%dma_start3A_86 : memref<128xi32, #tpu.memory_space<vmem>>) semaphore(%arg14 : memref<!tpu.dma_semaphore, #tpu.memory_space<semaphore_mem>>) {add = true}
    %scan3A_90 = arith.constant 19 : i32
    %dma_wait3A_91 = arith.constant 0 : i32
    %dma_wait3A_92 = arith.constant 0 : i32
    %dma_wait3A_93 = tpu.memref_slice %arg7[%dma_wait3A_91, %dma_wait3A_92] : memref<40x128xi32, #tpu.memory_space<vmem>> -> memref<1x128xi32, #tpu.memory_space<vmem>>
    %dma_wait3A_94 = tpu.memref_squeeze %dma_wait3A_93 : memref<1x128xi32, #tpu.memory_space<vmem>> -> memref<128xi32, #tpu.memory_space<vmem>>
    %dma_wait3A_95 = arith.constant 0 : i32
    %dma_wait3A_96 = arith.constant 0 : i32
    %dma_wait3A_97 = tpu.memref_slice %arg2[%dma_wait3A_95, %dma_wait3A_96] : memref<10000x128xf32, #tpu.memory_space<hbm>> -> memref<10000x128xf32, #tpu.memory_space<hbm>>
    tpu.wait_indirect_dma semaphore(%arg13 : memref<!tpu.dma_semaphore, #tpu.memory_space<semaphore_mem>>) src(%dma_wait3A_97 : memref<10000x128xf32, #tpu.memory_space<hbm>>) dst(%arg10 : memref<128x128xf32, #tpu.memory_space<vmem>>)
    %dma_start3A_98 = arith.constant 39 : i32
    %dma_start3A_99 = arith.constant 0 : i32
    %dma_start3A_100 = tpu.memref_slice %arg8[%dma_start3A_98, %dma_start3A_99] : memref<40x128xi32, #tpu.memory_space<vmem>> -> memref<1x128xi32, #tpu.memory_space<vmem>>
    %dma_start3A_101 = tpu.memref_squeeze %dma_start3A_100 : memref<1x128xi32, #tpu.memory_space<vmem>> -> memref<128xi32, #tpu.memory_space<vmem>>
    %dma_start3A_102 = arith.constant 0 : i32
    %dma_start3A_103 = arith.constant 0 : i32
    %dma_start3A_104 = tpu.memref_slice %arg11[%dma_start3A_102, %dma_start3A_103] : memref<10112x128xf32, #tpu.memory_space<vmem_shared>> -> memref<10112x128xf32, #tpu.memory_space<vmem_shared>>
    tpu.enqueue_indirect_dma source(%arg10 : memref<128x128xf32, #tpu.memory_space<vmem>>) target(%dma_start3A_104 : memref<10112x128xf32, #tpu.memory_space<vmem_shared>>) offsets(%dma_start3A_101 : memref<128xi32, #tpu.memory_space<vmem>>) semaphore(%arg15 : memref<!tpu.dma_semaphore, #tpu.memory_space<semaphore_mem>>) {add = true}
    %dma_wait3A_105 = arith.constant 0 : i32
    %dma_wait3A_106 = arith.constant 0 : i32
    %dma_wait3A_107 = tpu.memref_slice %arg8[%dma_wait3A_105, %dma_wait3A_106] : memref<40x128xi32, #tpu.memory_space<vmem>> -> memref<1x128xi32, #tpu.memory_space<vmem>>
    %dma_wait3A_108 = tpu.memref_squeeze %dma_wait3A_107 : memref<1x128xi32, #tpu.memory_space<vmem>> -> memref<128xi32, #tpu.memory_space<vmem>>
    %dma_wait3A_109 = arith.constant 0 : i32
    %dma_wait3A_110 = arith.constant 0 : i32
    %dma_wait3A_111 = tpu.memref_slice %arg11[%dma_wait3A_109, %dma_wait3A_110] : memref<10112x128xf32, #tpu.memory_space<vmem_shared>> -> memref<10112x128xf32, #tpu.memory_space<vmem_shared>>
    tpu.wait_indirect_dma semaphore(%arg14 : memref<!tpu.dma_semaphore, #tpu.memory_space<semaphore_mem>>) src(%arg9 : memref<128x128xf32, #tpu.memory_space<vmem>>) dst(%dma_wait3A_111 : memref<10112x128xf32, #tpu.memory_space<vmem_shared>>)
    %dma_wait3A_112 = arith.constant 0 : i32
    %dma_wait3A_113 = arith.constant 0 : i32
    %dma_wait3A_114 = tpu.memref_slice %arg8[%dma_wait3A_112, %dma_wait3A_113] : memref<40x128xi32, #tpu.memory_space<vmem>> -> memref<1x128xi32, #tpu.memory_space<vmem>>
    %dma_wait3A_115 = tpu.memref_squeeze %dma_wait3A_114 : memref<1x128xi32, #tpu.memory_space<vmem>> -> memref<128xi32, #tpu.memory_space<vmem>>
    %dma_wait3A_116 = arith.constant 0 : i32
    %dma_wait3A_117 = arith.constant 0 : i32
    %dma_wait3A_118 = tpu.memref_slice %arg11[%dma_wait3A_116, %dma_wait3A_117] : memref<10112x128xf32, #tpu.memory_space<vmem_shared>> -> memref<10112x128xf32, #tpu.memory_space<vmem_shared>>
    tpu.wait_indirect_dma semaphore(%arg15 : memref<!tpu.dma_semaphore, #tpu.memory_space<semaphore_mem>>) src(%arg10 : memref<128x128xf32, #tpu.memory_space<vmem>>) dst(%dma_wait3A_118 : memref<10112x128xf32, #tpu.memory_space<vmem_shared>>)
    %run_scoped3A_119 = arith.constant 1 : i32
    "tpu.region"() ({
      %run_scoped3A_248 = tpu.sem_alloc : memref<!tpu.dma_semaphore, #tpu.memory_space<semaphore_mem>>
      %dma_start3A_249 = arith.constant 0 : i32
      %dma_start3A_250 = arith.constant 0 : i32
      %dma_start3A_251 = tpu.memref_slice %arg3[%arg0, %arg1, %run_scoped3A_119, %dma_start3A_249, %dma_start3A_250] : memref<2x16x2x40x128xi32, #tpu.memory_space<hbm>> -> memref<1x1x1x40x128xi32, #tpu.memory_space<hbm>>
      %dma_start3A_252 = tpu.memref_squeeze %dma_start3A_251 : memref<1x1x1x40x128xi32, #tpu.memory_space<hbm>> -> memref<40x128xi32, #tpu.memory_space<hbm>>
      %dma_start3A_253 = arith.constant 0 : i32
      %dma_start3A_254 = arith.constant 0 : i32
      %dma_start3A_255 = tpu.memref_slice %arg3[%arg0, %arg1, %run_scoped3A_119, %dma_start3A_253, %dma_start3A_254] : memref<2x16x2x40x128xi32, #tpu.memory_space<hbm>> -> memref<1x1x1x40x128xi32, #tpu.memory_space<hbm>>
      %dma_start3A_256 = tpu.memref_squeeze %dma_start3A_255 : memref<1x1x1x40x128xi32, #tpu.memory_space<hbm>> -> memref<40x128xi32, #tpu.memory_space<hbm>>
      tpu.enqueue_dma source(%dma_start3A_256 : memref<40x128xi32, #tpu.memory_space<hbm>>) target(%arg7 : memref<40x128xi32, #tpu.memory_space<vmem>>) target_semaphore(%run_scoped3A_248 : memref<!tpu.dma_semaphore, #tpu.memory_space<semaphore_mem>>)
      %dma_wait3A_257 = arith.constant 0 : i32
      %dma_wait3A_258 = arith.constant 0 : i32
      %dma_wait3A_259 = tpu.memref_slice %arg3[%arg0, %arg1, %run_scoped3A_119, %dma_wait3A_257, %dma_wait3A_258] : memref<2x16x2x40x128xi32, #tpu.memory_space<hbm>> -> memref<1x1x1x40x128xi32, #tpu.memory_space<hbm>>
      %dma_wait3A_260 = tpu.memref_squeeze %dma_wait3A_259 : memref<1x1x1x40x128xi32, #tpu.memory_space<hbm>> -> memref<40x128xi32, #tpu.memory_space<hbm>>
      %dma_wait3A_261 = arith.constant 0 : i32
      %dma_wait3A_262 = arith.constant 0 : i32
      %dma_wait3A_263 = tpu.memref_slice %arg3[%arg0, %arg1, %run_scoped3A_119, %dma_wait3A_261, %dma_wait3A_262] : memref<2x16x2x40x128xi32, #tpu.memory_space<hbm>> -> memref<1x1x1x40x128xi32, #tpu.memory_space<hbm>>
      %dma_wait3A_264 = tpu.memref_squeeze %dma_wait3A_263 : memref<1x1x1x40x128xi32, #tpu.memory_space<hbm>> -> memref<40x128xi32, #tpu.memory_space<hbm>>
      tpu.wait_dma2 semaphore(%run_scoped3A_248 : memref<!tpu.dma_semaphore, #tpu.memory_space<semaphore_mem>>) src(%dma_wait3A_264 : memref<40x128xi32, #tpu.memory_space<hbm>>) dst(%arg7 : memref<40x128xi32, #tpu.memory_space<vmem>>)
      tpu.yield
    }) : () -> ()
    %run_scoped3A_120 = arith.constant 1 : i32
    "tpu.region"() ({
      %run_scoped3A_248 = tpu.sem_alloc : memref<!tpu.dma_semaphore, #tpu.memory_space<semaphore_mem>>
      %dma_start3A_249 = arith.constant 0 : i32
      %dma_start3A_250 = arith.constant 0 : i32
      %dma_start3A_251 = tpu.memref_slice %arg4[%arg0, %arg1, %run_scoped3A_120, %dma_start3A_249, %dma_start3A_250] : memref<2x16x2x40x128xi32, #tpu.memory_space<hbm>> -> memref<1x1x1x40x128xi32, #tpu.memory_space<hbm>>
      %dma_start3A_252 = tpu.memref_squeeze %dma_start3A_251 : memref<1x1x1x40x128xi32, #tpu.memory_space<hbm>> -> memref<40x128xi32, #tpu.memory_space<hbm>>
      %dma_start3A_253 = arith.constant 0 : i32
      %dma_start3A_254 = arith.constant 0 : i32
      %dma_start3A_255 = tpu.memref_slice %arg4[%arg0, %arg1, %run_scoped3A_120, %dma_start3A_253, %dma_start3A_254] : memref<2x16x2x40x128xi32, #tpu.memory_space<hbm>> -> memref<1x1x1x40x128xi32, #tpu.memory_space<hbm>>
      %dma_start3A_256 = tpu.memref_squeeze %dma_start3A_255 : memref<1x1x1x40x128xi32, #tpu.memory_space<hbm>> -> memref<40x128xi32, #tpu.memory_space<hbm>>
      tpu.enqueue_dma source(%dma_start3A_256 : memref<40x128xi32, #tpu.memory_space<hbm>>) target(%arg8 : memref<40x128xi32, #tpu.memory_space<vmem>>) target_semaphore(%run_scoped3A_248 : memref<!tpu.dma_semaphore, #tpu.memory_space<semaphore_mem>>)
      %dma_wait3A_257 = arith.constant 0 : i32
      %dma_wait3A_258 = arith.constant 0 : i32
      %dma_wait3A_259 = tpu.memref_slice %arg4[%arg0, %arg1, %run_scoped3A_120, %dma_wait3A_257, %dma_wait3A_258] : memref<2x16x2x40x128xi32, #tpu.memory_space<hbm>> -> memref<1x1x1x40x128xi32, #tpu.memory_space<hbm>>
      %dma_wait3A_260 = tpu.memref_squeeze %dma_wait3A_259 : memref<1x1x1x40x128xi32, #tpu.memory_space<hbm>> -> memref<40x128xi32, #tpu.memory_space<hbm>>
      %dma_wait3A_261 = arith.constant 0 : i32
      %dma_wait3A_262 = arith.constant 0 : i32
      %dma_wait3A_263 = tpu.memref_slice %arg4[%arg0, %arg1, %run_scoped3A_120, %dma_wait3A_261, %dma_wait3A_262] : memref<2x16x2x40x128xi32, #tpu.memory_space<hbm>> -> memref<1x1x1x40x128xi32, #tpu.memory_space<hbm>>
      %dma_wait3A_264 = tpu.memref_squeeze %dma_wait3A_263 : memref<1x1x1x40x128xi32, #tpu.memory_space<hbm>> -> memref<40x128xi32, #tpu.memory_space<hbm>>
      tpu.wait_dma2 semaphore(%run_scoped3A_248 : memref<!tpu.dma_semaphore, #tpu.memory_space<semaphore_mem>>) src(%dma_wait3A_264 : memref<40x128xi32, #tpu.memory_space<hbm>>) dst(%arg8 : memref<40x128xi32, #tpu.memory_space<vmem>>)
      tpu.yield
    }) : () -> ()
    %dma_start3A_121 = arith.constant 0 : i32
    %dma_start3A_122 = arith.constant 0 : i32
    %dma_start3A_123 = tpu.memref_slice %arg7[%dma_start3A_121, %dma_start3A_122] : memref<40x128xi32, #tpu.memory_space<vmem>> -> memref<1x128xi32, #tpu.memory_space<vmem>>
    %dma_start3A_124 = tpu.memref_squeeze %dma_start3A_123 : memref<1x128xi32, #tpu.memory_space<vmem>> -> memref<128xi32, #tpu.memory_space<vmem>>
    %dma_start3A_125 = arith.constant 0 : i32
    %dma_start3A_126 = arith.constant 0 : i32
    %dma_start3A_127 = tpu.memref_slice %arg2[%dma_start3A_125, %dma_start3A_126] : memref<10000x128xf32, #tpu.memory_space<hbm>> -> memref<10000x128xf32, #tpu.memory_space<hbm>>
    tpu.enqueue_indirect_dma source(%dma_start3A_127 : memref<10000x128xf32, #tpu.memory_space<hbm>>) target(%arg9 : memref<128x128xf32, #tpu.memory_space<vmem>>) offsets(%dma_start3A_124 : memref<128xi32, #tpu.memory_space<vmem>>) semaphore(%arg12 : memref<!tpu.dma_semaphore, #tpu.memory_space<semaphore_mem>>)
    %dma_start3A_128 = arith.constant 1 : i32
    %dma_start3A_129 = arith.constant 0 : i32
    %dma_start3A_130 = tpu.memref_slice %arg7[%dma_start3A_128, %dma_start3A_129] : memref<40x128xi32, #tpu.memory_space<vmem>> -> memref<1x128xi32, #tpu.memory_space<vmem>>
    %dma_start3A_131 = tpu.memref_squeeze %dma_start3A_130 : memref<1x128xi32, #tpu.memory_space<vmem>> -> memref<128xi32, #tpu.memory_space<vmem>>
    %dma_start3A_132 = arith.constant 0 : i32
    %dma_start3A_133 = arith.constant 0 : i32
    %dma_start3A_134 = tpu.memref_slice %arg2[%dma_start3A_132, %dma_start3A_133] : memref<10000x128xf32, #tpu.memory_space<hbm>> -> memref<10000x128xf32, #tpu.memory_space<hbm>>
    tpu.enqueue_indirect_dma source(%dma_start3A_134 : memref<10000x128xf32, #tpu.memory_space<hbm>>) target(%arg10 : memref<128x128xf32, #tpu.memory_space<vmem>>) offsets(%dma_start3A_131 : memref<128xi32, #tpu.memory_space<vmem>>) semaphore(%arg13 : memref<!tpu.dma_semaphore, #tpu.memory_space<semaphore_mem>>)
    %dma_wait3A_135 = arith.constant 0 : i32
    %dma_wait3A_136 = arith.constant 0 : i32
    %dma_wait3A_137 = tpu.memref_slice %arg7[%dma_wait3A_135, %dma_wait3A_136] : memref<40x128xi32, #tpu.memory_space<vmem>> -> memref<1x128xi32, #tpu.memory_space<vmem>>
    %dma_wait3A_138 = tpu.memref_squeeze %dma_wait3A_137 : memref<1x128xi32, #tpu.memory_space<vmem>> -> memref<128xi32, #tpu.memory_space<vmem>>
    %dma_wait3A_139 = arith.constant 0 : i32
    %dma_wait3A_140 = arith.constant 0 : i32
    %dma_wait3A_141 = tpu.memref_slice %arg2[%dma_wait3A_139, %dma_wait3A_140] : memref<10000x128xf32, #tpu.memory_space<hbm>> -> memref<10000x128xf32, #tpu.memory_space<hbm>>
    tpu.wait_indirect_dma semaphore(%arg12 : memref<!tpu.dma_semaphore, #tpu.memory_space<semaphore_mem>>) src(%dma_wait3A_141 : memref<10000x128xf32, #tpu.memory_space<hbm>>) dst(%arg9 : memref<128x128xf32, #tpu.memory_space<vmem>>)
    %dma_start3A_142 = arith.constant 0 : i32
    %dma_start3A_143 = arith.constant 0 : i32
    %dma_start3A_144 = tpu.memref_slice %arg8[%dma_start3A_142, %dma_start3A_143] : memref<40x128xi32, #tpu.memory_space<vmem>> -> memref<1x128xi32, #tpu.memory_space<vmem>>
    %dma_start3A_145 = tpu.memref_squeeze %dma_start3A_144 : memref<1x128xi32, #tpu.memory_space<vmem>> -> memref<128xi32, #tpu.memory_space<vmem>>
    %dma_start3A_146 = arith.constant 0 : i32
    %dma_start3A_147 = arith.constant 0 : i32
    %dma_start3A_148 = tpu.memref_slice %arg11[%dma_start3A_146, %dma_start3A_147] : memref<10112x128xf32, #tpu.memory_space<vmem_shared>> -> memref<10112x128xf32, #tpu.memory_space<vmem_shared>>
    tpu.enqueue_indirect_dma source(%arg9 : memref<128x128xf32, #tpu.memory_space<vmem>>) target(%dma_start3A_148 : memref<10112x128xf32, #tpu.memory_space<vmem_shared>>) offsets(%dma_start3A_145 : memref<128xi32, #tpu.memory_space<vmem>>) semaphore(%arg14 : memref<!tpu.dma_semaphore, #tpu.memory_space<semaphore_mem>>) {add = true}
    %scan3A_149 = arith.constant 0 : i32
    %scan3A_150 = arith.constant 1 : i32
    %scan3A_151 = arith.constant 18 : i32
    %scan3A_152 = arith.addi %scan3A_150, %scan3A_151 : i32
    %scan3A_153 = arith.constant 2 : i32
    scf.for %scan3A_248 = %scan3A_150 to %scan3A_152 step %scan3A_153  : i32 {
      %mul3A_249 = arith.constant 2 : i32
      %mul3A_250 = arith.muli %mul3A_249, %scan3A_248 : i32
      %dma_wait3A_251 = arith.constant 0 : i32
      %dma_wait3A_252 = arith.constant 0 : i32
      %dma_wait3A_253 = tpu.memref_slice %arg8[%dma_wait3A_251, %dma_wait3A_252] : memref<40x128xi32, #tpu.memory_space<vmem>> -> memref<1x128xi32, #tpu.memory_space<vmem>>
      %dma_wait3A_254 = tpu.memref_squeeze %dma_wait3A_253 : memref<1x128xi32, #tpu.memory_space<vmem>> -> memref<128xi32, #tpu.memory_space<vmem>>
      %dma_wait3A_255 = arith.constant 0 : i32
      %dma_wait3A_256 = arith.constant 0 : i32
      %dma_wait3A_257 = tpu.memref_slice %arg11[%dma_wait3A_255, %dma_wait3A_256] : memref<10112x128xf32, #tpu.memory_space<vmem_shared>> -> memref<10112x128xf32, #tpu.memory_space<vmem_shared>>
      tpu.wait_indirect_dma semaphore(%arg14 : memref<!tpu.dma_semaphore, #tpu.memory_space<semaphore_mem>>) src(%arg9 : memref<128x128xf32, #tpu.memory_space<vmem>>) dst(%dma_wait3A_257 : memref<10112x128xf32, #tpu.memory_space<vmem_shared>>)
      %dma_start3A_258 = arith.constant 0 : i32
      %dma_start3A_259 = tpu.memref_slice %arg7[%mul3A_250, %dma_start3A_258] : memref<40x128xi32, #tpu.memory_space<vmem>> -> memref<1x128xi32, #tpu.memory_space<vmem>>
      %dma_start3A_260 = tpu.memref_squeeze %dma_start3A_259 : memref<1x128xi32, #tpu.memory_space<vmem>> -> memref<128xi32, #tpu.memory_space<vmem>>
      %dma_start3A_261 = arith.constant 0 : i32
      %dma_start3A_262 = arith.constant 0 : i32
      %dma_start3A_263 = tpu.memref_slice %arg2[%dma_start3A_261, %dma_start3A_262] : memref<10000x128xf32, #tpu.memory_space<hbm>> -> memref<10000x128xf32, #tpu.memory_space<hbm>>
      tpu.enqueue_indirect_dma source(%dma_start3A_263 : memref<10000x128xf32, #tpu.memory_space<hbm>>) target(%arg9 : memref<128x128xf32, #tpu.memory_space<vmem>>) offsets(%dma_start3A_260 : memref<128xi32, #tpu.memory_space<vmem>>) semaphore(%arg12 : memref<!tpu.dma_semaphore, #tpu.memory_space<semaphore_mem>>)
      %dma_wait3A_264 = arith.constant 0 : i32
      %dma_wait3A_265 = arith.constant 0 : i32
      %dma_wait3A_266 = tpu.memref_slice %arg7[%dma_wait3A_264, %dma_wait3A_265] : memref<40x128xi32, #tpu.memory_space<vmem>> -> memref<1x128xi32, #tpu.memory_space<vmem>>
      %dma_wait3A_267 = tpu.memref_squeeze %dma_wait3A_266 : memref<1x128xi32, #tpu.memory_space<vmem>> -> memref<128xi32, #tpu.memory_space<vmem>>
      %dma_wait3A_268 = arith.constant 0 : i32
      %dma_wait3A_269 = arith.constant 0 : i32
      %dma_wait3A_270 = tpu.memref_slice %arg2[%dma_wait3A_268, %dma_wait3A_269] : memref<10000x128xf32, #tpu.memory_space<hbm>> -> memref<10000x128xf32, #tpu.memory_space<hbm>>
      tpu.wait_indirect_dma semaphore(%arg13 : memref<!tpu.dma_semaphore, #tpu.memory_space<semaphore_mem>>) src(%dma_wait3A_270 : memref<10000x128xf32, #tpu.memory_space<hbm>>) dst(%arg10 : memref<128x128xf32, #tpu.memory_space<vmem>>)
      %sub3A_271 = arith.constant 1 : i32
      %sub3A_272 = arith.subi %mul3A_250, %sub3A_271 : i32
      %dma_start3A_273 = arith.constant 0 : i32
      %dma_start3A_274 = tpu.memref_slice %arg8[%sub3A_272, %dma_start3A_273] : memref<40x128xi32, #tpu.memory_space<vmem>> -> memref<1x128xi32, #tpu.memory_space<vmem>>
      %dma_start3A_275 = tpu.memref_squeeze %dma_start3A_274 : memref<1x128xi32, #tpu.memory_space<vmem>> -> memref<128xi32, #tpu.memory_space<vmem>>
      %dma_start3A_276 = arith.constant 0 : i32
      %dma_start3A_277 = arith.constant 0 : i32
      %dma_start3A_278 = tpu.memref_slice %arg11[%dma_start3A_276, %dma_start3A_277] : memref<10112x128xf32, #tpu.memory_space<vmem_shared>> -> memref<10112x128xf32, #tpu.memory_space<vmem_shared>>
      tpu.enqueue_indirect_dma source(%arg10 : memref<128x128xf32, #tpu.memory_space<vmem>>) target(%dma_start3A_278 : memref<10112x128xf32, #tpu.memory_space<vmem_shared>>) offsets(%dma_start3A_275 : memref<128xi32, #tpu.memory_space<vmem>>) semaphore(%arg15 : memref<!tpu.dma_semaphore, #tpu.memory_space<semaphore_mem>>) {add = true}
      %dma_wait3A_279 = arith.constant 0 : i32
      %dma_wait3A_280 = arith.constant 0 : i32
      %dma_wait3A_281 = tpu.memref_slice %arg8[%dma_wait3A_279, %dma_wait3A_280] : memref<40x128xi32, #tpu.memory_space<vmem>> -> memref<1x128xi32, #tpu.memory_space<vmem>>
      %dma_wait3A_282 = tpu.memref_squeeze %dma_wait3A_281 : memref<1x128xi32, #tpu.memory_space<vmem>> -> memref<128xi32, #tpu.memory_space<vmem>>
      %dma_wait3A_283 = arith.constant 0 : i32
      %dma_wait3A_284 = arith.constant 0 : i32
      %dma_wait3A_285 = tpu.memref_slice %arg11[%dma_wait3A_283, %dma_wait3A_284] : memref<10112x128xf32, #tpu.memory_space<vmem_shared>> -> memref<10112x128xf32, #tpu.memory_space<vmem_shared>>
      tpu.wait_indirect_dma semaphore(%arg15 : memref<!tpu.dma_semaphore, #tpu.memory_space<semaphore_mem>>) src(%arg10 : memref<128x128xf32, #tpu.memory_space<vmem>>) dst(%dma_wait3A_285 : memref<10112x128xf32, #tpu.memory_space<vmem_shared>>)
      %add3A_286 = arith.constant 1 : i32
      %add3A_287 = arith.addi %mul3A_250, %add3A_286 : i32
      %dma_start3A_288 = arith.constant 0 : i32
      %dma_start3A_289 = tpu.memref_slice %arg7[%add3A_287, %dma_start3A_288] : memref<40x128xi32, #tpu.memory_space<vmem>> -> memref<1x128xi32, #tpu.memory_space<vmem>>
      %dma_start3A_290 = tpu.memref_squeeze %dma_start3A_289 : memref<1x128xi32, #tpu.memory_space<vmem>> -> memref<128xi32, #tpu.memory_space<vmem>>
      %dma_start3A_291 = arith.constant 0 : i32
      %dma_start3A_292 = arith.constant 0 : i32
      %dma_start3A_293 = tpu.memref_slice %arg2[%dma_start3A_291, %dma_start3A_292] : memref<10000x128xf32, #tpu.memory_space<hbm>> -> memref<10000x128xf32, #tpu.memory_space<hbm>>
      tpu.enqueue_indirect_dma source(%dma_start3A_293 : memref<10000x128xf32, #tpu.memory_space<hbm>>) target(%arg10 : memref<128x128xf32, #tpu.memory_space<vmem>>) offsets(%dma_start3A_290 : memref<128xi32, #tpu.memory_space<vmem>>) semaphore(%arg13 : memref<!tpu.dma_semaphore, #tpu.memory_space<semaphore_mem>>)
      %dma_wait3A_294 = arith.constant 0 : i32
      %dma_wait3A_295 = arith.constant 0 : i32
      %dma_wait3A_296 = tpu.memref_slice %arg7[%dma_wait3A_294, %dma_wait3A_295] : memref<40x128xi32, #tpu.memory_space<vmem>> -> memref<1x128xi32, #tpu.memory_space<vmem>>
      %dma_wait3A_297 = tpu.memref_squeeze %dma_wait3A_296 : memref<1x128xi32, #tpu.memory_space<vmem>> -> memref<128xi32, #tpu.memory_space<vmem>>
      %dma_wait3A_298 = arith.constant 0 : i32
      %dma_wait3A_299 = arith.constant 0 : i32
      %dma_wait3A_300 = tpu.memref_slice %arg2[%dma_wait3A_298, %dma_wait3A_299] : memref<10000x128xf32, #tpu.memory_space<hbm>> -> memref<10000x128xf32, #tpu.memory_space<hbm>>
      tpu.wait_indirect_dma semaphore(%arg12 : memref<!tpu.dma_semaphore, #tpu.memory_space<semaphore_mem>>) src(%dma_wait3A_300 : memref<10000x128xf32, #tpu.memory_space<hbm>>) dst(%arg9 : memref<128x128xf32, #tpu.memory_space<vmem>>)
      %dma_start3A_301 = arith.constant 0 : i32
      %dma_start3A_302 = tpu.memref_slice %arg8[%mul3A_250, %dma_start3A_301] : memref<40x128xi32, #tpu.memory_space<vmem>> -> memref<1x128xi32, #tpu.memory_space<vmem>>
      %dma_start3A_303 = tpu.memref_squeeze %dma_start3A_302 : memref<1x128xi32, #tpu.memory_space<vmem>> -> memref<128xi32, #tpu.memory_space<vmem>>
      %dma_start3A_304 = arith.constant 0 : i32
      %dma_start3A_305 = arith.constant 0 : i32
      %dma_start3A_306 = tpu.memref_slice %arg11[%dma_start3A_304, %dma_start3A_305] : memref<10112x128xf32, #tpu.memory_space<vmem_shared>> -> memref<10112x128xf32, #tpu.memory_space<vmem_shared>>
      tpu.enqueue_indirect_dma source(%arg9 : memref<128x128xf32, #tpu.memory_space<vmem>>) target(%dma_start3A_306 : memref<10112x128xf32, #tpu.memory_space<vmem_shared>>) offsets(%dma_start3A_303 : memref<128xi32, #tpu.memory_space<vmem>>) semaphore(%arg14 : memref<!tpu.dma_semaphore, #tpu.memory_space<semaphore_mem>>) {add = true}
      %scan3A_307 = arith.constant 1 : i32
      %scan3A_308 = arith.addi %scan3A_248, %scan3A_307 : i32
      %mul3A_309 = arith.constant 2 : i32
      %mul3A_310 = arith.muli %mul3A_309, %scan3A_308 : i32
      %dma_wait3A_311 = arith.constant 0 : i32
      %dma_wait3A_312 = arith.constant 0 : i32
      %dma_wait3A_313 = tpu.memref_slice %arg8[%dma_wait3A_311, %dma_wait3A_312] : memref<40x128xi32, #tpu.memory_space<vmem>> -> memref<1x128xi32, #tpu.memory_space<vmem>>
      %dma_wait3A_314 = tpu.memref_squeeze %dma_wait3A_313 : memref<1x128xi32, #tpu.memory_space<vmem>> -> memref<128xi32, #tpu.memory_space<vmem>>
      %dma_wait3A_315 = arith.constant 0 : i32
      %dma_wait3A_316 = arith.constant 0 : i32
      %dma_wait3A_317 = tpu.memref_slice %arg11[%dma_wait3A_315, %dma_wait3A_316] : memref<10112x128xf32, #tpu.memory_space<vmem_shared>> -> memref<10112x128xf32, #tpu.memory_space<vmem_shared>>
      tpu.wait_indirect_dma semaphore(%arg14 : memref<!tpu.dma_semaphore, #tpu.memory_space<semaphore_mem>>) src(%arg9 : memref<128x128xf32, #tpu.memory_space<vmem>>) dst(%dma_wait3A_317 : memref<10112x128xf32, #tpu.memory_space<vmem_shared>>)
      %dma_start3A_318 = arith.constant 0 : i32
      %dma_start3A_319 = tpu.memref_slice %arg7[%mul3A_310, %dma_start3A_318] : memref<40x128xi32, #tpu.memory_space<vmem>> -> memref<1x128xi32, #tpu.memory_space<vmem>>
      %dma_start3A_320 = tpu.memref_squeeze %dma_start3A_319 : memref<1x128xi32, #tpu.memory_space<vmem>> -> memref<128xi32, #tpu.memory_space<vmem>>
      %dma_start3A_321 = arith.constant 0 : i32
      %dma_start3A_322 = arith.constant 0 : i32
      %dma_start3A_323 = tpu.memref_slice %arg2[%dma_start3A_321, %dma_start3A_322] : memref<10000x128xf32, #tpu.memory_space<hbm>> -> memref<10000x128xf32, #tpu.memory_space<hbm>>
      tpu.enqueue_indirect_dma source(%dma_start3A_323 : memref<10000x128xf32, #tpu.memory_space<hbm>>) target(%arg9 : memref<128x128xf32, #tpu.memory_space<vmem>>) offsets(%dma_start3A_320 : memref<128xi32, #tpu.memory_space<vmem>>) semaphore(%arg12 : memref<!tpu.dma_semaphore, #tpu.memory_space<semaphore_mem>>)
      %dma_wait3A_324 = arith.constant 0 : i32
      %dma_wait3A_325 = arith.constant 0 : i32
      %dma_wait3A_326 = tpu.memref_slice %arg7[%dma_wait3A_324, %dma_wait3A_325] : memref<40x128xi32, #tpu.memory_space<vmem>> -> memref<1x128xi32, #tpu.memory_space<vmem>>
      %dma_wait3A_327 = tpu.memref_squeeze %dma_wait3A_326 : memref<1x128xi32, #tpu.memory_space<vmem>> -> memref<128xi32, #tpu.memory_space<vmem>>
      %dma_wait3A_328 = arith.constant 0 : i32
      %dma_wait3A_329 = arith.constant 0 : i32
      %dma_wait3A_330 = tpu.memref_slice %arg2[%dma_wait3A_328, %dma_wait3A_329] : memref<10000x128xf32, #tpu.memory_space<hbm>> -> memref<10000x128xf32, #tpu.memory_space<hbm>>
      tpu.wait_indirect_dma semaphore(%arg13 : memref<!tpu.dma_semaphore, #tpu.memory_space<semaphore_mem>>) src(%dma_wait3A_330 : memref<10000x128xf32, #tpu.memory_space<hbm>>) dst(%arg10 : memref<128x128xf32, #tpu.memory_space<vmem>>)
      %sub3A_331 = arith.constant 1 : i32
      %sub3A_332 = arith.subi %mul3A_310, %sub3A_331 : i32
      %dma_start3A_333 = arith.constant 0 : i32
      %dma_start3A_334 = tpu.memref_slice %arg8[%sub3A_332, %dma_start3A_333] : memref<40x128xi32, #tpu.memory_space<vmem>> -> memref<1x128xi32, #tpu.memory_space<vmem>>
      %dma_start3A_335 = tpu.memref_squeeze %dma_start3A_334 : memref<1x128xi32, #tpu.memory_space<vmem>> -> memref<128xi32, #tpu.memory_space<vmem>>
      %dma_start3A_336 = arith.constant 0 : i32
      %dma_start3A_337 = arith.constant 0 : i32
      %dma_start3A_338 = tpu.memref_slice %arg11[%dma_start3A_336, %dma_start3A_337] : memref<10112x128xf32, #tpu.memory_space<vmem_shared>> -> memref<10112x128xf32, #tpu.memory_space<vmem_shared>>
      tpu.enqueue_indirect_dma source(%arg10 : memref<128x128xf32, #tpu.memory_space<vmem>>) target(%dma_start3A_338 : memref<10112x128xf32, #tpu.memory_space<vmem_shared>>) offsets(%dma_start3A_335 : memref<128xi32, #tpu.memory_space<vmem>>) semaphore(%arg15 : memref<!tpu.dma_semaphore, #tpu.memory_space<semaphore_mem>>) {add = true}
      %dma_wait3A_339 = arith.constant 0 : i32
      %dma_wait3A_340 = arith.constant 0 : i32
      %dma_wait3A_341 = tpu.memref_slice %arg8[%dma_wait3A_339, %dma_wait3A_340] : memref<40x128xi32, #tpu.memory_space<vmem>> -> memref<1x128xi32, #tpu.memory_space<vmem>>
      %dma_wait3A_342 = tpu.memref_squeeze %dma_wait3A_341 : memref<1x128xi32, #tpu.memory_space<vmem>> -> memref<128xi32, #tpu.memory_space<vmem>>
      %dma_wait3A_343 = arith.constant 0 : i32
      %dma_wait3A_344 = arith.constant 0 : i32
      %dma_wait3A_345 = tpu.memref_slice %arg11[%dma_wait3A_343, %dma_wait3A_344] : memref<10112x128xf32, #tpu.memory_space<vmem_shared>> -> memref<10112x128xf32, #tpu.memory_space<vmem_shared>>
      tpu.wait_indirect_dma semaphore(%arg15 : memref<!tpu.dma_semaphore, #tpu.memory_space<semaphore_mem>>) src(%arg10 : memref<128x128xf32, #tpu.memory_space<vmem>>) dst(%dma_wait3A_345 : memref<10112x128xf32, #tpu.memory_space<vmem_shared>>)
      %add3A_346 = arith.constant 1 : i32
      %add3A_347 = arith.addi %mul3A_310, %add3A_346 : i32
      %dma_start3A_348 = arith.constant 0 : i32
      %dma_start3A_349 = tpu.memref_slice %arg7[%add3A_347, %dma_start3A_348] : memref<40x128xi32, #tpu.memory_space<vmem>> -> memref<1x128xi32, #tpu.memory_space<vmem>>
      %dma_start3A_350 = tpu.memref_squeeze %dma_start3A_349 : memref<1x128xi32, #tpu.memory_space<vmem>> -> memref<128xi32, #tpu.memory_space<vmem>>
      %dma_start3A_351 = arith.constant 0 : i32
      %dma_start3A_352 = arith.constant 0 : i32
      %dma_start3A_353 = tpu.memref_slice %arg2[%dma_start3A_351, %dma_start3A_352] : memref<10000x128xf32, #tpu.memory_space<hbm>> -> memref<10000x128xf32, #tpu.memory_space<hbm>>
      tpu.enqueue_indirect_dma source(%dma_start3A_353 : memref<10000x128xf32, #tpu.memory_space<hbm>>) target(%arg10 : memref<128x128xf32, #tpu.memory_space<vmem>>) offsets(%dma_start3A_350 : memref<128xi32, #tpu.memory_space<vmem>>) semaphore(%arg13 : memref<!tpu.dma_semaphore, #tpu.memory_space<semaphore_mem>>)
      %dma_wait3A_354 = arith.constant 0 : i32
      %dma_wait3A_355 = arith.constant 0 : i32
      %dma_wait3A_356 = tpu.memref_slice %arg7[%dma_wait3A_354, %dma_wait3A_355] : memref<40x128xi32, #tpu.memory_space<vmem>> -> memref<1x128xi32, #tpu.memory_space<vmem>>
      %dma_wait3A_357 = tpu.memref_squeeze %dma_wait3A_356 : memref<1x128xi32, #tpu.memory_space<vmem>> -> memref<128xi32, #tpu.memory_space<vmem>>
      %dma_wait3A_358 = arith.constant 0 : i32
      %dma_wait3A_359 = arith.constant 0 : i32
      %dma_wait3A_360 = tpu.memref_slice %arg2[%dma_wait3A_358, %dma_wait3A_359] : memref<10000x128xf32, #tpu.memory_space<hbm>> -> memref<10000x128xf32, #tpu.memory_space<hbm>>
      tpu.wait_indirect_dma semaphore(%arg12 : memref<!tpu.dma_semaphore, #tpu.memory_space<semaphore_mem>>) src(%dma_wait3A_360 : memref<10000x128xf32, #tpu.memory_space<hbm>>) dst(%arg9 : memref<128x128xf32, #tpu.memory_space<vmem>>)
      %dma_start3A_361 = arith.constant 0 : i32
      %dma_start3A_362 = tpu.memref_slice %arg8[%mul3A_310, %dma_start3A_361] : memref<40x128xi32, #tpu.memory_space<vmem>> -> memref<1x128xi32, #tpu.memory_space<vmem>>
      %dma_start3A_363 = tpu.memref_squeeze %dma_start3A_362 : memref<1x128xi32, #tpu.memory_space<vmem>> -> memref<128xi32, #tpu.memory_space<vmem>>
      %dma_start3A_364 = arith.constant 0 : i32
      %dma_start3A_365 = arith.constant 0 : i32
      %dma_start3A_366 = tpu.memref_slice %arg11[%dma_start3A_364, %dma_start3A_365] : memref<10112x128xf32, #tpu.memory_space<vmem_shared>> -> memref<10112x128xf32, #tpu.memory_space<vmem_shared>>
      tpu.enqueue_indirect_dma source(%arg9 : memref<128x128xf32, #tpu.memory_space<vmem>>) target(%dma_start3A_366 : memref<10112x128xf32, #tpu.memory_space<vmem_shared>>) offsets(%dma_start3A_363 : memref<128xi32, #tpu.memory_space<vmem>>) semaphore(%arg14 : memref<!tpu.dma_semaphore, #tpu.memory_space<semaphore_mem>>) {add = true}
    }
    %scan3A_154 = arith.constant 18 : i32
    %scan3A_155 = arith.addi %scan3A_150, %scan3A_154 : i32
    %mul3A_156 = arith.constant 2 : i32
    %mul3A_157 = arith.muli %mul3A_156, %scan3A_155 : i32
    %dma_wait3A_158 = arith.constant 0 : i32
    %dma_wait3A_159 = arith.constant 0 : i32
    %dma_wait3A_160 = tpu.memref_slice %arg8[%dma_wait3A_158, %dma_wait3A_159] : memref<40x128xi32, #tpu.memory_space<vmem>> -> memref<1x128xi32, #tpu.memory_space<vmem>>
    %dma_wait3A_161 = tpu.memref_squeeze %dma_wait3A_160 : memref<1x128xi32, #tpu.memory_space<vmem>> -> memref<128xi32, #tpu.memory_space<vmem>>
    %dma_wait3A_162 = arith.constant 0 : i32
    %dma_wait3A_163 = arith.constant 0 : i32
    %dma_wait3A_164 = tpu.memref_slice %arg11[%dma_wait3A_162, %dma_wait3A_163] : memref<10112x128xf32, #tpu.memory_space<vmem_shared>> -> memref<10112x128xf32, #tpu.memory_space<vmem_shared>>
    tpu.wait_indirect_dma semaphore(%arg14 : memref<!tpu.dma_semaphore, #tpu.memory_space<semaphore_mem>>) src(%arg9 : memref<128x128xf32, #tpu.memory_space<vmem>>) dst(%dma_wait3A_164 : memref<10112x128xf32, #tpu.memory_space<vmem_shared>>)
    %dma_start3A_165 = arith.constant 0 : i32
    %dma_start3A_166 = tpu.memref_slice %arg7[%mul3A_157, %dma_start3A_165] : memref<40x128xi32, #tpu.memory_space<vmem>> -> memref<1x128xi32, #tpu.memory_space<vmem>>
    %dma_start3A_167 = tpu.memref_squeeze %dma_start3A_166 : memref<1x128xi32, #tpu.memory_space<vmem>> -> memref<128xi32, #tpu.memory_space<vmem>>
    %dma_start3A_168 = arith.constant 0 : i32
    %dma_start3A_169 = arith.constant 0 : i32
    %dma_start3A_170 = tpu.memref_slice %arg2[%dma_start3A_168, %dma_start3A_169] : memref<10000x128xf32, #tpu.memory_space<hbm>> -> memref<10000x128xf32, #tpu.memory_space<hbm>>
    tpu.enqueue_indirect_dma source(%dma_start3A_170 : memref<10000x128xf32, #tpu.memory_space<hbm>>) target(%arg9 : memref<128x128xf32, #tpu.memory_space<vmem>>) offsets(%dma_start3A_167 : memref<128xi32, #tpu.memory_space<vmem>>) semaphore(%arg12 : memref<!tpu.dma_semaphore, #tpu.memory_space<semaphore_mem>>)
    %dma_wait3A_171 = arith.constant 0 : i32
    %dma_wait3A_172 = arith.constant 0 : i32
    %dma_wait3A_173 = tpu.memref_slice %arg7[%dma_wait3A_171, %dma_wait3A_172] : memref<40x128xi32, #tpu.memory_space<vmem>> -> memref<1x128xi32, #tpu.memory_space<vmem>>
    %dma_wait3A_174 = tpu.memref_squeeze %dma_wait3A_173 : memref<1x128xi32, #tpu.memory_space<vmem>> -> memref<128xi32, #tpu.memory_space<vmem>>
    %dma_wait3A_175 = arith.constant 0 : i32
    %dma_wait3A_176 = arith.constant 0 : i32
    %dma_wait3A_177 = tpu.memref_slice %arg2[%dma_wait3A_175, %dma_wait3A_176] : memref<10000x128xf32, #tpu.memory_space<hbm>> -> memref<10000x128xf32, #tpu.memory_space<hbm>>
    tpu.wait_indirect_dma semaphore(%arg13 : memref<!tpu.dma_semaphore, #tpu.memory_space<semaphore_mem>>) src(%dma_wait3A_177 : memref<10000x128xf32, #tpu.memory_space<hbm>>) dst(%arg10 : memref<128x128xf32, #tpu.memory_space<vmem>>)
    %sub3A_178 = arith.constant 1 : i32
    %sub3A_179 = arith.subi %mul3A_157, %sub3A_178 : i32
    %dma_start3A_180 = arith.constant 0 : i32
    %dma_start3A_181 = tpu.memref_slice %arg8[%sub3A_179, %dma_start3A_180] : memref<40x128xi32, #tpu.memory_space<vmem>> -> memref<1x128xi32, #tpu.memory_space<vmem>>
    %dma_start3A_182 = tpu.memref_squeeze %dma_start3A_181 : memref<1x128xi32, #tpu.memory_space<vmem>> -> memref<128xi32, #tpu.memory_space<vmem>>
    %dma_start3A_183 = arith.constant 0 : i32
    %dma_start3A_184 = arith.constant 0 : i32
    %dma_start3A_185 = tpu.memref_slice %arg11[%dma_start3A_183, %dma_start3A_184] : memref<10112x128xf32, #tpu.memory_space<vmem_shared>> -> memref<10112x128xf32, #tpu.memory_space<vmem_shared>>
    tpu.enqueue_indirect_dma source(%arg10 : memref<128x128xf32, #tpu.memory_space<vmem>>) target(%dma_start3A_185 : memref<10112x128xf32, #tpu.memory_space<vmem_shared>>) offsets(%dma_start3A_182 : memref<128xi32, #tpu.memory_space<vmem>>) semaphore(%arg15 : memref<!tpu.dma_semaphore, #tpu.memory_space<semaphore_mem>>) {add = true}
    %dma_wait3A_186 = arith.constant 0 : i32
    %dma_wait3A_187 = arith.constant 0 : i32
    %dma_wait3A_188 = tpu.memref_slice %arg8[%dma_wait3A_186, %dma_wait3A_187] : memref<40x128xi32, #tpu.memory_space<vmem>> -> memref<1x128xi32, #tpu.memory_space<vmem>>
    %dma_wait3A_189 = tpu.memref_squeeze %dma_wait3A_188 : memref<1x128xi32, #tpu.memory_space<vmem>> -> memref<128xi32, #tpu.memory_space<vmem>>
    %dma_wait3A_190 = arith.constant 0 : i32
    %dma_wait3A_191 = arith.constant 0 : i32
    %dma_wait3A_192 = tpu.memref_slice %arg11[%dma_wait3A_190, %dma_wait3A_191] : memref<10112x128xf32, #tpu.memory_space<vmem_shared>> -> memref<10112x128xf32, #tpu.memory_space<vmem_shared>>
    tpu.wait_indirect_dma semaphore(%arg15 : memref<!tpu.dma_semaphore, #tpu.memory_space<semaphore_mem>>) src(%arg10 : memref<128x128xf32, #tpu.memory_space<vmem>>) dst(%dma_wait3A_192 : memref<10112x128xf32, #tpu.memory_space<vmem_shared>>)
    %add3A_193 = arith.constant 1 : i32
    %add3A_194 = arith.addi %mul3A_157, %add3A_193 : i32
    %dma_start3A_195 = arith.constant 0 : i32
    %dma_start3A_196 = tpu.memref_slice %arg7[%add3A_194, %dma_start3A_195] : memref<40x128xi32, #tpu.memory_space<vmem>> -> memref<1x128xi32, #tpu.memory_space<vmem>>
    %dma_start3A_197 = tpu.memref_squeeze %dma_start3A_196 : memref<1x128xi32, #tpu.memory_space<vmem>> -> memref<128xi32, #tpu.memory_space<vmem>>
    %dma_start3A_198 = arith.constant 0 : i32
    %dma_start3A_199 = arith.constant 0 : i32
    %dma_start3A_200 = tpu.memref_slice %arg2[%dma_start3A_198, %dma_start3A_199] : memref<10000x128xf32, #tpu.memory_space<hbm>> -> memref<10000x128xf32, #tpu.memory_space<hbm>>
    tpu.enqueue_indirect_dma source(%dma_start3A_200 : memref<10000x128xf32, #tpu.memory_space<hbm>>) target(%arg10 : memref<128x128xf32, #tpu.memory_space<vmem>>) offsets(%dma_start3A_197 : memref<128xi32, #tpu.memory_space<vmem>>) semaphore(%arg13 : memref<!tpu.dma_semaphore, #tpu.memory_space<semaphore_mem>>)
    %dma_wait3A_201 = arith.constant 0 : i32
    %dma_wait3A_202 = arith.constant 0 : i32
    %dma_wait3A_203 = tpu.memref_slice %arg7[%dma_wait3A_201, %dma_wait3A_202] : memref<40x128xi32, #tpu.memory_space<vmem>> -> memref<1x128xi32, #tpu.memory_space<vmem>>
    %dma_wait3A_204 = tpu.memref_squeeze %dma_wait3A_203 : memref<1x128xi32, #tpu.memory_space<vmem>> -> memref<128xi32, #tpu.memory_space<vmem>>
    %dma_wait3A_205 = arith.constant 0 : i32
    %dma_wait3A_206 = arith.constant 0 : i32
    %dma_wait3A_207 = tpu.memref_slice %arg2[%dma_wait3A_205, %dma_wait3A_206] : memref<10000x128xf32, #tpu.memory_space<hbm>> -> memref<10000x128xf32, #tpu.memory_space<hbm>>
    tpu.wait_indirect_dma semaphore(%arg12 : memref<!tpu.dma_semaphore, #tpu.memory_space<semaphore_mem>>) src(%dma_wait3A_207 : memref<10000x128xf32, #tpu.memory_space<hbm>>) dst(%arg9 : memref<128x128xf32, #tpu.memory_space<vmem>>)
    %dma_start3A_208 = arith.constant 0 : i32
    %dma_start3A_209 = tpu.memref_slice %arg8[%mul3A_157, %dma_start3A_208] : memref<40x128xi32, #tpu.memory_space<vmem>> -> memref<1x128xi32, #tpu.memory_space<vmem>>
    %dma_start3A_210 = tpu.memref_squeeze %dma_start3A_209 : memref<1x128xi32, #tpu.memory_space<vmem>> -> memref<128xi32, #tpu.memory_space<vmem>>
    %dma_start3A_211 = arith.constant 0 : i32
    %dma_start3A_212 = arith.constant 0 : i32
    %dma_start3A_213 = tpu.memref_slice %arg11[%dma_start3A_211, %dma_start3A_212] : memref<10112x128xf32, #tpu.memory_space<vmem_shared>> -> memref<10112x128xf32, #tpu.memory_space<vmem_shared>>
    tpu.enqueue_indirect_dma source(%arg9 : memref<128x128xf32, #tpu.memory_space<vmem>>) target(%dma_start3A_213 : memref<10112x128xf32, #tpu.memory_space<vmem_shared>>) offsets(%dma_start3A_210 : memref<128xi32, #tpu.memory_space<vmem>>) semaphore(%arg14 : memref<!tpu.dma_semaphore, #tpu.memory_space<semaphore_mem>>) {add = true}
    %scan3A_214 = arith.constant 19 : i32
    %dma_wait3A_215 = arith.constant 0 : i32
    %dma_wait3A_216 = arith.constant 0 : i32
    %dma_wait3A_217 = tpu.memref_slice %arg7[%dma_wait3A_215, %dma_wait3A_216] : memref<40x128xi32, #tpu.memory_space<vmem>> -> memref<1x128xi32, #tpu.memory_space<vmem>>
    %dma_wait3A_218 = tpu.memref_squeeze %dma_wait3A_217 : memref<1x128xi32, #tpu.memory_space<vmem>> -> memref<128xi32, #tpu.memory_space<vmem>>
    %dma_wait3A_219 = arith.constant 0 : i32
    %dma_wait3A_220 = arith.constant 0 : i32
    %dma_wait3A_221 = tpu.memref_slice %arg2[%dma_wait3A_219, %dma_wait3A_220] : memref<10000x128xf32, #tpu.memory_space<hbm>> -> memref<10000x128xf32, #tpu.memory_space<hbm>>
    tpu.wait_indirect_dma semaphore(%arg13 : memref<!tpu.dma_semaphore, #tpu.memory_space<semaphore_mem>>) src(%dma_wait3A_221 : memref<10000x128xf32, #tpu.memory_space<hbm>>) dst(%arg10 : memref<128x128xf32, #tpu.memory_space<vmem>>)
    %dma_start3A_222 = arith.constant 39 : i32
    %dma_start3A_223 = arith.constant 0 : i32
    %dma_start3A_224 = tpu.memref_slice %arg8[%dma_start3A_222, %dma_start3A_223] : memref<40x128xi32, #tpu.memory_space<vmem>> -> memref<1x128xi32, #tpu.memory_space<vmem>>
    %dma_start3A_225 = tpu.memref_squeeze %dma_start3A_224 : memref<1x128xi32, #tpu.memory_space<vmem>> -> memref<128xi32, #tpu.memory_space<vmem>>
    %dma_start3A_226 = arith.constant 0 : i32
    %dma_start3A_227 = arith.constant 0 : i32
    %dma_start3A_228 = tpu.memref_slice %arg11[%dma_start3A_226, %dma_start3A_227] : memref<10112x128xf32, #tpu.memory_space<vmem_shared>> -> memref<10112x128xf32, #tpu.memory_space<vmem_shared>>
    tpu.enqueue_indirect_dma source(%arg10 : memref<128x128xf32, #tpu.memory_space<vmem>>) target(%dma_start3A_228 : memref<10112x128xf32, #tpu.memory_space<vmem_shared>>) offsets(%dma_start3A_225 : memref<128xi32, #tpu.memory_space<vmem>>) semaphore(%arg15 : memref<!tpu.dma_semaphore, #tpu.memory_space<semaphore_mem>>) {add = true}
    %dma_wait3A_229 = arith.constant 0 : i32
    %dma_wait3A_230 = arith.constant 0 : i32
    %dma_wait3A_231 = tpu.memref_slice %arg8[%dma_wait3A_229, %dma_wait3A_230] : memref<40x128xi32, #tpu.memory_space<vmem>> -> memref<1x128xi32, #tpu.memory_space<vmem>>
    %dma_wait3A_232 = tpu.memref_squeeze %dma_wait3A_231 : memref<1x128xi32, #tpu.memory_space<vmem>> -> memref<128xi32, #tpu.memory_space<vmem>>
    %dma_wait3A_233 = arith.constant 0 : i32
    %dma_wait3A_234 = arith.constant 0 : i32
    %dma_wait3A_235 = tpu.memref_slice %arg11[%dma_wait3A_233, %dma_wait3A_234] : memref<10112x128xf32, #tpu.memory_space<vmem_shared>> -> memref<10112x128xf32, #tpu.memory_space<vmem_shared>>
    tpu.wait_indirect_dma semaphore(%arg14 : memref<!tpu.dma_semaphore, #tpu.memory_space<semaphore_mem>>) src(%arg9 : memref<128x128xf32, #tpu.memory_space<vmem>>) dst(%dma_wait3A_235 : memref<10112x128xf32, #tpu.memory_space<vmem_shared>>)
    %dma_wait3A_236 = arith.constant 0 : i32
    %dma_wait3A_237 = arith.constant 0 : i32
    %dma_wait3A_238 = tpu.memref_slice %arg8[%dma_wait3A_236, %dma_wait3A_237] : memref<40x128xi32, #tpu.memory_space<vmem>> -> memref<1x128xi32, #tpu.memory_space<vmem>>
    %dma_wait3A_239 = tpu.memref_squeeze %dma_wait3A_238 : memref<1x128xi32, #tpu.memory_space<vmem>> -> memref<128xi32, #tpu.memory_space<vmem>>
    %dma_wait3A_240 = arith.constant 0 : i32
    %dma_wait3A_241 = arith.constant 0 : i32
    %dma_wait3A_242 = tpu.memref_slice %arg11[%dma_wait3A_240, %dma_wait3A_241] : memref<10112x128xf32, #tpu.memory_space<vmem_shared>> -> memref<10112x128xf32, #tpu.memory_space<vmem_shared>>
    tpu.wait_indirect_dma semaphore(%arg15 : memref<!tpu.dma_semaphore, #tpu.memory_space<semaphore_mem>>) src(%arg10 : memref<128x128xf32, #tpu.memory_space<vmem>>) dst(%dma_wait3A_242 : memref<10112x128xf32, #tpu.memory_space<vmem_shared>>)
    %barrier3A_243 = arith.constant 0 : index
    tpu.barrier barrier_id(%barrier3A_243)
    %mul3A_244 = arith.constant 632 : i32
    %mul3A_245 = arith.muli %arg1, %mul3A_244 : i32
    %mul3A_246 = arith.constant 632 : i32
    %mul3A_247 = arith.muli %arg1, %mul3A_246 : i32
    "tpu.region"() ({
      %run_scoped3A_248 = tpu.sem_alloc : memref<!tpu.dma_semaphore, #tpu.memory_space<semaphore_mem>>
      %dma_start3A_249 = arith.constant 0 : i32
      %dma_start3A_250 = tpu.memref_slice %arg6[%arg0, %mul3A_247, %dma_start3A_249] : memref<2x10112x128xf32, #tpu.memory_space<hbm>> -> memref<1x632x128xf32, #tpu.memory_space<hbm>>
      %dma_start3A_251 = tpu.memref_squeeze %dma_start3A_250 : memref<1x632x128xf32, #tpu.memory_space<hbm>> -> memref<632x128xf32, #tpu.memory_space<hbm>>
      %dma_start3A_252 = arith.constant 0 : i32
      %dma_start3A_253 = tpu.memref_slice %arg11[%mul3A_245, %dma_start3A_252] : memref<10112x128xf32, #tpu.memory_space<vmem_shared>> -> memref<632x128xf32, #tpu.memory_space<vmem_shared>>
      tpu.enqueue_dma source(%dma_start3A_253 : memref<632x128xf32, #tpu.memory_space<vmem_shared>>) target(%dma_start3A_251 : memref<632x128xf32, #tpu.memory_space<hbm>>) target_semaphore(%run_scoped3A_248 : memref<!tpu.dma_semaphore, #tpu.memory_space<semaphore_mem>>)
      %dma_wait3A_254 = arith.constant 0 : i32
      %dma_wait3A_255 = tpu.memref_slice %arg6[%arg0, %mul3A_247, %dma_wait3A_254] : memref<2x10112x128xf32, #tpu.memory_space<hbm>> -> memref<1x632x128xf32, #tpu.memory_space<hbm>>
      %dma_wait3A_256 = tpu.memref_squeeze %dma_wait3A_255 : memref<1x632x128xf32, #tpu.memory_space<hbm>> -> memref<632x128xf32, #tpu.memory_space<hbm>>
      %dma_wait3A_257 = arith.constant 0 : i32
      %dma_wait3A_258 = tpu.memref_slice %arg11[%mul3A_245, %dma_wait3A_257] : memref<10112x128xf32, #tpu.memory_space<vmem_shared>> -> memref<632x128xf32, #tpu.memory_space<vmem_shared>>
      tpu.wait_dma2 semaphore(%run_scoped3A_248 : memref<!tpu.dma_semaphore, #tpu.memory_space<semaphore_mem>>) src(%dma_wait3A_258 : memref<632x128xf32, #tpu.memory_space<vmem_shared>>) dst(%dma_wait3A_256 : memref<632x128xf32, #tpu.memory_space<hbm>>)
      tpu.yield
    }) : () -> ()
    return
  }
}

#map = affine_map<(d0, d1) -> (0, 0)>
#map1 = affine_map<(d0, d1) -> (0, 0, 0, 0, 0)>
#map2 = affine_map<(d0, d1) -> (0, 0, 0)>
module attributes {stable_mosaic.version = 14 : i64} {
  func.func @segsum(%arg0: i32, %arg1: i32, %arg2: memref<10000x128xf32, #tpu.memory_space<hbm>>, %arg3: memref<2x16x2x40x128xi32, #tpu.memory_space<hbm>>, %arg4: memref<2x16x2x40x128xi32, #tpu.memory_space<hbm>>, %arg5: memref<632x128xf32, #tpu.memory_space<hbm>>, %arg6: memref<2x10112x128xf32, #tpu.memory_space<hbm>>, %arg7: memref<40x128xi32, #tpu.memory_space<vmem>>, %arg8: memref<40x128xi32, #tpu.memory_space<vmem>>, %arg9: memref<128x128xf32, #tpu.memory_space<vmem>>, %arg10: memref<128x128xf32, #tpu.memory_space<vmem>>, %arg11: memref<10112x128xf32, #tpu.memory_space<vmem_shared>>, %arg12: memref<!tpu.dma_semaphore, #tpu.memory_space<semaphore_mem>>, %arg13: memref<!tpu.dma_semaphore, #tpu.memory_space<semaphore_mem>>, %arg14: memref<!tpu.dma_semaphore, #tpu.memory_space<semaphore_mem>>, %arg15: memref<!tpu.dma_semaphore, #tpu.memory_space<semaphore_mem>>) attributes {dimension_semantics = [#tpu.dimension_semantics<core_parallel>, #tpu.dimension_semantics<subcore_parallel>], iteration_bounds = array<i64: 2, 16>, scalar_prefetch = 0 : i64, scratch_operands = 9 : i64, tpu.core_type = #tpu.core_type<sc_vector_subcore>, window_params = [{transform_indices = #map}, {transform_indices = #map1}, {transform_indices = #map1}, {transform_indices = #map}, {transform_indices = #map2}]} {
    %mul3A = arith.constant 632 : i32
    %mul3A_0 = arith.muli %arg1, %mul3A : i32
    "tpu.region"() ({
      %run_scoped3A_248 = tpu.sem_alloc : memref<!tpu.dma_semaphore, #tpu.memory_space<semaphore_mem>>
      %dma_start3A_249 = arith.constant 0 : i32
      %dma_start3A_250 = tpu.memref_slice %arg11[%mul3A_0, %dma_start3A_249] : memref<10112x128xf32, #tpu.memory_space<vmem_shared>> -> memref<632x128xf32, #tpu.memory_space<vmem_shared>>
      tpu.enqueue_dma source(%arg5 : memref<632x128xf32, #tpu.memory_space<hbm>>) target(%dma_start3A_250 : memref<632x128xf32, #tpu.memory_space<vmem_shared>>) target_semaphore(%run_scoped3A_248 : memref<!tpu.dma_semaphore, #tpu.memory_space<semaphore_mem>>)
      %dma_wait3A_251 = arith.constant 0 : i32
      %dma_wait3A_252 = tpu.memref_slice %arg11[%mul3A_0, %dma_wait3A_251] : memref<10112x128xf32, #tpu.memory_space<vmem_shared>> -> memref<632x128xf32, #tpu.memory_space<vmem_shared>>
      tpu.wait_dma2 semaphore(%run_scoped3A_248 : memref<!tpu.dma_semaphore, #tpu.memory_space<semaphore_mem>>) src(%arg5 : memref<632x128xf32, #tpu.memory_space<hbm>>) dst(%dma_wait3A_252 : memref<632x128xf32, #tpu.memory_space<vmem_shared>>)
      tpu.yield
    }) : () -> ()
    %barrier3A = arith.constant 0 : index
    tpu.barrier barrier_id(%barrier3A)
    %run_scoped3A = arith.constant 0 : i32
    "tpu.region"() ({
      %run_scoped3A_248 = tpu.sem_alloc : memref<!tpu.dma_semaphore, #tpu.memory_space<semaphore_mem>>
      %dma_start3A_249 = arith.constant 0 : i32
      %dma_start3A_250 = arith.constant 0 : i32
      %dma_start3A_251 = tpu.memref_slice %arg3[%arg0, %arg1, %run_scoped3A, %dma_start3A_249, %dma_start3A_250] : memref<2x16x2x40x128xi32, #tpu.memory_space<hbm>> -> memref<1x1x1x40x128xi32, #tpu.memory_space<hbm>>
      %dma_start3A_252 = tpu.memref_squeeze %dma_start3A_251 : memref<1x1x1x40x128xi32, #tpu.memory_space<hbm>> -> memref<40x128xi32, #tpu.memory_space<hbm>>
      %dma_start3A_253 = arith.constant 0 : i32
      %dma_start3A_254 = arith.constant 0 : i32
      %dma_start3A_255 = tpu.memref_slice %arg3[%arg0, %arg1, %run_scoped3A, %dma_start3A_253, %dma_start3A_254] : memref<2x16x2x40x128xi32, #tpu.memory_space<hbm>> -> memref<1x1x1x40x128xi32, #tpu.memory_space<hbm>>
      %dma_start3A_256 = tpu.memref_squeeze %dma_start3A_255 : memref<1x1x1x40x128xi32, #tpu.memory_space<hbm>> -> memref<40x128xi32, #tpu.memory_space<hbm>>
      tpu.enqueue_dma source(%dma_start3A_256 : memref<40x128xi32, #tpu.memory_space<hbm>>) target(%arg7 : memref<40x128xi32, #tpu.memory_space<vmem>>) target_semaphore(%run_scoped3A_248 : memref<!tpu.dma_semaphore, #tpu.memory_space<semaphore_mem>>)
      %dma_wait3A_257 = arith.constant 0 : i32
      %dma_wait3A_258 = arith.constant 0 : i32
      %dma_wait3A_259 = tpu.memref_slice %arg3[%arg0, %arg1, %run_scoped3A, %dma_wait3A_257, %dma_wait3A_258] : memref<2x16x2x40x128xi32, #tpu.memory_space<hbm>> -> memref<1x1x1x40x128xi32, #tpu.memory_space<hbm>>
      %dma_wait3A_260 = tpu.memref_squeeze %dma_wait3A_259 : memref<1x1x1x40x128xi32, #tpu.memory_space<hbm>> -> memref<40x128xi32, #tpu.memory_space<hbm>>
      %dma_wait3A_261 = arith.constant 0 : i32
      %dma_wait3A_262 = arith.constant 0 : i32
      %dma_wait3A_263 = tpu.memref_slice %arg3[%arg0, %arg1, %run_scoped3A, %dma_wait3A_261, %dma_wait3A_262] : memref<2x16x2x40x128xi32, #tpu.memory_space<hbm>> -> memref<1x1x1x40x128xi32, #tpu.memory_space<hbm>>
      %dma_wait3A_264 = tpu.memref_squeeze %dma_wait3A_263 : memref<1x1x1x40x128xi32, #tpu.memory_space<hbm>> -> memref<40x128xi32, #tpu.memory_space<hbm>>
      tpu.wait_dma2 semaphore(%run_scoped3A_248 : memref<!tpu.dma_semaphore, #tpu.memory_space<semaphore_mem>>) src(%dma_wait3A_264 : memref<40x128xi32, #tpu.memory_space<hbm>>) dst(%arg7 : memref<40x128xi32, #tpu.memory_space<vmem>>)
      tpu.yield
    }) : () -> ()
    %run_scoped3A_1 = arith.constant 0 : i32
    "tpu.region"() ({
      %run_scoped3A_248 = tpu.sem_alloc : memref<!tpu.dma_semaphore, #tpu.memory_space<semaphore_mem>>
      %dma_start3A_249 = arith.constant 0 : i32
      %dma_start3A_250 = arith.constant 0 : i32
      %dma_start3A_251 = tpu.memref_slice %arg4[%arg0, %arg1, %run_scoped3A_1, %dma_start3A_249, %dma_start3A_250] : memref<2x16x2x40x128xi32, #tpu.memory_space<hbm>> -> memref<1x1x1x40x128xi32, #tpu.memory_space<hbm>>
      %dma_start3A_252 = tpu.memref_squeeze %dma_start3A_251 : memref<1x1x1x40x128xi32, #tpu.memory_space<hbm>> -> memref<40x128xi32, #tpu.memory_space<hbm>>
      %dma_start3A_253 = arith.constant 0 : i32
      %dma_start3A_254 = arith.constant 0 : i32
      %dma_start3A_255 = tpu.memref_slice %arg4[%arg0, %arg1, %run_scoped3A_1, %dma_start3A_253, %dma_start3A_254] : memref<2x16x2x40x128xi32, #tpu.memory_space<hbm>> -> memref<1x1x1x40x128xi32, #tpu.memory_space<hbm>>
      %dma_start3A_256 = tpu.memref_squeeze %dma_start3A_255 : memref<1x1x1x40x128xi32, #tpu.memory_space<hbm>> -> memref<40x128xi32, #tpu.memory_space<hbm>>
      tpu.enqueue_dma source(%dma_start3A_256 : memref<40x128xi32, #tpu.memory_space<hbm>>) target(%arg8 : memref<40x128xi32, #tpu.memory_space<vmem>>) target_semaphore(%run_scoped3A_248 : memref<!tpu.dma_semaphore, #tpu.memory_space<semaphore_mem>>)
      %dma_wait3A_257 = arith.constant 0 : i32
      %dma_wait3A_258 = arith.constant 0 : i32
      %dma_wait3A_259 = tpu.memref_slice %arg4[%arg0, %arg1, %run_scoped3A_1, %dma_wait3A_257, %dma_wait3A_258] : memref<2x16x2x40x128xi32, #tpu.memory_space<hbm>> -> memref<1x1x1x40x128xi32, #tpu.memory_space<hbm>>
      %dma_wait3A_260 = tpu.memref_squeeze %dma_wait3A_259 : memref<1x1x1x40x128xi32, #tpu.memory_space<hbm>> -> memref<40x128xi32, #tpu.memory_space<hbm>>
      %dma_wait3A_261 = arith.constant 0 : i32
      %dma_wait3A_262 = arith.constant 0 : i32
      %dma_wait3A_263 = tpu.memref_slice %arg4[%arg0, %arg1, %run_scoped3A_1, %dma_wait3A_261, %dma_wait3A_262] : memref<2x16x2x40x128xi32, #tpu.memory_space<hbm>> -> memref<1x1x1x40x128xi32, #tpu.memory_space<hbm>>
      %dma_wait3A_264 = tpu.memref_squeeze %dma_wait3A_263 : memref<1x1x1x40x128xi32, #tpu.memory_space<hbm>> -> memref<40x128xi32, #tpu.memory_space<hbm>>
      tpu.wait_dma2 semaphore(%run_scoped3A_248 : memref<!tpu.dma_semaphore, #tpu.memory_space<semaphore_mem>>) src(%dma_wait3A_264 : memref<40x128xi32, #tpu.memory_space<hbm>>) dst(%arg8 : memref<40x128xi32, #tpu.memory_space<vmem>>)
      tpu.yield
    }) : () -> ()
    %dma_start3A = arith.constant 0 : i32
    %dma_start3A_2 = arith.constant 0 : i32
    %dma_start3A_3 = tpu.memref_slice %arg7[%dma_start3A, %dma_start3A_2] : memref<40x128xi32, #tpu.memory_space<vmem>> -> memref<1x128xi32, #tpu.memory_space<vmem>>
    %dma_start3A_4 = tpu.memref_squeeze %dma_start3A_3 : memref<1x128xi32, #tpu.memory_space<vmem>> -> memref<128xi32, #tpu.memory_space<vmem>>
    %dma_start3A_5 = arith.constant 0 : i32
    %dma_start3A_6 = arith.constant 0 : i32
    %dma_start3A_7 = tpu.memref_slice %arg2[%dma_start3A_5, %dma_start3A_6] : memref<10000x128xf32, #tpu.memory_space<hbm>> -> memref<10000x128xf32, #tpu.memory_space<hbm>>
    tpu.enqueue_indirect_dma source(%dma_start3A_7 : memref<10000x128xf32, #tpu.memory_space<hbm>>) target(%arg9 : memref<128x128xf32, #tpu.memory_space<vmem>>) offsets(%dma_start3A_4 : memref<128xi32, #tpu.memory_space<vmem>>) semaphore(%arg12 : memref<!tpu.dma_semaphore, #tpu.memory_space<semaphore_mem>>)
    %dma_start3A_8 = arith.constant 1 : i32
    %dma_start3A_9 = arith.constant 0 : i32
    %dma_start3A_10 = tpu.memref_slice %arg7[%dma_start3A_8, %dma_start3A_9] : memref<40x128xi32, #tpu.memory_space<vmem>> -> memref<1x128xi32, #tpu.memory_space<vmem>>
    %dma_start3A_11 = tpu.memref_squeeze %dma_start3A_10 : memref<1x128xi32, #tpu.memory_space<vmem>> -> memref<128xi32, #tpu.memory_space<vmem>>
    %dma_start3A_12 = arith.constant 0 : i32
    %dma_start3A_13 = arith.constant 0 : i32
    %dma_start3A_14 = tpu.memref_slice %arg2[%dma_start3A_12, %dma_start3A_13] : memref<10000x128xf32, #tpu.memory_space<hbm>> -> memref<10000x128xf32, #tpu.memory_space<hbm>>
    tpu.enqueue_indirect_dma source(%dma_start3A_14 : memref<10000x128xf32, #tpu.memory_space<hbm>>) target(%arg10 : memref<128x128xf32, #tpu.memory_space<vmem>>) offsets(%dma_start3A_11 : memref<128xi32, #tpu.memory_space<vmem>>) semaphore(%arg13 : memref<!tpu.dma_semaphore, #tpu.memory_space<semaphore_mem>>)
    %dma_wait3A = arith.constant 0 : i32
    %dma_wait3A_15 = arith.constant 0 : i32
    %dma_wait3A_16 = tpu.memref_slice %arg7[%dma_wait3A, %dma_wait3A_15] : memref<40x128xi32, #tpu.memory_space<vmem>> -> memref<1x128xi32, #tpu.memory_space<vmem>>
    %dma_wait3A_17 = tpu.memref_squeeze %dma_wait3A_16 : memref<1x128xi32, #tpu.memory_space<vmem>> -> memref<128xi32, #tpu.memory_space<vmem>>
    %dma_wait3A_18 = arith.constant 0 : i32
    %dma_wait3A_19 = arith.constant 0 : i32
    %dma_wait3A_20 = tpu.memref_slice %arg2[%dma_wait3A_18, %dma_wait3A_19] : memref<10000x128xf32, #tpu.memory_space<hbm>> -> memref<10000x128xf32, #tpu.memory_space<hbm>>
    tpu.wait_indirect_dma semaphore(%arg12 : memref<!tpu.dma_semaphore, #tpu.memory_space<semaphore_mem>>) src(%dma_wait3A_20 : memref<10000x128xf32, #tpu.memory_space<hbm>>) dst(%arg9 : memref<128x128xf32, #tpu.memory_space<vmem>>)
    %dma_start3A_21 = arith.constant 0 : i32
    %dma_start3A_22 = arith.constant 0 : i32
    %dma_start3A_23 = tpu.memref_slice %arg8[%dma_start3A_21, %dma_start3A_22] : memref<40x128xi32, #tpu.memory_space<vmem>> -> memref<1x128xi32, #tpu.memory_space<vmem>>
    %dma_start3A_24 = tpu.memref_squeeze %dma_start3A_23 : memref<1x128xi32, #tpu.memory_space<vmem>> -> memref<128xi32, #tpu.memory_space<vmem>>
    %dma_start3A_25 = arith.constant 0 : i32
    %dma_start3A_26 = arith.constant 0 : i32
    %dma_start3A_27 = tpu.memref_slice %arg11[%dma_start3A_25, %dma_start3A_26] : memref<10112x128xf32, #tpu.memory_space<vmem_shared>> -> memref<10112x128xf32, #tpu.memory_space<vmem_shared>>
    tpu.enqueue_indirect_dma source(%arg9 : memref<128x128xf32, #tpu.memory_space<vmem>>) target(%dma_start3A_27 : memref<10112x128xf32, #tpu.memory_space<vmem_shared>>) offsets(%dma_start3A_24 : memref<128xi32, #tpu.memory_space<vmem>>) semaphore(%arg14 : memref<!tpu.dma_semaphore, #tpu.memory_space<semaphore_mem>>) {add = true}
    %scan3A = arith.constant 0 : i32
    %scan3A_28 = arith.constant 1 : i32
    %scan3A_29 = arith.constant 18 : i32
    %scan3A_30 = arith.addi %scan3A_28, %scan3A_29 : i32
    %scan3A_31 = arith.constant 2 : i32
    scf.for %scan3A_248 = %scan3A_28 to %scan3A_30 step %scan3A_31  : i32 {
      %mul3A_249 = arith.constant 2 : i32
      %mul3A_250 = arith.muli %mul3A_249, %scan3A_248 : i32
      %dma_wait3A_251 = arith.constant 0 : i32
      %dma_wait3A_252 = arith.constant 0 : i32
      %dma_wait3A_253 = tpu.memref_slice %arg8[%dma_wait3A_251, %dma_wait3A_252] : memref<40x128xi32, #tpu.memory_space<vmem>> -> memref<1x128xi32, #tpu.memory_space<vmem>>
      %dma_wait3A_254 = tpu.memref_squeeze %dma_wait3A_253 : memref<1x128xi32, #tpu.memory_space<vmem>> -> memref<128xi32, #tpu.memory_space<vmem>>
      %dma_wait3A_255 = arith.constant 0 : i32
      %dma_wait3A_256 = arith.constant 0 : i32
      %dma_wait3A_257 = tpu.memref_slice %arg11[%dma_wait3A_255, %dma_wait3A_256] : memref<10112x128xf32, #tpu.memory_space<vmem_shared>> -> memref<10112x128xf32, #tpu.memory_space<vmem_shared>>
      tpu.wait_indirect_dma semaphore(%arg14 : memref<!tpu.dma_semaphore, #tpu.memory_space<semaphore_mem>>) src(%arg9 : memref<128x128xf32, #tpu.memory_space<vmem>>) dst(%dma_wait3A_257 : memref<10112x128xf32, #tpu.memory_space<vmem_shared>>)
      %dma_start3A_258 = arith.constant 0 : i32
      %dma_start3A_259 = tpu.memref_slice %arg7[%mul3A_250, %dma_start3A_258] : memref<40x128xi32, #tpu.memory_space<vmem>> -> memref<1x128xi32, #tpu.memory_space<vmem>>
      %dma_start3A_260 = tpu.memref_squeeze %dma_start3A_259 : memref<1x128xi32, #tpu.memory_space<vmem>> -> memref<128xi32, #tpu.memory_space<vmem>>
      %dma_start3A_261 = arith.constant 0 : i32
      %dma_start3A_262 = arith.constant 0 : i32
      %dma_start3A_263 = tpu.memref_slice %arg2[%dma_start3A_261, %dma_start3A_262] : memref<10000x128xf32, #tpu.memory_space<hbm>> -> memref<10000x128xf32, #tpu.memory_space<hbm>>
      tpu.enqueue_indirect_dma source(%dma_start3A_263 : memref<10000x128xf32, #tpu.memory_space<hbm>>) target(%arg9 : memref<128x128xf32, #tpu.memory_space<vmem>>) offsets(%dma_start3A_260 : memref<128xi32, #tpu.memory_space<vmem>>) semaphore(%arg12 : memref<!tpu.dma_semaphore, #tpu.memory_space<semaphore_mem>>)
      %dma_wait3A_264 = arith.constant 0 : i32
      %dma_wait3A_265 = arith.constant 0 : i32
      %dma_wait3A_266 = tpu.memref_slice %arg7[%dma_wait3A_264, %dma_wait3A_265] : memref<40x128xi32, #tpu.memory_space<vmem>> -> memref<1x128xi32, #tpu.memory_space<vmem>>
      %dma_wait3A_267 = tpu.memref_squeeze %dma_wait3A_266 : memref<1x128xi32, #tpu.memory_space<vmem>> -> memref<128xi32, #tpu.memory_space<vmem>>
      %dma_wait3A_268 = arith.constant 0 : i32
      %dma_wait3A_269 = arith.constant 0 : i32
      %dma_wait3A_270 = tpu.memref_slice %arg2[%dma_wait3A_268, %dma_wait3A_269] : memref<10000x128xf32, #tpu.memory_space<hbm>> -> memref<10000x128xf32, #tpu.memory_space<hbm>>
      tpu.wait_indirect_dma semaphore(%arg13 : memref<!tpu.dma_semaphore, #tpu.memory_space<semaphore_mem>>) src(%dma_wait3A_270 : memref<10000x128xf32, #tpu.memory_space<hbm>>) dst(%arg10 : memref<128x128xf32, #tpu.memory_space<vmem>>)
      %sub3A_271 = arith.constant 1 : i32
      %sub3A_272 = arith.subi %mul3A_250, %sub3A_271 : i32
      %dma_start3A_273 = arith.constant 0 : i32
      %dma_start3A_274 = tpu.memref_slice %arg8[%sub3A_272, %dma_start3A_273] : memref<40x128xi32, #tpu.memory_space<vmem>> -> memref<1x128xi32, #tpu.memory_space<vmem>>
      %dma_start3A_275 = tpu.memref_squeeze %dma_start3A_274 : memref<1x128xi32, #tpu.memory_space<vmem>> -> memref<128xi32, #tpu.memory_space<vmem>>
      %dma_start3A_276 = arith.constant 0 : i32
      %dma_start3A_277 = arith.constant 0 : i32
      %dma_start3A_278 = tpu.memref_slice %arg11[%dma_start3A_276, %dma_start3A_277] : memref<10112x128xf32, #tpu.memory_space<vmem_shared>> -> memref<10112x128xf32, #tpu.memory_space<vmem_shared>>
      tpu.enqueue_indirect_dma source(%arg10 : memref<128x128xf32, #tpu.memory_space<vmem>>) target(%dma_start3A_278 : memref<10112x128xf32, #tpu.memory_space<vmem_shared>>) offsets(%dma_start3A_275 : memref<128xi32, #tpu.memory_space<vmem>>) semaphore(%arg15 : memref<!tpu.dma_semaphore, #tpu.memory_space<semaphore_mem>>) {add = true}
      %dma_wait3A_279 = arith.constant 0 : i32
      %dma_wait3A_280 = arith.constant 0 : i32
      %dma_wait3A_281 = tpu.memref_slice %arg8[%dma_wait3A_279, %dma_wait3A_280] : memref<40x128xi32, #tpu.memory_space<vmem>> -> memref<1x128xi32, #tpu.memory_space<vmem>>
      %dma_wait3A_282 = tpu.memref_squeeze %dma_wait3A_281 : memref<1x128xi32, #tpu.memory_space<vmem>> -> memref<128xi32, #tpu.memory_space<vmem>>
      %dma_wait3A_283 = arith.constant 0 : i32
      %dma_wait3A_284 = arith.constant 0 : i32
      %dma_wait3A_285 = tpu.memref_slice %arg11[%dma_wait3A_283, %dma_wait3A_284] : memref<10112x128xf32, #tpu.memory_space<vmem_shared>> -> memref<10112x128xf32, #tpu.memory_space<vmem_shared>>
      tpu.wait_indirect_dma semaphore(%arg15 : memref<!tpu.dma_semaphore, #tpu.memory_space<semaphore_mem>>) src(%arg10 : memref<128x128xf32, #tpu.memory_space<vmem>>) dst(%dma_wait3A_285 : memref<10112x128xf32, #tpu.memory_space<vmem_shared>>)
      %add3A_286 = arith.constant 1 : i32
      %add3A_287 = arith.addi %mul3A_250, %add3A_286 : i32
      %dma_start3A_288 = arith.constant 0 : i32
      %dma_start3A_289 = tpu.memref_slice %arg7[%add3A_287, %dma_start3A_288] : memref<40x128xi32, #tpu.memory_space<vmem>> -> memref<1x128xi32, #tpu.memory_space<vmem>>
      %dma_start3A_290 = tpu.memref_squeeze %dma_start3A_289 : memref<1x128xi32, #tpu.memory_space<vmem>> -> memref<128xi32, #tpu.memory_space<vmem>>
      %dma_start3A_291 = arith.constant 0 : i32
      %dma_start3A_292 = arith.constant 0 : i32
      %dma_start3A_293 = tpu.memref_slice %arg2[%dma_start3A_291, %dma_start3A_292] : memref<10000x128xf32, #tpu.memory_space<hbm>> -> memref<10000x128xf32, #tpu.memory_space<hbm>>
      tpu.enqueue_indirect_dma source(%dma_start3A_293 : memref<10000x128xf32, #tpu.memory_space<hbm>>) target(%arg10 : memref<128x128xf32, #tpu.memory_space<vmem>>) offsets(%dma_start3A_290 : memref<128xi32, #tpu.memory_space<vmem>>) semaphore(%arg13 : memref<!tpu.dma_semaphore, #tpu.memory_space<semaphore_mem>>)
      %dma_wait3A_294 = arith.constant 0 : i32
      %dma_wait3A_295 = arith.constant 0 : i32
      %dma_wait3A_296 = tpu.memref_slice %arg7[%dma_wait3A_294, %dma_wait3A_295] : memref<40x128xi32, #tpu.memory_space<vmem>> -> memref<1x128xi32, #tpu.memory_space<vmem>>
      %dma_wait3A_297 = tpu.memref_squeeze %dma_wait3A_296 : memref<1x128xi32, #tpu.memory_space<vmem>> -> memref<128xi32, #tpu.memory_space<vmem>>
      %dma_wait3A_298 = arith.constant 0 : i32
      %dma_wait3A_299 = arith.constant 0 : i32
      %dma_wait3A_300 = tpu.memref_slice %arg2[%dma_wait3A_298, %dma_wait3A_299] : memref<10000x128xf32, #tpu.memory_space<hbm>> -> memref<10000x128xf32, #tpu.memory_space<hbm>>
      tpu.wait_indirect_dma semaphore(%arg12 : memref<!tpu.dma_semaphore, #tpu.memory_space<semaphore_mem>>) src(%dma_wait3A_300 : memref<10000x128xf32, #tpu.memory_space<hbm>>) dst(%arg9 : memref<128x128xf32, #tpu.memory_space<vmem>>)
      %dma_start3A_301 = arith.constant 0 : i32
      %dma_start3A_302 = tpu.memref_slice %arg8[%mul3A_250, %dma_start3A_301] : memref<40x128xi32, #tpu.memory_space<vmem>> -> memref<1x128xi32, #tpu.memory_space<vmem>>
      %dma_start3A_303 = tpu.memref_squeeze %dma_start3A_302 : memref<1x128xi32, #tpu.memory_space<vmem>> -> memref<128xi32, #tpu.memory_space<vmem>>
      %dma_start3A_304 = arith.constant 0 : i32
      %dma_start3A_305 = arith.constant 0 : i32
      %dma_start3A_306 = tpu.memref_slice %arg11[%dma_start3A_304, %dma_start3A_305] : memref<10112x128xf32, #tpu.memory_space<vmem_shared>> -> memref<10112x128xf32, #tpu.memory_space<vmem_shared>>
      tpu.enqueue_indirect_dma source(%arg9 : memref<128x128xf32, #tpu.memory_space<vmem>>) target(%dma_start3A_306 : memref<10112x128xf32, #tpu.memory_space<vmem_shared>>) offsets(%dma_start3A_303 : memref<128xi32, #tpu.memory_space<vmem>>) semaphore(%arg14 : memref<!tpu.dma_semaphore, #tpu.memory_space<semaphore_mem>>) {add = true}
      %scan3A_307 = arith.constant 1 : i32
      %scan3A_308 = arith.addi %scan3A_248, %scan3A_307 : i32
      %mul3A_309 = arith.constant 2 : i32
      %mul3A_310 = arith.muli %mul3A_309, %scan3A_308 : i32
      %dma_wait3A_311 = arith.constant 0 : i32
      %dma_wait3A_312 = arith.constant 0 : i32
      %dma_wait3A_313 = tpu.memref_slice %arg8[%dma_wait3A_311, %dma_wait3A_312] : memref<40x128xi32, #tpu.memory_space<vmem>> -> memref<1x128xi32, #tpu.memory_space<vmem>>
      %dma_wait3A_314 = tpu.memref_squeeze %dma_wait3A_313 : memref<1x128xi32, #tpu.memory_space<vmem>> -> memref<128xi32, #tpu.memory_space<vmem>>
      %dma_wait3A_315 = arith.constant 0 : i32
      %dma_wait3A_316 = arith.constant 0 : i32
      %dma_wait3A_317 = tpu.memref_slice %arg11[%dma_wait3A_315, %dma_wait3A_316] : memref<10112x128xf32, #tpu.memory_space<vmem_shared>> -> memref<10112x128xf32, #tpu.memory_space<vmem_shared>>
      tpu.wait_indirect_dma semaphore(%arg14 : memref<!tpu.dma_semaphore, #tpu.memory_space<semaphore_mem>>) src(%arg9 : memref<128x128xf32, #tpu.memory_space<vmem>>) dst(%dma_wait3A_317 : memref<10112x128xf32, #tpu.memory_space<vmem_shared>>)
      %dma_start3A_318 = arith.constant 0 : i32
      %dma_start3A_319 = tpu.memref_slice %arg7[%mul3A_310, %dma_start3A_318] : memref<40x128xi32, #tpu.memory_space<vmem>> -> memref<1x128xi32, #tpu.memory_space<vmem>>
      %dma_start3A_320 = tpu.memref_squeeze %dma_start3A_319 : memref<1x128xi32, #tpu.memory_space<vmem>> -> memref<128xi32, #tpu.memory_space<vmem>>
      %dma_start3A_321 = arith.constant 0 : i32
      %dma_start3A_322 = arith.constant 0 : i32
      %dma_start3A_323 = tpu.memref_slice %arg2[%dma_start3A_321, %dma_start3A_322] : memref<10000x128xf32, #tpu.memory_space<hbm>> -> memref<10000x128xf32, #tpu.memory_space<hbm>>
      tpu.enqueue_indirect_dma source(%dma_start3A_323 : memref<10000x128xf32, #tpu.memory_space<hbm>>) target(%arg9 : memref<128x128xf32, #tpu.memory_space<vmem>>) offsets(%dma_start3A_320 : memref<128xi32, #tpu.memory_space<vmem>>) semaphore(%arg12 : memref<!tpu.dma_semaphore, #tpu.memory_space<semaphore_mem>>)
      %dma_wait3A_324 = arith.constant 0 : i32
      %dma_wait3A_325 = arith.constant 0 : i32
      %dma_wait3A_326 = tpu.memref_slice %arg7[%dma_wait3A_324, %dma_wait3A_325] : memref<40x128xi32, #tpu.memory_space<vmem>> -> memref<1x128xi32, #tpu.memory_space<vmem>>
      %dma_wait3A_327 = tpu.memref_squeeze %dma_wait3A_326 : memref<1x128xi32, #tpu.memory_space<vmem>> -> memref<128xi32, #tpu.memory_space<vmem>>
      %dma_wait3A_328 = arith.constant 0 : i32
      %dma_wait3A_329 = arith.constant 0 : i32
      %dma_wait3A_330 = tpu.memref_slice %arg2[%dma_wait3A_328, %dma_wait3A_329] : memref<10000x128xf32, #tpu.memory_space<hbm>> -> memref<10000x128xf32, #tpu.memory_space<hbm>>
      tpu.wait_indirect_dma semaphore(%arg13 : memref<!tpu.dma_semaphore, #tpu.memory_space<semaphore_mem>>) src(%dma_wait3A_330 : memref<10000x128xf32, #tpu.memory_space<hbm>>) dst(%arg10 : memref<128x128xf32, #tpu.memory_space<vmem>>)
      %sub3A_331 = arith.constant 1 : i32
      %sub3A_332 = arith.subi %mul3A_310, %sub3A_331 : i32
      %dma_start3A_333 = arith.constant 0 : i32
      %dma_start3A_334 = tpu.memref_slice %arg8[%sub3A_332, %dma_start3A_333] : memref<40x128xi32, #tpu.memory_space<vmem>> -> memref<1x128xi32, #tpu.memory_space<vmem>>
      %dma_start3A_335 = tpu.memref_squeeze %dma_start3A_334 : memref<1x128xi32, #tpu.memory_space<vmem>> -> memref<128xi32, #tpu.memory_space<vmem>>
      %dma_start3A_336 = arith.constant 0 : i32
      %dma_start3A_337 = arith.constant 0 : i32
      %dma_start3A_338 = tpu.memref_slice %arg11[%dma_start3A_336, %dma_start3A_337] : memref<10112x128xf32, #tpu.memory_space<vmem_shared>> -> memref<10112x128xf32, #tpu.memory_space<vmem_shared>>
      tpu.enqueue_indirect_dma source(%arg10 : memref<128x128xf32, #tpu.memory_space<vmem>>) target(%dma_start3A_338 : memref<10112x128xf32, #tpu.memory_space<vmem_shared>>) offsets(%dma_start3A_335 : memref<128xi32, #tpu.memory_space<vmem>>) semaphore(%arg15 : memref<!tpu.dma_semaphore, #tpu.memory_space<semaphore_mem>>) {add = true}
      %dma_wait3A_339 = arith.constant 0 : i32
      %dma_wait3A_340 = arith.constant 0 : i32
      %dma_wait3A_341 = tpu.memref_slice %arg8[%dma_wait3A_339, %dma_wait3A_340] : memref<40x128xi32, #tpu.memory_space<vmem>> -> memref<1x128xi32, #tpu.memory_space<vmem>>
      %dma_wait3A_342 = tpu.memref_squeeze %dma_wait3A_341 : memref<1x128xi32, #tpu.memory_space<vmem>> -> memref<128xi32, #tpu.memory_space<vmem>>
      %dma_wait3A_343 = arith.constant 0 : i32
      %dma_wait3A_344 = arith.constant 0 : i32
      %dma_wait3A_345 = tpu.memref_slice %arg11[%dma_wait3A_343, %dma_wait3A_344] : memref<10112x128xf32, #tpu.memory_space<vmem_shared>> -> memref<10112x128xf32, #tpu.memory_space<vmem_shared>>
      tpu.wait_indirect_dma semaphore(%arg15 : memref<!tpu.dma_semaphore, #tpu.memory_space<semaphore_mem>>) src(%arg10 : memref<128x128xf32, #tpu.memory_space<vmem>>) dst(%dma_wait3A_345 : memref<10112x128xf32, #tpu.memory_space<vmem_shared>>)
      %add3A_346 = arith.constant 1 : i32
      %add3A_347 = arith.addi %mul3A_310, %add3A_346 : i32
      %dma_start3A_348 = arith.constant 0 : i32
      %dma_start3A_349 = tpu.memref_slice %arg7[%add3A_347, %dma_start3A_348] : memref<40x128xi32, #tpu.memory_space<vmem>> -> memref<1x128xi32, #tpu.memory_space<vmem>>
      %dma_start3A_350 = tpu.memref_squeeze %dma_start3A_349 : memref<1x128xi32, #tpu.memory_space<vmem>> -> memref<128xi32, #tpu.memory_space<vmem>>
      %dma_start3A_351 = arith.constant 0 : i32
      %dma_start3A_352 = arith.constant 0 : i32
      %dma_start3A_353 = tpu.memref_slice %arg2[%dma_start3A_351, %dma_start3A_352] : memref<10000x128xf32, #tpu.memory_space<hbm>> -> memref<10000x128xf32, #tpu.memory_space<hbm>>
      tpu.enqueue_indirect_dma source(%dma_start3A_353 : memref<10000x128xf32, #tpu.memory_space<hbm>>) target(%arg10 : memref<128x128xf32, #tpu.memory_space<vmem>>) offsets(%dma_start3A_350 : memref<128xi32, #tpu.memory_space<vmem>>) semaphore(%arg13 : memref<!tpu.dma_semaphore, #tpu.memory_space<semaphore_mem>>)
      %dma_wait3A_354 = arith.constant 0 : i32
      %dma_wait3A_355 = arith.constant 0 : i32
      %dma_wait3A_356 = tpu.memref_slice %arg7[%dma_wait3A_354, %dma_wait3A_355] : memref<40x128xi32, #tpu.memory_space<vmem>> -> memref<1x128xi32, #tpu.memory_space<vmem>>
      %dma_wait3A_357 = tpu.memref_squeeze %dma_wait3A_356 : memref<1x128xi32, #tpu.memory_space<vmem>> -> memref<128xi32, #tpu.memory_space<vmem>>
      %dma_wait3A_358 = arith.constant 0 : i32
      %dma_wait3A_359 = arith.constant 0 : i32
      %dma_wait3A_360 = tpu.memref_slice %arg2[%dma_wait3A_358, %dma_wait3A_359] : memref<10000x128xf32, #tpu.memory_space<hbm>> -> memref<10000x128xf32, #tpu.memory_space<hbm>>
      tpu.wait_indirect_dma semaphore(%arg12 : memref<!tpu.dma_semaphore, #tpu.memory_space<semaphore_mem>>) src(%dma_wait3A_360 : memref<10000x128xf32, #tpu.memory_space<hbm>>) dst(%arg9 : memref<128x128xf32, #tpu.memory_space<vmem>>)
      %dma_start3A_361 = arith.constant 0 : i32
      %dma_start3A_362 = tpu.memref_slice %arg8[%mul3A_310, %dma_start3A_361] : memref<40x128xi32, #tpu.memory_space<vmem>> -> memref<1x128xi32, #tpu.memory_space<vmem>>
      %dma_start3A_363 = tpu.memref_squeeze %dma_start3A_362 : memref<1x128xi32, #tpu.memory_space<vmem>> -> memref<128xi32, #tpu.memory_space<vmem>>
      %dma_start3A_364 = arith.constant 0 : i32
      %dma_start3A_365 = arith.constant 0 : i32
      %dma_start3A_366 = tpu.memref_slice %arg11[%dma_start3A_364, %dma_start3A_365] : memref<10112x128xf32, #tpu.memory_space<vmem_shared>> -> memref<10112x128xf32, #tpu.memory_space<vmem_shared>>
      tpu.enqueue_indirect_dma source(%arg9 : memref<128x128xf32, #tpu.memory_space<vmem>>) target(%dma_start3A_366 : memref<10112x128xf32, #tpu.memory_space<vmem_shared>>) offsets(%dma_start3A_363 : memref<128xi32, #tpu.memory_space<vmem>>) semaphore(%arg14 : memref<!tpu.dma_semaphore, #tpu.memory_space<semaphore_mem>>) {add = true}
    }
    %scan3A_32 = arith.constant 18 : i32
    %scan3A_33 = arith.addi %scan3A_28, %scan3A_32 : i32
    %mul3A_34 = arith.constant 2 : i32
    %mul3A_35 = arith.muli %mul3A_34, %scan3A_33 : i32
    %dma_wait3A_36 = arith.constant 0 : i32
    %dma_wait3A_37 = arith.constant 0 : i32
    %dma_wait3A_38 = tpu.memref_slice %arg8[%dma_wait3A_36, %dma_wait3A_37] : memref<40x128xi32, #tpu.memory_space<vmem>> -> memref<1x128xi32, #tpu.memory_space<vmem>>
    %dma_wait3A_39 = tpu.memref_squeeze %dma_wait3A_38 : memref<1x128xi32, #tpu.memory_space<vmem>> -> memref<128xi32, #tpu.memory_space<vmem>>
    %dma_wait3A_40 = arith.constant 0 : i32
    %dma_wait3A_41 = arith.constant 0 : i32
    %dma_wait3A_42 = tpu.memref_slice %arg11[%dma_wait3A_40, %dma_wait3A_41] : memref<10112x128xf32, #tpu.memory_space<vmem_shared>> -> memref<10112x128xf32, #tpu.memory_space<vmem_shared>>
    tpu.wait_indirect_dma semaphore(%arg14 : memref<!tpu.dma_semaphore, #tpu.memory_space<semaphore_mem>>) src(%arg9 : memref<128x128xf32, #tpu.memory_space<vmem>>) dst(%dma_wait3A_42 : memref<10112x128xf32, #tpu.memory_space<vmem_shared>>)
    %dma_start3A_43 = arith.constant 0 : i32
    %dma_start3A_44 = tpu.memref_slice %arg7[%mul3A_35, %dma_start3A_43] : memref<40x128xi32, #tpu.memory_space<vmem>> -> memref<1x128xi32, #tpu.memory_space<vmem>>
    %dma_start3A_45 = tpu.memref_squeeze %dma_start3A_44 : memref<1x128xi32, #tpu.memory_space<vmem>> -> memref<128xi32, #tpu.memory_space<vmem>>
    %dma_start3A_46 = arith.constant 0 : i32
    %dma_start3A_47 = arith.constant 0 : i32
    %dma_start3A_48 = tpu.memref_slice %arg2[%dma_start3A_46, %dma_start3A_47] : memref<10000x128xf32, #tpu.memory_space<hbm>> -> memref<10000x128xf32, #tpu.memory_space<hbm>>
    tpu.enqueue_indirect_dma source(%dma_start3A_48 : memref<10000x128xf32, #tpu.memory_space<hbm>>) target(%arg9 : memref<128x128xf32, #tpu.memory_space<vmem>>) offsets(%dma_start3A_45 : memref<128xi32, #tpu.memory_space<vmem>>) semaphore(%arg12 : memref<!tpu.dma_semaphore, #tpu.memory_space<semaphore_mem>>)
    %dma_wait3A_49 = arith.constant 0 : i32
    %dma_wait3A_50 = arith.constant 0 : i32
    %dma_wait3A_51 = tpu.memref_slice %arg7[%dma_wait3A_49, %dma_wait3A_50] : memref<40x128xi32, #tpu.memory_space<vmem>> -> memref<1x128xi32, #tpu.memory_space<vmem>>
    %dma_wait3A_52 = tpu.memref_squeeze %dma_wait3A_51 : memref<1x128xi32, #tpu.memory_space<vmem>> -> memref<128xi32, #tpu.memory_space<vmem>>
    %dma_wait3A_53 = arith.constant 0 : i32
    %dma_wait3A_54 = arith.constant 0 : i32
    %dma_wait3A_55 = tpu.memref_slice %arg2[%dma_wait3A_53, %dma_wait3A_54] : memref<10000x128xf32, #tpu.memory_space<hbm>> -> memref<10000x128xf32, #tpu.memory_space<hbm>>
    tpu.wait_indirect_dma semaphore(%arg13 : memref<!tpu.dma_semaphore, #tpu.memory_space<semaphore_mem>>) src(%dma_wait3A_55 : memref<10000x128xf32, #tpu.memory_space<hbm>>) dst(%arg10 : memref<128x128xf32, #tpu.memory_space<vmem>>)
    %sub3A = arith.constant 1 : i32
    %sub3A_56 = arith.subi %mul3A_35, %sub3A : i32
    %dma_start3A_57 = arith.constant 0 : i32
    %dma_start3A_58 = tpu.memref_slice %arg8[%sub3A_56, %dma_start3A_57] : memref<40x128xi32, #tpu.memory_space<vmem>> -> memref<1x128xi32, #tpu.memory_space<vmem>>
    %dma_start3A_59 = tpu.memref_squeeze %dma_start3A_58 : memref<1x128xi32, #tpu.memory_space<vmem>> -> memref<128xi32, #tpu.memory_space<vmem>>
    %dma_start3A_60 = arith.constant 0 : i32
    %dma_start3A_61 = arith.constant 0 : i32
    %dma_start3A_62 = tpu.memref_slice %arg11[%dma_start3A_60, %dma_start3A_61] : memref<10112x128xf32, #tpu.memory_space<vmem_shared>> -> memref<10112x128xf32, #tpu.memory_space<vmem_shared>>
    tpu.enqueue_indirect_dma source(%arg10 : memref<128x128xf32, #tpu.memory_space<vmem>>) target(%dma_start3A_62 : memref<10112x128xf32, #tpu.memory_space<vmem_shared>>) offsets(%dma_start3A_59 : memref<128xi32, #tpu.memory_space<vmem>>) semaphore(%arg15 : memref<!tpu.dma_semaphore, #tpu.memory_space<semaphore_mem>>) {add = true}
    %dma_wait3A_63 = arith.constant 0 : i32
    %dma_wait3A_64 = arith.constant 0 : i32
    %dma_wait3A_65 = tpu.memref_slice %arg8[%dma_wait3A_63, %dma_wait3A_64] : memref<40x128xi32, #tpu.memory_space<vmem>> -> memref<1x128xi32, #tpu.memory_space<vmem>>
    %dma_wait3A_66 = tpu.memref_squeeze %dma_wait3A_65 : memref<1x128xi32, #tpu.memory_space<vmem>> -> memref<128xi32, #tpu.memory_space<vmem>>
    %dma_wait3A_67 = arith.constant 0 : i32
    %dma_wait3A_68 = arith.constant 0 : i32
    %dma_wait3A_69 = tpu.memref_slice %arg11[%dma_wait3A_67, %dma_wait3A_68] : memref<10112x128xf32, #tpu.memory_space<vmem_shared>> -> memref<10112x128xf32, #tpu.memory_space<vmem_shared>>
    tpu.wait_indirect_dma semaphore(%arg15 : memref<!tpu.dma_semaphore, #tpu.memory_space<semaphore_mem>>) src(%arg10 : memref<128x128xf32, #tpu.memory_space<vmem>>) dst(%dma_wait3A_69 : memref<10112x128xf32, #tpu.memory_space<vmem_shared>>)
    %add3A = arith.constant 1 : i32
    %add3A_70 = arith.addi %mul3A_35, %add3A : i32
    %dma_start3A_71 = arith.constant 0 : i32
    %dma_start3A_72 = tpu.memref_slice %arg7[%add3A_70, %dma_start3A_71] : memref<40x128xi32, #tpu.memory_space<vmem>> -> memref<1x128xi32, #tpu.memory_space<vmem>>
    %dma_start3A_73 = tpu.memref_squeeze %dma_start3A_72 : memref<1x128xi32, #tpu.memory_space<vmem>> -> memref<128xi32, #tpu.memory_space<vmem>>
    %dma_start3A_74 = arith.constant 0 : i32
    %dma_start3A_75 = arith.constant 0 : i32
    %dma_start3A_76 = tpu.memref_slice %arg2[%dma_start3A_74, %dma_start3A_75] : memref<10000x128xf32, #tpu.memory_space<hbm>> -> memref<10000x128xf32, #tpu.memory_space<hbm>>
    tpu.enqueue_indirect_dma source(%dma_start3A_76 : memref<10000x128xf32, #tpu.memory_space<hbm>>) target(%arg10 : memref<128x128xf32, #tpu.memory_space<vmem>>) offsets(%dma_start3A_73 : memref<128xi32, #tpu.memory_space<vmem>>) semaphore(%arg13 : memref<!tpu.dma_semaphore, #tpu.memory_space<semaphore_mem>>)
    %dma_wait3A_77 = arith.constant 0 : i32
    %dma_wait3A_78 = arith.constant 0 : i32
    %dma_wait3A_79 = tpu.memref_slice %arg7[%dma_wait3A_77, %dma_wait3A_78] : memref<40x128xi32, #tpu.memory_space<vmem>> -> memref<1x128xi32, #tpu.memory_space<vmem>>
    %dma_wait3A_80 = tpu.memref_squeeze %dma_wait3A_79 : memref<1x128xi32, #tpu.memory_space<vmem>> -> memref<128xi32, #tpu.memory_space<vmem>>
    %dma_wait3A_81 = arith.constant 0 : i32
    %dma_wait3A_82 = arith.constant 0 : i32
    %dma_wait3A_83 = tpu.memref_slice %arg2[%dma_wait3A_81, %dma_wait3A_82] : memref<10000x128xf32, #tpu.memory_space<hbm>> -> memref<10000x128xf32, #tpu.memory_space<hbm>>
    tpu.wait_indirect_dma semaphore(%arg12 : memref<!tpu.dma_semaphore, #tpu.memory_space<semaphore_mem>>) src(%dma_wait3A_83 : memref<10000x128xf32, #tpu.memory_space<hbm>>) dst(%arg9 : memref<128x128xf32, #tpu.memory_space<vmem>>)
    %dma_start3A_84 = arith.constant 0 : i32
    %dma_start3A_85 = tpu.memref_slice %arg8[%mul3A_35, %dma_start3A_84] : memref<40x128xi32, #tpu.memory_space<vmem>> -> memref<1x128xi32, #tpu.memory_space<vmem>>
    %dma_start3A_86 = tpu.memref_squeeze %dma_start3A_85 : memref<1x128xi32, #tpu.memory_space<vmem>> -> memref<128xi32, #tpu.memory_space<vmem>>
    %dma_start3A_87 = arith.constant 0 : i32
    %dma_start3A_88 = arith.constant 0 : i32
    %dma_start3A_89 = tpu.memref_slice %arg11[%dma_start3A_87, %dma_start3A_88] : memref<10112x128xf32, #tpu.memory_space<vmem_shared>> -> memref<10112x128xf32, #tpu.memory_space<vmem_shared>>
    tpu.enqueue_indirect_dma source(%arg9 : memref<128x128xf32, #tpu.memory_space<vmem>>) target(%dma_start3A_89 : memref<10112x128xf32, #tpu.memory_space<vmem_shared>>) offsets(%dma_start3A_86 : memref<128xi32, #tpu.memory_space<vmem>>) semaphore(%arg14 : memref<!tpu.dma_semaphore, #tpu.memory_space<semaphore_mem>>) {add = true}
    %scan3A_90 = arith.constant 19 : i32
    %dma_wait3A_91 = arith.constant 0 : i32
    %dma_wait3A_92 = arith.constant 0 : i32
    %dma_wait3A_93 = tpu.memref_slice %arg7[%dma_wait3A_91, %dma_wait3A_92] : memref<40x128xi32, #tpu.memory_space<vmem>> -> memref<1x128xi32, #tpu.memory_space<vmem>>
    %dma_wait3A_94 = tpu.memref_squeeze %dma_wait3A_93 : memref<1x128xi32, #tpu.memory_space<vmem>> -> memref<128xi32, #tpu.memory_space<vmem>>
    %dma_wait3A_95 = arith.constant 0 : i32
    %dma_wait3A_96 = arith.constant 0 : i32
    %dma_wait3A_97 = tpu.memref_slice %arg2[%dma_wait3A_95, %dma_wait3A_96] : memref<10000x128xf32, #tpu.memory_space<hbm>> -> memref<10000x128xf32, #tpu.memory_space<hbm>>
    tpu.wait_indirect_dma semaphore(%arg13 : memref<!tpu.dma_semaphore, #tpu.memory_space<semaphore_mem>>) src(%dma_wait3A_97 : memref<10000x128xf32, #tpu.memory_space<hbm>>) dst(%arg10 : memref<128x128xf32, #tpu.memory_space<vmem>>)
    %dma_start3A_98 = arith.constant 39 : i32
    %dma_start3A_99 = arith.constant 0 : i32
    %dma_start3A_100 = tpu.memref_slice %arg8[%dma_start3A_98, %dma_start3A_99] : memref<40x128xi32, #tpu.memory_space<vmem>> -> memref<1x128xi32, #tpu.memory_space<vmem>>
    %dma_start3A_101 = tpu.memref_squeeze %dma_start3A_100 : memref<1x128xi32, #tpu.memory_space<vmem>> -> memref<128xi32, #tpu.memory_space<vmem>>
    %dma_start3A_102 = arith.constant 0 : i32
    %dma_start3A_103 = arith.constant 0 : i32
    %dma_start3A_104 = tpu.memref_slice %arg11[%dma_start3A_102, %dma_start3A_103] : memref<10112x128xf32, #tpu.memory_space<vmem_shared>> -> memref<10112x128xf32, #tpu.memory_space<vmem_shared>>
    tpu.enqueue_indirect_dma source(%arg10 : memref<128x128xf32, #tpu.memory_space<vmem>>) target(%dma_start3A_104 : memref<10112x128xf32, #tpu.memory_space<vmem_shared>>) offsets(%dma_start3A_101 : memref<128xi32, #tpu.memory_space<vmem>>) semaphore(%arg15 : memref<!tpu.dma_semaphore, #tpu.memory_space<semaphore_mem>>) {add = true}
    %dma_wait3A_105 = arith.constant 0 : i32
    %dma_wait3A_106 = arith.constant 0 : i32
    %dma_wait3A_107 = tpu.memref_slice %arg8[%dma_wait3A_105, %dma_wait3A_106] : memref<40x128xi32, #tpu.memory_space<vmem>> -> memref<1x128xi32, #tpu.memory_space<vmem>>
    %dma_wait3A_108 = tpu.memref_squeeze %dma_wait3A_107 : memref<1x128xi32, #tpu.memory_space<vmem>> -> memref<128xi32, #tpu.memory_space<vmem>>
    %dma_wait3A_109 = arith.constant 0 : i32
    %dma_wait3A_110 = arith.constant 0 : i32
    %dma_wait3A_111 = tpu.memref_slice %arg11[%dma_wait3A_109, %dma_wait3A_110] : memref<10112x128xf32, #tpu.memory_space<vmem_shared>> -> memref<10112x128xf32, #tpu.memory_space<vmem_shared>>
    tpu.wait_indirect_dma semaphore(%arg14 : memref<!tpu.dma_semaphore, #tpu.memory_space<semaphore_mem>>) src(%arg9 : memref<128x128xf32, #tpu.memory_space<vmem>>) dst(%dma_wait3A_111 : memref<10112x128xf32, #tpu.memory_space<vmem_shared>>)
    %dma_wait3A_112 = arith.constant 0 : i32
    %dma_wait3A_113 = arith.constant 0 : i32
    %dma_wait3A_114 = tpu.memref_slice %arg8[%dma_wait3A_112, %dma_wait3A_113] : memref<40x128xi32, #tpu.memory_space<vmem>> -> memref<1x128xi32, #tpu.memory_space<vmem>>
    %dma_wait3A_115 = tpu.memref_squeeze %dma_wait3A_114 : memref<1x128xi32, #tpu.memory_space<vmem>> -> memref<128xi32, #tpu.memory_space<vmem>>
    %dma_wait3A_116 = arith.constant 0 : i32
    %dma_wait3A_117 = arith.constant 0 : i32
    %dma_wait3A_118 = tpu.memref_slice %arg11[%dma_wait3A_116, %dma_wait3A_117] : memref<10112x128xf32, #tpu.memory_space<vmem_shared>> -> memref<10112x128xf32, #tpu.memory_space<vmem_shared>>
    tpu.wait_indirect_dma semaphore(%arg15 : memref<!tpu.dma_semaphore, #tpu.memory_space<semaphore_mem>>) src(%arg10 : memref<128x128xf32, #tpu.memory_space<vmem>>) dst(%dma_wait3A_118 : memref<10112x128xf32, #tpu.memory_space<vmem_shared>>)
    %run_scoped3A_119 = arith.constant 1 : i32
    "tpu.region"() ({
      %run_scoped3A_248 = tpu.sem_alloc : memref<!tpu.dma_semaphore, #tpu.memory_space<semaphore_mem>>
      %dma_start3A_249 = arith.constant 0 : i32
      %dma_start3A_250 = arith.constant 0 : i32
      %dma_start3A_251 = tpu.memref_slice %arg3[%arg0, %arg1, %run_scoped3A_119, %dma_start3A_249, %dma_start3A_250] : memref<2x16x2x40x128xi32, #tpu.memory_space<hbm>> -> memref<1x1x1x40x128xi32, #tpu.memory_space<hbm>>
      %dma_start3A_252 = tpu.memref_squeeze %dma_start3A_251 : memref<1x1x1x40x128xi32, #tpu.memory_space<hbm>> -> memref<40x128xi32, #tpu.memory_space<hbm>>
      %dma_start3A_253 = arith.constant 0 : i32
      %dma_start3A_254 = arith.constant 0 : i32
      %dma_start3A_255 = tpu.memref_slice %arg3[%arg0, %arg1, %run_scoped3A_119, %dma_start3A_253, %dma_start3A_254] : memref<2x16x2x40x128xi32, #tpu.memory_space<hbm>> -> memref<1x1x1x40x128xi32, #tpu.memory_space<hbm>>
      %dma_start3A_256 = tpu.memref_squeeze %dma_start3A_255 : memref<1x1x1x40x128xi32, #tpu.memory_space<hbm>> -> memref<40x128xi32, #tpu.memory_space<hbm>>
      tpu.enqueue_dma source(%dma_start3A_256 : memref<40x128xi32, #tpu.memory_space<hbm>>) target(%arg7 : memref<40x128xi32, #tpu.memory_space<vmem>>) target_semaphore(%run_scoped3A_248 : memref<!tpu.dma_semaphore, #tpu.memory_space<semaphore_mem>>)
      %dma_wait3A_257 = arith.constant 0 : i32
      %dma_wait3A_258 = arith.constant 0 : i32
      %dma_wait3A_259 = tpu.memref_slice %arg3[%arg0, %arg1, %run_scoped3A_119, %dma_wait3A_257, %dma_wait3A_258] : memref<2x16x2x40x128xi32, #tpu.memory_space<hbm>> -> memref<1x1x1x40x128xi32, #tpu.memory_space<hbm>>
      %dma_wait3A_260 = tpu.memref_squeeze %dma_wait3A_259 : memref<1x1x1x40x128xi32, #tpu.memory_space<hbm>> -> memref<40x128xi32, #tpu.memory_space<hbm>>
      %dma_wait3A_261 = arith.constant 0 : i32
      %dma_wait3A_262 = arith.constant 0 : i32
      %dma_wait3A_263 = tpu.memref_slice %arg3[%arg0, %arg1, %run_scoped3A_119, %dma_wait3A_261, %dma_wait3A_262] : memref<2x16x2x40x128xi32, #tpu.memory_space<hbm>> -> memref<1x1x1x40x128xi32, #tpu.memory_space<hbm>>
      %dma_wait3A_264 = tpu.memref_squeeze %dma_wait3A_263 : memref<1x1x1x40x128xi32, #tpu.memory_space<hbm>> -> memref<40x128xi32, #tpu.memory_space<hbm>>
      tpu.wait_dma2 semaphore(%run_scoped3A_248 : memref<!tpu.dma_semaphore, #tpu.memory_space<semaphore_mem>>) src(%dma_wait3A_264 : memref<40x128xi32, #tpu.memory_space<hbm>>) dst(%arg7 : memref<40x128xi32, #tpu.memory_space<vmem>>)
      tpu.yield
    }) : () -> ()
    %run_scoped3A_120 = arith.constant 1 : i32
    "tpu.region"() ({
      %run_scoped3A_248 = tpu.sem_alloc : memref<!tpu.dma_semaphore, #tpu.memory_space<semaphore_mem>>
      %dma_start3A_249 = arith.constant 0 : i32
      %dma_start3A_250 = arith.constant 0 : i32
      %dma_start3A_251 = tpu.memref_slice %arg4[%arg0, %arg1, %run_scoped3A_120, %dma_start3A_249, %dma_start3A_250] : memref<2x16x2x40x128xi32, #tpu.memory_space<hbm>> -> memref<1x1x1x40x128xi32, #tpu.memory_space<hbm>>
      %dma_start3A_252 = tpu.memref_squeeze %dma_start3A_251 : memref<1x1x1x40x128xi32, #tpu.memory_space<hbm>> -> memref<40x128xi32, #tpu.memory_space<hbm>>
      %dma_start3A_253 = arith.constant 0 : i32
      %dma_start3A_254 = arith.constant 0 : i32
      %dma_start3A_255 = tpu.memref_slice %arg4[%arg0, %arg1, %run_scoped3A_120, %dma_start3A_253, %dma_start3A_254] : memref<2x16x2x40x128xi32, #tpu.memory_space<hbm>> -> memref<1x1x1x40x128xi32, #tpu.memory_space<hbm>>
      %dma_start3A_256 = tpu.memref_squeeze %dma_start3A_255 : memref<1x1x1x40x128xi32, #tpu.memory_space<hbm>> -> memref<40x128xi32, #tpu.memory_space<hbm>>
      tpu.enqueue_dma source(%dma_start3A_256 : memref<40x128xi32, #tpu.memory_space<hbm>>) target(%arg8 : memref<40x128xi32, #tpu.memory_space<vmem>>) target_semaphore(%run_scoped3A_248 : memref<!tpu.dma_semaphore, #tpu.memory_space<semaphore_mem>>)
      %dma_wait3A_257 = arith.constant 0 : i32
      %dma_wait3A_258 = arith.constant 0 : i32
      %dma_wait3A_259 = tpu.memref_slice %arg4[%arg0, %arg1, %run_scoped3A_120, %dma_wait3A_257, %dma_wait3A_258] : memref<2x16x2x40x128xi32, #tpu.memory_space<hbm>> -> memref<1x1x1x40x128xi32, #tpu.memory_space<hbm>>
      %dma_wait3A_260 = tpu.memref_squeeze %dma_wait3A_259 : memref<1x1x1x40x128xi32, #tpu.memory_space<hbm>> -> memref<40x128xi32, #tpu.memory_space<hbm>>
      %dma_wait3A_261 = arith.constant 0 : i32
      %dma_wait3A_262 = arith.constant 0 : i32
      %dma_wait3A_263 = tpu.memref_slice %arg4[%arg0, %arg1, %run_scoped3A_120, %dma_wait3A_261, %dma_wait3A_262] : memref<2x16x2x40x128xi32, #tpu.memory_space<hbm>> -> memref<1x1x1x40x128xi32, #tpu.memory_space<hbm>>
      %dma_wait3A_264 = tpu.memref_squeeze %dma_wait3A_263 : memref<1x1x1x40x128xi32, #tpu.memory_space<hbm>> -> memref<40x128xi32, #tpu.memory_space<hbm>>
      tpu.wait_dma2 semaphore(%run_scoped3A_248 : memref<!tpu.dma_semaphore, #tpu.memory_space<semaphore_mem>>) src(%dma_wait3A_264 : memref<40x128xi32, #tpu.memory_space<hbm>>) dst(%arg8 : memref<40x128xi32, #tpu.memory_space<vmem>>)
      tpu.yield
    }) : () -> ()
    %dma_start3A_121 = arith.constant 0 : i32
    %dma_start3A_122 = arith.constant 0 : i32
    %dma_start3A_123 = tpu.memref_slice %arg7[%dma_start3A_121, %dma_start3A_122] : memref<40x128xi32, #tpu.memory_space<vmem>> -> memref<1x128xi32, #tpu.memory_space<vmem>>
    %dma_start3A_124 = tpu.memref_squeeze %dma_start3A_123 : memref<1x128xi32, #tpu.memory_space<vmem>> -> memref<128xi32, #tpu.memory_space<vmem>>
    %dma_start3A_125 = arith.constant 0 : i32
    %dma_start3A_126 = arith.constant 0 : i32
    %dma_start3A_127 = tpu.memref_slice %arg2[%dma_start3A_125, %dma_start3A_126] : memref<10000x128xf32, #tpu.memory_space<hbm>> -> memref<10000x128xf32, #tpu.memory_space<hbm>>
    tpu.enqueue_indirect_dma source(%dma_start3A_127 : memref<10000x128xf32, #tpu.memory_space<hbm>>) target(%arg9 : memref<128x128xf32, #tpu.memory_space<vmem>>) offsets(%dma_start3A_124 : memref<128xi32, #tpu.memory_space<vmem>>) semaphore(%arg12 : memref<!tpu.dma_semaphore, #tpu.memory_space<semaphore_mem>>)
    %dma_start3A_128 = arith.constant 1 : i32
    %dma_start3A_129 = arith.constant 0 : i32
    %dma_start3A_130 = tpu.memref_slice %arg7[%dma_start3A_128, %dma_start3A_129] : memref<40x128xi32, #tpu.memory_space<vmem>> -> memref<1x128xi32, #tpu.memory_space<vmem>>
    %dma_start3A_131 = tpu.memref_squeeze %dma_start3A_130 : memref<1x128xi32, #tpu.memory_space<vmem>> -> memref<128xi32, #tpu.memory_space<vmem>>
    %dma_start3A_132 = arith.constant 0 : i32
    %dma_start3A_133 = arith.constant 0 : i32
    %dma_start3A_134 = tpu.memref_slice %arg2[%dma_start3A_132, %dma_start3A_133] : memref<10000x128xf32, #tpu.memory_space<hbm>> -> memref<10000x128xf32, #tpu.memory_space<hbm>>
    tpu.enqueue_indirect_dma source(%dma_start3A_134 : memref<10000x128xf32, #tpu.memory_space<hbm>>) target(%arg10 : memref<128x128xf32, #tpu.memory_space<vmem>>) offsets(%dma_start3A_131 : memref<128xi32, #tpu.memory_space<vmem>>) semaphore(%arg13 : memref<!tpu.dma_semaphore, #tpu.memory_space<semaphore_mem>>)
    %dma_wait3A_135 = arith.constant 0 : i32
    %dma_wait3A_136 = arith.constant 0 : i32
    %dma_wait3A_137 = tpu.memref_slice %arg7[%dma_wait3A_135, %dma_wait3A_136] : memref<40x128xi32, #tpu.memory_space<vmem>> -> memref<1x128xi32, #tpu.memory_space<vmem>>
    %dma_wait3A_138 = tpu.memref_squeeze %dma_wait3A_137 : memref<1x128xi32, #tpu.memory_space<vmem>> -> memref<128xi32, #tpu.memory_space<vmem>>
    %dma_wait3A_139 = arith.constant 0 : i32
    %dma_wait3A_140 = arith.constant 0 : i32
    %dma_wait3A_141 = tpu.memref_slice %arg2[%dma_wait3A_139, %dma_wait3A_140] : memref<10000x128xf32, #tpu.memory_space<hbm>> -> memref<10000x128xf32, #tpu.memory_space<hbm>>
    tpu.wait_indirect_dma semaphore(%arg12 : memref<!tpu.dma_semaphore, #tpu.memory_space<semaphore_mem>>) src(%dma_wait3A_141 : memref<10000x128xf32, #tpu.memory_space<hbm>>) dst(%arg9 : memref<128x128xf32, #tpu.memory_space<vmem>>)
    %dma_start3A_142 = arith.constant 0 : i32
    %dma_start3A_143 = arith.constant 0 : i32
    %dma_start3A_144 = tpu.memref_slice %arg8[%dma_start3A_142, %dma_start3A_143] : memref<40x128xi32, #tpu.memory_space<vmem>> -> memref<1x128xi32, #tpu.memory_space<vmem>>
    %dma_start3A_145 = tpu.memref_squeeze %dma_start3A_144 : memref<1x128xi32, #tpu.memory_space<vmem>> -> memref<128xi32, #tpu.memory_space<vmem>>
    %dma_start3A_146 = arith.constant 0 : i32
    %dma_start3A_147 = arith.constant 0 : i32
    %dma_start3A_148 = tpu.memref_slice %arg11[%dma_start3A_146, %dma_start3A_147] : memref<10112x128xf32, #tpu.memory_space<vmem_shared>> -> memref<10112x128xf32, #tpu.memory_space<vmem_shared>>
    tpu.enqueue_indirect_dma source(%arg9 : memref<128x128xf32, #tpu.memory_space<vmem>>) target(%dma_start3A_148 : memref<10112x128xf32, #tpu.memory_space<vmem_shared>>) offsets(%dma_start3A_145 : memref<128xi32, #tpu.memory_space<vmem>>) semaphore(%arg14 : memref<!tpu.dma_semaphore, #tpu.memory_space<semaphore_mem>>) {add = true}
    %scan3A_149 = arith.constant 0 : i32
    %scan3A_150 = arith.constant 1 : i32
    %scan3A_151 = arith.constant 18 : i32
    %scan3A_152 = arith.addi %scan3A_150, %scan3A_151 : i32
    %scan3A_153 = arith.constant 2 : i32
    scf.for %scan3A_248 = %scan3A_150 to %scan3A_152 step %scan3A_153  : i32 {
      %mul3A_249 = arith.constant 2 : i32
      %mul3A_250 = arith.muli %mul3A_249, %scan3A_248 : i32
      %dma_wait3A_251 = arith.constant 0 : i32
      %dma_wait3A_252 = arith.constant 0 : i32
      %dma_wait3A_253 = tpu.memref_slice %arg8[%dma_wait3A_251, %dma_wait3A_252] : memref<40x128xi32, #tpu.memory_space<vmem>> -> memref<1x128xi32, #tpu.memory_space<vmem>>
      %dma_wait3A_254 = tpu.memref_squeeze %dma_wait3A_253 : memref<1x128xi32, #tpu.memory_space<vmem>> -> memref<128xi32, #tpu.memory_space<vmem>>
      %dma_wait3A_255 = arith.constant 0 : i32
      %dma_wait3A_256 = arith.constant 0 : i32
      %dma_wait3A_257 = tpu.memref_slice %arg11[%dma_wait3A_255, %dma_wait3A_256] : memref<10112x128xf32, #tpu.memory_space<vmem_shared>> -> memref<10112x128xf32, #tpu.memory_space<vmem_shared>>
      tpu.wait_indirect_dma semaphore(%arg14 : memref<!tpu.dma_semaphore, #tpu.memory_space<semaphore_mem>>) src(%arg9 : memref<128x128xf32, #tpu.memory_space<vmem>>) dst(%dma_wait3A_257 : memref<10112x128xf32, #tpu.memory_space<vmem_shared>>)
      %dma_start3A_258 = arith.constant 0 : i32
      %dma_start3A_259 = tpu.memref_slice %arg7[%mul3A_250, %dma_start3A_258] : memref<40x128xi32, #tpu.memory_space<vmem>> -> memref<1x128xi32, #tpu.memory_space<vmem>>
      %dma_start3A_260 = tpu.memref_squeeze %dma_start3A_259 : memref<1x128xi32, #tpu.memory_space<vmem>> -> memref<128xi32, #tpu.memory_space<vmem>>
      %dma_start3A_261 = arith.constant 0 : i32
      %dma_start3A_262 = arith.constant 0 : i32
      %dma_start3A_263 = tpu.memref_slice %arg2[%dma_start3A_261, %dma_start3A_262] : memref<10000x128xf32, #tpu.memory_space<hbm>> -> memref<10000x128xf32, #tpu.memory_space<hbm>>
      tpu.enqueue_indirect_dma source(%dma_start3A_263 : memref<10000x128xf32, #tpu.memory_space<hbm>>) target(%arg9 : memref<128x128xf32, #tpu.memory_space<vmem>>) offsets(%dma_start3A_260 : memref<128xi32, #tpu.memory_space<vmem>>) semaphore(%arg12 : memref<!tpu.dma_semaphore, #tpu.memory_space<semaphore_mem>>)
      %dma_wait3A_264 = arith.constant 0 : i32
      %dma_wait3A_265 = arith.constant 0 : i32
      %dma_wait3A_266 = tpu.memref_slice %arg7[%dma_wait3A_264, %dma_wait3A_265] : memref<40x128xi32, #tpu.memory_space<vmem>> -> memref<1x128xi32, #tpu.memory_space<vmem>>
      %dma_wait3A_267 = tpu.memref_squeeze %dma_wait3A_266 : memref<1x128xi32, #tpu.memory_space<vmem>> -> memref<128xi32, #tpu.memory_space<vmem>>
      %dma_wait3A_268 = arith.constant 0 : i32
      %dma_wait3A_269 = arith.constant 0 : i32
      %dma_wait3A_270 = tpu.memref_slice %arg2[%dma_wait3A_268, %dma_wait3A_269] : memref<10000x128xf32, #tpu.memory_space<hbm>> -> memref<10000x128xf32, #tpu.memory_space<hbm>>
      tpu.wait_indirect_dma semaphore(%arg13 : memref<!tpu.dma_semaphore, #tpu.memory_space<semaphore_mem>>) src(%dma_wait3A_270 : memref<10000x128xf32, #tpu.memory_space<hbm>>) dst(%arg10 : memref<128x128xf32, #tpu.memory_space<vmem>>)
      %sub3A_271 = arith.constant 1 : i32
      %sub3A_272 = arith.subi %mul3A_250, %sub3A_271 : i32
      %dma_start3A_273 = arith.constant 0 : i32
      %dma_start3A_274 = tpu.memref_slice %arg8[%sub3A_272, %dma_start3A_273] : memref<40x128xi32, #tpu.memory_space<vmem>> -> memref<1x128xi32, #tpu.memory_space<vmem>>
      %dma_start3A_275 = tpu.memref_squeeze %dma_start3A_274 : memref<1x128xi32, #tpu.memory_space<vmem>> -> memref<128xi32, #tpu.memory_space<vmem>>
      %dma_start3A_276 = arith.constant 0 : i32
      %dma_start3A_277 = arith.constant 0 : i32
      %dma_start3A_278 = tpu.memref_slice %arg11[%dma_start3A_276, %dma_start3A_277] : memref<10112x128xf32, #tpu.memory_space<vmem_shared>> -> memref<10112x128xf32, #tpu.memory_space<vmem_shared>>
      tpu.enqueue_indirect_dma source(%arg10 : memref<128x128xf32, #tpu.memory_space<vmem>>) target(%dma_start3A_278 : memref<10112x128xf32, #tpu.memory_space<vmem_shared>>) offsets(%dma_start3A_275 : memref<128xi32, #tpu.memory_space<vmem>>) semaphore(%arg15 : memref<!tpu.dma_semaphore, #tpu.memory_space<semaphore_mem>>) {add = true}
      %dma_wait3A_279 = arith.constant 0 : i32
      %dma_wait3A_280 = arith.constant 0 : i32
      %dma_wait3A_281 = tpu.memref_slice %arg8[%dma_wait3A_279, %dma_wait3A_280] : memref<40x128xi32, #tpu.memory_space<vmem>> -> memref<1x128xi32, #tpu.memory_space<vmem>>
      %dma_wait3A_282 = tpu.memref_squeeze %dma_wait3A_281 : memref<1x128xi32, #tpu.memory_space<vmem>> -> memref<128xi32, #tpu.memory_space<vmem>>
      %dma_wait3A_283 = arith.constant 0 : i32
      %dma_wait3A_284 = arith.constant 0 : i32
      %dma_wait3A_285 = tpu.memref_slice %arg11[%dma_wait3A_283, %dma_wait3A_284] : memref<10112x128xf32, #tpu.memory_space<vmem_shared>> -> memref<10112x128xf32, #tpu.memory_space<vmem_shared>>
      tpu.wait_indirect_dma semaphore(%arg15 : memref<!tpu.dma_semaphore, #tpu.memory_space<semaphore_mem>>) src(%arg10 : memref<128x128xf32, #tpu.memory_space<vmem>>) dst(%dma_wait3A_285 : memref<10112x128xf32, #tpu.memory_space<vmem_shared>>)
      %add3A_286 = arith.constant 1 : i32
      %add3A_287 = arith.addi %mul3A_250, %add3A_286 : i32
      %dma_start3A_288 = arith.constant 0 : i32
      %dma_start3A_289 = tpu.memref_slice %arg7[%add3A_287, %dma_start3A_288] : memref<40x128xi32, #tpu.memory_space<vmem>> -> memref<1x128xi32, #tpu.memory_space<vmem>>
      %dma_start3A_290 = tpu.memref_squeeze %dma_start3A_289 : memref<1x128xi32, #tpu.memory_space<vmem>> -> memref<128xi32, #tpu.memory_space<vmem>>
      %dma_start3A_291 = arith.constant 0 : i32
      %dma_start3A_292 = arith.constant 0 : i32
      %dma_start3A_293 = tpu.memref_slice %arg2[%dma_start3A_291, %dma_start3A_292] : memref<10000x128xf32, #tpu.memory_space<hbm>> -> memref<10000x128xf32, #tpu.memory_space<hbm>>
      tpu.enqueue_indirect_dma source(%dma_start3A_293 : memref<10000x128xf32, #tpu.memory_space<hbm>>) target(%arg10 : memref<128x128xf32, #tpu.memory_space<vmem>>) offsets(%dma_start3A_290 : memref<128xi32, #tpu.memory_space<vmem>>) semaphore(%arg13 : memref<!tpu.dma_semaphore, #tpu.memory_space<semaphore_mem>>)
      %dma_wait3A_294 = arith.constant 0 : i32
      %dma_wait3A_295 = arith.constant 0 : i32
      %dma_wait3A_296 = tpu.memref_slice %arg7[%dma_wait3A_294, %dma_wait3A_295] : memref<40x128xi32, #tpu.memory_space<vmem>> -> memref<1x128xi32, #tpu.memory_space<vmem>>
      %dma_wait3A_297 = tpu.memref_squeeze %dma_wait3A_296 : memref<1x128xi32, #tpu.memory_space<vmem>> -> memref<128xi32, #tpu.memory_space<vmem>>
      %dma_wait3A_298 = arith.constant 0 : i32
      %dma_wait3A_299 = arith.constant 0 : i32
      %dma_wait3A_300 = tpu.memref_slice %arg2[%dma_wait3A_298, %dma_wait3A_299] : memref<10000x128xf32, #tpu.memory_space<hbm>> -> memref<10000x128xf32, #tpu.memory_space<hbm>>
      tpu.wait_indirect_dma semaphore(%arg12 : memref<!tpu.dma_semaphore, #tpu.memory_space<semaphore_mem>>) src(%dma_wait3A_300 : memref<10000x128xf32, #tpu.memory_space<hbm>>) dst(%arg9 : memref<128x128xf32, #tpu.memory_space<vmem>>)
      %dma_start3A_301 = arith.constant 0 : i32
      %dma_start3A_302 = tpu.memref_slice %arg8[%mul3A_250, %dma_start3A_301] : memref<40x128xi32, #tpu.memory_space<vmem>> -> memref<1x128xi32, #tpu.memory_space<vmem>>
      %dma_start3A_303 = tpu.memref_squeeze %dma_start3A_302 : memref<1x128xi32, #tpu.memory_space<vmem>> -> memref<128xi32, #tpu.memory_space<vmem>>
      %dma_start3A_304 = arith.constant 0 : i32
      %dma_start3A_305 = arith.constant 0 : i32
      %dma_start3A_306 = tpu.memref_slice %arg11[%dma_start3A_304, %dma_start3A_305] : memref<10112x128xf32, #tpu.memory_space<vmem_shared>> -> memref<10112x128xf32, #tpu.memory_space<vmem_shared>>
      tpu.enqueue_indirect_dma source(%arg9 : memref<128x128xf32, #tpu.memory_space<vmem>>) target(%dma_start3A_306 : memref<10112x128xf32, #tpu.memory_space<vmem_shared>>) offsets(%dma_start3A_303 : memref<128xi32, #tpu.memory_space<vmem>>) semaphore(%arg14 : memref<!tpu.dma_semaphore, #tpu.memory_space<semaphore_mem>>) {add = true}
      %scan3A_307 = arith.constant 1 : i32
      %scan3A_308 = arith.addi %scan3A_248, %scan3A_307 : i32
      %mul3A_309 = arith.constant 2 : i32
      %mul3A_310 = arith.muli %mul3A_309, %scan3A_308 : i32
      %dma_wait3A_311 = arith.constant 0 : i32
      %dma_wait3A_312 = arith.constant 0 : i32
      %dma_wait3A_313 = tpu.memref_slice %arg8[%dma_wait3A_311, %dma_wait3A_312] : memref<40x128xi32, #tpu.memory_space<vmem>> -> memref<1x128xi32, #tpu.memory_space<vmem>>
      %dma_wait3A_314 = tpu.memref_squeeze %dma_wait3A_313 : memref<1x128xi32, #tpu.memory_space<vmem>> -> memref<128xi32, #tpu.memory_space<vmem>>
      %dma_wait3A_315 = arith.constant 0 : i32
      %dma_wait3A_316 = arith.constant 0 : i32
      %dma_wait3A_317 = tpu.memref_slice %arg11[%dma_wait3A_315, %dma_wait3A_316] : memref<10112x128xf32, #tpu.memory_space<vmem_shared>> -> memref<10112x128xf32, #tpu.memory_space<vmem_shared>>
      tpu.wait_indirect_dma semaphore(%arg14 : memref<!tpu.dma_semaphore, #tpu.memory_space<semaphore_mem>>) src(%arg9 : memref<128x128xf32, #tpu.memory_space<vmem>>) dst(%dma_wait3A_317 : memref<10112x128xf32, #tpu.memory_space<vmem_shared>>)
      %dma_start3A_318 = arith.constant 0 : i32
      %dma_start3A_319 = tpu.memref_slice %arg7[%mul3A_310, %dma_start3A_318] : memref<40x128xi32, #tpu.memory_space<vmem>> -> memref<1x128xi32, #tpu.memory_space<vmem>>
      %dma_start3A_320 = tpu.memref_squeeze %dma_start3A_319 : memref<1x128xi32, #tpu.memory_space<vmem>> -> memref<128xi32, #tpu.memory_space<vmem>>
      %dma_start3A_321 = arith.constant 0 : i32
      %dma_start3A_322 = arith.constant 0 : i32
      %dma_start3A_323 = tpu.memref_slice %arg2[%dma_start3A_321, %dma_start3A_322] : memref<10000x128xf32, #tpu.memory_space<hbm>> -> memref<10000x128xf32, #tpu.memory_space<hbm>>
      tpu.enqueue_indirect_dma source(%dma_start3A_323 : memref<10000x128xf32, #tpu.memory_space<hbm>>) target(%arg9 : memref<128x128xf32, #tpu.memory_space<vmem>>) offsets(%dma_start3A_320 : memref<128xi32, #tpu.memory_space<vmem>>) semaphore(%arg12 : memref<!tpu.dma_semaphore, #tpu.memory_space<semaphore_mem>>)
      %dma_wait3A_324 = arith.constant 0 : i32
      %dma_wait3A_325 = arith.constant 0 : i32
      %dma_wait3A_326 = tpu.memref_slice %arg7[%dma_wait3A_324, %dma_wait3A_325] : memref<40x128xi32, #tpu.memory_space<vmem>> -> memref<1x128xi32, #tpu.memory_space<vmem>>
      %dma_wait3A_327 = tpu.memref_squeeze %dma_wait3A_326 : memref<1x128xi32, #tpu.memory_space<vmem>> -> memref<128xi32, #tpu.memory_space<vmem>>
      %dma_wait3A_328 = arith.constant 0 : i32
      %dma_wait3A_329 = arith.constant 0 : i32
      %dma_wait3A_330 = tpu.memref_slice %arg2[%dma_wait3A_328, %dma_wait3A_329] : memref<10000x128xf32, #tpu.memory_space<hbm>> -> memref<10000x128xf32, #tpu.memory_space<hbm>>
      tpu.wait_indirect_dma semaphore(%arg13 : memref<!tpu.dma_semaphore, #tpu.memory_space<semaphore_mem>>) src(%dma_wait3A_330 : memref<10000x128xf32, #tpu.memory_space<hbm>>) dst(%arg10 : memref<128x128xf32, #tpu.memory_space<vmem>>)
      %sub3A_331 = arith.constant 1 : i32
      %sub3A_332 = arith.subi %mul3A_310, %sub3A_331 : i32
      %dma_start3A_333 = arith.constant 0 : i32
      %dma_start3A_334 = tpu.memref_slice %arg8[%sub3A_332, %dma_start3A_333] : memref<40x128xi32, #tpu.memory_space<vmem>> -> memref<1x128xi32, #tpu.memory_space<vmem>>
      %dma_start3A_335 = tpu.memref_squeeze %dma_start3A_334 : memref<1x128xi32, #tpu.memory_space<vmem>> -> memref<128xi32, #tpu.memory_space<vmem>>
      %dma_start3A_336 = arith.constant 0 : i32
      %dma_start3A_337 = arith.constant 0 : i32
      %dma_start3A_338 = tpu.memref_slice %arg11[%dma_start3A_336, %dma_start3A_337] : memref<10112x128xf32, #tpu.memory_space<vmem_shared>> -> memref<10112x128xf32, #tpu.memory_space<vmem_shared>>
      tpu.enqueue_indirect_dma source(%arg10 : memref<128x128xf32, #tpu.memory_space<vmem>>) target(%dma_start3A_338 : memref<10112x128xf32, #tpu.memory_space<vmem_shared>>) offsets(%dma_start3A_335 : memref<128xi32, #tpu.memory_space<vmem>>) semaphore(%arg15 : memref<!tpu.dma_semaphore, #tpu.memory_space<semaphore_mem>>) {add = true}
      %dma_wait3A_339 = arith.constant 0 : i32
      %dma_wait3A_340 = arith.constant 0 : i32
      %dma_wait3A_341 = tpu.memref_slice %arg8[%dma_wait3A_339, %dma_wait3A_340] : memref<40x128xi32, #tpu.memory_space<vmem>> -> memref<1x128xi32, #tpu.memory_space<vmem>>
      %dma_wait3A_342 = tpu.memref_squeeze %dma_wait3A_341 : memref<1x128xi32, #tpu.memory_space<vmem>> -> memref<128xi32, #tpu.memory_space<vmem>>
      %dma_wait3A_343 = arith.constant 0 : i32
      %dma_wait3A_344 = arith.constant 0 : i32
      %dma_wait3A_345 = tpu.memref_slice %arg11[%dma_wait3A_343, %dma_wait3A_344] : memref<10112x128xf32, #tpu.memory_space<vmem_shared>> -> memref<10112x128xf32, #tpu.memory_space<vmem_shared>>
      tpu.wait_indirect_dma semaphore(%arg15 : memref<!tpu.dma_semaphore, #tpu.memory_space<semaphore_mem>>) src(%arg10 : memref<128x128xf32, #tpu.memory_space<vmem>>) dst(%dma_wait3A_345 : memref<10112x128xf32, #tpu.memory_space<vmem_shared>>)
      %add3A_346 = arith.constant 1 : i32
      %add3A_347 = arith.addi %mul3A_310, %add3A_346 : i32
      %dma_start3A_348 = arith.constant 0 : i32
      %dma_start3A_349 = tpu.memref_slice %arg7[%add3A_347, %dma_start3A_348] : memref<40x128xi32, #tpu.memory_space<vmem>> -> memref<1x128xi32, #tpu.memory_space<vmem>>
      %dma_start3A_350 = tpu.memref_squeeze %dma_start3A_349 : memref<1x128xi32, #tpu.memory_space<vmem>> -> memref<128xi32, #tpu.memory_space<vmem>>
      %dma_start3A_351 = arith.constant 0 : i32
      %dma_start3A_352 = arith.constant 0 : i32
      %dma_start3A_353 = tpu.memref_slice %arg2[%dma_start3A_351, %dma_start3A_352] : memref<10000x128xf32, #tpu.memory_space<hbm>> -> memref<10000x128xf32, #tpu.memory_space<hbm>>
      tpu.enqueue_indirect_dma source(%dma_start3A_353 : memref<10000x128xf32, #tpu.memory_space<hbm>>) target(%arg10 : memref<128x128xf32, #tpu.memory_space<vmem>>) offsets(%dma_start3A_350 : memref<128xi32, #tpu.memory_space<vmem>>) semaphore(%arg13 : memref<!tpu.dma_semaphore, #tpu.memory_space<semaphore_mem>>)
      %dma_wait3A_354 = arith.constant 0 : i32
      %dma_wait3A_355 = arith.constant 0 : i32
      %dma_wait3A_356 = tpu.memref_slice %arg7[%dma_wait3A_354, %dma_wait3A_355] : memref<40x128xi32, #tpu.memory_space<vmem>> -> memref<1x128xi32, #tpu.memory_space<vmem>>
      %dma_wait3A_357 = tpu.memref_squeeze %dma_wait3A_356 : memref<1x128xi32, #tpu.memory_space<vmem>> -> memref<128xi32, #tpu.memory_space<vmem>>
      %dma_wait3A_358 = arith.constant 0 : i32
      %dma_wait3A_359 = arith.constant 0 : i32
      %dma_wait3A_360 = tpu.memref_slice %arg2[%dma_wait3A_358, %dma_wait3A_359] : memref<10000x128xf32, #tpu.memory_space<hbm>> -> memref<10000x128xf32, #tpu.memory_space<hbm>>
      tpu.wait_indirect_dma semaphore(%arg12 : memref<!tpu.dma_semaphore, #tpu.memory_space<semaphore_mem>>) src(%dma_wait3A_360 : memref<10000x128xf32, #tpu.memory_space<hbm>>) dst(%arg9 : memref<128x128xf32, #tpu.memory_space<vmem>>)
      %dma_start3A_361 = arith.constant 0 : i32
      %dma_start3A_362 = tpu.memref_slice %arg8[%mul3A_310, %dma_start3A_361] : memref<40x128xi32, #tpu.memory_space<vmem>> -> memref<1x128xi32, #tpu.memory_space<vmem>>
      %dma_start3A_363 = tpu.memref_squeeze %dma_start3A_362 : memref<1x128xi32, #tpu.memory_space<vmem>> -> memref<128xi32, #tpu.memory_space<vmem>>
      %dma_start3A_364 = arith.constant 0 : i32
      %dma_start3A_365 = arith.constant 0 : i32
      %dma_start3A_366 = tpu.memref_slice %arg11[%dma_start3A_364, %dma_start3A_365] : memref<10112x128xf32, #tpu.memory_space<vmem_shared>> -> memref<10112x128xf32, #tpu.memory_space<vmem_shared>>
      tpu.enqueue_indirect_dma source(%arg9 : memref<128x128xf32, #tpu.memory_space<vmem>>) target(%dma_start3A_366 : memref<10112x128xf32, #tpu.memory_space<vmem_shared>>) offsets(%dma_start3A_363 : memref<128xi32, #tpu.memory_space<vmem>>) semaphore(%arg14 : memref<!tpu.dma_semaphore, #tpu.memory_space<semaphore_mem>>) {add = true}
    }
    %scan3A_154 = arith.constant 18 : i32
    %scan3A_155 = arith.addi %scan3A_150, %scan3A_154 : i32
    %mul3A_156 = arith.constant 2 : i32
    %mul3A_157 = arith.muli %mul3A_156, %scan3A_155 : i32
    %dma_wait3A_158 = arith.constant 0 : i32
    %dma_wait3A_159 = arith.constant 0 : i32
    %dma_wait3A_160 = tpu.memref_slice %arg8[%dma_wait3A_158, %dma_wait3A_159] : memref<40x128xi32, #tpu.memory_space<vmem>> -> memref<1x128xi32, #tpu.memory_space<vmem>>
    %dma_wait3A_161 = tpu.memref_squeeze %dma_wait3A_160 : memref<1x128xi32, #tpu.memory_space<vmem>> -> memref<128xi32, #tpu.memory_space<vmem>>
    %dma_wait3A_162 = arith.constant 0 : i32
    %dma_wait3A_163 = arith.constant 0 : i32
    %dma_wait3A_164 = tpu.memref_slice %arg11[%dma_wait3A_162, %dma_wait3A_163] : memref<10112x128xf32, #tpu.memory_space<vmem_shared>> -> memref<10112x128xf32, #tpu.memory_space<vmem_shared>>
    tpu.wait_indirect_dma semaphore(%arg14 : memref<!tpu.dma_semaphore, #tpu.memory_space<semaphore_mem>>) src(%arg9 : memref<128x128xf32, #tpu.memory_space<vmem>>) dst(%dma_wait3A_164 : memref<10112x128xf32, #tpu.memory_space<vmem_shared>>)
    %dma_start3A_165 = arith.constant 0 : i32
    %dma_start3A_166 = tpu.memref_slice %arg7[%mul3A_157, %dma_start3A_165] : memref<40x128xi32, #tpu.memory_space<vmem>> -> memref<1x128xi32, #tpu.memory_space<vmem>>
    %dma_start3A_167 = tpu.memref_squeeze %dma_start3A_166 : memref<1x128xi32, #tpu.memory_space<vmem>> -> memref<128xi32, #tpu.memory_space<vmem>>
    %dma_start3A_168 = arith.constant 0 : i32
    %dma_start3A_169 = arith.constant 0 : i32
    %dma_start3A_170 = tpu.memref_slice %arg2[%dma_start3A_168, %dma_start3A_169] : memref<10000x128xf32, #tpu.memory_space<hbm>> -> memref<10000x128xf32, #tpu.memory_space<hbm>>
    tpu.enqueue_indirect_dma source(%dma_start3A_170 : memref<10000x128xf32, #tpu.memory_space<hbm>>) target(%arg9 : memref<128x128xf32, #tpu.memory_space<vmem>>) offsets(%dma_start3A_167 : memref<128xi32, #tpu.memory_space<vmem>>) semaphore(%arg12 : memref<!tpu.dma_semaphore, #tpu.memory_space<semaphore_mem>>)
    %dma_wait3A_171 = arith.constant 0 : i32
    %dma_wait3A_172 = arith.constant 0 : i32
    %dma_wait3A_173 = tpu.memref_slice %arg7[%dma_wait3A_171, %dma_wait3A_172] : memref<40x128xi32, #tpu.memory_space<vmem>> -> memref<1x128xi32, #tpu.memory_space<vmem>>
    %dma_wait3A_174 = tpu.memref_squeeze %dma_wait3A_173 : memref<1x128xi32, #tpu.memory_space<vmem>> -> memref<128xi32, #tpu.memory_space<vmem>>
    %dma_wait3A_175 = arith.constant 0 : i32
    %dma_wait3A_176 = arith.constant 0 : i32
    %dma_wait3A_177 = tpu.memref_slice %arg2[%dma_wait3A_175, %dma_wait3A_176] : memref<10000x128xf32, #tpu.memory_space<hbm>> -> memref<10000x128xf32, #tpu.memory_space<hbm>>
    tpu.wait_indirect_dma semaphore(%arg13 : memref<!tpu.dma_semaphore, #tpu.memory_space<semaphore_mem>>) src(%dma_wait3A_177 : memref<10000x128xf32, #tpu.memory_space<hbm>>) dst(%arg10 : memref<128x128xf32, #tpu.memory_space<vmem>>)
    %sub3A_178 = arith.constant 1 : i32
    %sub3A_179 = arith.subi %mul3A_157, %sub3A_178 : i32
    %dma_start3A_180 = arith.constant 0 : i32
    %dma_start3A_181 = tpu.memref_slice %arg8[%sub3A_179, %dma_start3A_180] : memref<40x128xi32, #tpu.memory_space<vmem>> -> memref<1x128xi32, #tpu.memory_space<vmem>>
    %dma_start3A_182 = tpu.memref_squeeze %dma_start3A_181 : memref<1x128xi32, #tpu.memory_space<vmem>> -> memref<128xi32, #tpu.memory_space<vmem>>
    %dma_start3A_183 = arith.constant 0 : i32
    %dma_start3A_184 = arith.constant 0 : i32
    %dma_start3A_185 = tpu.memref_slice %arg11[%dma_start3A_183, %dma_start3A_184] : memref<10112x128xf32, #tpu.memory_space<vmem_shared>> -> memref<10112x128xf32, #tpu.memory_space<vmem_shared>>
    tpu.enqueue_indirect_dma source(%arg10 : memref<128x128xf32, #tpu.memory_space<vmem>>) target(%dma_start3A_185 : memref<10112x128xf32, #tpu.memory_space<vmem_shared>>) offsets(%dma_start3A_182 : memref<128xi32, #tpu.memory_space<vmem>>) semaphore(%arg15 : memref<!tpu.dma_semaphore, #tpu.memory_space<semaphore_mem>>) {add = true}
    %dma_wait3A_186 = arith.constant 0 : i32
    %dma_wait3A_187 = arith.constant 0 : i32
    %dma_wait3A_188 = tpu.memref_slice %arg8[%dma_wait3A_186, %dma_wait3A_187] : memref<40x128xi32, #tpu.memory_space<vmem>> -> memref<1x128xi32, #tpu.memory_space<vmem>>
    %dma_wait3A_189 = tpu.memref_squeeze %dma_wait3A_188 : memref<1x128xi32, #tpu.memory_space<vmem>> -> memref<128xi32, #tpu.memory_space<vmem>>
    %dma_wait3A_190 = arith.constant 0 : i32
    %dma_wait3A_191 = arith.constant 0 : i32
    %dma_wait3A_192 = tpu.memref_slice %arg11[%dma_wait3A_190, %dma_wait3A_191] : memref<10112x128xf32, #tpu.memory_space<vmem_shared>> -> memref<10112x128xf32, #tpu.memory_space<vmem_shared>>
    tpu.wait_indirect_dma semaphore(%arg15 : memref<!tpu.dma_semaphore, #tpu.memory_space<semaphore_mem>>) src(%arg10 : memref<128x128xf32, #tpu.memory_space<vmem>>) dst(%dma_wait3A_192 : memref<10112x128xf32, #tpu.memory_space<vmem_shared>>)
    %add3A_193 = arith.constant 1 : i32
    %add3A_194 = arith.addi %mul3A_157, %add3A_193 : i32
    %dma_start3A_195 = arith.constant 0 : i32
    %dma_start3A_196 = tpu.memref_slice %arg7[%add3A_194, %dma_start3A_195] : memref<40x128xi32, #tpu.memory_space<vmem>> -> memref<1x128xi32, #tpu.memory_space<vmem>>
    %dma_start3A_197 = tpu.memref_squeeze %dma_start3A_196 : memref<1x128xi32, #tpu.memory_space<vmem>> -> memref<128xi32, #tpu.memory_space<vmem>>
    %dma_start3A_198 = arith.constant 0 : i32
    %dma_start3A_199 = arith.constant 0 : i32
    %dma_start3A_200 = tpu.memref_slice %arg2[%dma_start3A_198, %dma_start3A_199] : memref<10000x128xf32, #tpu.memory_space<hbm>> -> memref<10000x128xf32, #tpu.memory_space<hbm>>
    tpu.enqueue_indirect_dma source(%dma_start3A_200 : memref<10000x128xf32, #tpu.memory_space<hbm>>) target(%arg10 : memref<128x128xf32, #tpu.memory_space<vmem>>) offsets(%dma_start3A_197 : memref<128xi32, #tpu.memory_space<vmem>>) semaphore(%arg13 : memref<!tpu.dma_semaphore, #tpu.memory_space<semaphore_mem>>)
    %dma_wait3A_201 = arith.constant 0 : i32
    %dma_wait3A_202 = arith.constant 0 : i32
    %dma_wait3A_203 = tpu.memref_slice %arg7[%dma_wait3A_201, %dma_wait3A_202] : memref<40x128xi32, #tpu.memory_space<vmem>> -> memref<1x128xi32, #tpu.memory_space<vmem>>
    %dma_wait3A_204 = tpu.memref_squeeze %dma_wait3A_203 : memref<1x128xi32, #tpu.memory_space<vmem>> -> memref<128xi32, #tpu.memory_space<vmem>>
    %dma_wait3A_205 = arith.constant 0 : i32
    %dma_wait3A_206 = arith.constant 0 : i32
    %dma_wait3A_207 = tpu.memref_slice %arg2[%dma_wait3A_205, %dma_wait3A_206] : memref<10000x128xf32, #tpu.memory_space<hbm>> -> memref<10000x128xf32, #tpu.memory_space<hbm>>
    tpu.wait_indirect_dma semaphore(%arg12 : memref<!tpu.dma_semaphore, #tpu.memory_space<semaphore_mem>>) src(%dma_wait3A_207 : memref<10000x128xf32, #tpu.memory_space<hbm>>) dst(%arg9 : memref<128x128xf32, #tpu.memory_space<vmem>>)
    %dma_start3A_208 = arith.constant 0 : i32
    %dma_start3A_209 = tpu.memref_slice %arg8[%mul3A_157, %dma_start3A_208] : memref<40x128xi32, #tpu.memory_space<vmem>> -> memref<1x128xi32, #tpu.memory_space<vmem>>
    %dma_start3A_210 = tpu.memref_squeeze %dma_start3A_209 : memref<1x128xi32, #tpu.memory_space<vmem>> -> memref<128xi32, #tpu.memory_space<vmem>>
    %dma_start3A_211 = arith.constant 0 : i32
    %dma_start3A_212 = arith.constant 0 : i32
    %dma_start3A_213 = tpu.memref_slice %arg11[%dma_start3A_211, %dma_start3A_212] : memref<10112x128xf32, #tpu.memory_space<vmem_shared>> -> memref<10112x128xf32, #tpu.memory_space<vmem_shared>>
    tpu.enqueue_indirect_dma source(%arg9 : memref<128x128xf32, #tpu.memory_space<vmem>>) target(%dma_start3A_213 : memref<10112x128xf32, #tpu.memory_space<vmem_shared>>) offsets(%dma_start3A_210 : memref<128xi32, #tpu.memory_space<vmem>>) semaphore(%arg14 : memref<!tpu.dma_semaphore, #tpu.memory_space<semaphore_mem>>) {add = true}
    %scan3A_214 = arith.constant 19 : i32
    %dma_wait3A_215 = arith.constant 0 : i32
    %dma_wait3A_216 = arith.constant 0 : i32
    %dma_wait3A_217 = tpu.memref_slice %arg7[%dma_wait3A_215, %dma_wait3A_216] : memref<40x128xi32, #tpu.memory_space<vmem>> -> memref<1x128xi32, #tpu.memory_space<vmem>>
    %dma_wait3A_218 = tpu.memref_squeeze %dma_wait3A_217 : memref<1x128xi32, #tpu.memory_space<vmem>> -> memref<128xi32, #tpu.memory_space<vmem>>
    %dma_wait3A_219 = arith.constant 0 : i32
    %dma_wait3A_220 = arith.constant 0 : i32
    %dma_wait3A_221 = tpu.memref_slice %arg2[%dma_wait3A_219, %dma_wait3A_220] : memref<10000x128xf32, #tpu.memory_space<hbm>> -> memref<10000x128xf32, #tpu.memory_space<hbm>>
    tpu.wait_indirect_dma semaphore(%arg13 : memref<!tpu.dma_semaphore, #tpu.memory_space<semaphore_mem>>) src(%dma_wait3A_221 : memref<10000x128xf32, #tpu.memory_space<hbm>>) dst(%arg10 : memref<128x128xf32, #tpu.memory_space<vmem>>)
    %dma_start3A_222 = arith.constant 39 : i32
    %dma_start3A_223 = arith.constant 0 : i32
    %dma_start3A_224 = tpu.memref_slice %arg8[%dma_start3A_222, %dma_start3A_223] : memref<40x128xi32, #tpu.memory_space<vmem>> -> memref<1x128xi32, #tpu.memory_space<vmem>>
    %dma_start3A_225 = tpu.memref_squeeze %dma_start3A_224 : memref<1x128xi32, #tpu.memory_space<vmem>> -> memref<128xi32, #tpu.memory_space<vmem>>
    %dma_start3A_226 = arith.constant 0 : i32
    %dma_start3A_227 = arith.constant 0 : i32
    %dma_start3A_228 = tpu.memref_slice %arg11[%dma_start3A_226, %dma_start3A_227] : memref<10112x128xf32, #tpu.memory_space<vmem_shared>> -> memref<10112x128xf32, #tpu.memory_space<vmem_shared>>
    tpu.enqueue_indirect_dma source(%arg10 : memref<128x128xf32, #tpu.memory_space<vmem>>) target(%dma_start3A_228 : memref<10112x128xf32, #tpu.memory_space<vmem_shared>>) offsets(%dma_start3A_225 : memref<128xi32, #tpu.memory_space<vmem>>) semaphore(%arg15 : memref<!tpu.dma_semaphore, #tpu.memory_space<semaphore_mem>>) {add = true}
    %dma_wait3A_229 = arith.constant 0 : i32
    %dma_wait3A_230 = arith.constant 0 : i32
    %dma_wait3A_231 = tpu.memref_slice %arg8[%dma_wait3A_229, %dma_wait3A_230] : memref<40x128xi32, #tpu.memory_space<vmem>> -> memref<1x128xi32, #tpu.memory_space<vmem>>
    %dma_wait3A_232 = tpu.memref_squeeze %dma_wait3A_231 : memref<1x128xi32, #tpu.memory_space<vmem>> -> memref<128xi32, #tpu.memory_space<vmem>>
    %dma_wait3A_233 = arith.constant 0 : i32
    %dma_wait3A_234 = arith.constant 0 : i32
    %dma_wait3A_235 = tpu.memref_slice %arg11[%dma_wait3A_233, %dma_wait3A_234] : memref<10112x128xf32, #tpu.memory_space<vmem_shared>> -> memref<10112x128xf32, #tpu.memory_space<vmem_shared>>
    tpu.wait_indirect_dma semaphore(%arg14 : memref<!tpu.dma_semaphore, #tpu.memory_space<semaphore_mem>>) src(%arg9 : memref<128x128xf32, #tpu.memory_space<vmem>>) dst(%dma_wait3A_235 : memref<10112x128xf32, #tpu.memory_space<vmem_shared>>)
    %dma_wait3A_236 = arith.constant 0 : i32
    %dma_wait3A_237 = arith.constant 0 : i32
    %dma_wait3A_238 = tpu.memref_slice %arg8[%dma_wait3A_236, %dma_wait3A_237] : memref<40x128xi32, #tpu.memory_space<vmem>> -> memref<1x128xi32, #tpu.memory_space<vmem>>
    %dma_wait3A_239 = tpu.memref_squeeze %dma_wait3A_238 : memref<1x128xi32, #tpu.memory_space<vmem>> -> memref<128xi32, #tpu.memory_space<vmem>>
    %dma_wait3A_240 = arith.constant 0 : i32
    %dma_wait3A_241 = arith.constant 0 : i32
    %dma_wait3A_242 = tpu.memref_slice %arg11[%dma_wait3A_240, %dma_wait3A_241] : memref<10112x128xf32, #tpu.memory_space<vmem_shared>> -> memref<10112x128xf32, #tpu.memory_space<vmem_shared>>
    tpu.wait_indirect_dma semaphore(%arg15 : memref<!tpu.dma_semaphore, #tpu.memory_space<semaphore_mem>>) src(%arg10 : memref<128x128xf32, #tpu.memory_space<vmem>>) dst(%dma_wait3A_242 : memref<10112x128xf32, #tpu.memory_space<vmem_shared>>)
    %barrier3A_243 = arith.constant 0 : index
    tpu.barrier barrier_id(%barrier3A_243)
    %mul3A_244 = arith.constant 632 : i32
    %mul3A_245 = arith.muli %arg1, %mul3A_244 : i32
    %mul3A_246 = arith.constant 632 : i32
    %mul3A_247 = arith.muli %arg1, %mul3A_246 : i32
    "tpu.region"() ({
      %run_scoped3A_248 = tpu.sem_alloc : memref<!tpu.dma_semaphore, #tpu.memory_space<semaphore_mem>>
      %dma_start3A_249 = arith.constant 0 : i32
      %dma_start3A_250 = tpu.memref_slice %arg6[%arg0, %mul3A_247, %dma_start3A_249] : memref<2x10112x128xf32, #tpu.memory_space<hbm>> -> memref<1x632x128xf32, #tpu.memory_space<hbm>>
      %dma_start3A_251 = tpu.memref_squeeze %dma_start3A_250 : memref<1x632x128xf32, #tpu.memory_space<hbm>> -> memref<632x128xf32, #tpu.memory_space<hbm>>
      %dma_start3A_252 = arith.constant 0 : i32
      %dma_start3A_253 = tpu.memref_slice %arg11[%mul3A_245, %dma_start3A_252] : memref<10112x128xf32, #tpu.memory_space<vmem_shared>> -> memref<632x128xf32, #tpu.memory_space<vmem_shared>>
      tpu.enqueue_dma source(%dma_start3A_253 : memref<632x128xf32, #tpu.memory_space<vmem_shared>>) target(%dma_start3A_251 : memref<632x128xf32, #tpu.memory_space<hbm>>) target_semaphore(%run_scoped3A_248 : memref<!tpu.dma_semaphore, #tpu.memory_space<semaphore_mem>>)
      %dma_wait3A_254 = arith.constant 0 : i32
      %dma_wait3A_255 = tpu.memref_slice %arg6[%arg0, %mul3A_247, %dma_wait3A_254] : memref<2x10112x128xf32, #tpu.memory_space<hbm>> -> memref<1x632x128xf32, #tpu.memory_space<hbm>>
      %dma_wait3A_256 = tpu.memref_squeeze %dma_wait3A_255 : memref<1x632x128xf32, #tpu.memory_space<hbm>> -> memref<632x128xf32, #tpu.memory_space<hbm>>
      %dma_wait3A_257 = arith.constant 0 : i32
      %dma_wait3A_258 = tpu.memref_slice %arg11[%mul3A_245, %dma_wait3A_257] : memref<10112x128xf32, #tpu.memory_space<vmem_shared>> -> memref<632x128xf32, #tpu.memory_space<vmem_shared>>
      tpu.wait_dma2 semaphore(%run_scoped3A_248 : memref<!tpu.dma_semaphore, #tpu.memory_space<semaphore_mem>>) src(%dma_wait3A_258 : memref<632x128xf32, #tpu.memory_space<vmem_shared>>) dst(%dma_wait3A_256 : memref<632x128xf32, #tpu.memory_space<hbm>>)
      tpu.yield
    }) : () -> ()
    return
  }
}

#map = affine_map<(d0, d1) -> (0, 0)>
#map1 = affine_map<(d0, d1) -> (0, 0, 0, 0, 0)>
#map2 = affine_map<(d0, d1) -> (0, 0, 0)>
module attributes {stable_mosaic.version = 14 : i64} {
  func.func @segsum(%arg0: i32, %arg1: i32, %arg2: memref<10000x128xf32, #tpu.memory_space<hbm>>, %arg3: memref<2x16x2x40x128xi32, #tpu.memory_space<hbm>>, %arg4: memref<2x16x2x40x128xi32, #tpu.memory_space<hbm>>, %arg5: memref<632x128xf32, #tpu.memory_space<hbm>>, %arg6: memref<2x10112x128xf32, #tpu.memory_space<hbm>>, %arg7: memref<40x128xi32, #tpu.memory_space<vmem>>, %arg8: memref<40x128xi32, #tpu.memory_space<vmem>>, %arg9: memref<128x128xf32, #tpu.memory_space<vmem>>, %arg10: memref<128x128xf32, #tpu.memory_space<vmem>>, %arg11: memref<10112x128xf32, #tpu.memory_space<vmem_shared>>, %arg12: memref<!tpu.dma_semaphore, #tpu.memory_space<semaphore_mem>>, %arg13: memref<!tpu.dma_semaphore, #tpu.memory_space<semaphore_mem>>, %arg14: memref<!tpu.dma_semaphore, #tpu.memory_space<semaphore_mem>>, %arg15: memref<!tpu.dma_semaphore, #tpu.memory_space<semaphore_mem>>) attributes {dimension_semantics = [#tpu.dimension_semantics<core_parallel>, #tpu.dimension_semantics<subcore_parallel>], iteration_bounds = array<i64: 2, 16>, scalar_prefetch = 0 : i64, scratch_operands = 9 : i64, tpu.core_type = #tpu.core_type<sc_vector_subcore>, window_params = [{transform_indices = #map}, {transform_indices = #map1}, {transform_indices = #map1}, {transform_indices = #map}, {transform_indices = #map2}]} {
    %mul3A = arith.constant 632 : i32
    %mul3A_0 = arith.muli %arg1, %mul3A : i32
    "tpu.region"() ({
      %run_scoped3A_248 = tpu.sem_alloc : memref<!tpu.dma_semaphore, #tpu.memory_space<semaphore_mem>>
      %dma_start3A_249 = arith.constant 0 : i32
      %dma_start3A_250 = tpu.memref_slice %arg11[%mul3A_0, %dma_start3A_249] : memref<10112x128xf32, #tpu.memory_space<vmem_shared>> -> memref<632x128xf32, #tpu.memory_space<vmem_shared>>
      tpu.enqueue_dma source(%arg5 : memref<632x128xf32, #tpu.memory_space<hbm>>) target(%dma_start3A_250 : memref<632x128xf32, #tpu.memory_space<vmem_shared>>) target_semaphore(%run_scoped3A_248 : memref<!tpu.dma_semaphore, #tpu.memory_space<semaphore_mem>>)
      %dma_wait3A_251 = arith.constant 0 : i32
      %dma_wait3A_252 = tpu.memref_slice %arg11[%mul3A_0, %dma_wait3A_251] : memref<10112x128xf32, #tpu.memory_space<vmem_shared>> -> memref<632x128xf32, #tpu.memory_space<vmem_shared>>
      tpu.wait_dma2 semaphore(%run_scoped3A_248 : memref<!tpu.dma_semaphore, #tpu.memory_space<semaphore_mem>>) src(%arg5 : memref<632x128xf32, #tpu.memory_space<hbm>>) dst(%dma_wait3A_252 : memref<632x128xf32, #tpu.memory_space<vmem_shared>>)
      tpu.yield
    }) : () -> ()
    %barrier3A = arith.constant 0 : index
    tpu.barrier barrier_id(%barrier3A)
    %run_scoped3A = arith.constant 0 : i32
    "tpu.region"() ({
      %run_scoped3A_248 = tpu.sem_alloc : memref<!tpu.dma_semaphore, #tpu.memory_space<semaphore_mem>>
      %dma_start3A_249 = arith.constant 0 : i32
      %dma_start3A_250 = arith.constant 0 : i32
      %dma_start3A_251 = tpu.memref_slice %arg3[%arg0, %arg1, %run_scoped3A, %dma_start3A_249, %dma_start3A_250] : memref<2x16x2x40x128xi32, #tpu.memory_space<hbm>> -> memref<1x1x1x40x128xi32, #tpu.memory_space<hbm>>
      %dma_start3A_252 = tpu.memref_squeeze %dma_start3A_251 : memref<1x1x1x40x128xi32, #tpu.memory_space<hbm>> -> memref<40x128xi32, #tpu.memory_space<hbm>>
      %dma_start3A_253 = arith.constant 0 : i32
      %dma_start3A_254 = arith.constant 0 : i32
      %dma_start3A_255 = tpu.memref_slice %arg3[%arg0, %arg1, %run_scoped3A, %dma_start3A_253, %dma_start3A_254] : memref<2x16x2x40x128xi32, #tpu.memory_space<hbm>> -> memref<1x1x1x40x128xi32, #tpu.memory_space<hbm>>
      %dma_start3A_256 = tpu.memref_squeeze %dma_start3A_255 : memref<1x1x1x40x128xi32, #tpu.memory_space<hbm>> -> memref<40x128xi32, #tpu.memory_space<hbm>>
      tpu.enqueue_dma source(%dma_start3A_256 : memref<40x128xi32, #tpu.memory_space<hbm>>) target(%arg7 : memref<40x128xi32, #tpu.memory_space<vmem>>) target_semaphore(%run_scoped3A_248 : memref<!tpu.dma_semaphore, #tpu.memory_space<semaphore_mem>>)
      %dma_wait3A_257 = arith.constant 0 : i32
      %dma_wait3A_258 = arith.constant 0 : i32
      %dma_wait3A_259 = tpu.memref_slice %arg3[%arg0, %arg1, %run_scoped3A, %dma_wait3A_257, %dma_wait3A_258] : memref<2x16x2x40x128xi32, #tpu.memory_space<hbm>> -> memref<1x1x1x40x128xi32, #tpu.memory_space<hbm>>
      %dma_wait3A_260 = tpu.memref_squeeze %dma_wait3A_259 : memref<1x1x1x40x128xi32, #tpu.memory_space<hbm>> -> memref<40x128xi32, #tpu.memory_space<hbm>>
      %dma_wait3A_261 = arith.constant 0 : i32
      %dma_wait3A_262 = arith.constant 0 : i32
      %dma_wait3A_263 = tpu.memref_slice %arg3[%arg0, %arg1, %run_scoped3A, %dma_wait3A_261, %dma_wait3A_262] : memref<2x16x2x40x128xi32, #tpu.memory_space<hbm>> -> memref<1x1x1x40x128xi32, #tpu.memory_space<hbm>>
      %dma_wait3A_264 = tpu.memref_squeeze %dma_wait3A_263 : memref<1x1x1x40x128xi32, #tpu.memory_space<hbm>> -> memref<40x128xi32, #tpu.memory_space<hbm>>
      tpu.wait_dma2 semaphore(%run_scoped3A_248 : memref<!tpu.dma_semaphore, #tpu.memory_space<semaphore_mem>>) src(%dma_wait3A_264 : memref<40x128xi32, #tpu.memory_space<hbm>>) dst(%arg7 : memref<40x128xi32, #tpu.memory_space<vmem>>)
      tpu.yield
    }) : () -> ()
    %run_scoped3A_1 = arith.constant 0 : i32
    "tpu.region"() ({
      %run_scoped3A_248 = tpu.sem_alloc : memref<!tpu.dma_semaphore, #tpu.memory_space<semaphore_mem>>
      %dma_start3A_249 = arith.constant 0 : i32
      %dma_start3A_250 = arith.constant 0 : i32
      %dma_start3A_251 = tpu.memref_slice %arg4[%arg0, %arg1, %run_scoped3A_1, %dma_start3A_249, %dma_start3A_250] : memref<2x16x2x40x128xi32, #tpu.memory_space<hbm>> -> memref<1x1x1x40x128xi32, #tpu.memory_space<hbm>>
      %dma_start3A_252 = tpu.memref_squeeze %dma_start3A_251 : memref<1x1x1x40x128xi32, #tpu.memory_space<hbm>> -> memref<40x128xi32, #tpu.memory_space<hbm>>
      %dma_start3A_253 = arith.constant 0 : i32
      %dma_start3A_254 = arith.constant 0 : i32
      %dma_start3A_255 = tpu.memref_slice %arg4[%arg0, %arg1, %run_scoped3A_1, %dma_start3A_253, %dma_start3A_254] : memref<2x16x2x40x128xi32, #tpu.memory_space<hbm>> -> memref<1x1x1x40x128xi32, #tpu.memory_space<hbm>>
      %dma_start3A_256 = tpu.memref_squeeze %dma_start3A_255 : memref<1x1x1x40x128xi32, #tpu.memory_space<hbm>> -> memref<40x128xi32, #tpu.memory_space<hbm>>
      tpu.enqueue_dma source(%dma_start3A_256 : memref<40x128xi32, #tpu.memory_space<hbm>>) target(%arg8 : memref<40x128xi32, #tpu.memory_space<vmem>>) target_semaphore(%run_scoped3A_248 : memref<!tpu.dma_semaphore, #tpu.memory_space<semaphore_mem>>)
      %dma_wait3A_257 = arith.constant 0 : i32
      %dma_wait3A_258 = arith.constant 0 : i32
      %dma_wait3A_259 = tpu.memref_slice %arg4[%arg0, %arg1, %run_scoped3A_1, %dma_wait3A_257, %dma_wait3A_258] : memref<2x16x2x40x128xi32, #tpu.memory_space<hbm>> -> memref<1x1x1x40x128xi32, #tpu.memory_space<hbm>>
      %dma_wait3A_260 = tpu.memref_squeeze %dma_wait3A_259 : memref<1x1x1x40x128xi32, #tpu.memory_space<hbm>> -> memref<40x128xi32, #tpu.memory_space<hbm>>
      %dma_wait3A_261 = arith.constant 0 : i32
      %dma_wait3A_262 = arith.constant 0 : i32
      %dma_wait3A_263 = tpu.memref_slice %arg4[%arg0, %arg1, %run_scoped3A_1, %dma_wait3A_261, %dma_wait3A_262] : memref<2x16x2x40x128xi32, #tpu.memory_space<hbm>> -> memref<1x1x1x40x128xi32, #tpu.memory_space<hbm>>
      %dma_wait3A_264 = tpu.memref_squeeze %dma_wait3A_263 : memref<1x1x1x40x128xi32, #tpu.memory_space<hbm>> -> memref<40x128xi32, #tpu.memory_space<hbm>>
      tpu.wait_dma2 semaphore(%run_scoped3A_248 : memref<!tpu.dma_semaphore, #tpu.memory_space<semaphore_mem>>) src(%dma_wait3A_264 : memref<40x128xi32, #tpu.memory_space<hbm>>) dst(%arg8 : memref<40x128xi32, #tpu.memory_space<vmem>>)
      tpu.yield
    }) : () -> ()
    %dma_start3A = arith.constant 0 : i32
    %dma_start3A_2 = arith.constant 0 : i32
    %dma_start3A_3 = tpu.memref_slice %arg7[%dma_start3A, %dma_start3A_2] : memref<40x128xi32, #tpu.memory_space<vmem>> -> memref<1x128xi32, #tpu.memory_space<vmem>>
    %dma_start3A_4 = tpu.memref_squeeze %dma_start3A_3 : memref<1x128xi32, #tpu.memory_space<vmem>> -> memref<128xi32, #tpu.memory_space<vmem>>
    %dma_start3A_5 = arith.constant 0 : i32
    %dma_start3A_6 = arith.constant 0 : i32
    %dma_start3A_7 = tpu.memref_slice %arg2[%dma_start3A_5, %dma_start3A_6] : memref<10000x128xf32, #tpu.memory_space<hbm>> -> memref<10000x128xf32, #tpu.memory_space<hbm>>
    tpu.enqueue_indirect_dma source(%dma_start3A_7 : memref<10000x128xf32, #tpu.memory_space<hbm>>) target(%arg9 : memref<128x128xf32, #tpu.memory_space<vmem>>) offsets(%dma_start3A_4 : memref<128xi32, #tpu.memory_space<vmem>>) semaphore(%arg12 : memref<!tpu.dma_semaphore, #tpu.memory_space<semaphore_mem>>)
    %dma_start3A_8 = arith.constant 1 : i32
    %dma_start3A_9 = arith.constant 0 : i32
    %dma_start3A_10 = tpu.memref_slice %arg7[%dma_start3A_8, %dma_start3A_9] : memref<40x128xi32, #tpu.memory_space<vmem>> -> memref<1x128xi32, #tpu.memory_space<vmem>>
    %dma_start3A_11 = tpu.memref_squeeze %dma_start3A_10 : memref<1x128xi32, #tpu.memory_space<vmem>> -> memref<128xi32, #tpu.memory_space<vmem>>
    %dma_start3A_12 = arith.constant 0 : i32
    %dma_start3A_13 = arith.constant 0 : i32
    %dma_start3A_14 = tpu.memref_slice %arg2[%dma_start3A_12, %dma_start3A_13] : memref<10000x128xf32, #tpu.memory_space<hbm>> -> memref<10000x128xf32, #tpu.memory_space<hbm>>
    tpu.enqueue_indirect_dma source(%dma_start3A_14 : memref<10000x128xf32, #tpu.memory_space<hbm>>) target(%arg10 : memref<128x128xf32, #tpu.memory_space<vmem>>) offsets(%dma_start3A_11 : memref<128xi32, #tpu.memory_space<vmem>>) semaphore(%arg13 : memref<!tpu.dma_semaphore, #tpu.memory_space<semaphore_mem>>)
    %dma_wait3A = arith.constant 0 : i32
    %dma_wait3A_15 = arith.constant 0 : i32
    %dma_wait3A_16 = tpu.memref_slice %arg7[%dma_wait3A, %dma_wait3A_15] : memref<40x128xi32, #tpu.memory_space<vmem>> -> memref<1x128xi32, #tpu.memory_space<vmem>>
    %dma_wait3A_17 = tpu.memref_squeeze %dma_wait3A_16 : memref<1x128xi32, #tpu.memory_space<vmem>> -> memref<128xi32, #tpu.memory_space<vmem>>
    %dma_wait3A_18 = arith.constant 0 : i32
    %dma_wait3A_19 = arith.constant 0 : i32
    %dma_wait3A_20 = tpu.memref_slice %arg2[%dma_wait3A_18, %dma_wait3A_19] : memref<10000x128xf32, #tpu.memory_space<hbm>> -> memref<10000x128xf32, #tpu.memory_space<hbm>>
    tpu.wait_indirect_dma semaphore(%arg12 : memref<!tpu.dma_semaphore, #tpu.memory_space<semaphore_mem>>) src(%dma_wait3A_20 : memref<10000x128xf32, #tpu.memory_space<hbm>>) dst(%arg9 : memref<128x128xf32, #tpu.memory_space<vmem>>)
    %dma_start3A_21 = arith.constant 0 : i32
    %dma_start3A_22 = arith.constant 0 : i32
    %dma_start3A_23 = tpu.memref_slice %arg8[%dma_start3A_21, %dma_start3A_22] : memref<40x128xi32, #tpu.memory_space<vmem>> -> memref<1x128xi32, #tpu.memory_space<vmem>>
    %dma_start3A_24 = tpu.memref_squeeze %dma_start3A_23 : memref<1x128xi32, #tpu.memory_space<vmem>> -> memref<128xi32, #tpu.memory_space<vmem>>
    %dma_start3A_25 = arith.constant 0 : i32
    %dma_start3A_26 = arith.constant 0 : i32
    %dma_start3A_27 = tpu.memref_slice %arg11[%dma_start3A_25, %dma_start3A_26] : memref<10112x128xf32, #tpu.memory_space<vmem_shared>> -> memref<10112x128xf32, #tpu.memory_space<vmem_shared>>
    tpu.enqueue_indirect_dma source(%arg9 : memref<128x128xf32, #tpu.memory_space<vmem>>) target(%dma_start3A_27 : memref<10112x128xf32, #tpu.memory_space<vmem_shared>>) offsets(%dma_start3A_24 : memref<128xi32, #tpu.memory_space<vmem>>) semaphore(%arg14 : memref<!tpu.dma_semaphore, #tpu.memory_space<semaphore_mem>>) {add = true}
    %scan3A = arith.constant 0 : i32
    %scan3A_28 = arith.constant 1 : i32
    %scan3A_29 = arith.constant 18 : i32
    %scan3A_30 = arith.addi %scan3A_28, %scan3A_29 : i32
    %scan3A_31 = arith.constant 2 : i32
    scf.for %scan3A_248 = %scan3A_28 to %scan3A_30 step %scan3A_31  : i32 {
      %mul3A_249 = arith.constant 2 : i32
      %mul3A_250 = arith.muli %mul3A_249, %scan3A_248 : i32
      %dma_wait3A_251 = arith.constant 0 : i32
      %dma_wait3A_252 = arith.constant 0 : i32
      %dma_wait3A_253 = tpu.memref_slice %arg8[%dma_wait3A_251, %dma_wait3A_252] : memref<40x128xi32, #tpu.memory_space<vmem>> -> memref<1x128xi32, #tpu.memory_space<vmem>>
      %dma_wait3A_254 = tpu.memref_squeeze %dma_wait3A_253 : memref<1x128xi32, #tpu.memory_space<vmem>> -> memref<128xi32, #tpu.memory_space<vmem>>
      %dma_wait3A_255 = arith.constant 0 : i32
      %dma_wait3A_256 = arith.constant 0 : i32
      %dma_wait3A_257 = tpu.memref_slice %arg11[%dma_wait3A_255, %dma_wait3A_256] : memref<10112x128xf32, #tpu.memory_space<vmem_shared>> -> memref<10112x128xf32, #tpu.memory_space<vmem_shared>>
      tpu.wait_indirect_dma semaphore(%arg14 : memref<!tpu.dma_semaphore, #tpu.memory_space<semaphore_mem>>) src(%arg9 : memref<128x128xf32, #tpu.memory_space<vmem>>) dst(%dma_wait3A_257 : memref<10112x128xf32, #tpu.memory_space<vmem_shared>>)
      %dma_start3A_258 = arith.constant 0 : i32
      %dma_start3A_259 = tpu.memref_slice %arg7[%mul3A_250, %dma_start3A_258] : memref<40x128xi32, #tpu.memory_space<vmem>> -> memref<1x128xi32, #tpu.memory_space<vmem>>
      %dma_start3A_260 = tpu.memref_squeeze %dma_start3A_259 : memref<1x128xi32, #tpu.memory_space<vmem>> -> memref<128xi32, #tpu.memory_space<vmem>>
      %dma_start3A_261 = arith.constant 0 : i32
      %dma_start3A_262 = arith.constant 0 : i32
      %dma_start3A_263 = tpu.memref_slice %arg2[%dma_start3A_261, %dma_start3A_262] : memref<10000x128xf32, #tpu.memory_space<hbm>> -> memref<10000x128xf32, #tpu.memory_space<hbm>>
      tpu.enqueue_indirect_dma source(%dma_start3A_263 : memref<10000x128xf32, #tpu.memory_space<hbm>>) target(%arg9 : memref<128x128xf32, #tpu.memory_space<vmem>>) offsets(%dma_start3A_260 : memref<128xi32, #tpu.memory_space<vmem>>) semaphore(%arg12 : memref<!tpu.dma_semaphore, #tpu.memory_space<semaphore_mem>>)
      %dma_wait3A_264 = arith.constant 0 : i32
      %dma_wait3A_265 = arith.constant 0 : i32
      %dma_wait3A_266 = tpu.memref_slice %arg7[%dma_wait3A_264, %dma_wait3A_265] : memref<40x128xi32, #tpu.memory_space<vmem>> -> memref<1x128xi32, #tpu.memory_space<vmem>>
      %dma_wait3A_267 = tpu.memref_squeeze %dma_wait3A_266 : memref<1x128xi32, #tpu.memory_space<vmem>> -> memref<128xi32, #tpu.memory_space<vmem>>
      %dma_wait3A_268 = arith.constant 0 : i32
      %dma_wait3A_269 = arith.constant 0 : i32
      %dma_wait3A_270 = tpu.memref_slice %arg2[%dma_wait3A_268, %dma_wait3A_269] : memref<10000x128xf32, #tpu.memory_space<hbm>> -> memref<10000x128xf32, #tpu.memory_space<hbm>>
      tpu.wait_indirect_dma semaphore(%arg13 : memref<!tpu.dma_semaphore, #tpu.memory_space<semaphore_mem>>) src(%dma_wait3A_270 : memref<10000x128xf32, #tpu.memory_space<hbm>>) dst(%arg10 : memref<128x128xf32, #tpu.memory_space<vmem>>)
      %sub3A_271 = arith.constant 1 : i32
      %sub3A_272 = arith.subi %mul3A_250, %sub3A_271 : i32
      %dma_start3A_273 = arith.constant 0 : i32
      %dma_start3A_274 = tpu.memref_slice %arg8[%sub3A_272, %dma_start3A_273] : memref<40x128xi32, #tpu.memory_space<vmem>> -> memref<1x128xi32, #tpu.memory_space<vmem>>
      %dma_start3A_275 = tpu.memref_squeeze %dma_start3A_274 : memref<1x128xi32, #tpu.memory_space<vmem>> -> memref<128xi32, #tpu.memory_space<vmem>>
      %dma_start3A_276 = arith.constant 0 : i32
      %dma_start3A_277 = arith.constant 0 : i32
      %dma_start3A_278 = tpu.memref_slice %arg11[%dma_start3A_276, %dma_start3A_277] : memref<10112x128xf32, #tpu.memory_space<vmem_shared>> -> memref<10112x128xf32, #tpu.memory_space<vmem_shared>>
      tpu.enqueue_indirect_dma source(%arg10 : memref<128x128xf32, #tpu.memory_space<vmem>>) target(%dma_start3A_278 : memref<10112x128xf32, #tpu.memory_space<vmem_shared>>) offsets(%dma_start3A_275 : memref<128xi32, #tpu.memory_space<vmem>>) semaphore(%arg15 : memref<!tpu.dma_semaphore, #tpu.memory_space<semaphore_mem>>) {add = true}
      %dma_wait3A_279 = arith.constant 0 : i32
      %dma_wait3A_280 = arith.constant 0 : i32
      %dma_wait3A_281 = tpu.memref_slice %arg8[%dma_wait3A_279, %dma_wait3A_280] : memref<40x128xi32, #tpu.memory_space<vmem>> -> memref<1x128xi32, #tpu.memory_space<vmem>>
      %dma_wait3A_282 = tpu.memref_squeeze %dma_wait3A_281 : memref<1x128xi32, #tpu.memory_space<vmem>> -> memref<128xi32, #tpu.memory_space<vmem>>
      %dma_wait3A_283 = arith.constant 0 : i32
      %dma_wait3A_284 = arith.constant 0 : i32
      %dma_wait3A_285 = tpu.memref_slice %arg11[%dma_wait3A_283, %dma_wait3A_284] : memref<10112x128xf32, #tpu.memory_space<vmem_shared>> -> memref<10112x128xf32, #tpu.memory_space<vmem_shared>>
      tpu.wait_indirect_dma semaphore(%arg15 : memref<!tpu.dma_semaphore, #tpu.memory_space<semaphore_mem>>) src(%arg10 : memref<128x128xf32, #tpu.memory_space<vmem>>) dst(%dma_wait3A_285 : memref<10112x128xf32, #tpu.memory_space<vmem_shared>>)
      %add3A_286 = arith.constant 1 : i32
      %add3A_287 = arith.addi %mul3A_250, %add3A_286 : i32
      %dma_start3A_288 = arith.constant 0 : i32
      %dma_start3A_289 = tpu.memref_slice %arg7[%add3A_287, %dma_start3A_288] : memref<40x128xi32, #tpu.memory_space<vmem>> -> memref<1x128xi32, #tpu.memory_space<vmem>>
      %dma_start3A_290 = tpu.memref_squeeze %dma_start3A_289 : memref<1x128xi32, #tpu.memory_space<vmem>> -> memref<128xi32, #tpu.memory_space<vmem>>
      %dma_start3A_291 = arith.constant 0 : i32
      %dma_start3A_292 = arith.constant 0 : i32
      %dma_start3A_293 = tpu.memref_slice %arg2[%dma_start3A_291, %dma_start3A_292] : memref<10000x128xf32, #tpu.memory_space<hbm>> -> memref<10000x128xf32, #tpu.memory_space<hbm>>
      tpu.enqueue_indirect_dma source(%dma_start3A_293 : memref<10000x128xf32, #tpu.memory_space<hbm>>) target(%arg10 : memref<128x128xf32, #tpu.memory_space<vmem>>) offsets(%dma_start3A_290 : memref<128xi32, #tpu.memory_space<vmem>>) semaphore(%arg13 : memref<!tpu.dma_semaphore, #tpu.memory_space<semaphore_mem>>)
      %dma_wait3A_294 = arith.constant 0 : i32
      %dma_wait3A_295 = arith.constant 0 : i32
      %dma_wait3A_296 = tpu.memref_slice %arg7[%dma_wait3A_294, %dma_wait3A_295] : memref<40x128xi32, #tpu.memory_space<vmem>> -> memref<1x128xi32, #tpu.memory_space<vmem>>
      %dma_wait3A_297 = tpu.memref_squeeze %dma_wait3A_296 : memref<1x128xi32, #tpu.memory_space<vmem>> -> memref<128xi32, #tpu.memory_space<vmem>>
      %dma_wait3A_298 = arith.constant 0 : i32
      %dma_wait3A_299 = arith.constant 0 : i32
      %dma_wait3A_300 = tpu.memref_slice %arg2[%dma_wait3A_298, %dma_wait3A_299] : memref<10000x128xf32, #tpu.memory_space<hbm>> -> memref<10000x128xf32, #tpu.memory_space<hbm>>
      tpu.wait_indirect_dma semaphore(%arg12 : memref<!tpu.dma_semaphore, #tpu.memory_space<semaphore_mem>>) src(%dma_wait3A_300 : memref<10000x128xf32, #tpu.memory_space<hbm>>) dst(%arg9 : memref<128x128xf32, #tpu.memory_space<vmem>>)
      %dma_start3A_301 = arith.constant 0 : i32
      %dma_start3A_302 = tpu.memref_slice %arg8[%mul3A_250, %dma_start3A_301] : memref<40x128xi32, #tpu.memory_space<vmem>> -> memref<1x128xi32, #tpu.memory_space<vmem>>
      %dma_start3A_303 = tpu.memref_squeeze %dma_start3A_302 : memref<1x128xi32, #tpu.memory_space<vmem>> -> memref<128xi32, #tpu.memory_space<vmem>>
      %dma_start3A_304 = arith.constant 0 : i32
      %dma_start3A_305 = arith.constant 0 : i32
      %dma_start3A_306 = tpu.memref_slice %arg11[%dma_start3A_304, %dma_start3A_305] : memref<10112x128xf32, #tpu.memory_space<vmem_shared>> -> memref<10112x128xf32, #tpu.memory_space<vmem_shared>>
      tpu.enqueue_indirect_dma source(%arg9 : memref<128x128xf32, #tpu.memory_space<vmem>>) target(%dma_start3A_306 : memref<10112x128xf32, #tpu.memory_space<vmem_shared>>) offsets(%dma_start3A_303 : memref<128xi32, #tpu.memory_space<vmem>>) semaphore(%arg14 : memref<!tpu.dma_semaphore, #tpu.memory_space<semaphore_mem>>) {add = true}
      %scan3A_307 = arith.constant 1 : i32
      %scan3A_308 = arith.addi %scan3A_248, %scan3A_307 : i32
      %mul3A_309 = arith.constant 2 : i32
      %mul3A_310 = arith.muli %mul3A_309, %scan3A_308 : i32
      %dma_wait3A_311 = arith.constant 0 : i32
      %dma_wait3A_312 = arith.constant 0 : i32
      %dma_wait3A_313 = tpu.memref_slice %arg8[%dma_wait3A_311, %dma_wait3A_312] : memref<40x128xi32, #tpu.memory_space<vmem>> -> memref<1x128xi32, #tpu.memory_space<vmem>>
      %dma_wait3A_314 = tpu.memref_squeeze %dma_wait3A_313 : memref<1x128xi32, #tpu.memory_space<vmem>> -> memref<128xi32, #tpu.memory_space<vmem>>
      %dma_wait3A_315 = arith.constant 0 : i32
      %dma_wait3A_316 = arith.constant 0 : i32
      %dma_wait3A_317 = tpu.memref_slice %arg11[%dma_wait3A_315, %dma_wait3A_316] : memref<10112x128xf32, #tpu.memory_space<vmem_shared>> -> memref<10112x128xf32, #tpu.memory_space<vmem_shared>>
      tpu.wait_indirect_dma semaphore(%arg14 : memref<!tpu.dma_semaphore, #tpu.memory_space<semaphore_mem>>) src(%arg9 : memref<128x128xf32, #tpu.memory_space<vmem>>) dst(%dma_wait3A_317 : memref<10112x128xf32, #tpu.memory_space<vmem_shared>>)
      %dma_start3A_318 = arith.constant 0 : i32
      %dma_start3A_319 = tpu.memref_slice %arg7[%mul3A_310, %dma_start3A_318] : memref<40x128xi32, #tpu.memory_space<vmem>> -> memref<1x128xi32, #tpu.memory_space<vmem>>
      %dma_start3A_320 = tpu.memref_squeeze %dma_start3A_319 : memref<1x128xi32, #tpu.memory_space<vmem>> -> memref<128xi32, #tpu.memory_space<vmem>>
      %dma_start3A_321 = arith.constant 0 : i32
      %dma_start3A_322 = arith.constant 0 : i32
      %dma_start3A_323 = tpu.memref_slice %arg2[%dma_start3A_321, %dma_start3A_322] : memref<10000x128xf32, #tpu.memory_space<hbm>> -> memref<10000x128xf32, #tpu.memory_space<hbm>>
      tpu.enqueue_indirect_dma source(%dma_start3A_323 : memref<10000x128xf32, #tpu.memory_space<hbm>>) target(%arg9 : memref<128x128xf32, #tpu.memory_space<vmem>>) offsets(%dma_start3A_320 : memref<128xi32, #tpu.memory_space<vmem>>) semaphore(%arg12 : memref<!tpu.dma_semaphore, #tpu.memory_space<semaphore_mem>>)
      %dma_wait3A_324 = arith.constant 0 : i32
      %dma_wait3A_325 = arith.constant 0 : i32
      %dma_wait3A_326 = tpu.memref_slice %arg7[%dma_wait3A_324, %dma_wait3A_325] : memref<40x128xi32, #tpu.memory_space<vmem>> -> memref<1x128xi32, #tpu.memory_space<vmem>>
      %dma_wait3A_327 = tpu.memref_squeeze %dma_wait3A_326 : memref<1x128xi32, #tpu.memory_space<vmem>> -> memref<128xi32, #tpu.memory_space<vmem>>
      %dma_wait3A_328 = arith.constant 0 : i32
      %dma_wait3A_329 = arith.constant 0 : i32
      %dma_wait3A_330 = tpu.memref_slice %arg2[%dma_wait3A_328, %dma_wait3A_329] : memref<10000x128xf32, #tpu.memory_space<hbm>> -> memref<10000x128xf32, #tpu.memory_space<hbm>>
      tpu.wait_indirect_dma semaphore(%arg13 : memref<!tpu.dma_semaphore, #tpu.memory_space<semaphore_mem>>) src(%dma_wait3A_330 : memref<10000x128xf32, #tpu.memory_space<hbm>>) dst(%arg10 : memref<128x128xf32, #tpu.memory_space<vmem>>)
      %sub3A_331 = arith.constant 1 : i32
      %sub3A_332 = arith.subi %mul3A_310, %sub3A_331 : i32
      %dma_start3A_333 = arith.constant 0 : i32
      %dma_start3A_334 = tpu.memref_slice %arg8[%sub3A_332, %dma_start3A_333] : memref<40x128xi32, #tpu.memory_space<vmem>> -> memref<1x128xi32, #tpu.memory_space<vmem>>
      %dma_start3A_335 = tpu.memref_squeeze %dma_start3A_334 : memref<1x128xi32, #tpu.memory_space<vmem>> -> memref<128xi32, #tpu.memory_space<vmem>>
      %dma_start3A_336 = arith.constant 0 : i32
      %dma_start3A_337 = arith.constant 0 : i32
      %dma_start3A_338 = tpu.memref_slice %arg11[%dma_start3A_336, %dma_start3A_337] : memref<10112x128xf32, #tpu.memory_space<vmem_shared>> -> memref<10112x128xf32, #tpu.memory_space<vmem_shared>>
      tpu.enqueue_indirect_dma source(%arg10 : memref<128x128xf32, #tpu.memory_space<vmem>>) target(%dma_start3A_338 : memref<10112x128xf32, #tpu.memory_space<vmem_shared>>) offsets(%dma_start3A_335 : memref<128xi32, #tpu.memory_space<vmem>>) semaphore(%arg15 : memref<!tpu.dma_semaphore, #tpu.memory_space<semaphore_mem>>) {add = true}
      %dma_wait3A_339 = arith.constant 0 : i32
      %dma_wait3A_340 = arith.constant 0 : i32
      %dma_wait3A_341 = tpu.memref_slice %arg8[%dma_wait3A_339, %dma_wait3A_340] : memref<40x128xi32, #tpu.memory_space<vmem>> -> memref<1x128xi32, #tpu.memory_space<vmem>>
      %dma_wait3A_342 = tpu.memref_squeeze %dma_wait3A_341 : memref<1x128xi32, #tpu.memory_space<vmem>> -> memref<128xi32, #tpu.memory_space<vmem>>
      %dma_wait3A_343 = arith.constant 0 : i32
      %dma_wait3A_344 = arith.constant 0 : i32
      %dma_wait3A_345 = tpu.memref_slice %arg11[%dma_wait3A_343, %dma_wait3A_344] : memref<10112x128xf32, #tpu.memory_space<vmem_shared>> -> memref<10112x128xf32, #tpu.memory_space<vmem_shared>>
      tpu.wait_indirect_dma semaphore(%arg15 : memref<!tpu.dma_semaphore, #tpu.memory_space<semaphore_mem>>) src(%arg10 : memref<128x128xf32, #tpu.memory_space<vmem>>) dst(%dma_wait3A_345 : memref<10112x128xf32, #tpu.memory_space<vmem_shared>>)
      %add3A_346 = arith.constant 1 : i32
      %add3A_347 = arith.addi %mul3A_310, %add3A_346 : i32
      %dma_start3A_348 = arith.constant 0 : i32
      %dma_start3A_349 = tpu.memref_slice %arg7[%add3A_347, %dma_start3A_348] : memref<40x128xi32, #tpu.memory_space<vmem>> -> memref<1x128xi32, #tpu.memory_space<vmem>>
      %dma_start3A_350 = tpu.memref_squeeze %dma_start3A_349 : memref<1x128xi32, #tpu.memory_space<vmem>> -> memref<128xi32, #tpu.memory_space<vmem>>
      %dma_start3A_351 = arith.constant 0 : i32
      %dma_start3A_352 = arith.constant 0 : i32
      %dma_start3A_353 = tpu.memref_slice %arg2[%dma_start3A_351, %dma_start3A_352] : memref<10000x128xf32, #tpu.memory_space<hbm>> -> memref<10000x128xf32, #tpu.memory_space<hbm>>
      tpu.enqueue_indirect_dma source(%dma_start3A_353 : memref<10000x128xf32, #tpu.memory_space<hbm>>) target(%arg10 : memref<128x128xf32, #tpu.memory_space<vmem>>) offsets(%dma_start3A_350 : memref<128xi32, #tpu.memory_space<vmem>>) semaphore(%arg13 : memref<!tpu.dma_semaphore, #tpu.memory_space<semaphore_mem>>)
      %dma_wait3A_354 = arith.constant 0 : i32
      %dma_wait3A_355 = arith.constant 0 : i32
      %dma_wait3A_356 = tpu.memref_slice %arg7[%dma_wait3A_354, %dma_wait3A_355] : memref<40x128xi32, #tpu.memory_space<vmem>> -> memref<1x128xi32, #tpu.memory_space<vmem>>
      %dma_wait3A_357 = tpu.memref_squeeze %dma_wait3A_356 : memref<1x128xi32, #tpu.memory_space<vmem>> -> memref<128xi32, #tpu.memory_space<vmem>>
      %dma_wait3A_358 = arith.constant 0 : i32
      %dma_wait3A_359 = arith.constant 0 : i32
      %dma_wait3A_360 = tpu.memref_slice %arg2[%dma_wait3A_358, %dma_wait3A_359] : memref<10000x128xf32, #tpu.memory_space<hbm>> -> memref<10000x128xf32, #tpu.memory_space<hbm>>
      tpu.wait_indirect_dma semaphore(%arg12 : memref<!tpu.dma_semaphore, #tpu.memory_space<semaphore_mem>>) src(%dma_wait3A_360 : memref<10000x128xf32, #tpu.memory_space<hbm>>) dst(%arg9 : memref<128x128xf32, #tpu.memory_space<vmem>>)
      %dma_start3A_361 = arith.constant 0 : i32
      %dma_start3A_362 = tpu.memref_slice %arg8[%mul3A_310, %dma_start3A_361] : memref<40x128xi32, #tpu.memory_space<vmem>> -> memref<1x128xi32, #tpu.memory_space<vmem>>
      %dma_start3A_363 = tpu.memref_squeeze %dma_start3A_362 : memref<1x128xi32, #tpu.memory_space<vmem>> -> memref<128xi32, #tpu.memory_space<vmem>>
      %dma_start3A_364 = arith.constant 0 : i32
      %dma_start3A_365 = arith.constant 0 : i32
      %dma_start3A_366 = tpu.memref_slice %arg11[%dma_start3A_364, %dma_start3A_365] : memref<10112x128xf32, #tpu.memory_space<vmem_shared>> -> memref<10112x128xf32, #tpu.memory_space<vmem_shared>>
      tpu.enqueue_indirect_dma source(%arg9 : memref<128x128xf32, #tpu.memory_space<vmem>>) target(%dma_start3A_366 : memref<10112x128xf32, #tpu.memory_space<vmem_shared>>) offsets(%dma_start3A_363 : memref<128xi32, #tpu.memory_space<vmem>>) semaphore(%arg14 : memref<!tpu.dma_semaphore, #tpu.memory_space<semaphore_mem>>) {add = true}
    }
    %scan3A_32 = arith.constant 18 : i32
    %scan3A_33 = arith.addi %scan3A_28, %scan3A_32 : i32
    %mul3A_34 = arith.constant 2 : i32
    %mul3A_35 = arith.muli %mul3A_34, %scan3A_33 : i32
    %dma_wait3A_36 = arith.constant 0 : i32
    %dma_wait3A_37 = arith.constant 0 : i32
    %dma_wait3A_38 = tpu.memref_slice %arg8[%dma_wait3A_36, %dma_wait3A_37] : memref<40x128xi32, #tpu.memory_space<vmem>> -> memref<1x128xi32, #tpu.memory_space<vmem>>
    %dma_wait3A_39 = tpu.memref_squeeze %dma_wait3A_38 : memref<1x128xi32, #tpu.memory_space<vmem>> -> memref<128xi32, #tpu.memory_space<vmem>>
    %dma_wait3A_40 = arith.constant 0 : i32
    %dma_wait3A_41 = arith.constant 0 : i32
    %dma_wait3A_42 = tpu.memref_slice %arg11[%dma_wait3A_40, %dma_wait3A_41] : memref<10112x128xf32, #tpu.memory_space<vmem_shared>> -> memref<10112x128xf32, #tpu.memory_space<vmem_shared>>
    tpu.wait_indirect_dma semaphore(%arg14 : memref<!tpu.dma_semaphore, #tpu.memory_space<semaphore_mem>>) src(%arg9 : memref<128x128xf32, #tpu.memory_space<vmem>>) dst(%dma_wait3A_42 : memref<10112x128xf32, #tpu.memory_space<vmem_shared>>)
    %dma_start3A_43 = arith.constant 0 : i32
    %dma_start3A_44 = tpu.memref_slice %arg7[%mul3A_35, %dma_start3A_43] : memref<40x128xi32, #tpu.memory_space<vmem>> -> memref<1x128xi32, #tpu.memory_space<vmem>>
    %dma_start3A_45 = tpu.memref_squeeze %dma_start3A_44 : memref<1x128xi32, #tpu.memory_space<vmem>> -> memref<128xi32, #tpu.memory_space<vmem>>
    %dma_start3A_46 = arith.constant 0 : i32
    %dma_start3A_47 = arith.constant 0 : i32
    %dma_start3A_48 = tpu.memref_slice %arg2[%dma_start3A_46, %dma_start3A_47] : memref<10000x128xf32, #tpu.memory_space<hbm>> -> memref<10000x128xf32, #tpu.memory_space<hbm>>
    tpu.enqueue_indirect_dma source(%dma_start3A_48 : memref<10000x128xf32, #tpu.memory_space<hbm>>) target(%arg9 : memref<128x128xf32, #tpu.memory_space<vmem>>) offsets(%dma_start3A_45 : memref<128xi32, #tpu.memory_space<vmem>>) semaphore(%arg12 : memref<!tpu.dma_semaphore, #tpu.memory_space<semaphore_mem>>)
    %dma_wait3A_49 = arith.constant 0 : i32
    %dma_wait3A_50 = arith.constant 0 : i32
    %dma_wait3A_51 = tpu.memref_slice %arg7[%dma_wait3A_49, %dma_wait3A_50] : memref<40x128xi32, #tpu.memory_space<vmem>> -> memref<1x128xi32, #tpu.memory_space<vmem>>
    %dma_wait3A_52 = tpu.memref_squeeze %dma_wait3A_51 : memref<1x128xi32, #tpu.memory_space<vmem>> -> memref<128xi32, #tpu.memory_space<vmem>>
    %dma_wait3A_53 = arith.constant 0 : i32
    %dma_wait3A_54 = arith.constant 0 : i32
    %dma_wait3A_55 = tpu.memref_slice %arg2[%dma_wait3A_53, %dma_wait3A_54] : memref<10000x128xf32, #tpu.memory_space<hbm>> -> memref<10000x128xf32, #tpu.memory_space<hbm>>
    tpu.wait_indirect_dma semaphore(%arg13 : memref<!tpu.dma_semaphore, #tpu.memory_space<semaphore_mem>>) src(%dma_wait3A_55 : memref<10000x128xf32, #tpu.memory_space<hbm>>) dst(%arg10 : memref<128x128xf32, #tpu.memory_space<vmem>>)
    %sub3A = arith.constant 1 : i32
    %sub3A_56 = arith.subi %mul3A_35, %sub3A : i32
    %dma_start3A_57 = arith.constant 0 : i32
    %dma_start3A_58 = tpu.memref_slice %arg8[%sub3A_56, %dma_start3A_57] : memref<40x128xi32, #tpu.memory_space<vmem>> -> memref<1x128xi32, #tpu.memory_space<vmem>>
    %dma_start3A_59 = tpu.memref_squeeze %dma_start3A_58 : memref<1x128xi32, #tpu.memory_space<vmem>> -> memref<128xi32, #tpu.memory_space<vmem>>
    %dma_start3A_60 = arith.constant 0 : i32
    %dma_start3A_61 = arith.constant 0 : i32
    %dma_start3A_62 = tpu.memref_slice %arg11[%dma_start3A_60, %dma_start3A_61] : memref<10112x128xf32, #tpu.memory_space<vmem_shared>> -> memref<10112x128xf32, #tpu.memory_space<vmem_shared>>
    tpu.enqueue_indirect_dma source(%arg10 : memref<128x128xf32, #tpu.memory_space<vmem>>) target(%dma_start3A_62 : memref<10112x128xf32, #tpu.memory_space<vmem_shared>>) offsets(%dma_start3A_59 : memref<128xi32, #tpu.memory_space<vmem>>) semaphore(%arg15 : memref<!tpu.dma_semaphore, #tpu.memory_space<semaphore_mem>>) {add = true}
    %dma_wait3A_63 = arith.constant 0 : i32
    %dma_wait3A_64 = arith.constant 0 : i32
    %dma_wait3A_65 = tpu.memref_slice %arg8[%dma_wait3A_63, %dma_wait3A_64] : memref<40x128xi32, #tpu.memory_space<vmem>> -> memref<1x128xi32, #tpu.memory_space<vmem>>
    %dma_wait3A_66 = tpu.memref_squeeze %dma_wait3A_65 : memref<1x128xi32, #tpu.memory_space<vmem>> -> memref<128xi32, #tpu.memory_space<vmem>>
    %dma_wait3A_67 = arith.constant 0 : i32
    %dma_wait3A_68 = arith.constant 0 : i32
    %dma_wait3A_69 = tpu.memref_slice %arg11[%dma_wait3A_67, %dma_wait3A_68] : memref<10112x128xf32, #tpu.memory_space<vmem_shared>> -> memref<10112x128xf32, #tpu.memory_space<vmem_shared>>
    tpu.wait_indirect_dma semaphore(%arg15 : memref<!tpu.dma_semaphore, #tpu.memory_space<semaphore_mem>>) src(%arg10 : memref<128x128xf32, #tpu.memory_space<vmem>>) dst(%dma_wait3A_69 : memref<10112x128xf32, #tpu.memory_space<vmem_shared>>)
    %add3A = arith.constant 1 : i32
    %add3A_70 = arith.addi %mul3A_35, %add3A : i32
    %dma_start3A_71 = arith.constant 0 : i32
    %dma_start3A_72 = tpu.memref_slice %arg7[%add3A_70, %dma_start3A_71] : memref<40x128xi32, #tpu.memory_space<vmem>> -> memref<1x128xi32, #tpu.memory_space<vmem>>
    %dma_start3A_73 = tpu.memref_squeeze %dma_start3A_72 : memref<1x128xi32, #tpu.memory_space<vmem>> -> memref<128xi32, #tpu.memory_space<vmem>>
    %dma_start3A_74 = arith.constant 0 : i32
    %dma_start3A_75 = arith.constant 0 : i32
    %dma_start3A_76 = tpu.memref_slice %arg2[%dma_start3A_74, %dma_start3A_75] : memref<10000x128xf32, #tpu.memory_space<hbm>> -> memref<10000x128xf32, #tpu.memory_space<hbm>>
    tpu.enqueue_indirect_dma source(%dma_start3A_76 : memref<10000x128xf32, #tpu.memory_space<hbm>>) target(%arg10 : memref<128x128xf32, #tpu.memory_space<vmem>>) offsets(%dma_start3A_73 : memref<128xi32, #tpu.memory_space<vmem>>) semaphore(%arg13 : memref<!tpu.dma_semaphore, #tpu.memory_space<semaphore_mem>>)
    %dma_wait3A_77 = arith.constant 0 : i32
    %dma_wait3A_78 = arith.constant 0 : i32
    %dma_wait3A_79 = tpu.memref_slice %arg7[%dma_wait3A_77, %dma_wait3A_78] : memref<40x128xi32, #tpu.memory_space<vmem>> -> memref<1x128xi32, #tpu.memory_space<vmem>>
    %dma_wait3A_80 = tpu.memref_squeeze %dma_wait3A_79 : memref<1x128xi32, #tpu.memory_space<vmem>> -> memref<128xi32, #tpu.memory_space<vmem>>
    %dma_wait3A_81 = arith.constant 0 : i32
    %dma_wait3A_82 = arith.constant 0 : i32
    %dma_wait3A_83 = tpu.memref_slice %arg2[%dma_wait3A_81, %dma_wait3A_82] : memref<10000x128xf32, #tpu.memory_space<hbm>> -> memref<10000x128xf32, #tpu.memory_space<hbm>>
    tpu.wait_indirect_dma semaphore(%arg12 : memref<!tpu.dma_semaphore, #tpu.memory_space<semaphore_mem>>) src(%dma_wait3A_83 : memref<10000x128xf32, #tpu.memory_space<hbm>>) dst(%arg9 : memref<128x128xf32, #tpu.memory_space<vmem>>)
    %dma_start3A_84 = arith.constant 0 : i32
    %dma_start3A_85 = tpu.memref_slice %arg8[%mul3A_35, %dma_start3A_84] : memref<40x128xi32, #tpu.memory_space<vmem>> -> memref<1x128xi32, #tpu.memory_space<vmem>>
    %dma_start3A_86 = tpu.memref_squeeze %dma_start3A_85 : memref<1x128xi32, #tpu.memory_space<vmem>> -> memref<128xi32, #tpu.memory_space<vmem>>
    %dma_start3A_87 = arith.constant 0 : i32
    %dma_start3A_88 = arith.constant 0 : i32
    %dma_start3A_89 = tpu.memref_slice %arg11[%dma_start3A_87, %dma_start3A_88] : memref<10112x128xf32, #tpu.memory_space<vmem_shared>> -> memref<10112x128xf32, #tpu.memory_space<vmem_shared>>
    tpu.enqueue_indirect_dma source(%arg9 : memref<128x128xf32, #tpu.memory_space<vmem>>) target(%dma_start3A_89 : memref<10112x128xf32, #tpu.memory_space<vmem_shared>>) offsets(%dma_start3A_86 : memref<128xi32, #tpu.memory_space<vmem>>) semaphore(%arg14 : memref<!tpu.dma_semaphore, #tpu.memory_space<semaphore_mem>>) {add = true}
    %scan3A_90 = arith.constant 19 : i32
    %dma_wait3A_91 = arith.constant 0 : i32
    %dma_wait3A_92 = arith.constant 0 : i32
    %dma_wait3A_93 = tpu.memref_slice %arg7[%dma_wait3A_91, %dma_wait3A_92] : memref<40x128xi32, #tpu.memory_space<vmem>> -> memref<1x128xi32, #tpu.memory_space<vmem>>
    %dma_wait3A_94 = tpu.memref_squeeze %dma_wait3A_93 : memref<1x128xi32, #tpu.memory_space<vmem>> -> memref<128xi32, #tpu.memory_space<vmem>>
    %dma_wait3A_95 = arith.constant 0 : i32
    %dma_wait3A_96 = arith.constant 0 : i32
    %dma_wait3A_97 = tpu.memref_slice %arg2[%dma_wait3A_95, %dma_wait3A_96] : memref<10000x128xf32, #tpu.memory_space<hbm>> -> memref<10000x128xf32, #tpu.memory_space<hbm>>
    tpu.wait_indirect_dma semaphore(%arg13 : memref<!tpu.dma_semaphore, #tpu.memory_space<semaphore_mem>>) src(%dma_wait3A_97 : memref<10000x128xf32, #tpu.memory_space<hbm>>) dst(%arg10 : memref<128x128xf32, #tpu.memory_space<vmem>>)
    %dma_start3A_98 = arith.constant 39 : i32
    %dma_start3A_99 = arith.constant 0 : i32
    %dma_start3A_100 = tpu.memref_slice %arg8[%dma_start3A_98, %dma_start3A_99] : memref<40x128xi32, #tpu.memory_space<vmem>> -> memref<1x128xi32, #tpu.memory_space<vmem>>
    %dma_start3A_101 = tpu.memref_squeeze %dma_start3A_100 : memref<1x128xi32, #tpu.memory_space<vmem>> -> memref<128xi32, #tpu.memory_space<vmem>>
    %dma_start3A_102 = arith.constant 0 : i32
    %dma_start3A_103 = arith.constant 0 : i32
    %dma_start3A_104 = tpu.memref_slice %arg11[%dma_start3A_102, %dma_start3A_103] : memref<10112x128xf32, #tpu.memory_space<vmem_shared>> -> memref<10112x128xf32, #tpu.memory_space<vmem_shared>>
    tpu.enqueue_indirect_dma source(%arg10 : memref<128x128xf32, #tpu.memory_space<vmem>>) target(%dma_start3A_104 : memref<10112x128xf32, #tpu.memory_space<vmem_shared>>) offsets(%dma_start3A_101 : memref<128xi32, #tpu.memory_space<vmem>>) semaphore(%arg15 : memref<!tpu.dma_semaphore, #tpu.memory_space<semaphore_mem>>) {add = true}
    %dma_wait3A_105 = arith.constant 0 : i32
    %dma_wait3A_106 = arith.constant 0 : i32
    %dma_wait3A_107 = tpu.memref_slice %arg8[%dma_wait3A_105, %dma_wait3A_106] : memref<40x128xi32, #tpu.memory_space<vmem>> -> memref<1x128xi32, #tpu.memory_space<vmem>>
    %dma_wait3A_108 = tpu.memref_squeeze %dma_wait3A_107 : memref<1x128xi32, #tpu.memory_space<vmem>> -> memref<128xi32, #tpu.memory_space<vmem>>
    %dma_wait3A_109 = arith.constant 0 : i32
    %dma_wait3A_110 = arith.constant 0 : i32
    %dma_wait3A_111 = tpu.memref_slice %arg11[%dma_wait3A_109, %dma_wait3A_110] : memref<10112x128xf32, #tpu.memory_space<vmem_shared>> -> memref<10112x128xf32, #tpu.memory_space<vmem_shared>>
    tpu.wait_indirect_dma semaphore(%arg14 : memref<!tpu.dma_semaphore, #tpu.memory_space<semaphore_mem>>) src(%arg9 : memref<128x128xf32, #tpu.memory_space<vmem>>) dst(%dma_wait3A_111 : memref<10112x128xf32, #tpu.memory_space<vmem_shared>>)
    %dma_wait3A_112 = arith.constant 0 : i32
    %dma_wait3A_113 = arith.constant 0 : i32
    %dma_wait3A_114 = tpu.memref_slice %arg8[%dma_wait3A_112, %dma_wait3A_113] : memref<40x128xi32, #tpu.memory_space<vmem>> -> memref<1x128xi32, #tpu.memory_space<vmem>>
    %dma_wait3A_115 = tpu.memref_squeeze %dma_wait3A_114 : memref<1x128xi32, #tpu.memory_space<vmem>> -> memref<128xi32, #tpu.memory_space<vmem>>
    %dma_wait3A_116 = arith.constant 0 : i32
    %dma_wait3A_117 = arith.constant 0 : i32
    %dma_wait3A_118 = tpu.memref_slice %arg11[%dma_wait3A_116, %dma_wait3A_117] : memref<10112x128xf32, #tpu.memory_space<vmem_shared>> -> memref<10112x128xf32, #tpu.memory_space<vmem_shared>>
    tpu.wait_indirect_dma semaphore(%arg15 : memref<!tpu.dma_semaphore, #tpu.memory_space<semaphore_mem>>) src(%arg10 : memref<128x128xf32, #tpu.memory_space<vmem>>) dst(%dma_wait3A_118 : memref<10112x128xf32, #tpu.memory_space<vmem_shared>>)
    %run_scoped3A_119 = arith.constant 1 : i32
    "tpu.region"() ({
      %run_scoped3A_248 = tpu.sem_alloc : memref<!tpu.dma_semaphore, #tpu.memory_space<semaphore_mem>>
      %dma_start3A_249 = arith.constant 0 : i32
      %dma_start3A_250 = arith.constant 0 : i32
      %dma_start3A_251 = tpu.memref_slice %arg3[%arg0, %arg1, %run_scoped3A_119, %dma_start3A_249, %dma_start3A_250] : memref<2x16x2x40x128xi32, #tpu.memory_space<hbm>> -> memref<1x1x1x40x128xi32, #tpu.memory_space<hbm>>
      %dma_start3A_252 = tpu.memref_squeeze %dma_start3A_251 : memref<1x1x1x40x128xi32, #tpu.memory_space<hbm>> -> memref<40x128xi32, #tpu.memory_space<hbm>>
      %dma_start3A_253 = arith.constant 0 : i32
      %dma_start3A_254 = arith.constant 0 : i32
      %dma_start3A_255 = tpu.memref_slice %arg3[%arg0, %arg1, %run_scoped3A_119, %dma_start3A_253, %dma_start3A_254] : memref<2x16x2x40x128xi32, #tpu.memory_space<hbm>> -> memref<1x1x1x40x128xi32, #tpu.memory_space<hbm>>
      %dma_start3A_256 = tpu.memref_squeeze %dma_start3A_255 : memref<1x1x1x40x128xi32, #tpu.memory_space<hbm>> -> memref<40x128xi32, #tpu.memory_space<hbm>>
      tpu.enqueue_dma source(%dma_start3A_256 : memref<40x128xi32, #tpu.memory_space<hbm>>) target(%arg7 : memref<40x128xi32, #tpu.memory_space<vmem>>) target_semaphore(%run_scoped3A_248 : memref<!tpu.dma_semaphore, #tpu.memory_space<semaphore_mem>>)
      %dma_wait3A_257 = arith.constant 0 : i32
      %dma_wait3A_258 = arith.constant 0 : i32
      %dma_wait3A_259 = tpu.memref_slice %arg3[%arg0, %arg1, %run_scoped3A_119, %dma_wait3A_257, %dma_wait3A_258] : memref<2x16x2x40x128xi32, #tpu.memory_space<hbm>> -> memref<1x1x1x40x128xi32, #tpu.memory_space<hbm>>
      %dma_wait3A_260 = tpu.memref_squeeze %dma_wait3A_259 : memref<1x1x1x40x128xi32, #tpu.memory_space<hbm>> -> memref<40x128xi32, #tpu.memory_space<hbm>>
      %dma_wait3A_261 = arith.constant 0 : i32
      %dma_wait3A_262 = arith.constant 0 : i32
      %dma_wait3A_263 = tpu.memref_slice %arg3[%arg0, %arg1, %run_scoped3A_119, %dma_wait3A_261, %dma_wait3A_262] : memref<2x16x2x40x128xi32, #tpu.memory_space<hbm>> -> memref<1x1x1x40x128xi32, #tpu.memory_space<hbm>>
      %dma_wait3A_264 = tpu.memref_squeeze %dma_wait3A_263 : memref<1x1x1x40x128xi32, #tpu.memory_space<hbm>> -> memref<40x128xi32, #tpu.memory_space<hbm>>
      tpu.wait_dma2 semaphore(%run_scoped3A_248 : memref<!tpu.dma_semaphore, #tpu.memory_space<semaphore_mem>>) src(%dma_wait3A_264 : memref<40x128xi32, #tpu.memory_space<hbm>>) dst(%arg7 : memref<40x128xi32, #tpu.memory_space<vmem>>)
      tpu.yield
    }) : () -> ()
    %run_scoped3A_120 = arith.constant 1 : i32
    "tpu.region"() ({
      %run_scoped3A_248 = tpu.sem_alloc : memref<!tpu.dma_semaphore, #tpu.memory_space<semaphore_mem>>
      %dma_start3A_249 = arith.constant 0 : i32
      %dma_start3A_250 = arith.constant 0 : i32
      %dma_start3A_251 = tpu.memref_slice %arg4[%arg0, %arg1, %run_scoped3A_120, %dma_start3A_249, %dma_start3A_250] : memref<2x16x2x40x128xi32, #tpu.memory_space<hbm>> -> memref<1x1x1x40x128xi32, #tpu.memory_space<hbm>>
      %dma_start3A_252 = tpu.memref_squeeze %dma_start3A_251 : memref<1x1x1x40x128xi32, #tpu.memory_space<hbm>> -> memref<40x128xi32, #tpu.memory_space<hbm>>
      %dma_start3A_253 = arith.constant 0 : i32
      %dma_start3A_254 = arith.constant 0 : i32
      %dma_start3A_255 = tpu.memref_slice %arg4[%arg0, %arg1, %run_scoped3A_120, %dma_start3A_253, %dma_start3A_254] : memref<2x16x2x40x128xi32, #tpu.memory_space<hbm>> -> memref<1x1x1x40x128xi32, #tpu.memory_space<hbm>>
      %dma_start3A_256 = tpu.memref_squeeze %dma_start3A_255 : memref<1x1x1x40x128xi32, #tpu.memory_space<hbm>> -> memref<40x128xi32, #tpu.memory_space<hbm>>
      tpu.enqueue_dma source(%dma_start3A_256 : memref<40x128xi32, #tpu.memory_space<hbm>>) target(%arg8 : memref<40x128xi32, #tpu.memory_space<vmem>>) target_semaphore(%run_scoped3A_248 : memref<!tpu.dma_semaphore, #tpu.memory_space<semaphore_mem>>)
      %dma_wait3A_257 = arith.constant 0 : i32
      %dma_wait3A_258 = arith.constant 0 : i32
      %dma_wait3A_259 = tpu.memref_slice %arg4[%arg0, %arg1, %run_scoped3A_120, %dma_wait3A_257, %dma_wait3A_258] : memref<2x16x2x40x128xi32, #tpu.memory_space<hbm>> -> memref<1x1x1x40x128xi32, #tpu.memory_space<hbm>>
      %dma_wait3A_260 = tpu.memref_squeeze %dma_wait3A_259 : memref<1x1x1x40x128xi32, #tpu.memory_space<hbm>> -> memref<40x128xi32, #tpu.memory_space<hbm>>
      %dma_wait3A_261 = arith.constant 0 : i32
      %dma_wait3A_262 = arith.constant 0 : i32
      %dma_wait3A_263 = tpu.memref_slice %arg4[%arg0, %arg1, %run_scoped3A_120, %dma_wait3A_261, %dma_wait3A_262] : memref<2x16x2x40x128xi32, #tpu.memory_space<hbm>> -> memref<1x1x1x40x128xi32, #tpu.memory_space<hbm>>
      %dma_wait3A_264 = tpu.memref_squeeze %dma_wait3A_263 : memref<1x1x1x40x128xi32, #tpu.memory_space<hbm>> -> memref<40x128xi32, #tpu.memory_space<hbm>>
      tpu.wait_dma2 semaphore(%run_scoped3A_248 : memref<!tpu.dma_semaphore, #tpu.memory_space<semaphore_mem>>) src(%dma_wait3A_264 : memref<40x128xi32, #tpu.memory_space<hbm>>) dst(%arg8 : memref<40x128xi32, #tpu.memory_space<vmem>>)
      tpu.yield
    }) : () -> ()
    %dma_start3A_121 = arith.constant 0 : i32
    %dma_start3A_122 = arith.constant 0 : i32
    %dma_start3A_123 = tpu.memref_slice %arg7[%dma_start3A_121, %dma_start3A_122] : memref<40x128xi32, #tpu.memory_space<vmem>> -> memref<1x128xi32, #tpu.memory_space<vmem>>
    %dma_start3A_124 = tpu.memref_squeeze %dma_start3A_123 : memref<1x128xi32, #tpu.memory_space<vmem>> -> memref<128xi32, #tpu.memory_space<vmem>>
    %dma_start3A_125 = arith.constant 0 : i32
    %dma_start3A_126 = arith.constant 0 : i32
    %dma_start3A_127 = tpu.memref_slice %arg2[%dma_start3A_125, %dma_start3A_126] : memref<10000x128xf32, #tpu.memory_space<hbm>> -> memref<10000x128xf32, #tpu.memory_space<hbm>>
    tpu.enqueue_indirect_dma source(%dma_start3A_127 : memref<10000x128xf32, #tpu.memory_space<hbm>>) target(%arg9 : memref<128x128xf32, #tpu.memory_space<vmem>>) offsets(%dma_start3A_124 : memref<128xi32, #tpu.memory_space<vmem>>) semaphore(%arg12 : memref<!tpu.dma_semaphore, #tpu.memory_space<semaphore_mem>>)
    %dma_start3A_128 = arith.constant 1 : i32
    %dma_start3A_129 = arith.constant 0 : i32
    %dma_start3A_130 = tpu.memref_slice %arg7[%dma_start3A_128, %dma_start3A_129] : memref<40x128xi32, #tpu.memory_space<vmem>> -> memref<1x128xi32, #tpu.memory_space<vmem>>
    %dma_start3A_131 = tpu.memref_squeeze %dma_start3A_130 : memref<1x128xi32, #tpu.memory_space<vmem>> -> memref<128xi32, #tpu.memory_space<vmem>>
    %dma_start3A_132 = arith.constant 0 : i32
    %dma_start3A_133 = arith.constant 0 : i32
    %dma_start3A_134 = tpu.memref_slice %arg2[%dma_start3A_132, %dma_start3A_133] : memref<10000x128xf32, #tpu.memory_space<hbm>> -> memref<10000x128xf32, #tpu.memory_space<hbm>>
    tpu.enqueue_indirect_dma source(%dma_start3A_134 : memref<10000x128xf32, #tpu.memory_space<hbm>>) target(%arg10 : memref<128x128xf32, #tpu.memory_space<vmem>>) offsets(%dma_start3A_131 : memref<128xi32, #tpu.memory_space<vmem>>) semaphore(%arg13 : memref<!tpu.dma_semaphore, #tpu.memory_space<semaphore_mem>>)
    %dma_wait3A_135 = arith.constant 0 : i32
    %dma_wait3A_136 = arith.constant 0 : i32
    %dma_wait3A_137 = tpu.memref_slice %arg7[%dma_wait3A_135, %dma_wait3A_136] : memref<40x128xi32, #tpu.memory_space<vmem>> -> memref<1x128xi32, #tpu.memory_space<vmem>>
    %dma_wait3A_138 = tpu.memref_squeeze %dma_wait3A_137 : memref<1x128xi32, #tpu.memory_space<vmem>> -> memref<128xi32, #tpu.memory_space<vmem>>
    %dma_wait3A_139 = arith.constant 0 : i32
    %dma_wait3A_140 = arith.constant 0 : i32
    %dma_wait3A_141 = tpu.memref_slice %arg2[%dma_wait3A_139, %dma_wait3A_140] : memref<10000x128xf32, #tpu.memory_space<hbm>> -> memref<10000x128xf32, #tpu.memory_space<hbm>>
    tpu.wait_indirect_dma semaphore(%arg12 : memref<!tpu.dma_semaphore, #tpu.memory_space<semaphore_mem>>) src(%dma_wait3A_141 : memref<10000x128xf32, #tpu.memory_space<hbm>>) dst(%arg9 : memref<128x128xf32, #tpu.memory_space<vmem>>)
    %dma_start3A_142 = arith.constant 0 : i32
    %dma_start3A_143 = arith.constant 0 : i32
    %dma_start3A_144 = tpu.memref_slice %arg8[%dma_start3A_142, %dma_start3A_143] : memref<40x128xi32, #tpu.memory_space<vmem>> -> memref<1x128xi32, #tpu.memory_space<vmem>>
    %dma_start3A_145 = tpu.memref_squeeze %dma_start3A_144 : memref<1x128xi32, #tpu.memory_space<vmem>> -> memref<128xi32, #tpu.memory_space<vmem>>
    %dma_start3A_146 = arith.constant 0 : i32
    %dma_start3A_147 = arith.constant 0 : i32
    %dma_start3A_148 = tpu.memref_slice %arg11[%dma_start3A_146, %dma_start3A_147] : memref<10112x128xf32, #tpu.memory_space<vmem_shared>> -> memref<10112x128xf32, #tpu.memory_space<vmem_shared>>
    tpu.enqueue_indirect_dma source(%arg9 : memref<128x128xf32, #tpu.memory_space<vmem>>) target(%dma_start3A_148 : memref<10112x128xf32, #tpu.memory_space<vmem_shared>>) offsets(%dma_start3A_145 : memref<128xi32, #tpu.memory_space<vmem>>) semaphore(%arg14 : memref<!tpu.dma_semaphore, #tpu.memory_space<semaphore_mem>>) {add = true}
    %scan3A_149 = arith.constant 0 : i32
    %scan3A_150 = arith.constant 1 : i32
    %scan3A_151 = arith.constant 18 : i32
    %scan3A_152 = arith.addi %scan3A_150, %scan3A_151 : i32
    %scan3A_153 = arith.constant 2 : i32
    scf.for %scan3A_248 = %scan3A_150 to %scan3A_152 step %scan3A_153  : i32 {
      %mul3A_249 = arith.constant 2 : i32
      %mul3A_250 = arith.muli %mul3A_249, %scan3A_248 : i32
      %dma_wait3A_251 = arith.constant 0 : i32
      %dma_wait3A_252 = arith.constant 0 : i32
      %dma_wait3A_253 = tpu.memref_slice %arg8[%dma_wait3A_251, %dma_wait3A_252] : memref<40x128xi32, #tpu.memory_space<vmem>> -> memref<1x128xi32, #tpu.memory_space<vmem>>
      %dma_wait3A_254 = tpu.memref_squeeze %dma_wait3A_253 : memref<1x128xi32, #tpu.memory_space<vmem>> -> memref<128xi32, #tpu.memory_space<vmem>>
      %dma_wait3A_255 = arith.constant 0 : i32
      %dma_wait3A_256 = arith.constant 0 : i32
      %dma_wait3A_257 = tpu.memref_slice %arg11[%dma_wait3A_255, %dma_wait3A_256] : memref<10112x128xf32, #tpu.memory_space<vmem_shared>> -> memref<10112x128xf32, #tpu.memory_space<vmem_shared>>
      tpu.wait_indirect_dma semaphore(%arg14 : memref<!tpu.dma_semaphore, #tpu.memory_space<semaphore_mem>>) src(%arg9 : memref<128x128xf32, #tpu.memory_space<vmem>>) dst(%dma_wait3A_257 : memref<10112x128xf32, #tpu.memory_space<vmem_shared>>)
      %dma_start3A_258 = arith.constant 0 : i32
      %dma_start3A_259 = tpu.memref_slice %arg7[%mul3A_250, %dma_start3A_258] : memref<40x128xi32, #tpu.memory_space<vmem>> -> memref<1x128xi32, #tpu.memory_space<vmem>>
      %dma_start3A_260 = tpu.memref_squeeze %dma_start3A_259 : memref<1x128xi32, #tpu.memory_space<vmem>> -> memref<128xi32, #tpu.memory_space<vmem>>
      %dma_start3A_261 = arith.constant 0 : i32
      %dma_start3A_262 = arith.constant 0 : i32
      %dma_start3A_263 = tpu.memref_slice %arg2[%dma_start3A_261, %dma_start3A_262] : memref<10000x128xf32, #tpu.memory_space<hbm>> -> memref<10000x128xf32, #tpu.memory_space<hbm>>
      tpu.enqueue_indirect_dma source(%dma_start3A_263 : memref<10000x128xf32, #tpu.memory_space<hbm>>) target(%arg9 : memref<128x128xf32, #tpu.memory_space<vmem>>) offsets(%dma_start3A_260 : memref<128xi32, #tpu.memory_space<vmem>>) semaphore(%arg12 : memref<!tpu.dma_semaphore, #tpu.memory_space<semaphore_mem>>)
      %dma_wait3A_264 = arith.constant 0 : i32
      %dma_wait3A_265 = arith.constant 0 : i32
      %dma_wait3A_266 = tpu.memref_slice %arg7[%dma_wait3A_264, %dma_wait3A_265] : memref<40x128xi32, #tpu.memory_space<vmem>> -> memref<1x128xi32, #tpu.memory_space<vmem>>
      %dma_wait3A_267 = tpu.memref_squeeze %dma_wait3A_266 : memref<1x128xi32, #tpu.memory_space<vmem>> -> memref<128xi32, #tpu.memory_space<vmem>>
      %dma_wait3A_268 = arith.constant 0 : i32
      %dma_wait3A_269 = arith.constant 0 : i32
      %dma_wait3A_270 = tpu.memref_slice %arg2[%dma_wait3A_268, %dma_wait3A_269] : memref<10000x128xf32, #tpu.memory_space<hbm>> -> memref<10000x128xf32, #tpu.memory_space<hbm>>
      tpu.wait_indirect_dma semaphore(%arg13 : memref<!tpu.dma_semaphore, #tpu.memory_space<semaphore_mem>>) src(%dma_wait3A_270 : memref<10000x128xf32, #tpu.memory_space<hbm>>) dst(%arg10 : memref<128x128xf32, #tpu.memory_space<vmem>>)
      %sub3A_271 = arith.constant 1 : i32
      %sub3A_272 = arith.subi %mul3A_250, %sub3A_271 : i32
      %dma_start3A_273 = arith.constant 0 : i32
      %dma_start3A_274 = tpu.memref_slice %arg8[%sub3A_272, %dma_start3A_273] : memref<40x128xi32, #tpu.memory_space<vmem>> -> memref<1x128xi32, #tpu.memory_space<vmem>>
      %dma_start3A_275 = tpu.memref_squeeze %dma_start3A_274 : memref<1x128xi32, #tpu.memory_space<vmem>> -> memref<128xi32, #tpu.memory_space<vmem>>
      %dma_start3A_276 = arith.constant 0 : i32
      %dma_start3A_277 = arith.constant 0 : i32
      %dma_start3A_278 = tpu.memref_slice %arg11[%dma_start3A_276, %dma_start3A_277] : memref<10112x128xf32, #tpu.memory_space<vmem_shared>> -> memref<10112x128xf32, #tpu.memory_space<vmem_shared>>
      tpu.enqueue_indirect_dma source(%arg10 : memref<128x128xf32, #tpu.memory_space<vmem>>) target(%dma_start3A_278 : memref<10112x128xf32, #tpu.memory_space<vmem_shared>>) offsets(%dma_start3A_275 : memref<128xi32, #tpu.memory_space<vmem>>) semaphore(%arg15 : memref<!tpu.dma_semaphore, #tpu.memory_space<semaphore_mem>>) {add = true}
      %dma_wait3A_279 = arith.constant 0 : i32
      %dma_wait3A_280 = arith.constant 0 : i32
      %dma_wait3A_281 = tpu.memref_slice %arg8[%dma_wait3A_279, %dma_wait3A_280] : memref<40x128xi32, #tpu.memory_space<vmem>> -> memref<1x128xi32, #tpu.memory_space<vmem>>
      %dma_wait3A_282 = tpu.memref_squeeze %dma_wait3A_281 : memref<1x128xi32, #tpu.memory_space<vmem>> -> memref<128xi32, #tpu.memory_space<vmem>>
      %dma_wait3A_283 = arith.constant 0 : i32
      %dma_wait3A_284 = arith.constant 0 : i32
      %dma_wait3A_285 = tpu.memref_slice %arg11[%dma_wait3A_283, %dma_wait3A_284] : memref<10112x128xf32, #tpu.memory_space<vmem_shared>> -> memref<10112x128xf32, #tpu.memory_space<vmem_shared>>
      tpu.wait_indirect_dma semaphore(%arg15 : memref<!tpu.dma_semaphore, #tpu.memory_space<semaphore_mem>>) src(%arg10 : memref<128x128xf32, #tpu.memory_space<vmem>>) dst(%dma_wait3A_285 : memref<10112x128xf32, #tpu.memory_space<vmem_shared>>)
      %add3A_286 = arith.constant 1 : i32
      %add3A_287 = arith.addi %mul3A_250, %add3A_286 : i32
      %dma_start3A_288 = arith.constant 0 : i32
      %dma_start3A_289 = tpu.memref_slice %arg7[%add3A_287, %dma_start3A_288] : memref<40x128xi32, #tpu.memory_space<vmem>> -> memref<1x128xi32, #tpu.memory_space<vmem>>
      %dma_start3A_290 = tpu.memref_squeeze %dma_start3A_289 : memref<1x128xi32, #tpu.memory_space<vmem>> -> memref<128xi32, #tpu.memory_space<vmem>>
      %dma_start3A_291 = arith.constant 0 : i32
      %dma_start3A_292 = arith.constant 0 : i32
      %dma_start3A_293 = tpu.memref_slice %arg2[%dma_start3A_291, %dma_start3A_292] : memref<10000x128xf32, #tpu.memory_space<hbm>> -> memref<10000x128xf32, #tpu.memory_space<hbm>>
      tpu.enqueue_indirect_dma source(%dma_start3A_293 : memref<10000x128xf32, #tpu.memory_space<hbm>>) target(%arg10 : memref<128x128xf32, #tpu.memory_space<vmem>>) offsets(%dma_start3A_290 : memref<128xi32, #tpu.memory_space<vmem>>) semaphore(%arg13 : memref<!tpu.dma_semaphore, #tpu.memory_space<semaphore_mem>>)
      %dma_wait3A_294 = arith.constant 0 : i32
      %dma_wait3A_295 = arith.constant 0 : i32
      %dma_wait3A_296 = tpu.memref_slice %arg7[%dma_wait3A_294, %dma_wait3A_295] : memref<40x128xi32, #tpu.memory_space<vmem>> -> memref<1x128xi32, #tpu.memory_space<vmem>>
      %dma_wait3A_297 = tpu.memref_squeeze %dma_wait3A_296 : memref<1x128xi32, #tpu.memory_space<vmem>> -> memref<128xi32, #tpu.memory_space<vmem>>
      %dma_wait3A_298 = arith.constant 0 : i32
      %dma_wait3A_299 = arith.constant 0 : i32
      %dma_wait3A_300 = tpu.memref_slice %arg2[%dma_wait3A_298, %dma_wait3A_299] : memref<10000x128xf32, #tpu.memory_space<hbm>> -> memref<10000x128xf32, #tpu.memory_space<hbm>>
      tpu.wait_indirect_dma semaphore(%arg12 : memref<!tpu.dma_semaphore, #tpu.memory_space<semaphore_mem>>) src(%dma_wait3A_300 : memref<10000x128xf32, #tpu.memory_space<hbm>>) dst(%arg9 : memref<128x128xf32, #tpu.memory_space<vmem>>)
      %dma_start3A_301 = arith.constant 0 : i32
      %dma_start3A_302 = tpu.memref_slice %arg8[%mul3A_250, %dma_start3A_301] : memref<40x128xi32, #tpu.memory_space<vmem>> -> memref<1x128xi32, #tpu.memory_space<vmem>>
      %dma_start3A_303 = tpu.memref_squeeze %dma_start3A_302 : memref<1x128xi32, #tpu.memory_space<vmem>> -> memref<128xi32, #tpu.memory_space<vmem>>
      %dma_start3A_304 = arith.constant 0 : i32
      %dma_start3A_305 = arith.constant 0 : i32
      %dma_start3A_306 = tpu.memref_slice %arg11[%dma_start3A_304, %dma_start3A_305] : memref<10112x128xf32, #tpu.memory_space<vmem_shared>> -> memref<10112x128xf32, #tpu.memory_space<vmem_shared>>
      tpu.enqueue_indirect_dma source(%arg9 : memref<128x128xf32, #tpu.memory_space<vmem>>) target(%dma_start3A_306 : memref<10112x128xf32, #tpu.memory_space<vmem_shared>>) offsets(%dma_start3A_303 : memref<128xi32, #tpu.memory_space<vmem>>) semaphore(%arg14 : memref<!tpu.dma_semaphore, #tpu.memory_space<semaphore_mem>>) {add = true}
      %scan3A_307 = arith.constant 1 : i32
      %scan3A_308 = arith.addi %scan3A_248, %scan3A_307 : i32
      %mul3A_309 = arith.constant 2 : i32
      %mul3A_310 = arith.muli %mul3A_309, %scan3A_308 : i32
      %dma_wait3A_311 = arith.constant 0 : i32
      %dma_wait3A_312 = arith.constant 0 : i32
      %dma_wait3A_313 = tpu.memref_slice %arg8[%dma_wait3A_311, %dma_wait3A_312] : memref<40x128xi32, #tpu.memory_space<vmem>> -> memref<1x128xi32, #tpu.memory_space<vmem>>
      %dma_wait3A_314 = tpu.memref_squeeze %dma_wait3A_313 : memref<1x128xi32, #tpu.memory_space<vmem>> -> memref<128xi32, #tpu.memory_space<vmem>>
      %dma_wait3A_315 = arith.constant 0 : i32
      %dma_wait3A_316 = arith.constant 0 : i32
      %dma_wait3A_317 = tpu.memref_slice %arg11[%dma_wait3A_315, %dma_wait3A_316] : memref<10112x128xf32, #tpu.memory_space<vmem_shared>> -> memref<10112x128xf32, #tpu.memory_space<vmem_shared>>
      tpu.wait_indirect_dma semaphore(%arg14 : memref<!tpu.dma_semaphore, #tpu.memory_space<semaphore_mem>>) src(%arg9 : memref<128x128xf32, #tpu.memory_space<vmem>>) dst(%dma_wait3A_317 : memref<10112x128xf32, #tpu.memory_space<vmem_shared>>)
      %dma_start3A_318 = arith.constant 0 : i32
      %dma_start3A_319 = tpu.memref_slice %arg7[%mul3A_310, %dma_start3A_318] : memref<40x128xi32, #tpu.memory_space<vmem>> -> memref<1x128xi32, #tpu.memory_space<vmem>>
      %dma_start3A_320 = tpu.memref_squeeze %dma_start3A_319 : memref<1x128xi32, #tpu.memory_space<vmem>> -> memref<128xi32, #tpu.memory_space<vmem>>
      %dma_start3A_321 = arith.constant 0 : i32
      %dma_start3A_322 = arith.constant 0 : i32
      %dma_start3A_323 = tpu.memref_slice %arg2[%dma_start3A_321, %dma_start3A_322] : memref<10000x128xf32, #tpu.memory_space<hbm>> -> memref<10000x128xf32, #tpu.memory_space<hbm>>
      tpu.enqueue_indirect_dma source(%dma_start3A_323 : memref<10000x128xf32, #tpu.memory_space<hbm>>) target(%arg9 : memref<128x128xf32, #tpu.memory_space<vmem>>) offsets(%dma_start3A_320 : memref<128xi32, #tpu.memory_space<vmem>>) semaphore(%arg12 : memref<!tpu.dma_semaphore, #tpu.memory_space<semaphore_mem>>)
      %dma_wait3A_324 = arith.constant 0 : i32
      %dma_wait3A_325 = arith.constant 0 : i32
      %dma_wait3A_326 = tpu.memref_slice %arg7[%dma_wait3A_324, %dma_wait3A_325] : memref<40x128xi32, #tpu.memory_space<vmem>> -> memref<1x128xi32, #tpu.memory_space<vmem>>
      %dma_wait3A_327 = tpu.memref_squeeze %dma_wait3A_326 : memref<1x128xi32, #tpu.memory_space<vmem>> -> memref<128xi32, #tpu.memory_space<vmem>>
      %dma_wait3A_328 = arith.constant 0 : i32
      %dma_wait3A_329 = arith.constant 0 : i32
      %dma_wait3A_330 = tpu.memref_slice %arg2[%dma_wait3A_328, %dma_wait3A_329] : memref<10000x128xf32, #tpu.memory_space<hbm>> -> memref<10000x128xf32, #tpu.memory_space<hbm>>
      tpu.wait_indirect_dma semaphore(%arg13 : memref<!tpu.dma_semaphore, #tpu.memory_space<semaphore_mem>>) src(%dma_wait3A_330 : memref<10000x128xf32, #tpu.memory_space<hbm>>) dst(%arg10 : memref<128x128xf32, #tpu.memory_space<vmem>>)
      %sub3A_331 = arith.constant 1 : i32
      %sub3A_332 = arith.subi %mul3A_310, %sub3A_331 : i32
      %dma_start3A_333 = arith.constant 0 : i32
      %dma_start3A_334 = tpu.memref_slice %arg8[%sub3A_332, %dma_start3A_333] : memref<40x128xi32, #tpu.memory_space<vmem>> -> memref<1x128xi32, #tpu.memory_space<vmem>>
      %dma_start3A_335 = tpu.memref_squeeze %dma_start3A_334 : memref<1x128xi32, #tpu.memory_space<vmem>> -> memref<128xi32, #tpu.memory_space<vmem>>
      %dma_start3A_336 = arith.constant 0 : i32
      %dma_start3A_337 = arith.constant 0 : i32
      %dma_start3A_338 = tpu.memref_slice %arg11[%dma_start3A_336, %dma_start3A_337] : memref<10112x128xf32, #tpu.memory_space<vmem_shared>> -> memref<10112x128xf32, #tpu.memory_space<vmem_shared>>
      tpu.enqueue_indirect_dma source(%arg10 : memref<128x128xf32, #tpu.memory_space<vmem>>) target(%dma_start3A_338 : memref<10112x128xf32, #tpu.memory_space<vmem_shared>>) offsets(%dma_start3A_335 : memref<128xi32, #tpu.memory_space<vmem>>) semaphore(%arg15 : memref<!tpu.dma_semaphore, #tpu.memory_space<semaphore_mem>>) {add = true}
      %dma_wait3A_339 = arith.constant 0 : i32
      %dma_wait3A_340 = arith.constant 0 : i32
      %dma_wait3A_341 = tpu.memref_slice %arg8[%dma_wait3A_339, %dma_wait3A_340] : memref<40x128xi32, #tpu.memory_space<vmem>> -> memref<1x128xi32, #tpu.memory_space<vmem>>
      %dma_wait3A_342 = tpu.memref_squeeze %dma_wait3A_341 : memref<1x128xi32, #tpu.memory_space<vmem>> -> memref<128xi32, #tpu.memory_space<vmem>>
      %dma_wait3A_343 = arith.constant 0 : i32
      %dma_wait3A_344 = arith.constant 0 : i32
      %dma_wait3A_345 = tpu.memref_slice %arg11[%dma_wait3A_343, %dma_wait3A_344] : memref<10112x128xf32, #tpu.memory_space<vmem_shared>> -> memref<10112x128xf32, #tpu.memory_space<vmem_shared>>
      tpu.wait_indirect_dma semaphore(%arg15 : memref<!tpu.dma_semaphore, #tpu.memory_space<semaphore_mem>>) src(%arg10 : memref<128x128xf32, #tpu.memory_space<vmem>>) dst(%dma_wait3A_345 : memref<10112x128xf32, #tpu.memory_space<vmem_shared>>)
      %add3A_346 = arith.constant 1 : i32
      %add3A_347 = arith.addi %mul3A_310, %add3A_346 : i32
      %dma_start3A_348 = arith.constant 0 : i32
      %dma_start3A_349 = tpu.memref_slice %arg7[%add3A_347, %dma_start3A_348] : memref<40x128xi32, #tpu.memory_space<vmem>> -> memref<1x128xi32, #tpu.memory_space<vmem>>
      %dma_start3A_350 = tpu.memref_squeeze %dma_start3A_349 : memref<1x128xi32, #tpu.memory_space<vmem>> -> memref<128xi32, #tpu.memory_space<vmem>>
      %dma_start3A_351 = arith.constant 0 : i32
      %dma_start3A_352 = arith.constant 0 : i32
      %dma_start3A_353 = tpu.memref_slice %arg2[%dma_start3A_351, %dma_start3A_352] : memref<10000x128xf32, #tpu.memory_space<hbm>> -> memref<10000x128xf32, #tpu.memory_space<hbm>>
      tpu.enqueue_indirect_dma source(%dma_start3A_353 : memref<10000x128xf32, #tpu.memory_space<hbm>>) target(%arg10 : memref<128x128xf32, #tpu.memory_space<vmem>>) offsets(%dma_start3A_350 : memref<128xi32, #tpu.memory_space<vmem>>) semaphore(%arg13 : memref<!tpu.dma_semaphore, #tpu.memory_space<semaphore_mem>>)
      %dma_wait3A_354 = arith.constant 0 : i32
      %dma_wait3A_355 = arith.constant 0 : i32
      %dma_wait3A_356 = tpu.memref_slice %arg7[%dma_wait3A_354, %dma_wait3A_355] : memref<40x128xi32, #tpu.memory_space<vmem>> -> memref<1x128xi32, #tpu.memory_space<vmem>>
      %dma_wait3A_357 = tpu.memref_squeeze %dma_wait3A_356 : memref<1x128xi32, #tpu.memory_space<vmem>> -> memref<128xi32, #tpu.memory_space<vmem>>
      %dma_wait3A_358 = arith.constant 0 : i32
      %dma_wait3A_359 = arith.constant 0 : i32
      %dma_wait3A_360 = tpu.memref_slice %arg2[%dma_wait3A_358, %dma_wait3A_359] : memref<10000x128xf32, #tpu.memory_space<hbm>> -> memref<10000x128xf32, #tpu.memory_space<hbm>>
      tpu.wait_indirect_dma semaphore(%arg12 : memref<!tpu.dma_semaphore, #tpu.memory_space<semaphore_mem>>) src(%dma_wait3A_360 : memref<10000x128xf32, #tpu.memory_space<hbm>>) dst(%arg9 : memref<128x128xf32, #tpu.memory_space<vmem>>)
      %dma_start3A_361 = arith.constant 0 : i32
      %dma_start3A_362 = tpu.memref_slice %arg8[%mul3A_310, %dma_start3A_361] : memref<40x128xi32, #tpu.memory_space<vmem>> -> memref<1x128xi32, #tpu.memory_space<vmem>>
      %dma_start3A_363 = tpu.memref_squeeze %dma_start3A_362 : memref<1x128xi32, #tpu.memory_space<vmem>> -> memref<128xi32, #tpu.memory_space<vmem>>
      %dma_start3A_364 = arith.constant 0 : i32
      %dma_start3A_365 = arith.constant 0 : i32
      %dma_start3A_366 = tpu.memref_slice %arg11[%dma_start3A_364, %dma_start3A_365] : memref<10112x128xf32, #tpu.memory_space<vmem_shared>> -> memref<10112x128xf32, #tpu.memory_space<vmem_shared>>
      tpu.enqueue_indirect_dma source(%arg9 : memref<128x128xf32, #tpu.memory_space<vmem>>) target(%dma_start3A_366 : memref<10112x128xf32, #tpu.memory_space<vmem_shared>>) offsets(%dma_start3A_363 : memref<128xi32, #tpu.memory_space<vmem>>) semaphore(%arg14 : memref<!tpu.dma_semaphore, #tpu.memory_space<semaphore_mem>>) {add = true}
    }
    %scan3A_154 = arith.constant 18 : i32
    %scan3A_155 = arith.addi %scan3A_150, %scan3A_154 : i32
    %mul3A_156 = arith.constant 2 : i32
    %mul3A_157 = arith.muli %mul3A_156, %scan3A_155 : i32
    %dma_wait3A_158 = arith.constant 0 : i32
    %dma_wait3A_159 = arith.constant 0 : i32
    %dma_wait3A_160 = tpu.memref_slice %arg8[%dma_wait3A_158, %dma_wait3A_159] : memref<40x128xi32, #tpu.memory_space<vmem>> -> memref<1x128xi32, #tpu.memory_space<vmem>>
    %dma_wait3A_161 = tpu.memref_squeeze %dma_wait3A_160 : memref<1x128xi32, #tpu.memory_space<vmem>> -> memref<128xi32, #tpu.memory_space<vmem>>
    %dma_wait3A_162 = arith.constant 0 : i32
    %dma_wait3A_163 = arith.constant 0 : i32
    %dma_wait3A_164 = tpu.memref_slice %arg11[%dma_wait3A_162, %dma_wait3A_163] : memref<10112x128xf32, #tpu.memory_space<vmem_shared>> -> memref<10112x128xf32, #tpu.memory_space<vmem_shared>>
    tpu.wait_indirect_dma semaphore(%arg14 : memref<!tpu.dma_semaphore, #tpu.memory_space<semaphore_mem>>) src(%arg9 : memref<128x128xf32, #tpu.memory_space<vmem>>) dst(%dma_wait3A_164 : memref<10112x128xf32, #tpu.memory_space<vmem_shared>>)
    %dma_start3A_165 = arith.constant 0 : i32
    %dma_start3A_166 = tpu.memref_slice %arg7[%mul3A_157, %dma_start3A_165] : memref<40x128xi32, #tpu.memory_space<vmem>> -> memref<1x128xi32, #tpu.memory_space<vmem>>
    %dma_start3A_167 = tpu.memref_squeeze %dma_start3A_166 : memref<1x128xi32, #tpu.memory_space<vmem>> -> memref<128xi32, #tpu.memory_space<vmem>>
    %dma_start3A_168 = arith.constant 0 : i32
    %dma_start3A_169 = arith.constant 0 : i32
    %dma_start3A_170 = tpu.memref_slice %arg2[%dma_start3A_168, %dma_start3A_169] : memref<10000x128xf32, #tpu.memory_space<hbm>> -> memref<10000x128xf32, #tpu.memory_space<hbm>>
    tpu.enqueue_indirect_dma source(%dma_start3A_170 : memref<10000x128xf32, #tpu.memory_space<hbm>>) target(%arg9 : memref<128x128xf32, #tpu.memory_space<vmem>>) offsets(%dma_start3A_167 : memref<128xi32, #tpu.memory_space<vmem>>) semaphore(%arg12 : memref<!tpu.dma_semaphore, #tpu.memory_space<semaphore_mem>>)
    %dma_wait3A_171 = arith.constant 0 : i32
    %dma_wait3A_172 = arith.constant 0 : i32
    %dma_wait3A_173 = tpu.memref_slice %arg7[%dma_wait3A_171, %dma_wait3A_172] : memref<40x128xi32, #tpu.memory_space<vmem>> -> memref<1x128xi32, #tpu.memory_space<vmem>>
    %dma_wait3A_174 = tpu.memref_squeeze %dma_wait3A_173 : memref<1x128xi32, #tpu.memory_space<vmem>> -> memref<128xi32, #tpu.memory_space<vmem>>
    %dma_wait3A_175 = arith.constant 0 : i32
    %dma_wait3A_176 = arith.constant 0 : i32
    %dma_wait3A_177 = tpu.memref_slice %arg2[%dma_wait3A_175, %dma_wait3A_176] : memref<10000x128xf32, #tpu.memory_space<hbm>> -> memref<10000x128xf32, #tpu.memory_space<hbm>>
    tpu.wait_indirect_dma semaphore(%arg13 : memref<!tpu.dma_semaphore, #tpu.memory_space<semaphore_mem>>) src(%dma_wait3A_177 : memref<10000x128xf32, #tpu.memory_space<hbm>>) dst(%arg10 : memref<128x128xf32, #tpu.memory_space<vmem>>)
    %sub3A_178 = arith.constant 1 : i32
    %sub3A_179 = arith.subi %mul3A_157, %sub3A_178 : i32
    %dma_start3A_180 = arith.constant 0 : i32
    %dma_start3A_181 = tpu.memref_slice %arg8[%sub3A_179, %dma_start3A_180] : memref<40x128xi32, #tpu.memory_space<vmem>> -> memref<1x128xi32, #tpu.memory_space<vmem>>
    %dma_start3A_182 = tpu.memref_squeeze %dma_start3A_181 : memref<1x128xi32, #tpu.memory_space<vmem>> -> memref<128xi32, #tpu.memory_space<vmem>>
    %dma_start3A_183 = arith.constant 0 : i32
    %dma_start3A_184 = arith.constant 0 : i32
    %dma_start3A_185 = tpu.memref_slice %arg11[%dma_start3A_183, %dma_start3A_184] : memref<10112x128xf32, #tpu.memory_space<vmem_shared>> -> memref<10112x128xf32, #tpu.memory_space<vmem_shared>>
    tpu.enqueue_indirect_dma source(%arg10 : memref<128x128xf32, #tpu.memory_space<vmem>>) target(%dma_start3A_185 : memref<10112x128xf32, #tpu.memory_space<vmem_shared>>) offsets(%dma_start3A_182 : memref<128xi32, #tpu.memory_space<vmem>>) semaphore(%arg15 : memref<!tpu.dma_semaphore, #tpu.memory_space<semaphore_mem>>) {add = true}
    %dma_wait3A_186 = arith.constant 0 : i32
    %dma_wait3A_187 = arith.constant 0 : i32
    %dma_wait3A_188 = tpu.memref_slice %arg8[%dma_wait3A_186, %dma_wait3A_187] : memref<40x128xi32, #tpu.memory_space<vmem>> -> memref<1x128xi32, #tpu.memory_space<vmem>>
    %dma_wait3A_189 = tpu.memref_squeeze %dma_wait3A_188 : memref<1x128xi32, #tpu.memory_space<vmem>> -> memref<128xi32, #tpu.memory_space<vmem>>
    %dma_wait3A_190 = arith.constant 0 : i32
    %dma_wait3A_191 = arith.constant 0 : i32
    %dma_wait3A_192 = tpu.memref_slice %arg11[%dma_wait3A_190, %dma_wait3A_191] : memref<10112x128xf32, #tpu.memory_space<vmem_shared>> -> memref<10112x128xf32, #tpu.memory_space<vmem_shared>>
    tpu.wait_indirect_dma semaphore(%arg15 : memref<!tpu.dma_semaphore, #tpu.memory_space<semaphore_mem>>) src(%arg10 : memref<128x128xf32, #tpu.memory_space<vmem>>) dst(%dma_wait3A_192 : memref<10112x128xf32, #tpu.memory_space<vmem_shared>>)
    %add3A_193 = arith.constant 1 : i32
    %add3A_194 = arith.addi %mul3A_157, %add3A_193 : i32
    %dma_start3A_195 = arith.constant 0 : i32
    %dma_start3A_196 = tpu.memref_slice %arg7[%add3A_194, %dma_start3A_195] : memref<40x128xi32, #tpu.memory_space<vmem>> -> memref<1x128xi32, #tpu.memory_space<vmem>>
    %dma_start3A_197 = tpu.memref_squeeze %dma_start3A_196 : memref<1x128xi32, #tpu.memory_space<vmem>> -> memref<128xi32, #tpu.memory_space<vmem>>
    %dma_start3A_198 = arith.constant 0 : i32
    %dma_start3A_199 = arith.constant 0 : i32
    %dma_start3A_200 = tpu.memref_slice %arg2[%dma_start3A_198, %dma_start3A_199] : memref<10000x128xf32, #tpu.memory_space<hbm>> -> memref<10000x128xf32, #tpu.memory_space<hbm>>
    tpu.enqueue_indirect_dma source(%dma_start3A_200 : memref<10000x128xf32, #tpu.memory_space<hbm>>) target(%arg10 : memref<128x128xf32, #tpu.memory_space<vmem>>) offsets(%dma_start3A_197 : memref<128xi32, #tpu.memory_space<vmem>>) semaphore(%arg13 : memref<!tpu.dma_semaphore, #tpu.memory_space<semaphore_mem>>)
    %dma_wait3A_201 = arith.constant 0 : i32
    %dma_wait3A_202 = arith.constant 0 : i32
    %dma_wait3A_203 = tpu.memref_slice %arg7[%dma_wait3A_201, %dma_wait3A_202] : memref<40x128xi32, #tpu.memory_space<vmem>> -> memref<1x128xi32, #tpu.memory_space<vmem>>
    %dma_wait3A_204 = tpu.memref_squeeze %dma_wait3A_203 : memref<1x128xi32, #tpu.memory_space<vmem>> -> memref<128xi32, #tpu.memory_space<vmem>>
    %dma_wait3A_205 = arith.constant 0 : i32
    %dma_wait3A_206 = arith.constant 0 : i32
    %dma_wait3A_207 = tpu.memref_slice %arg2[%dma_wait3A_205, %dma_wait3A_206] : memref<10000x128xf32, #tpu.memory_space<hbm>> -> memref<10000x128xf32, #tpu.memory_space<hbm>>
    tpu.wait_indirect_dma semaphore(%arg12 : memref<!tpu.dma_semaphore, #tpu.memory_space<semaphore_mem>>) src(%dma_wait3A_207 : memref<10000x128xf32, #tpu.memory_space<hbm>>) dst(%arg9 : memref<128x128xf32, #tpu.memory_space<vmem>>)
    %dma_start3A_208 = arith.constant 0 : i32
    %dma_start3A_209 = tpu.memref_slice %arg8[%mul3A_157, %dma_start3A_208] : memref<40x128xi32, #tpu.memory_space<vmem>> -> memref<1x128xi32, #tpu.memory_space<vmem>>
    %dma_start3A_210 = tpu.memref_squeeze %dma_start3A_209 : memref<1x128xi32, #tpu.memory_space<vmem>> -> memref<128xi32, #tpu.memory_space<vmem>>
    %dma_start3A_211 = arith.constant 0 : i32
    %dma_start3A_212 = arith.constant 0 : i32
    %dma_start3A_213 = tpu.memref_slice %arg11[%dma_start3A_211, %dma_start3A_212] : memref<10112x128xf32, #tpu.memory_space<vmem_shared>> -> memref<10112x128xf32, #tpu.memory_space<vmem_shared>>
    tpu.enqueue_indirect_dma source(%arg9 : memref<128x128xf32, #tpu.memory_space<vmem>>) target(%dma_start3A_213 : memref<10112x128xf32, #tpu.memory_space<vmem_shared>>) offsets(%dma_start3A_210 : memref<128xi32, #tpu.memory_space<vmem>>) semaphore(%arg14 : memref<!tpu.dma_semaphore, #tpu.memory_space<semaphore_mem>>) {add = true}
    %scan3A_214 = arith.constant 19 : i32
    %dma_wait3A_215 = arith.constant 0 : i32
    %dma_wait3A_216 = arith.constant 0 : i32
    %dma_wait3A_217 = tpu.memref_slice %arg7[%dma_wait3A_215, %dma_wait3A_216] : memref<40x128xi32, #tpu.memory_space<vmem>> -> memref<1x128xi32, #tpu.memory_space<vmem>>
    %dma_wait3A_218 = tpu.memref_squeeze %dma_wait3A_217 : memref<1x128xi32, #tpu.memory_space<vmem>> -> memref<128xi32, #tpu.memory_space<vmem>>
    %dma_wait3A_219 = arith.constant 0 : i32
    %dma_wait3A_220 = arith.constant 0 : i32
    %dma_wait3A_221 = tpu.memref_slice %arg2[%dma_wait3A_219, %dma_wait3A_220] : memref<10000x128xf32, #tpu.memory_space<hbm>> -> memref<10000x128xf32, #tpu.memory_space<hbm>>
    tpu.wait_indirect_dma semaphore(%arg13 : memref<!tpu.dma_semaphore, #tpu.memory_space<semaphore_mem>>) src(%dma_wait3A_221 : memref<10000x128xf32, #tpu.memory_space<hbm>>) dst(%arg10 : memref<128x128xf32, #tpu.memory_space<vmem>>)
    %dma_start3A_222 = arith.constant 39 : i32
    %dma_start3A_223 = arith.constant 0 : i32
    %dma_start3A_224 = tpu.memref_slice %arg8[%dma_start3A_222, %dma_start3A_223] : memref<40x128xi32, #tpu.memory_space<vmem>> -> memref<1x128xi32, #tpu.memory_space<vmem>>
    %dma_start3A_225 = tpu.memref_squeeze %dma_start3A_224 : memref<1x128xi32, #tpu.memory_space<vmem>> -> memref<128xi32, #tpu.memory_space<vmem>>
    %dma_start3A_226 = arith.constant 0 : i32
    %dma_start3A_227 = arith.constant 0 : i32
    %dma_start3A_228 = tpu.memref_slice %arg11[%dma_start3A_226, %dma_start3A_227] : memref<10112x128xf32, #tpu.memory_space<vmem_shared>> -> memref<10112x128xf32, #tpu.memory_space<vmem_shared>>
    tpu.enqueue_indirect_dma source(%arg10 : memref<128x128xf32, #tpu.memory_space<vmem>>) target(%dma_start3A_228 : memref<10112x128xf32, #tpu.memory_space<vmem_shared>>) offsets(%dma_start3A_225 : memref<128xi32, #tpu.memory_space<vmem>>) semaphore(%arg15 : memref<!tpu.dma_semaphore, #tpu.memory_space<semaphore_mem>>) {add = true}
    %dma_wait3A_229 = arith.constant 0 : i32
    %dma_wait3A_230 = arith.constant 0 : i32
    %dma_wait3A_231 = tpu.memref_slice %arg8[%dma_wait3A_229, %dma_wait3A_230] : memref<40x128xi32, #tpu.memory_space<vmem>> -> memref<1x128xi32, #tpu.memory_space<vmem>>
    %dma_wait3A_232 = tpu.memref_squeeze %dma_wait3A_231 : memref<1x128xi32, #tpu.memory_space<vmem>> -> memref<128xi32, #tpu.memory_space<vmem>>
    %dma_wait3A_233 = arith.constant 0 : i32
    %dma_wait3A_234 = arith.constant 0 : i32
    %dma_wait3A_235 = tpu.memref_slice %arg11[%dma_wait3A_233, %dma_wait3A_234] : memref<10112x128xf32, #tpu.memory_space<vmem_shared>> -> memref<10112x128xf32, #tpu.memory_space<vmem_shared>>
    tpu.wait_indirect_dma semaphore(%arg14 : memref<!tpu.dma_semaphore, #tpu.memory_space<semaphore_mem>>) src(%arg9 : memref<128x128xf32, #tpu.memory_space<vmem>>) dst(%dma_wait3A_235 : memref<10112x128xf32, #tpu.memory_space<vmem_shared>>)
    %dma_wait3A_236 = arith.constant 0 : i32
    %dma_wait3A_237 = arith.constant 0 : i32
    %dma_wait3A_238 = tpu.memref_slice %arg8[%dma_wait3A_236, %dma_wait3A_237] : memref<40x128xi32, #tpu.memory_space<vmem>> -> memref<1x128xi32, #tpu.memory_space<vmem>>
    %dma_wait3A_239 = tpu.memref_squeeze %dma_wait3A_238 : memref<1x128xi32, #tpu.memory_space<vmem>> -> memref<128xi32, #tpu.memory_space<vmem>>
    %dma_wait3A_240 = arith.constant 0 : i32
    %dma_wait3A_241 = arith.constant 0 : i32
    %dma_wait3A_242 = tpu.memref_slice %arg11[%dma_wait3A_240, %dma_wait3A_241] : memref<10112x128xf32, #tpu.memory_space<vmem_shared>> -> memref<10112x128xf32, #tpu.memory_space<vmem_shared>>
    tpu.wait_indirect_dma semaphore(%arg15 : memref<!tpu.dma_semaphore, #tpu.memory_space<semaphore_mem>>) src(%arg10 : memref<128x128xf32, #tpu.memory_space<vmem>>) dst(%dma_wait3A_242 : memref<10112x128xf32, #tpu.memory_space<vmem_shared>>)
    %barrier3A_243 = arith.constant 0 : index
    tpu.barrier barrier_id(%barrier3A_243)
    %mul3A_244 = arith.constant 632 : i32
    %mul3A_245 = arith.muli %arg1, %mul3A_244 : i32
    %mul3A_246 = arith.constant 632 : i32
    %mul3A_247 = arith.muli %arg1, %mul3A_246 : i32
    "tpu.region"() ({
      %run_scoped3A_248 = tpu.sem_alloc : memref<!tpu.dma_semaphore, #tpu.memory_space<semaphore_mem>>
      %dma_start3A_249 = arith.constant 0 : i32
      %dma_start3A_250 = tpu.memref_slice %arg6[%arg0, %mul3A_247, %dma_start3A_249] : memref<2x10112x128xf32, #tpu.memory_space<hbm>> -> memref<1x632x128xf32, #tpu.memory_space<hbm>>
      %dma_start3A_251 = tpu.memref_squeeze %dma_start3A_250 : memref<1x632x128xf32, #tpu.memory_space<hbm>> -> memref<632x128xf32, #tpu.memory_space<hbm>>
      %dma_start3A_252 = arith.constant 0 : i32
      %dma_start3A_253 = tpu.memref_slice %arg11[%mul3A_245, %dma_start3A_252] : memref<10112x128xf32, #tpu.memory_space<vmem_shared>> -> memref<632x128xf32, #tpu.memory_space<vmem_shared>>
      tpu.enqueue_dma source(%dma_start3A_253 : memref<632x128xf32, #tpu.memory_space<vmem_shared>>) target(%dma_start3A_251 : memref<632x128xf32, #tpu.memory_space<hbm>>) target_semaphore(%run_scoped3A_248 : memref<!tpu.dma_semaphore, #tpu.memory_space<semaphore_mem>>)
      %dma_wait3A_254 = arith.constant 0 : i32
      %dma_wait3A_255 = tpu.memref_slice %arg6[%arg0, %mul3A_247, %dma_wait3A_254] : memref<2x10112x128xf32, #tpu.memory_space<hbm>> -> memref<1x632x128xf32, #tpu.memory_space<hbm>>
      %dma_wait3A_256 = tpu.memref_squeeze %dma_wait3A_255 : memref<1x632x128xf32, #tpu.memory_space<hbm>> -> memref<632x128xf32, #tpu.memory_space<hbm>>
      %dma_wait3A_257 = arith.constant 0 : i32
      %dma_wait3A_258 = tpu.memref_slice %arg11[%mul3A_245, %dma_wait3A_257] : memref<10112x128xf32, #tpu.memory_space<vmem_shared>> -> memref<632x128xf32, #tpu.memory_space<vmem_shared>>
      tpu.wait_dma2 semaphore(%run_scoped3A_248 : memref<!tpu.dma_semaphore, #tpu.memory_space<semaphore_mem>>) src(%dma_wait3A_258 : memref<632x128xf32, #tpu.memory_space<vmem_shared>>) dst(%dma_wait3A_256 : memref<632x128xf32, #tpu.memory_space<hbm>>)
      tpu.yield
    }) : () -> ()
    return
  }
}

module attributes {stable_mosaic.version = 14 : i64} {
  func.func @body(%arg0: i32, %arg1: memref<1000x128xf32, #tpu.memory_space<vmem>>, %arg2: memref<1000x128xf32, #tpu.memory_space<vmem>>, %arg3: memref<128x128xf32, #tpu.memory_space<vmem>>, %arg4: memref<1x128xf32, #tpu.memory_space<vmem>>, %arg5: memref<1000x128xf32, #tpu.memory_space<vmem>>) attributes {dimension_semantics = [#tpu.dimension_semantics<arbitrary>], iteration_bounds = array<i64: 10>, scalar_prefetch = 0 : i64, scratch_operands = 0 : i64, tpu.core_type = #tpu.core_type<tc>, window_params = [{transform_indices = @transform_0, window_bounds = array<i64: 1000, 128>}, {transform_indices = @transform_1, window_bounds = array<i64: 1000, 128>}, {pipeline_mode = #tpu.pipeline_mode<synchronous>, transform_indices = @transform_2, window_bounds = array<i64: 128, 128>}, {pipeline_mode = #tpu.pipeline_mode<synchronous>, transform_indices = @transform_3, window_bounds = array<i64: 1, 128>}, {transform_indices = @transform_4, window_bounds = array<i64: 1000, 128>}]} {
    %get3A = arith.constant 0 : index
    %get3A_0 = arith.constant 0 : index
    %get3A_1 = vector.load %arg1[%get3A, %get3A_0] : memref<1000x128xf32, #tpu.memory_space<vmem>>, vector<1000x128xf32>
    %get3A_2 = arith.constant 0 : index
    %get3A_3 = arith.constant 0 : index
    %get3A_4 = vector.load %arg2[%get3A_2, %get3A_3] : memref<1000x128xf32, #tpu.memory_space<vmem>>, vector<1000x128xf32>
    %add3A = arith.addf %get3A_1, %get3A_4 : vector<1000x128xf32>
    %get3A_5 = arith.constant 0 : index
    %get3A_6 = arith.constant 0 : index
    %get3A_7 = vector.load %arg3[%get3A_5, %get3A_6] : memref<128x128xf32, #tpu.memory_space<vmem>>, vector<128x128xf32>
    %dot_general3A = arith.constant dense<0.000000e+00> : vector<1000x128xf32>
    %dot_general3A_8 = tpu.matmul %add3A, %get3A_7, %dot_general3A {dimension_numbers = #tpu.dot_dimension_numbers<[1], [0], [0], [1], [0, 0, 1, 1], [], []>, transpose_lhs_hint = false} : vector<1000x128xf32>, vector<128x128xf32>, vector<1000x128xf32> -> vector<1000x128xf32>
    %get3A_9 = arith.constant 0 : index
    %get3A_10 = arith.constant 0 : index
    %get3A_11 = vector.load %arg4[%get3A_9, %get3A_10] : memref<1x128xf32, #tpu.memory_space<vmem>>, vector<1x128xf32>
    %add3A_12 = vector.broadcast %get3A_11 : vector<1x128xf32> to vector<1000x128xf32>
    %add3A_13 = arith.addf %dot_general3A_8, %add3A_12 : vector<1000x128xf32>
    %max3A = arith.constant 0.000000e+00 : f32
    %max3A_14 = vector.broadcast %max3A : f32 to vector<1000x128xf32>
    %max3A_15 = arith.maximumf %add3A_13, %max3A_14 : vector<1000x128xf32>
    %swap3A = arith.constant 0 : index
    %swap3A_16 = arith.constant 0 : index
    %swap3A_17 = vector.load %arg5[%swap3A, %swap3A_16] : memref<1000x128xf32, #tpu.memory_space<vmem>>, vector<1000x128xf32>
    tpu.vector_store %arg5[%swap3A, %swap3A_16], %max3A_15 {strides = array<i32>} : memref<1000x128xf32, #tpu.memory_space<vmem>>, vector<1000x128xf32>,
    return
  }
  func.func @transform_0(%arg0: i32) -> (i32, i32) {
    %c0_i32 = arith.constant 0 : i32
    %c0_i32_0 = arith.constant 0 : i32
    return %arg0, %c0_i32 : i32, i32
  }
  func.func @transform_1(%arg0: i32) -> (i32, i32) {
    %c0_i32 = arith.constant 0 : i32
    %c0_i32_0 = arith.constant 0 : i32
    return %arg0, %c0_i32 : i32, i32
  }
  func.func @transform_2(%arg0: i32) -> (i32, i32) {
    %c0_i32 = arith.constant 0 : i32
    %c0_i32_0 = arith.constant 0 : i32
    %c0_i32_1 = arith.constant 0 : i32
    return %c0_i32, %c0_i32_0 : i32, i32
  }
  func.func @transform_3(%arg0: i32) -> (i32, i32) {
    %c0_i32 = arith.constant 0 : i32
    %c0_i32_0 = arith.constant 0 : i32
    %c0_i32_1 = arith.constant 0 : i32
    return %c0_i32, %c0_i32_0 : i32, i32
  }
  func.func @transform_4(%arg0: i32) -> (i32, i32) {
    %c0_i32 = arith.constant 0 : i32
    %c0_i32_0 = arith.constant 0 : i32
    return %arg0, %c0_i32 : i32, i32
  }
}

module attributes {stable_mosaic.version = 14 : i64} {
  func.func @body(%arg0: i32, %arg1: memref<1000x128xf32, #tpu.memory_space<vmem>>, %arg2: memref<1000x128xf32, #tpu.memory_space<vmem>>, %arg3: memref<128x128xf32, #tpu.memory_space<vmem>>, %arg4: memref<1x128xf32, #tpu.memory_space<vmem>>, %arg5: memref<1000x128xf32, #tpu.memory_space<vmem>>) attributes {dimension_semantics = [#tpu.dimension_semantics<arbitrary>], iteration_bounds = array<i64: 10>, scalar_prefetch = 0 : i64, scratch_operands = 0 : i64, tpu.core_type = #tpu.core_type<tc>, window_params = [{transform_indices = @transform_0, window_bounds = array<i64: 1000, 128>}, {transform_indices = @transform_1, window_bounds = array<i64: 1000, 128>}, {pipeline_mode = #tpu.pipeline_mode<synchronous>, transform_indices = @transform_2, window_bounds = array<i64: 128, 128>}, {pipeline_mode = #tpu.pipeline_mode<synchronous>, transform_indices = @transform_3, window_bounds = array<i64: 1, 128>}, {transform_indices = @transform_4, window_bounds = array<i64: 1000, 128>}]} {
    %get3A = arith.constant 0 : index
    %get3A_0 = arith.constant 0 : index
    %get3A_1 = vector.load %arg1[%get3A, %get3A_0] : memref<1000x128xf32, #tpu.memory_space<vmem>>, vector<1000x128xf32>
    %get3A_2 = arith.constant 0 : index
    %get3A_3 = arith.constant 0 : index
    %get3A_4 = vector.load %arg2[%get3A_2, %get3A_3] : memref<1000x128xf32, #tpu.memory_space<vmem>>, vector<1000x128xf32>
    %add3A = arith.addf %get3A_1, %get3A_4 : vector<1000x128xf32>
    %get3A_5 = arith.constant 0 : index
    %get3A_6 = arith.constant 0 : index
    %get3A_7 = vector.load %arg3[%get3A_5, %get3A_6] : memref<128x128xf32, #tpu.memory_space<vmem>>, vector<128x128xf32>
    %dot_general3A = arith.constant dense<0.000000e+00> : vector<1000x128xf32>
    %dot_general3A_8 = tpu.matmul %add3A, %get3A_7, %dot_general3A {dimension_numbers = #tpu.dot_dimension_numbers<[1], [0], [0], [1], [0, 0, 1, 1], [], []>, transpose_lhs_hint = false} : vector<1000x128xf32>, vector<128x128xf32>, vector<1000x128xf32> -> vector<1000x128xf32>
    %get3A_9 = arith.constant 0 : index
    %get3A_10 = arith.constant 0 : index
    %get3A_11 = vector.load %arg4[%get3A_9, %get3A_10] : memref<1x128xf32, #tpu.memory_space<vmem>>, vector<1x128xf32>
    %add3A_12 = vector.broadcast %get3A_11 : vector<1x128xf32> to vector<1000x128xf32>
    %add3A_13 = arith.addf %dot_general3A_8, %add3A_12 : vector<1000x128xf32>
    %max3A = arith.constant 0.000000e+00 : f32
    %max3A_14 = vector.broadcast %max3A : f32 to vector<1000x128xf32>
    %max3A_15 = arith.maximumf %add3A_13, %max3A_14 : vector<1000x128xf32>
    %swap3A = arith.constant 0 : index
    %swap3A_16 = arith.constant 0 : index
    %swap3A_17 = vector.load %arg5[%swap3A, %swap3A_16] : memref<1000x128xf32, #tpu.memory_space<vmem>>, vector<1000x128xf32>
    tpu.vector_store %arg5[%swap3A, %swap3A_16], %max3A_15 {strides = array<i32>} : memref<1000x128xf32, #tpu.memory_space<vmem>>, vector<1000x128xf32>,
    return
  }
  func.func @transform_0(%arg0: i32) -> (i32, i32) {
    %c0_i32 = arith.constant 0 : i32
    %c0_i32_0 = arith.constant 0 : i32
    return %arg0, %c0_i32 : i32, i32
  }
  func.func @transform_1(%arg0: i32) -> (i32, i32) {
    %c0_i32 = arith.constant 0 : i32
    %c0_i32_0 = arith.constant 0 : i32
    return %arg0, %c0_i32 : i32, i32
  }
  func.func @transform_2(%arg0: i32) -> (i32, i32) {
    %c0_i32 = arith.constant 0 : i32
    %c0_i32_0 = arith.constant 0 : i32
    %c0_i32_1 = arith.constant 0 : i32
    return %c0_i32, %c0_i32_0 : i32, i32
  }
  func.func @transform_3(%arg0: i32) -> (i32, i32) {
    %c0_i32 = arith.constant 0 : i32
    %c0_i32_0 = arith.constant 0 : i32
    %c0_i32_1 = arith.constant 0 : i32
    return %c0_i32, %c0_i32_0 : i32, i32
  }
  func.func @transform_4(%arg0: i32) -> (i32, i32) {
    %c0_i32 = arith.constant 0 : i32
    %c0_i32_0 = arith.constant 0 : i32
    return %arg0, %c0_i32 : i32, i32
  }
}

module attributes {stable_mosaic.version = 14 : i64} {
  func.func @body(%arg0: i32, %arg1: memref<1000x128xf32, #tpu.memory_space<vmem>>, %arg2: memref<128x128xf32, #tpu.memory_space<vmem>>, %arg3: memref<1x128xf32, #tpu.memory_space<vmem>>, %arg4: memref<128x128xf32, #tpu.memory_space<vmem>>, %arg5: memref<1x128xf32, #tpu.memory_space<vmem>>, %arg6: memref<1000x128xf32, #tpu.memory_space<vmem>>) attributes {dimension_semantics = [#tpu.dimension_semantics<arbitrary>], iteration_bounds = array<i64: 10>, scalar_prefetch = 0 : i64, scratch_operands = 0 : i64, tpu.core_type = #tpu.core_type<tc>, window_params = [{transform_indices = @transform_0, window_bounds = array<i64: 1000, 128>}, {pipeline_mode = #tpu.pipeline_mode<synchronous>, transform_indices = @transform_1, window_bounds = array<i64: 128, 128>}, {pipeline_mode = #tpu.pipeline_mode<synchronous>, transform_indices = @transform_2, window_bounds = array<i64: 1, 128>}, {pipeline_mode = #tpu.pipeline_mode<synchronous>, transform_indices = @transform_3, window_bounds = array<i64: 128, 128>}, {pipeline_mode = #tpu.pipeline_mode<synchronous>, transform_indices = @transform_4, window_bounds = array<i64: 1, 128>}, {transform_indices = @transform_5, window_bounds = array<i64: 1000, 128>}]} {
    %get3A = arith.constant 0 : index
    %get3A_0 = arith.constant 0 : index
    %get3A_1 = vector.load %arg1[%get3A, %get3A_0] : memref<1000x128xf32, #tpu.memory_space<vmem>>, vector<1000x128xf32>
    %get3A_2 = arith.constant 0 : index
    %get3A_3 = arith.constant 0 : index
    %get3A_4 = vector.load %arg2[%get3A_2, %get3A_3] : memref<128x128xf32, #tpu.memory_space<vmem>>, vector<128x128xf32>
    %dot_general3A = arith.constant dense<0.000000e+00> : vector<1000x128xf32>
    %dot_general3A_5 = tpu.matmul %get3A_1, %get3A_4, %dot_general3A {dimension_numbers = #tpu.dot_dimension_numbers<[1], [0], [0], [1], [0, 0, 1, 1], [], []>, transpose_lhs_hint = false} : vector<1000x128xf32>, vector<128x128xf32>, vector<1000x128xf32> -> vector<1000x128xf32>
    %get3A_6 = arith.constant 0 : index
    %get3A_7 = arith.constant 0 : index
    %get3A_8 = vector.load %arg3[%get3A_6, %get3A_7] : memref<1x128xf32, #tpu.memory_space<vmem>>, vector<1x128xf32>
    %add3A = vector.broadcast %get3A_8 : vector<1x128xf32> to vector<1000x128xf32>
    %add3A_9 = arith.addf %dot_general3A_5, %add3A : vector<1000x128xf32>
    %max3A = arith.constant 0.000000e+00 : f32
    %max3A_10 = vector.broadcast %max3A : f32 to vector<1000x128xf32>
    %max3A_11 = arith.maximumf %add3A_9, %max3A_10 : vector<1000x128xf32>
    %get3A_12 = arith.constant 0 : index
    %get3A_13 = arith.constant 0 : index
    %get3A_14 = vector.load %arg4[%get3A_12, %get3A_13] : memref<128x128xf32, #tpu.memory_space<vmem>>, vector<128x128xf32>
    %dot_general3A_15 = arith.constant dense<0.000000e+00> : vector<1000x128xf32>
    %dot_general3A_16 = tpu.matmul %max3A_11, %get3A_14, %dot_general3A_15 {dimension_numbers = #tpu.dot_dimension_numbers<[1], [0], [0], [1], [0, 0, 1, 1], [], []>, transpose_lhs_hint = false} : vector<1000x128xf32>, vector<128x128xf32>, vector<1000x128xf32> -> vector<1000x128xf32>
    %get3A_17 = arith.constant 0 : index
    %get3A_18 = arith.constant 0 : index
    %get3A_19 = vector.load %arg5[%get3A_17, %get3A_18] : memref<1x128xf32, #tpu.memory_space<vmem>>, vector<1x128xf32>
    %add3A_20 = vector.broadcast %get3A_19 : vector<1x128xf32> to vector<1000x128xf32>
    %add3A_21 = arith.addf %dot_general3A_16, %add3A_20 : vector<1000x128xf32>
    %swap3A = arith.constant 0 : index
    %swap3A_22 = arith.constant 0 : index
    %swap3A_23 = vector.load %arg6[%swap3A, %swap3A_22] : memref<1000x128xf32, #tpu.memory_space<vmem>>, vector<1000x128xf32>
    tpu.vector_store %arg6[%swap3A, %swap3A_22], %add3A_21 {strides = array<i32>} : memref<1000x128xf32, #tpu.memory_space<vmem>>, vector<1000x128xf32>,
    return
  }
  func.func @transform_0(%arg0: i32) -> (i32, i32) {
    %c0_i32 = arith.constant 0 : i32
    %c0_i32_0 = arith.constant 0 : i32
    return %arg0, %c0_i32 : i32, i32
  }
  func.func @transform_1(%arg0: i32) -> (i32, i32) {
    %c0_i32 = arith.constant 0 : i32
    %c0_i32_0 = arith.constant 0 : i32
    %c0_i32_1 = arith.constant 0 : i32
    return %c0_i32, %c0_i32_0 : i32, i32
  }
  func.func @transform_2(%arg0: i32) -> (i32, i32) {
    %c0_i32 = arith.constant 0 : i32
    %c0_i32_0 = arith.constant 0 : i32
    %c0_i32_1 = arith.constant 0 : i32
    return %c0_i32, %c0_i32_0 : i32, i32
  }
  func.func @transform_3(%arg0: i32) -> (i32, i32) {
    %c0_i32 = arith.constant 0 : i32
    %c0_i32_0 = arith.constant 0 : i32
    %c0_i32_1 = arith.constant 0 : i32
    return %c0_i32, %c0_i32_0 : i32, i32
  }
  func.func @transform_4(%arg0: i32) -> (i32, i32) {
    %c0_i32 = arith.constant 0 : i32
    %c0_i32_0 = arith.constant 0 : i32
    %c0_i32_1 = arith.constant 0 : i32
    return %c0_i32, %c0_i32_0 : i32, i32
  }
  func.func @transform_5(%arg0: i32) -> (i32, i32) {
    %c0_i32 = arith.constant 0 : i32
    %c0_i32_0 = arith.constant 0 : i32
    return %arg0, %c0_i32 : i32, i32
  }
}

module attributes {stable_mosaic.version = 14 : i64} {
  func.func @body(%arg0: i32, %arg1: memref<1000x128xf32, #tpu.memory_space<vmem>>, %arg2: memref<1000x128xf32, #tpu.memory_space<vmem>>, %arg3: memref<128x128xf32, #tpu.memory_space<vmem>>, %arg4: memref<1x128xf32, #tpu.memory_space<vmem>>, %arg5: memref<1000x128xf32, #tpu.memory_space<vmem>>) attributes {dimension_semantics = [#tpu.dimension_semantics<arbitrary>], iteration_bounds = array<i64: 10>, scalar_prefetch = 0 : i64, scratch_operands = 0 : i64, tpu.core_type = #tpu.core_type<tc>, window_params = [{transform_indices = @transform_0, window_bounds = array<i64: 1000, 128>}, {transform_indices = @transform_1, window_bounds = array<i64: 1000, 128>}, {pipeline_mode = #tpu.pipeline_mode<synchronous>, transform_indices = @transform_2, window_bounds = array<i64: 128, 128>}, {pipeline_mode = #tpu.pipeline_mode<synchronous>, transform_indices = @transform_3, window_bounds = array<i64: 1, 128>}, {transform_indices = @transform_4, window_bounds = array<i64: 1000, 128>}]} {
    %get3A = arith.constant 0 : index
    %get3A_0 = arith.constant 0 : index
    %get3A_1 = vector.load %arg1[%get3A, %get3A_0] : memref<1000x128xf32, #tpu.memory_space<vmem>>, vector<1000x128xf32>
    %get3A_2 = arith.constant 0 : index
    %get3A_3 = arith.constant 0 : index
    %get3A_4 = vector.load %arg2[%get3A_2, %get3A_3] : memref<1000x128xf32, #tpu.memory_space<vmem>>, vector<1000x128xf32>
    %add3A = arith.addf %get3A_1, %get3A_4 : vector<1000x128xf32>
    %get3A_5 = arith.constant 0 : index
    %get3A_6 = arith.constant 0 : index
    %get3A_7 = vector.load %arg3[%get3A_5, %get3A_6] : memref<128x128xf32, #tpu.memory_space<vmem>>, vector<128x128xf32>
    %dot_general3A = arith.constant dense<0.000000e+00> : vector<1000x128xf32>
    %dot_general3A_8 = tpu.matmul %add3A, %get3A_7, %dot_general3A {dimension_numbers = #tpu.dot_dimension_numbers<[1], [0], [0], [1], [0, 0, 1, 1], [], []>, transpose_lhs_hint = false} : vector<1000x128xf32>, vector<128x128xf32>, vector<1000x128xf32> -> vector<1000x128xf32>
    %get3A_9 = arith.constant 0 : index
    %get3A_10 = arith.constant 0 : index
    %get3A_11 = vector.load %arg4[%get3A_9, %get3A_10] : memref<1x128xf32, #tpu.memory_space<vmem>>, vector<1x128xf32>
    %add3A_12 = vector.broadcast %get3A_11 : vector<1x128xf32> to vector<1000x128xf32>
    %add3A_13 = arith.addf %dot_general3A_8, %add3A_12 : vector<1000x128xf32>
    %swap3A = arith.constant 0 : index
    %swap3A_14 = arith.constant 0 : index
    %swap3A_15 = vector.load %arg5[%swap3A, %swap3A_14] : memref<1000x128xf32, #tpu.memory_space<vmem>>, vector<1000x128xf32>
    tpu.vector_store %arg5[%swap3A, %swap3A_14], %add3A_13 {strides = array<i32>} : memref<1000x128xf32, #tpu.memory_space<vmem>>, vector<1000x128xf32>,
    return
  }
  func.func @transform_0(%arg0: i32) -> (i32, i32) {
    %c0_i32 = arith.constant 0 : i32
    %c0_i32_0 = arith.constant 0 : i32
    return %arg0, %c0_i32 : i32, i32
  }
  func.func @transform_1(%arg0: i32) -> (i32, i32) {
    %c0_i32 = arith.constant 0 : i32
    %c0_i32_0 = arith.constant 0 : i32
    return %arg0, %c0_i32 : i32, i32
  }
  func.func @transform_2(%arg0: i32) -> (i32, i32) {
    %c0_i32 = arith.constant 0 : i32
    %c0_i32_0 = arith.constant 0 : i32
    %c0_i32_1 = arith.constant 0 : i32
    return %c0_i32, %c0_i32_0 : i32, i32
  }
  func.func @transform_3(%arg0: i32) -> (i32, i32) {
    %c0_i32 = arith.constant 0 : i32
    %c0_i32_0 = arith.constant 0 : i32
    %c0_i32_1 = arith.constant 0 : i32
    return %c0_i32, %c0_i32_0 : i32, i32
  }
  func.func @transform_4(%arg0: i32) -> (i32, i32) {
    %c0_i32 = arith.constant 0 : i32
    %c0_i32_0 = arith.constant 0 : i32
    return %arg0, %c0_i32 : i32, i32
  }
}

</mosaic_0001>

<sc_bundles>
// kernel: kernel.12.cloned.1.call-start
scs
__scs_entry_jumppad:
0x0: {  	(pc) =	sbr.rel $0x88, $3  }
0x1: {  	(tag) =	ssettag $0x0;
	lr =	simm.s32 $0x1  }
0x2: {  	[smem:$0x3F8D] =	sst lr;
	_ =	strace $0xD0000000  }
0x3: {  	_ = 	snop  }
0x4: {  	_ = 	snop  }
0x5: {  	_ = 	snop  }
0x6: {  	_ = 	snop  }
0x7: {  	_ = 	snop  }
__scs_overlays_trampoline_lowered:
0x8: {  	[smem:$0x3F9C] =	sst s0  }
0x9: {  	[smem:$0x3F9D] =	sst s1  }
0xa: {  	[smem:$0x3F9E] =	sst s2  }
0xb: {  	[smem:$0x3F9F] =	sst s3  }
0xc: {  	[smem:$0x3FA0] =	sst s4  }
0xd: {  	[smem:$0x3FA1] =	sst s5  }
0xe: {  	[smem:$0x3FA2] =	sst s6  }
0xf: {  	[smem:$0x3FA3] =	sst s7  }
0x10: {  	[smem:$0x3FA4] =	sst s8  }
0x11: {  	[smem:$0x3FA5] =	sst s9;
	s0 =	simm.s32 @!p0 $0x0  }
0x12: {  	s1 =	sld [smem:$0x3F8B];
	s0 =	simm.s32 @p0 $0x1  }
0x13: {  	[smem:$0x3FA6] =	sst s0;
	s0 =	simm.s32 @!p1 $0x0  }
0x14: {  	s2 =	sld [smem:$0x3F8A];
	s0 =	simm.s32 @p1 $0x1  }
0x15: {  	[smem:$0x3FA7] =	sst s0;
	s0 =	simm.s32 @!p2 $0x0  }
0x16: {  	s3 =	sld [smem:$0x3FDB];
	s0 =	simm.s32 @p2 $0x1  }
0x17: {  	s4 =	simm.s32 $0x1BF5;
	[smem:$0x3FA9] =	sst s0  }
0x18: {  	s0 =	sld [smem:$0x3F8C];
	_ =	swait.ge [sflag:s4], $0x0  }
0x19: {  	s7 =	sld [smem:$0x3F8D]  }
0x1a: {  	s8 =	sadd.s32 $0xFFFFE003, lr  }
0x1b: {  	s9 =	sadd.s32 $0xFFFFFEF7, lr;
	s5 =	simm.s32 $0xFFFFFFFF;
	p2 =	slt.u32 s8, $0xFFFFF086  }
0x1c: {  	p1 =	slt.u32 s9, $0xF7A;
	s5 =	simm.s32 @!p2 $0x0  }
0x1d: {  	s5 =	simm.s32 @p1 $0x1;
	p0 =	seq.s32 s7, s2  }
0x1e: {  	s7 =	smul.u32 @!p0 $0xF7A, s2;
	p2 =	seq.s32 @!p0 s5, $0x0  }
0x1f: {  	s9 =	smul.u32 $0xF7A, s1;
	s8 =	simm.s32 @!p0 $0x1BF5;
	p2 =	por !p2, p0  }
0x20: {  	[sflag:s8] =	ssyncset.s32 @!p0 $0xFFFFF086;
	s6 =	sadd.s32 @!p0 s3, s7;
	s7 =	simm.s32 @!p0 $0x108  }
0x21: {  	s3 =	sadd.s32 s3, s9;
	s6 =	sadd.s32 @!p0 $0x88, s6;
	s7 =	simm.s32 @p2 $0x1082  }
0x22: {  	[simem:s7], [sflag:s8] =	dma.local @!p0 [hbm:s6], $0xF7A  }
0x23: {  	s9 =	sor.u32 $0xD0000000, s2;
	s6 =	simm.s32 $0x108;
	_ =	swait.ge @!p0 [sflag:s8], $0x0  }
0x24: {  	s3 =	sadd.s32 $0x88, s3;
	s6 =	simm.s32 @!p1 $0x1082;
	[sflag:s4] =	ssyncset.s32 $0xFFFFF086  }
0x25: {  	[simem:s6], [sflag:s4] =	dma.local [hbm:s3], $0xF7A  }
0x26: {  	[smem:$0x3F8D] =	sst s1;
	(tag) =	ssettag s2;
	_ =	strace s9  }
0x27: {  	s1 =	sld [smem:$0x3F9D]  }
0x28: {  	s2 =	sld [smem:$0x3F9E]  }
0x29: {  	s4 =	sld [smem:$0x3FA0]  }
0x2a: {  	p0 =	seq.s32 s5, $0x0;
	s5 =	sld [smem:$0x3FA1]  }
0x2b: {  	s6 =	sld [smem:$0x3FA2]  }
0x2c: {  	s7 =	sld [smem:$0x3FA3]  }
0x2d: {  	s3 =	simm.s32 $0x108;
	s8 =	sld [smem:$0x3FA4]  }
0x2e: {  	s3 =	simm.s32 @!p0 $0x1082;
	s9 =	sld [smem:$0x3FA5]  }
0x2f: {  	lr =	sadd.s32 s0, s3;
	s0 =	sld [smem:$0x3F9C]  }
0x30: {  	s3 =	sld [smem:$0x3F9F]  }
0x31: {  	[smem:$0x3FA8] =	sst s10  }
0x32: {  	s10 =	sld [smem:$0x3FA6];
	_ =	sdelay $0x3  }
0x33: {  	p0 =	seq.s32 s10, $0x1;
	s10 =	sld [smem:$0x3FA8];
	_ =	sdelay $0x3  }
0x34: {  	[smem:$0x3FA8] =	sst s10  }
0x35: {  	s10 =	sld [smem:$0x3FA7];
	_ =	sdelay $0x3  }
0x36: {  	p1 =	seq.s32 s10, $0x1;
	s10 =	sld [smem:$0x3FA8];
	_ =	sdelay $0x3  }
0x37: {  	[smem:$0x3FA8] =	sst s10  }
0x38: {  	s10 =	sld [smem:$0x3FA9]  }
0x39: {  	_ = 	snop;
	(pc) =	sbr.ind lr, $3  }
0x3a: {  	_ = 	snop  }
0x3b: {  	_ = 	snop  }
0x3c: {  	p2 =	seq.s32 s10, $0x1;
	s10 =	sld [smem:$0x3FA8]  }
0x3d: {  	_ =	shalt  }
0x3e: {  	_ =	shalt  }
0x3f: {  	_ =	shalt  }
0x40: {  	_ =	shalt  }
0x41: {  	_ =	shalt  }
0x42: {  	_ =	shalt  }
0x43: {  	_ =	shalt  }
0x44: {  	_ =	shalt  }
0x45: {  	_ =	shalt  }
0x46: {  	_ =	shalt  }
0x47: {  	_ =	shalt  }
0x48: {  	_ =	shalt  }
0x49: {  	_ =	shalt  }
0x4a: {  	_ =	shalt  }
0x4b: {  	_ =	shalt  }
0x4c: {  	_ =	shalt  }
0x4d: {  	_ =	shalt  }
0x4e: {  	_ =	shalt  }
0x4f: {  	_ =	shalt  }
0x50: {  	_ =	shalt  }
0x51: {  	_ =	shalt  }
0x52: {  	_ =	shalt  }
0x53: {  	_ =	shalt  }
0x54: {  	_ =	shalt  }
0x55: {  	_ =	shalt  }
0x56: {  	_ =	shalt  }
0x57: {  	_ =	shalt  }
0x58: {  	_ =	shalt  }
0x59: {  	_ =	shalt  }
0x5a: {  	_ =	shalt  }
0x5b: {  	_ =	shalt  }
0x5c: {  	_ =	shalt  }
0x5d: {  	_ =	shalt  }
0x5e: {  	_ =	shalt  }
0x5f: {  	_ =	shalt  }
0x60: {  	_ =	shalt  }
0x61: {  	_ =	shalt  }
0x62: {  	_ =	shalt  }
0x63: {  	_ =	shalt  }
0x64: {  	_ =	shalt  }
0x65: {  	_ =	shalt  }
0x66: {  	_ =	shalt  }
0x67: {  	_ =	shalt  }
0x68: {  	_ =	shalt  }
0x69: {  	_ =	shalt  }
0x6a: {  	_ =	shalt  }
0x6b: {  	_ =	shalt  }
0x6c: {  	_ =	shalt  }
0x6d: {  	_ =	shalt  }
0x6e: {  	_ =	shalt  }
0x6f: {  	_ =	shalt  }
0x70: {  	_ =	shalt  }
0x71: {  	_ =	shalt  }
0x72: {  	_ =	shalt  }
0x73: {  	_ =	shalt  }
0x74: {  	_ =	shalt  }
0x75: {  	_ =	shalt  }
0x76: {  	_ =	shalt  }
0x77: {  	_ =	shalt  }
0x78: {  	_ =	shalt  }
0x79: {  	_ =	shalt  }
0x7a: {  	_ =	shalt  }
0x7b: {  	_ =	shalt  }
0x7c: {  	_ =	shalt  }
0x7d: {  	_ =	shalt  }
0x7e: {  	_ =	shalt  }
0x7f: {  	_ =	shalt  }
0x80: {  	_ =	shalt  }
0x81: {  	_ =	shalt  }
0x82: {  	_ =	shalt  }
0x83: {  	_ =	shalt  }
0x84: {  	_ =	shalt  }
0x85: {  	_ =	shalt  }
0x86: {  	_ =	shalt  }
0x87: {  	_ =	shalt  }
.Lfunc_end0:
.L_simem_size_0:
called_computation.1_lowered:
.L_overlay_start_0:
0x88: {  	s2 =	sld [smem:$0x3FD9]  }
0x89: {  	s3 =	sld [smem:$0x3FFE];
	_ =	sdelay $0x1  }
0x8a: {  	s1 =	srdreg.scid  }
0x8b: {  	s0 =	sand.u32 $0x1, s1  }
0x8c: {  	s14 =	sshll.u32 s0, $0xA;
	s2 =	sadd.s32 s3, s2  }
0x8d: {  	s2 =	sadd.s32 s2, s14  }
0x8e: {  	[smem:$0x3FB4] =	sst s2  }
0x8f: {  	_ = 	snop  }
0x90: {  	s2 =	sld [smem:$0x3FD0];
	_ =	sdelay $0x2  }
0x91: {  	s15 =	simm.s32 $0xA;
	s4 =	simm.s32 $0x10  }
0x92: {  	[smem:s4], [sflag:s15] =	dma.local [hbm:s2], $0x1  }
0x93: {  	_ =	swait.eq [sflag:s15], $0x1  }
0x94: {  	[sflag:s15] =	ssyncset.done $0x0  }
0x95: {  	s16 =	sld [smem:$0x10];
	[sflag:s15] =	ssyncadd.s32 $0xFFFFFFFF  }
0x96: {  	s17 =	sld [smem:$0x12];
	(tm) =	ssettm $0x1  }
0x97: {  	s18 =	sld [smem:$0x3FFB];
	_ =	sdelay $0x3  }
0x98: {  	_ =	strace s18  }
0x99: {  	s4 =	sld [smem:$0x3FFC];
	_ =	sdelay $0x3  }
0x9a: {  	_ =	strace s4  }
0x9b: {  	s4 =	sld [smem:$0x3FFD];
	_ =	sdelay $0x3  }
0x9c: {  	_ =	strace s4  }
0x9d: {  	_ =	strace $0x8FFFFFFF  }
0x9e: {  	s19 =	sld [smem:$0x3FDB];
	_ =	sdelay $0x1  }
0x9f: {  	s5 =	simm.s32 $_scs_section_size  }
0xa0: {  	s6 =	simm.s32 $_size__tile_overlayer_lowered;
	s7 =	simm.s32 $_tile_overlayer_lowered  }
0xa1: {  	s22 =	simm.s32 $0x1BFF;
	s21 =	sshll.u32 s7, $0x1;
	s4 =	sadd.s32 s5, s19  }
0xa2: {  	s8 =	simm.s32 $0x0;
	s20 =	sshll.u32 s6, $0x1;
	s6 =	sadd.s32 s21, s4  }
0xa3: {  	[timem:s8], [sflag:s22] =	dma.local [hbm:s6], s20  }
0xa4: {  	_ =	swait.ge [sflag:s22], s20  }
0xa5: {  	s5 =	ssub.s32 $0x0, s20;
	[sflag:s22] =	ssyncset.done $0x0  }
0xa6: {  	[sflag:s22] =	ssyncadd.s32 s5;
	_ =	sdelay $0x1  }
0xa7: {  	s23 =	simm.s32 $0x1B8B  }
0xa8: {  	_ =	swait.ge [sflag:s23], $0x1  }
0xa9: {  	[sflag:s23] =	ssyncset.done $0x0  }
0xaa: {  	s25 =	simm.s32 $0x1B8E;
	s24 =	sld [smem:$0x3FFE];
	[sflag:s23] =	ssyncadd.s32 $0xFFFFFFFF  }
0xab: {  	s26 =	simm.s32 $execute0_lowered;
	[smem:$0x3FD2] =	sst s25  }
0xac: {  	s6 =	sshll.u32 s26, $0x1;
	_ =	strace $0x80000049;
	[dreg:$0x1] =	wrdreg $0xFFFFFFFF  }
0xad: {  	s28 =	simm.s32 $_size_execute0_lowered;
	s4 =	sadd.s32 s4, s6;
	[dreg:$0x0] =	wrdreg $0x0  }
0xae: {  	s6 =	sshll.u32 s28, $0x1;
	[dreg:$0x2] =	wrdreg s4  }
0xaf: {  	[dreg:$0x3] =	wrdreg s6  }
0xb0: {  	[dreg:$0x4] =	wrdreg $0xC0  }
0xb1: {  	_ =	task [dreg:s8], $0x5FFFF  }
0xb2: {  	[dreg:$0x1] =	wrdreg $0xFFFFFFFF  }
0xb3: {  	[dreg:$0x0] =	wrdreg $0x60  }
0xb4: {  	[dreg:$0x2] =	wrdreg s17  }
0xb5: {  	[dreg:$0x3] =	wrdreg s16  }
0xb6: {  	[dreg:$0x4] =	wrdreg s24  }
0xb7: {  	[dreg:$0x5] =	wrdreg $0xA8000  }
0xb8: {  	[dreg:$0x6] =	wrdreg $0x9  }
0xb9: {  	_ =	task.clear_ibuf [dreg:s8], $0x7FFFF;
	_ =	strace $0x90000049  }
0xba: {  	s29 =	simm.s32 $0x9;
	_ =	strace $0x8000004B  }
0xbb: {  	_ =	swait.ge [sflag:s29], $0x1  }
0xbc: {  	[sflag:s29] =	ssyncadd.s32 $0xFFFFFFFF  }
0xbd: {  	_ =	strace $0x9000004B  }
0xbe: {  	_ =	sfence  }
0xbf: {  	s30 =	sld [smem:$0x0];
	_ =	sdelay $0x2  }
0xc0: {  	s31 =	sshll.u32 s1, $0xD;
	s1 =	sshrl.u32 s1, $0x2  }
0xc1: {  	s3 =	sand.u32 $0x4000, s31;
	s1 =	sadd.s32 s1, s30  }
0xc2: {  	s0 =	sor.u32 s3, s0;
	s1 =	sshll.u32 s1, $0x11  }
0xc3: {  	s0 =	sor.u32 s1, s0  }
0xc4: {  	s0 =	sadd.s32 $0x8F2B, s0  }
0xc5: {  	[sflag:s0] =	ssyncadd.remote.s32 $0x1  }
0xc6: {  	_ =	sfence.sel $0xFFFF  }
0xc7: {  	[dreg:$0x0] =	wrdreg $0xFFFFFFFF;
	(pc) =	sbr.abs _section_cstart, $3  }
0xc8: {  	[dreg:$0x1] =	wrdreg $0xFFFFFFFF  }
0xc9: {  	_ =	task.clear_ibuf [dreg:s8], $0x2FFFF;
	_ =	strace $0x9FFFFFFF  }
0xca: {  	(tm) =	ssettm $0x7FFFFFFF  }
0xcb: {  	_ =	shalt  }
tec
execute0_lowered:
.L_overlay_start_1:
0x0: {  	(tag) =	ssettag $0x1  }
0x1: {  	s1 =	rddreg [dreg:$0x0]  }
0x2: {  	s0 =	rddreg [dreg:$0x1]  }
0x3: {  	s6 =	rddreg [dreg:$0x2]  }
0x4: {  	s2 =	rddreg [dreg:$0x3]  }
0x5: {  	s3 =	srdreg.scid;
	s4 =	simm.s32 $0x0;
	s22 =	stileid.u32  }
0x6: {  	s16 =	simm.s32 $0x80;
	s17 =	simm.s32 $0x2800;
	s18 =	simm.s32 $0x6800  }
0x7: {  	s19 =	simm.s32 $0x1;
	s20 =	simm.s32 $0x3;
	s21 =	simm.s32 $0x2  }
0x8: {  	s28 =	simm.s32 $0x2780;
	s29 =	simm.s32 $0x0;
	s8 =	smul.u32 $0x13C00, s22  }
0x9: {  	s5 =	sand.u32 $0x1, s3;
	[smem:$0x7FF] =	sst s4;
	s9 =	smul.u32 $0x4F000, s22  }
0xa: {  	s10 =	sadd.s32 $0x3800, s6;
	s12 =	smul.u32 $0x2800, s22;
	s30 =	sshll.u32 s22, $0x6  }
0xb: {  	s22 =	simm.s32 $0x4;
	s7 =	smul.u32 $0x13C000, s5;
	_ =	strace $0x8000004A  }
0xc: {  	s23 =	smul.u32 $0x28000, s5;
	s11 =	ssub.s32 $0x2, s5;
	s5 =	sadd.s32 $0xD800, s6  }
0xd: {  	s24 =	sshrl.u32 s11, $0x1;
	s25 =	sshrl.u32 s9, $0x2;
	s7 =	sadd.s32 s8, s7  }
0xe: {  	s14 =	ssub.s32 s11, s24;
	s26 =	sadd.s32 s12, s23;
	s15 =	sadd.s32 s25, s2  }
0xf: {  	s23 =	simm.s32 $0x1300;
	s24 =	simm.s32 $0x2680;
	s25 =	simm.s32 $0x1380  }
0x10: {  	s7 =	sshrl.u32 s7, $0x3;
	s8 =	sshrl.u32 s26, $0x3;
	s12 =	smax.u32 s14, $0x1  }
0x11: {  	s14 =	simm.s32 $0x5;
	s26 =	simm.s32 $0x2700;
	s13 =	sadd.s32 s7, s6  }
0x12: {  	s6 =	sor.u32 $0x1C05, s30;
	s7 =	sadd.s32 s0, s8;
	s31 =	sadd.s32 $0x280, s8  }
0x13: {  	s8 =	sadd.s32 s10, s8;
	s9 =	sadd.s32 s0, s31;
	s10 =	sadd.s32 s10, s31  }
0x14: {  	s11 =	sadd.s32 $0x10000, s13;
	s13 =	sshrl.u32 s15, $0x3;
	s15 =	simm.s32 $0x1400  }
.LBB2_1:
0x15: {  	[spmem:s13], [sflag:s6] =	dma.local [hbm:s5], $0x2780  }
0x16: {  	_ =	swait.ge [sflag:s14], $0x2780  }
0x17: {  	[sflag:s14] =	ssyncset.done $0x0  }
0x18: {  	[sflag:s14] =	ssyncadd.s32 $0xFFFFD880  }
0x19: {  	[bflag:$0x0] =	sbarrier.arrive $0xFFFF  }
0x1a: {  	[tilespmem:s4], [sflag:$0x5] =	stream.linear.gather [hbm4b:s7+s4], $0x1400, $0x38;
	[tilespmem:$0x1E400] =	vst v63  }
0x1b: {  	_ =	swait.ge [sflag:s14], $0x1400  }
0x1c: {  	[sflag:s14] =	ssyncset.done $0x0  }
0x1d: {  	[sflag:s14] =	ssyncadd.s32 $0xFFFFEC00  }
0x1e: {  	[tilespmem:s15], [sflag:$0x5] =	stream.linear.gather [hbm4b:s8+s4], $0x1400, $0x38;
	[tilespmem:$0x1E400] =	vst v63  }
0x1f: {  	_ =	swait.ge [sflag:s14], $0x1400  }
0x20: {  	[sflag:s14] =	ssyncset.done $0x0  }
0x21: {  	[sflag:s14] =	ssyncadd.s32 $0xFFFFEC00  }
0x22: {  	[tilespmem:s17], [sflag:$0x1] =	stream.indirect.gather [hbm4b:s1+s16], $0x80, s4, s16, $0xb8;
	[tilespmem:$0x1E400] =	vst v63  }
0x23: {  	_ = 	snop  }
0x24: {  	[tilespmem:s18], [sflag:$0x2] =	stream.indirect.gather [hbm4b:s1+s16], $0x80, s16, s16, $0xb8;
	[tilespmem:$0x1E400] =	vst v63  }
0x25: {  	_ =	swait.ge [sflag:s19], $0x4000  }
0x26: {  	[sflag:s19] =	ssyncset.done $0x0  }
0x27: {  	[sflag:s19] =	ssyncadd.s32 $0xFFFFC000  }
0x28: {  	[spmem:s2] =	stream.indirect.scatter.add.f32 [tilespmem:s17], [sflag:$0x3], $0x80, s15, s16, $0xb8;
	[tilespmem:$0x1E400] =	vst v63  }
0x29: {  	_ =	swait.ge [sflag:s20], $0x4000  }
0x2a: {  	[sflag:s20] =	ssyncset.done $0x0  }
0x2b: {  	s0 =	simm.s32 $0x100;
	[sflag:s20] =	ssyncadd.s32 $0xFFFFC000  }
0x2c: {  	[tilespmem:s17], [sflag:$0x1] =	stream.indirect.gather [hbm4b:s1+s16], $0x80, s0, s16, $0xb8;
	[tilespmem:$0x1E400] =	vst v63  }
0x2d: {  	_ =	swait.ge [sflag:s21], $0x4000  }
0x2e: {  	[sflag:s21] =	ssyncset.done $0x0  }
0x2f: {  	s3 =	simm.s32 $0x1480;
	[sflag:s21] =	ssyncadd.s32 $0xFFFFC000  }
0x30: {  	[spmem:s2] =	stream.indirect.scatter.add.f32 [tilespmem:s18], [sflag:$0x4], $0x80, s3, s16, $0xb8;
	[tilespmem:$0x1E400] =	vst v63  }
0x31: {  	_ =	swait.ge [sflag:s22], $0x4000  }
0x32: {  	[sflag:s22] =	ssyncset.done $0x0  }
0x33: {  	s3 =	simm.s32 $0x180;
	[sflag:s22] =	ssyncadd.s32 $0xFFFFC000  }
0x34: {  	[tilespmem:s18], [sflag:$0x2] =	stream.indirect.gather [hbm4b:s1+s16], $0x80, s3, s16, $0xb8;
	[tilespmem:$0x1E400] =	vst v63  }
0x35: {  	_ =	swait.ge [sflag:s19], $0x4000  }
0x36: {  	[sflag:s19] =	ssyncset.done $0x0  }
0x37: {  	s3 =	simm.s32 $0x1500;
	[sflag:s19] =	ssyncadd.s32 $0xFFFFC000  }
0x38: {  	[spmem:s2] =	stream.indirect.scatter.add.f32 [tilespmem:s17], [sflag:$0x3], $0x80, s3, s16, $0xb8;
	[tilespmem:$0x1E400] =	vst v63  }
0x39: {  	_ =	swait.ge [sflag:s20], $0x4000  }
0x3a: {  	[sflag:s20] =	ssyncset.done $0x0  }
0x3b: {  	s3 =	simm.s32 $0x200;
	[sflag:s20] =	ssyncadd.s32 $0xFFFFC000  }
0x3c: {  	[tilespmem:s17], [sflag:$0x1] =	stream.indirect.gather [hbm4b:s1+s16], $0x80, s3, s16, $0xb8;
	[tilespmem:$0x1E400] =	vst v63  }
0x3d: {  	_ =	swait.ge [sflag:s21], $0x4000  }
0x3e: {  	[sflag:s21] =	ssyncset.done $0x0  }
0x3f: {  	s3 =	simm.s32 $0x1580;
	[sflag:s21] =	ssyncadd.s32 $0xFFFFC000  }
0x40: {  	[spmem:s2] =	stream.indirect.scatter.add.f32 [tilespmem:s18], [sflag:$0x4], $0x80, s3, s16, $0xb8;
	[tilespmem:$0x1E400] =	vst v63  }
0x41: {  	_ =	swait.ge [sflag:s22], $0x4000  }
0x42: {  	[sflag:s22] =	ssyncset.done $0x0  }
0x43: {  	s3 =	simm.s32 $0x280;
	[sflag:s22] =	ssyncadd.s32 $0xFFFFC000  }
0x44: {  	[tilespmem:s18], [sflag:$0x2] =	stream.indirect.gather [hbm4b:s1+s16], $0x80, s3, s16, $0xb8;
	[tilespmem:$0x1E400] =	vst v63  }
0x45: {  	_ =	swait.ge [sflag:s19], $0x4000  }
0x46: {  	s30 =	simm.s32 $0x1;
	[sflag:s19] =	ssyncset.done $0x0  }
0x47: {  	s31 =	simm.s32 $0x800;
	s0 =	simm.s32 $0x1600;
	[sflag:s19] =	ssyncadd.s32 $0xFFFFC000  }
.LBB2_2:
0x48: {  	[spmem:s2] =	stream.indirect.scatter.add.f32 [tilespmem:s17], [sflag:$0x3], $0x80, s0, s16, $0xb8;
	[tilespmem:$0x1E400] =	vst v63  }
0x49: {  	s30 =	sadd.s32 $0x2, s30;
	_ =	swait.ge [sflag:s20], $0x4000  }
0x4a: {  	s0 =	sshra.s32 s31, $0x2;
	p0 =	slt.u32 s30, $0x11;
	[sflag:s20] =	ssyncset.done $0x0  }
0x4b: {  	s3 =	sadd.s32 $0x100, s0;
	[sflag:s20] =	ssyncadd.s32 $0xFFFFC000  }
0x4c: {  	[tilespmem:s17], [sflag:$0x1] =	stream.indirect.gather [hbm4b:s1+s16], $0x80, s3, s16, $0xb8;
	[tilespmem:$0x1E400] =	vst v63  }
0x4d: {  	_ =	swait.ge [sflag:s21], $0x4000  }
0x4e: {  	[sflag:s21] =	ssyncset.done $0x0  }
0x4f: {  	s3 =	sadd.s32 $0x1480, s0;
	[sflag:s21] =	ssyncadd.s32 $0xFFFFC000  }
0x50: {  	[spmem:s2] =	stream.indirect.scatter.add.f32 [tilespmem:s18], [sflag:$0x4], $0x80, s3, s16, $0xb8;
	[tilespmem:$0x1E400] =	vst v63  }
0x51: {  	_ =	swait.ge [sflag:s22], $0x4000  }
0x52: {  	[sflag:s22] =	ssyncset.done $0x0  }
0x53: {  	s3 =	sadd.s32 $0x180, s0;
	[sflag:s22] =	ssyncadd.s32 $0xFFFFC000  }
0x54: {  	[tilespmem:s18], [sflag:$0x2] =	stream.indirect.gather [hbm4b:s1+s16], $0x80, s3, s16, $0xb8;
	[tilespmem:$0x1E400] =	vst v63  }
0x55: {  	_ =	swait.ge [sflag:s19], $0x4000  }
0x56: {  	[sflag:s19] =	ssyncset.done $0x0  }
0x57: {  	s3 =	sadd.s32 $0x1500, s0;
	[sflag:s19] =	ssyncadd.s32 $0xFFFFC000  }
0x58: {  	[spmem:s2] =	stream.indirect.scatter.add.f32 [tilespmem:s17], [sflag:$0x3], $0x80, s3, s16, $0xb8;
	[tilespmem:$0x1E400] =	vst v63  }
0x59: {  	_ =	swait.ge [sflag:s20], $0x4000  }
0x5a: {  	[sflag:s20] =	ssyncset.done $0x0  }
0x5b: {  	s3 =	sadd.s32 $0x200, s0;
	[sflag:s20] =	ssyncadd.s32 $0xFFFFC000  }
0x5c: {  	[tilespmem:s17], [sflag:$0x1] =	stream.indirect.gather [hbm4b:s1+s16], $0x80, s3, s16, $0xb8;
	[tilespmem:$0x1E400] =	vst v63  }
0x5d: {  	_ =	swait.ge [sflag:s21], $0x4000  }
0x5e: {  	[sflag:s21] =	ssyncset.done $0x0  }
0x5f: {  	s3 =	sadd.s32 $0x1580, s0;
	[sflag:s21] =	ssyncadd.s32 $0xFFFFC000  }
0x60: {  	[spmem:s2] =	stream.indirect.scatter.add.f32 [tilespmem:s18], [sflag:$0x4], $0x80, s3, s16, $0xb8;
	[tilespmem:$0x1E400] =	vst v63  }
0x61: {  	_ =	swait.ge [sflag:s22], $0x4000  }
0x62: {  	[sflag:s22] =	ssyncset.done $0x0  }
.Ltmp0:
0x63: {  	s3 =	sadd.s32 $0x280, s0;
	[sflag:s22] =	ssyncadd.s32 $0xFFFFC000;
	(pc) =	sbr.rel @p0 .LBB2_2-.Ltmp0, $4  }
0x64: {  	[tilespmem:s18], [sflag:$0x2] =	stream.indirect.gather [hbm4b:s1+s16], $0x80, s3, s16, $0xb8;
	[tilespmem:$0x1E400] =	vst v63  }
0x65: {  	_ =	swait.ge [sflag:s19], $0x4000  }
0x66: {  	[sflag:s19] =	ssyncset.done $0x0  }
0x67: {  	s31 =	sadd.s32 $0x800, s31;
	s0 =	sadd.s32 $0x1600, s0;
	[sflag:s19] =	ssyncadd.s32 $0xFFFFC000  }
0x68: {  	[spmem:s2] =	stream.indirect.scatter.add.f32 [tilespmem:s17], [sflag:$0x3], $0x80, s0, s16, $0xb8;
	[tilespmem:$0x1E400] =	vst v63  }
0x69: {  	_ =	swait.ge [sflag:s20], $0x4000  }
0x6a: {  	[sflag:s20] =	ssyncset.done $0x0  }
0x6b: {  	[sflag:s20] =	ssyncadd.s32 $0xFFFFC000  }
0x6c: {  	[tilespmem:s17], [sflag:$0x1] =	stream.indirect.gather [hbm4b:s1+s16], $0x80, s23, s16, $0xb8;
	[tilespmem:$0x1E400] =	vst v63  }
0x6d: {  	_ =	swait.ge [sflag:s21], $0x4000  }
0x6e: {  	[sflag:s21] =	ssyncset.done $0x0  }
0x6f: {  	[sflag:s21] =	ssyncadd.s32 $0xFFFFC000  }
0x70: {  	[spmem:s2] =	stream.indirect.scatter.add.f32 [tilespmem:s18], [sflag:$0x4], $0x80, s24, s16, $0xb8;
	[tilespmem:$0x1E400] =	vst v63  }
0x71: {  	_ =	swait.ge [sflag:s22], $0x4000  }
0x72: {  	[sflag:s22] =	ssyncset.done $0x0  }
0x73: {  	[sflag:s22] =	ssyncadd.s32 $0xFFFFC000  }
0x74: {  	[tilespmem:s18], [sflag:$0x2] =	stream.indirect.gather [hbm4b:s1+s16], $0x80, s25, s16, $0xb8;
	[tilespmem:$0x1E400] =	vst v63  }
0x75: {  	_ =	swait.ge [sflag:s19], $0x4000  }
0x76: {  	[sflag:s19] =	ssyncset.done $0x0  }
0x77: {  	[sflag:s19] =	ssyncadd.s32 $0xFFFFC000  }
0x78: {  	[spmem:s2] =	stream.indirect.scatter.add.f32 [tilespmem:s17], [sflag:$0x3], $0x80, s26, s16, $0xb8;
	[tilespmem:$0x1E400] =	vst v63  }
0x79: {  	_ =	swait.ge [sflag:s21], $0x4000  }
0x7a: {  	[sflag:s21] =	ssyncset.done $0x0  }
0x7b: {  	[sflag:s21] =	ssyncadd.s32 $0xFFFFC000  }
0x7c: {  	[spmem:s2] =	stream.indirect.scatter.add.f32 [tilespmem:s18], [sflag:$0x4], $0x80, s28, s16, $0xb8;
	[tilespmem:$0x1E400] =	vst v63  }
0x7d: {  	_ =	swait.ge [sflag:s20], $0x4000  }
0x7e: {  	[sflag:s20] =	ssyncset.done $0x0  }
0x7f: {  	[sflag:s20] =	ssyncadd.s32 $0xFFFFC000  }
0x80: {  	_ =	swait.ge [sflag:s22], $0x4000  }
0x81: {  	[sflag:s22] =	ssyncset.done $0x0  }
0x82: {  	s3 =	simm.s32 $0x0;
	[sflag:s22] =	ssyncadd.s32 $0xFFFFC000  }
0x83: {  	[tilespmem:s3], [sflag:$0x5] =	stream.linear.gather [hbm4b:s9+s3], $0x1400, $0x38;
	[tilespmem:$0x1E400] =	vst v63  }
0x84: {  	_ =	swait.ge [sflag:s14], $0x1400  }
0x85: {  	[sflag:s14] =	ssyncset.done $0x0  }
0x86: {  	[sflag:s14] =	ssyncadd.s32 $0xFFFFEC00  }
0x87: {  	[tilespmem:s15], [sflag:$0x5] =	stream.linear.gather [hbm4b:s10+s3], $0x1400, $0x38;
	[tilespmem:$0x1E400] =	vst v63  }
0x88: {  	_ =	swait.ge [sflag:s14], $0x1400  }
0x89: {  	[sflag:s14] =	ssyncset.done $0x0  }
0x8a: {  	[sflag:s14] =	ssyncadd.s32 $0xFFFFEC00  }
0x8b: {  	[tilespmem:s17], [sflag:$0x1] =	stream.indirect.gather [hbm4b:s1+s16], $0x80, s3, s16, $0xb8;
	[tilespmem:$0x1E400] =	vst v63  }
0x8c: {  	_ = 	snop  }
0x8d: {  	[tilespmem:s18], [sflag:$0x2] =	stream.indirect.gather [hbm4b:s1+s16], $0x80, s16, s16, $0xb8;
	[tilespmem:$0x1E400] =	vst v63  }
0x8e: {  	_ =	swait.ge [sflag:s19], $0x4000  }
0x8f: {  	[sflag:s19] =	ssyncset.done $0x0  }
0x90: {  	[sflag:s19] =	ssyncadd.s32 $0xFFFFC000  }
0x91: {  	[spmem:s2] =	stream.indirect.scatter.add.f32 [tilespmem:s17], [sflag:$0x3], $0x80, s15, s16, $0xb8;
	[tilespmem:$0x1E400] =	vst v63  }
0x92: {  	_ =	swait.ge [sflag:s20], $0x4000  }
0x93: {  	[sflag:s20] =	ssyncset.done $0x0  }
0x94: {  	s3 =	simm.s32 $0x100;
	[sflag:s20] =	ssyncadd.s32 $0xFFFFC000  }
0x95: {  	[tilespmem:s17], [sflag:$0x1] =	stream.indirect.gather [hbm4b:s1+s16], $0x80, s3, s16, $0xb8;
	[tilespmem:$0x1E400] =	vst v63  }
0x96: {  	_ =	swait.ge [sflag:s21], $0x4000  }
0x97: {  	[sflag:s21] =	ssyncset.done $0x0  }
0x98: {  	s3 =	simm.s32 $0x1480;
	[sflag:s21] =	ssyncadd.s32 $0xFFFFC000  }
0x99: {  	[spmem:s2] =	stream.indirect.scatter.add.f32 [tilespmem:s18], [sflag:$0x4], $0x80, s3, s16, $0xb8;
	[tilespmem:$0x1E400] =	vst v63  }
0x9a: {  	_ =	swait.ge [sflag:s22], $0x4000  }
0x9b: {  	[sflag:s22] =	ssyncset.done $0x0  }
0x9c: {  	s3 =	simm.s32 $0x180;
	[sflag:s22] =	ssyncadd.s32 $0xFFFFC000  }
0x9d: {  	[tilespmem:s18], [sflag:$0x2] =	stream.indirect.gather [hbm4b:s1+s16], $0x80, s3, s16, $0xb8;
	[tilespmem:$0x1E400] =	vst v63  }
0x9e: {  	_ =	swait.ge [sflag:s19], $0x4000  }
0x9f: {  	[sflag:s19] =	ssyncset.done $0x0  }
0xa0: {  	s3 =	simm.s32 $0x1500;
	[sflag:s19] =	ssyncadd.s32 $0xFFFFC000  }
0xa1: {  	[spmem:s2] =	stream.indirect.scatter.add.f32 [tilespmem:s17], [sflag:$0x3], $0x80, s3, s16, $0xb8;
	[tilespmem:$0x1E400] =	vst v63  }
0xa2: {  	_ =	swait.ge [sflag:s20], $0x4000  }
0xa3: {  	[sflag:s20] =	ssyncset.done $0x0  }
0xa4: {  	s3 =	simm.s32 $0x200;
	[sflag:s20] =	ssyncadd.s32 $0xFFFFC000  }
0xa5: {  	[tilespmem:s17], [sflag:$0x1] =	stream.indirect.gather [hbm4b:s1+s16], $0x80, s3, s16, $0xb8;
	[tilespmem:$0x1E400] =	vst v63  }
0xa6: {  	_ =	swait.ge [sflag:s21], $0x4000  }
0xa7: {  	[sflag:s21] =	ssyncset.done $0x0  }
0xa8: {  	s3 =	simm.s32 $0x1580;
	[sflag:s21] =	ssyncadd.s32 $0xFFFFC000  }
0xa9: {  	[spmem:s2] =	stream.indirect.scatter.add.f32 [tilespmem:s18], [sflag:$0x4], $0x80, s3, s16, $0xb8;
	[tilespmem:$0x1E400] =	vst v63  }
0xaa: {  	_ =	swait.ge [sflag:s22], $0x4000  }
0xab: {  	[sflag:s22] =	ssyncset.done $0x0  }
0xac: {  	s3 =	simm.s32 $0x280;
	[sflag:s22] =	ssyncadd.s32 $0xFFFFC000  }
0xad: {  	[tilespmem:s18], [sflag:$0x2] =	stream.indirect.gather [hbm4b:s1+s16], $0x80, s3, s16, $0xb8;
	[tilespmem:$0x1E400] =	vst v63  }
0xae: {  	_ =	swait.ge [sflag:s19], $0x4000  }
0xaf: {  	s30 =	simm.s32 $0x1;
	[sflag:s19] =	ssyncset.done $0x0  }
0xb0: {  	s0 =	simm.s32 $0x1600;
	s31 =	simm.s32 $0x800;
	[sflag:s19] =	ssyncadd.s32 $0xFFFFC000  }
.LBB2_4:
0xb1: {  	[spmem:s2] =	stream.indirect.scatter.add.f32 [tilespmem:s17], [sflag:$0x3], $0x80, s0, s16, $0xb8;
	[tilespmem:$0x1E400] =	vst v63  }
0xb2: {  	s30 =	sadd.s32 $0x2, s30;
	_ =	swait.ge [sflag:s20], $0x4000  }
0xb3: {  	s0 =	sshra.s32 s31, $0x2;
	p0 =	slt.u32 s30, $0x11;
	[sflag:s20] =	ssyncset.done $0x0  }
0xb4: {  	s3 =	sadd.s32 $0x100, s0;
	[sflag:s20] =	ssyncadd.s32 $0xFFFFC000  }
0xb5: {  	[tilespmem:s17], [sflag:$0x1] =	stream.indirect.gather [hbm4b:s1+s16], $0x80, s3, s16, $0xb8;
	[tilespmem:$0x1E400] =	vst v63  }
0xb6: {  	_ =	swait.ge [sflag:s21], $0x4000  }
0xb7: {  	[sflag:s21] =	ssyncset.done $0x0  }
0xb8: {  	s3 =	sadd.s32 $0x1480, s0;
	[sflag:s21] =	ssyncadd.s32 $0xFFFFC000  }
0xb9: {  	[spmem:s2] =	stream.indirect.scatter.add.f32 [tilespmem:s18], [sflag:$0x4], $0x80, s3, s16, $0xb8;
	[tilespmem:$0x1E400] =	vst v63  }
0xba: {  	_ =	swait.ge [sflag:s22], $0x4000  }
0xbb: {  	[sflag:s22] =	ssyncset.done $0x0  }
0xbc: {  	s3 =	sadd.s32 $0x180, s0;
	[sflag:s22] =	ssyncadd.s32 $0xFFFFC000  }
0xbd: {  	[tilespmem:s18], [sflag:$0x2] =	stream.indirect.gather [hbm4b:s1+s16], $0x80, s3, s16, $0xb8;
	[tilespmem:$0x1E400] =	vst v63  }
0xbe: {  	_ =	swait.ge [sflag:s19], $0x4000  }
0xbf: {  	[sflag:s19] =	ssyncset.done $0x0  }
0xc0: {  	s3 =	sadd.s32 $0x1500, s0;
	[sflag:s19] =	ssyncadd.s32 $0xFFFFC000  }
0xc1: {  	[spmem:s2] =	stream.indirect.scatter.add.f32 [tilespmem:s17], [sflag:$0x3], $0x80, s3, s16, $0xb8;
	[tilespmem:$0x1E400] =	vst v63  }
0xc2: {  	_ =	swait.ge [sflag:s20], $0x4000  }
0xc3: {  	[sflag:s20] =	ssyncset.done $0x0  }
0xc4: {  	s3 =	sadd.s32 $0x200, s0;
	[sflag:s20] =	ssyncadd.s32 $0xFFFFC000  }
0xc5: {  	[tilespmem:s17], [sflag:$0x1] =	stream.indirect.gather [hbm4b:s1+s16], $0x80, s3, s16, $0xb8;
	[tilespmem:$0x1E400] =	vst v63  }
0xc6: {  	_ =	swait.ge [sflag:s21], $0x4000  }
0xc7: {  	[sflag:s21] =	ssyncset.done $0x0  }
0xc8: {  	s3 =	sadd.s32 $0x1580, s0;
	[sflag:s21] =	ssyncadd.s32 $0xFFFFC000  }
0xc9: {  	[spmem:s2] =	stream.indirect.scatter.add.f32 [tilespmem:s18], [sflag:$0x4], $0x80, s3, s16, $0xb8;
	[tilespmem:$0x1E400] =	vst v63  }
0xca: {  	_ =	swait.ge [sflag:s22], $0x4000  }
0xcb: {  	[sflag:s22] =	ssyncset.done $0x0  }
.Ltmp1:
0xcc: {  	s3 =	sadd.s32 $0x280, s0;
	[sflag:s22] =	ssyncadd.s32 $0xFFFFC000;
	(pc) =	sbr.rel @p0 .LBB2_4-.Ltmp1, $4  }
0xcd: {  	[tilespmem:s18], [sflag:$0x2] =	stream.indirect.gather [hbm4b:s1+s16], $0x80, s3, s16, $0xb8;
	[tilespmem:$0x1E400] =	vst v63  }
0xce: {  	_ =	swait.ge [sflag:s19], $0x4000  }
0xcf: {  	[sflag:s19] =	ssyncset.done $0x0  }
0xd0: {  	s31 =	sadd.s32 $0x800, s31;
	s0 =	sadd.s32 $0x1600, s0;
	[sflag:s19] =	ssyncadd.s32 $0xFFFFC000  }
0xd1: {  	[spmem:s2] =	stream.indirect.scatter.add.f32 [tilespmem:s17], [sflag:$0x3], $0x80, s0, s16, $0xb8;
	[tilespmem:$0x1E400] =	vst v63  }
0xd2: {  	_ =	swait.ge [sflag:s20], $0x4000  }
0xd3: {  	[sflag:s20] =	ssyncset.done $0x0  }
0xd4: {  	[sflag:s20] =	ssyncadd.s32 $0xFFFFC000  }
0xd5: {  	[tilespmem:s17], [sflag:$0x1] =	stream.indirect.gather [hbm4b:s1+s16], $0x80, s23, s16, $0xb8;
	[tilespmem:$0x1E400] =	vst v63  }
0xd6: {  	_ =	swait.ge [sflag:s21], $0x4000  }
0xd7: {  	[sflag:s21] =	ssyncset.done $0x0  }
0xd8: {  	[sflag:s21] =	ssyncadd.s32 $0xFFFFC000  }
0xd9: {  	[spmem:s2] =	stream.indirect.scatter.add.f32 [tilespmem:s18], [sflag:$0x4], $0x80, s24, s16, $0xb8;
	[tilespmem:$0x1E400] =	vst v63  }
0xda: {  	_ =	swait.ge [sflag:s22], $0x4000  }
0xdb: {  	[sflag:s22] =	ssyncset.done $0x0  }
0xdc: {  	[sflag:s22] =	ssyncadd.s32 $0xFFFFC000  }
0xdd: {  	[tilespmem:s18], [sflag:$0x2] =	stream.indirect.gather [hbm4b:s1+s16], $0x80, s25, s16, $0xb8;
	[tilespmem:$0x1E400] =	vst v63  }
0xde: {  	_ =	swait.ge [sflag:s19], $0x4000  }
0xdf: {  	[sflag:s19] =	ssyncset.done $0x0  }
0xe0: {  	[sflag:s19] =	ssyncadd.s32 $0xFFFFC000  }
0xe1: {  	[spmem:s2] =	stream.indirect.scatter.add.f32 [tilespmem:s17], [sflag:$0x3], $0x80, s26, s16, $0xb8;
	[tilespmem:$0x1E400] =	vst v63  }
0xe2: {  	_ =	swait.ge [sflag:s21], $0x4000  }
0xe3: {  	[sflag:s21] =	ssyncset.done $0x0  }
0xe4: {  	[sflag:s21] =	ssyncadd.s32 $0xFFFFC000  }
0xe5: {  	[spmem:s2] =	stream.indirect.scatter.add.f32 [tilespmem:s18], [sflag:$0x4], $0x80, s28, s16, $0xb8;
	[tilespmem:$0x1E400] =	vst v63  }
0xe6: {  	_ =	swait.ge [sflag:s20], $0x4000  }
0xe7: {  	[sflag:s20] =	ssyncset.done $0x0  }
0xe8: {  	[sflag:s20] =	ssyncadd.s32 $0xFFFFC000  }
0xe9: {  	_ =	swait.ge [sflag:s22], $0x4000  }
0xea: {  	s29 =	sadd.s32 $0x1, s29;
	[sflag:s22] =	ssyncset.done $0x0  }
0xeb: {  	p0 =	sne.s32 s29, s12;
	[sflag:s22] =	ssyncadd.s32 $0xFFFFC000  }
.Ltmp2:
0xec: {  	[bflag:$0x0] =	sbarrier.arrive $0xFFFF;
	(pc) =	sbr.rel @p0 .LBB2_1-.Ltmp2, $4  }
0xed: {  	[hbm:s11], [sflag:s6] =	dma.local [spmem:s13], $0x2780  }
0xee: {  	_ =	swait.ge [sflag:s14], $0x2780  }
0xef: {  	[sflag:s14] =	ssyncset.done $0x0  }
0xf0: {  	[sflag:s14] =	ssyncadd.s32 $0xFFFFD880  }
0xf1: {  	_ =	sfence.sel $0x180000  }
0xf2: {  	[bflag:$0x0] =	sbarrier.arrive $0xFFFF  }
0xf3: {  	_ =	strace $0x9000004A  }
0xf4: {  	s0 =	stileid.u32;
	[bflag:$0x2] =	sbarrier.arrive $0xFFFF  }
0xf5: {  	p0 =	sne.s32 s0, $0x0;
	s0 =	rddreg [dreg:$0x4]  }
0xf6: {  	s0 =	sadd.s32 @!p0 $0x100000, s0  }
0xf7: {  	[sflag:s0] =	ssyncadd.tile.s32 @!p0 $0x1;
	_ =	shalt  }
.Lfunc_end2:
_tile_overlayer_lowered:
.L_overlay_start_2:
0xf8: {  	(tag) =	ssettag $0x2  }
0xf9: {  	s0 =	rddreg [dreg:$0x0];
	s2 =	stileid.u32  }
0xfa: {  	s1 =	rddreg [dreg:$0x1];
	p0 =	sne.s32 s2, $0x0  }
0xfb: {  	s3 =	rddreg [dreg:$0x2];
	[bflag:$0x3] =	sbarrier.arrive $0xFFFF;
	s2 =	simm.s32 @!p0 $0x1C05  }
0xfc: {  	[timem:s3], [sflag:s2] =	dma.local @!p0 [hbm:s0], s1  }
0xfd: {  	s0 =	simm.s32 @!p0 $0x5  }
0xfe: {  	_ =	swait.ge @!p0 [sflag:s0], s1  }
0xff: {  	s1 =	ssub.s32 @!p0 $0x0, s1;
	[sflag:s0] =	ssyncset.done @!p0 $0x0  }
0x100: {  	[sflag:s0] =	ssyncadd.s32 @!p0 s1  }
0x101: {  	[bflag:$0x3] =	sbarrier.arrive $0xFFFF  }
0x102: {  	_ =	shalt  }

// kernel: kernel.15.cloned.1.call-start
scs
__scs_entry_jumppad:
0x0: {  	(pc) =	sbr.rel $0x88, $3  }
0x1: {  	(tag) =	ssettag $0x0;
	lr =	simm.s32 $0x1  }
0x2: {  	[smem:$0x3F8D] =	sst lr;
	_ =	strace $0xD0000000  }
0x3: {  	_ = 	snop  }
0x4: {  	_ = 	snop  }
0x5: {  	_ = 	snop  }
0x6: {  	_ = 	snop  }
0x7: {  	_ = 	snop  }
__scs_overlays_trampoline_lowered:
0x8: {  	[smem:$0x3F9C] =	sst s0  }
0x9: {  	[smem:$0x3F9D] =	sst s1  }
0xa: {  	[smem:$0x3F9E] =	sst s2  }
0xb: {  	[smem:$0x3F9F] =	sst s3  }
0xc: {  	[smem:$0x3FA0] =	sst s4  }
0xd: {  	[smem:$0x3FA1] =	sst s5  }
0xe: {  	[smem:$0x3FA2] =	sst s6  }
0xf: {  	[smem:$0x3FA3] =	sst s7  }
0x10: {  	[smem:$0x3FA4] =	sst s8  }
0x11: {  	[smem:$0x3FA5] =	sst s9;
	s0 =	simm.s32 @!p0 $0x0  }
0x12: {  	s1 =	sld [smem:$0x3F8B];
	s0 =	simm.s32 @p0 $0x1  }
0x13: {  	[smem:$0x3FA6] =	sst s0;
	s0 =	simm.s32 @!p1 $0x0  }
0x14: {  	s2 =	sld [smem:$0x3F8A];
	s0 =	simm.s32 @p1 $0x1  }
0x15: {  	[smem:$0x3FA7] =	sst s0;
	s0 =	simm.s32 @!p2 $0x0  }
0x16: {  	s3 =	sld [smem:$0x3FDB];
	s0 =	simm.s32 @p2 $0x1  }
0x17: {  	s4 =	simm.s32 $0x1BF5;
	[smem:$0x3FA9] =	sst s0  }
0x18: {  	s0 =	sld [smem:$0x3F8C];
	_ =	swait.ge [sflag:s4], $0x0  }
0x19: {  	s7 =	sld [smem:$0x3F8D]  }
0x1a: {  	s8 =	sadd.s32 $0xFFFFE003, lr  }
0x1b: {  	s9 =	sadd.s32 $0xFFFFFEF7, lr;
	s5 =	simm.s32 $0xFFFFFFFF;
	p2 =	slt.u32 s8, $0xFFFFF086  }
0x1c: {  	p1 =	slt.u32 s9, $0xF7A;
	s5 =	simm.s32 @!p2 $0x0  }
0x1d: {  	s5 =	simm.s32 @p1 $0x1;
	p0 =	seq.s32 s7, s2  }
0x1e: {  	s7 =	smul.u32 @!p0 $0xF7A, s2;
	p2 =	seq.s32 @!p0 s5, $0x0  }
0x1f: {  	s9 =	smul.u32 $0xF7A, s1;
	s8 =	simm.s32 @!p0 $0x1BF5;
	p2 =	por !p2, p0  }
0x20: {  	[sflag:s8] =	ssyncset.s32 @!p0 $0xFFFFF086;
	s6 =	sadd.s32 @!p0 s3, s7;
	s7 =	simm.s32 @!p0 $0x108  }
0x21: {  	s3 =	sadd.s32 s3, s9;
	s6 =	sadd.s32 @!p0 $0x88, s6;
	s7 =	simm.s32 @p2 $0x1082  }
0x22: {  	[simem:s7], [sflag:s8] =	dma.local @!p0 [hbm:s6], $0xF7A  }
0x23: {  	s9 =	sor.u32 $0xD0000000, s2;
	s6 =	simm.s32 $0x108;
	_ =	swait.ge @!p0 [sflag:s8], $0x0  }
0x24: {  	s3 =	sadd.s32 $0x88, s3;
	s6 =	simm.s32 @!p1 $0x1082;
	[sflag:s4] =	ssyncset.s32 $0xFFFFF086  }
0x25: {  	[simem:s6], [sflag:s4] =	dma.local [hbm:s3], $0xF7A  }
0x26: {  	[smem:$0x3F8D] =	sst s1;
	(tag) =	ssettag s2;
	_ =	strace s9  }
0x27: {  	s1 =	sld [smem:$0x3F9D]  }
0x28: {  	s2 =	sld [smem:$0x3F9E]  }
0x29: {  	s4 =	sld [smem:$0x3FA0]  }
0x2a: {  	p0 =	seq.s32 s5, $0x0;
	s5 =	sld [smem:$0x3FA1]  }
0x2b: {  	s6 =	sld [smem:$0x3FA2]  }
0x2c: {  	s7 =	sld [smem:$0x3FA3]  }
0x2d: {  	s3 =	simm.s32 $0x108;
	s8 =	sld [smem:$0x3FA4]  }
0x2e: {  	s3 =	simm.s32 @!p0 $0x1082;
	s9 =	sld [smem:$0x3FA5]  }
0x2f: {  	lr =	sadd.s32 s0, s3;
	s0 =	sld [smem:$0x3F9C]  }
0x30: {  	s3 =	sld [smem:$0x3F9F]  }
0x31: {  	[smem:$0x3FA8] =	sst s10  }
0x32: {  	s10 =	sld [smem:$0x3FA6];
	_ =	sdelay $0x3  }
0x33: {  	p0 =	seq.s32 s10, $0x1;
	s10 =	sld [smem:$0x3FA8];
	_ =	sdelay $0x3  }
0x34: {  	[smem:$0x3FA8] =	sst s10  }
0x35: {  	s10 =	sld [smem:$0x3FA7];
	_ =	sdelay $0x3  }
0x36: {  	p1 =	seq.s32 s10, $0x1;
	s10 =	sld [smem:$0x3FA8];
	_ =	sdelay $0x3  }
0x37: {  	[smem:$0x3FA8] =	sst s10  }
0x38: {  	s10 =	sld [smem:$0x3FA9]  }
0x39: {  	_ = 	snop;
	(pc) =	sbr.ind lr, $3  }
0x3a: {  	_ = 	snop  }
0x3b: {  	_ = 	snop  }
0x3c: {  	p2 =	seq.s32 s10, $0x1;
	s10 =	sld [smem:$0x3FA8]  }
0x3d: {  	_ =	shalt  }
0x3e: {  	_ =	shalt  }
0x3f: {  	_ =	shalt  }
0x40: {  	_ =	shalt  }
0x41: {  	_ =	shalt  }
0x42: {  	_ =	shalt  }
0x43: {  	_ =	shalt  }
0x44: {  	_ =	shalt  }
0x45: {  	_ =	shalt  }
0x46: {  	_ =	shalt  }
0x47: {  	_ =	shalt  }
0x48: {  	_ =	shalt  }
0x49: {  	_ =	shalt  }
0x4a: {  	_ =	shalt  }
0x4b: {  	_ =	shalt  }
0x4c: {  	_ =	shalt  }
0x4d: {  	_ =	shalt  }
0x4e: {  	_ =	shalt  }
0x4f: {  	_ =	shalt  }
0x50: {  	_ =	shalt  }
0x51: {  	_ =	shalt  }
0x52: {  	_ =	shalt  }
0x53: {  	_ =	shalt  }
0x54: {  	_ =	shalt  }
0x55: {  	_ =	shalt  }
0x56: {  	_ =	shalt  }
0x57: {  	_ =	shalt  }
0x58: {  	_ =	shalt  }
0x59: {  	_ =	shalt  }
0x5a: {  	_ =	shalt  }
0x5b: {  	_ =	shalt  }
0x5c: {  	_ =	shalt  }
0x5d: {  	_ =	shalt  }
0x5e: {  	_ =	shalt  }
0x5f: {  	_ =	shalt  }
0x60: {  	_ =	shalt  }
0x61: {  	_ =	shalt  }
0x62: {  	_ =	shalt  }
0x63: {  	_ =	shalt  }
0x64: {  	_ =	shalt  }
0x65: {  	_ =	shalt  }
0x66: {  	_ =	shalt  }
0x67: {  	_ =	shalt  }
0x68: {  	_ =	shalt  }
0x69: {  	_ =	shalt  }
0x6a: {  	_ =	shalt  }
0x6b: {  	_ =	shalt  }
0x6c: {  	_ =	shalt  }
0x6d: {  	_ =	shalt  }
0x6e: {  	_ =	shalt  }
0x6f: {  	_ =	shalt  }
0x70: {  	_ =	shalt  }
0x71: {  	_ =	shalt  }
0x72: {  	_ =	shalt  }
0x73: {  	_ =	shalt  }
0x74: {  	_ =	shalt  }
0x75: {  	_ =	shalt  }
0x76: {  	_ =	shalt  }
0x77: {  	_ =	shalt  }
0x78: {  	_ =	shalt  }
0x79: {  	_ =	shalt  }
0x7a: {  	_ =	shalt  }
0x7b: {  	_ =	shalt  }
0x7c: {  	_ =	shalt  }
0x7d: {  	_ =	shalt  }
0x7e: {  	_ =	shalt  }
0x7f: {  	_ =	shalt  }
0x80: {  	_ =	shalt  }
0x81: {  	_ =	shalt  }
0x82: {  	_ =	shalt  }
0x83: {  	_ =	shalt  }
0x84: {  	_ =	shalt  }
0x85: {  	_ =	shalt  }
0x86: {  	_ =	shalt  }
0x87: {  	_ =	shalt  }
.Lfunc_end0:
.L_simem_size_0:
called_computation.2_lowered:
.L_overlay_start_0:
0x88: {  	s2 =	sld [smem:$0x3FD9]  }
0x89: {  	s3 =	sld [smem:$0x3FFE];
	_ =	sdelay $0x1  }
0x8a: {  	s1 =	srdreg.scid  }
0x8b: {  	s0 =	sand.u32 $0x1, s1  }
0x8c: {  	s14 =	sshll.u32 s0, $0xA;
	s2 =	sadd.s32 s3, s2  }
0x8d: {  	s2 =	sadd.s32 s2, s14  }
0x8e: {  	[smem:$0x3FB4] =	sst s2  }
0x8f: {  	_ = 	snop  }
0x90: {  	s2 =	sld [smem:$0x3FD0];
	_ =	sdelay $0x2  }
0x91: {  	s15 =	simm.s32 $0xA;
	s4 =	simm.s32 $0x10  }
0x92: {  	[smem:s4], [sflag:s15] =	dma.local [hbm:s2], $0x1  }
0x93: {  	_ =	swait.eq [sflag:s15], $0x1  }
0x94: {  	[sflag:s15] =	ssyncset.done $0x0  }
0x95: {  	s16 =	sld [smem:$0x10];
	[sflag:s15] =	ssyncadd.s32 $0xFFFFFFFF  }
0x96: {  	s17 =	sld [smem:$0x11];
	(tm) =	ssettm $0x1  }
0x97: {  	s18 =	sld [smem:$0x3FFB];
	_ =	sdelay $0x3  }
0x98: {  	_ =	strace s18  }
0x99: {  	s4 =	sld [smem:$0x3FFC];
	_ =	sdelay $0x3  }
0x9a: {  	_ =	strace s4  }
0x9b: {  	s4 =	sld [smem:$0x3FFD];
	_ =	sdelay $0x3  }
0x9c: {  	_ =	strace s4  }
0x9d: {  	_ =	strace $0x8FFFFFFF  }
0x9e: {  	s19 =	sld [smem:$0x3FDB];
	_ =	sdelay $0x1  }
0x9f: {  	s5 =	simm.s32 $_scs_section_size  }
0xa0: {  	s6 =	simm.s32 $_size__tile_overlayer_lowered;
	s7 =	simm.s32 $_tile_overlayer_lowered  }
0xa1: {  	s22 =	simm.s32 $0x1BFF;
	s21 =	sshll.u32 s7, $0x1;
	s4 =	sadd.s32 s5, s19  }
0xa2: {  	s8 =	simm.s32 $0x0;
	s20 =	sshll.u32 s6, $0x1;
	s6 =	sadd.s32 s21, s4  }
0xa3: {  	[timem:s8], [sflag:s22] =	dma.local [hbm:s6], s20  }
0xa4: {  	_ =	swait.ge [sflag:s22], s20  }
0xa5: {  	s5 =	ssub.s32 $0x0, s20;
	[sflag:s22] =	ssyncset.done $0x0  }
0xa6: {  	[sflag:s22] =	ssyncadd.s32 s5;
	_ =	sdelay $0x1  }
0xa7: {  	s23 =	simm.s32 $0x1B8B  }
0xa8: {  	_ =	swait.ge [sflag:s23], $0x1  }
0xa9: {  	[sflag:s23] =	ssyncset.done $0x0  }
0xaa: {  	s25 =	simm.s32 $0x1B8E;
	s24 =	sld [smem:$0x3FFE];
	[sflag:s23] =	ssyncadd.s32 $0xFFFFFFFF  }
0xab: {  	s26 =	simm.s32 $execute0_lowered;
	[smem:$0x3FD2] =	sst s25  }
0xac: {  	s6 =	sshll.u32 s26, $0x1;
	_ =	strace $0x8000004C;
	[dreg:$0x1] =	wrdreg $0xFFFFFFFF  }
0xad: {  	s28 =	simm.s32 $_size_execute0_lowered;
	s4 =	sadd.s32 s4, s6;
	[dreg:$0x0] =	wrdreg $0x0  }
0xae: {  	s6 =	sshll.u32 s28, $0x1;
	[dreg:$0x2] =	wrdreg s4  }
0xaf: {  	[dreg:$0x3] =	wrdreg s6  }
0xb0: {  	[dreg:$0x4] =	wrdreg $0xC0  }
0xb1: {  	_ =	task [dreg:s8], $0x5FFFF  }
0xb2: {  	[dreg:$0x1] =	wrdreg $0xFFFFFFFF  }
0xb3: {  	[dreg:$0x0] =	wrdreg $0x60  }
0xb4: {  	[dreg:$0x2] =	wrdreg s17  }
0xb5: {  	[dreg:$0x3] =	wrdreg s16  }
0xb6: {  	[dreg:$0x4] =	wrdreg s24  }
0xb7: {  	[dreg:$0x5] =	wrdreg $0xA8000  }
0xb8: {  	[dreg:$0x6] =	wrdreg $0x9  }
0xb9: {  	_ =	task.clear_ibuf [dreg:s8], $0x7FFFF;
	_ =	strace $0x9000004C  }
0xba: {  	s29 =	simm.s32 $0x9;
	_ =	strace $0x8000004E  }
0xbb: {  	_ =	swait.ge [sflag:s29], $0x1  }
0xbc: {  	[sflag:s29] =	ssyncadd.s32 $0xFFFFFFFF  }
0xbd: {  	_ =	strace $0x9000004E  }
0xbe: {  	_ =	sfence  }
0xbf: {  	s30 =	sld [smem:$0x0];
	_ =	sdelay $0x2  }
0xc0: {  	s31 =	sshll.u32 s1, $0xD;
	s1 =	sshrl.u32 s1, $0x2  }
0xc1: {  	s3 =	sand.u32 $0x4000, s31;
	s1 =	sadd.s32 s1, s30  }
0xc2: {  	s0 =	sor.u32 s3, s0;
	s1 =	sshll.u32 s1, $0x11  }
0xc3: {  	s0 =	sor.u32 s1, s0  }
0xc4: {  	s0 =	sadd.s32 $0x8F2B, s0  }
0xc5: {  	[sflag:s0] =	ssyncadd.remote.s32 $0x1  }
0xc6: {  	_ =	sfence.sel $0xFFFF  }
0xc7: {  	[dreg:$0x0] =	wrdreg $0xFFFFFFFF;
	(pc) =	sbr.abs _section_cstart, $3  }
0xc8: {  	[dreg:$0x1] =	wrdreg $0xFFFFFFFF  }
0xc9: {  	_ =	task.clear_ibuf [dreg:s8], $0x2FFFF;
	_ =	strace $0x9FFFFFFF  }
0xca: {  	(tm) =	ssettm $0x7FFFFFFF  }
0xcb: {  	_ =	shalt  }
tec
execute0_lowered:
.L_overlay_start_1:
0x0: {  	(tag) =	ssettag $0x1  }
0x1: {  	s1 =	rddreg [dreg:$0x0]  }
0x2: {  	s0 =	rddreg [dreg:$0x1]  }
0x3: {  	s6 =	rddreg [dreg:$0x2]  }
0x4: {  	s2 =	rddreg [dreg:$0x3]  }
0x5: {  	s3 =	srdreg.scid;
	s4 =	simm.s32 $0x0;
	s22 =	stileid.u32  }
0x6: {  	s16 =	simm.s32 $0x80;
	s17 =	simm.s32 $0x2800;
	s18 =	simm.s32 $0x6800  }
0x7: {  	s19 =	simm.s32 $0x1;
	s20 =	simm.s32 $0x3;
	s21 =	simm.s32 $0x2  }
0x8: {  	s28 =	simm.s32 $0x2780;
	s29 =	simm.s32 $0x0;
	s8 =	smul.u32 $0x13C00, s22  }
0x9: {  	s5 =	sand.u32 $0x1, s3;
	[smem:$0x7FF] =	sst s4;
	s9 =	smul.u32 $0x4F000, s22  }
0xa: {  	s10 =	sadd.s32 $0x3800, s6;
	s12 =	smul.u32 $0x2800, s22;
	s30 =	sshll.u32 s22, $0x6  }
0xb: {  	s22 =	simm.s32 $0x4;
	s7 =	smul.u32 $0x13C000, s5;
	_ =	strace $0x8000004D  }
0xc: {  	s23 =	smul.u32 $0x28000, s5;
	s11 =	ssub.s32 $0x2, s5;
	s5 =	sadd.s32 $0xD800, s6  }
0xd: {  	s24 =	sshrl.u32 s11, $0x1;
	s25 =	sshrl.u32 s9, $0x2;
	s7 =	sadd.s32 s8, s7  }
0xe: {  	s14 =	ssub.s32 s11, s24;
	s26 =	sadd.s32 s12, s23;
	s15 =	sadd.s32 s25, s2  }
0xf: {  	s23 =	simm.s32 $0x1300;
	s24 =	simm.s32 $0x2680;
	s25 =	simm.s32 $0x1380  }
0x10: {  	s7 =	sshrl.u32 s7, $0x3;
	s8 =	sshrl.u32 s26, $0x3;
	s12 =	smax.u32 s14, $0x1  }
0x11: {  	s14 =	simm.s32 $0x5;
	s26 =	simm.s32 $0x2700;
	s13 =	sadd.s32 s7, s6  }
0x12: {  	s6 =	sor.u32 $0x1C05, s30;
	s7 =	sadd.s32 s0, s8;
	s31 =	sadd.s32 $0x280, s8  }
0x13: {  	s8 =	sadd.s32 s10, s8;
	s9 =	sadd.s32 s0, s31;
	s10 =	sadd.s32 s10, s31  }
0x14: {  	s11 =	sadd.s32 $0x10000, s13;
	s13 =	sshrl.u32 s15, $0x3;
	s15 =	simm.s32 $0x1400  }
.LBB2_1:
0x15: {  	[spmem:s13], [sflag:s6] =	dma.local [hbm:s5], $0x2780  }
0x16: {  	_ =	swait.ge [sflag:s14], $0x2780  }
0x17: {  	[sflag:s14] =	ssyncset.done $0x0  }
0x18: {  	[sflag:s14] =	ssyncadd.s32 $0xFFFFD880  }
0x19: {  	[bflag:$0x0] =	sbarrier.arrive $0xFFFF  }
0x1a: {  	[tilespmem:s4], [sflag:$0x5] =	stream.linear.gather [hbm4b:s7+s4], $0x1400, $0x38;
	[tilespmem:$0x1E400] =	vst v63  }
0x1b: {  	_ =	swait.ge [sflag:s14], $0x1400  }
0x1c: {  	[sflag:s14] =	ssyncset.done $0x0  }
0x1d: {  	[sflag:s14] =	ssyncadd.s32 $0xFFFFEC00  }
0x1e: {  	[tilespmem:s15], [sflag:$0x5] =	stream.linear.gather [hbm4b:s8+s4], $0x1400, $0x38;
	[tilespmem:$0x1E400] =	vst v63  }
0x1f: {  	_ =	swait.ge [sflag:s14], $0x1400  }
0x20: {  	[sflag:s14] =	ssyncset.done $0x0  }
0x21: {  	[sflag:s14] =	ssyncadd.s32 $0xFFFFEC00  }
0x22: {  	[tilespmem:s17], [sflag:$0x1] =	stream.indirect.gather [hbm4b:s1+s16], $0x80, s4, s16, $0xb8;
	[tilespmem:$0x1E400] =	vst v63  }
0x23: {  	_ = 	snop  }
0x24: {  	[tilespmem:s18], [sflag:$0x2] =	stream.indirect.gather [hbm4b:s1+s16], $0x80, s16, s16, $0xb8;
	[tilespmem:$0x1E400] =	vst v63  }
0x25: {  	_ =	swait.ge [sflag:s19], $0x4000  }
0x26: {  	[sflag:s19] =	ssyncset.done $0x0  }
0x27: {  	[sflag:s19] =	ssyncadd.s32 $0xFFFFC000  }
0x28: {  	[spmem:s2] =	stream.indirect.scatter.add.f32 [tilespmem:s17], [sflag:$0x3], $0x80, s15, s16, $0xb8;
	[tilespmem:$0x1E400] =	vst v63  }
0x29: {  	_ =	swait.ge [sflag:s20], $0x4000  }
0x2a: {  	[sflag:s20] =	ssyncset.done $0x0  }
0x2b: {  	s0 =	simm.s32 $0x100;
	[sflag:s20] =	ssyncadd.s32 $0xFFFFC000  }
0x2c: {  	[tilespmem:s17], [sflag:$0x1] =	stream.indirect.gather [hbm4b:s1+s16], $0x80, s0, s16, $0xb8;
	[tilespmem:$0x1E400] =	vst v63  }
0x2d: {  	_ =	swait.ge [sflag:s21], $0x4000  }
0x2e: {  	[sflag:s21] =	ssyncset.done $0x0  }
0x2f: {  	s3 =	simm.s32 $0x1480;
	[sflag:s21] =	ssyncadd.s32 $0xFFFFC000  }
0x30: {  	[spmem:s2] =	stream.indirect.scatter.add.f32 [tilespmem:s18], [sflag:$0x4], $0x80, s3, s16, $0xb8;
	[tilespmem:$0x1E400] =	vst v63  }
0x31: {  	_ =	swait.ge [sflag:s22], $0x4000  }
0x32: {  	[sflag:s22] =	ssyncset.done $0x0  }
0x33: {  	s3 =	simm.s32 $0x180;
	[sflag:s22] =	ssyncadd.s32 $0xFFFFC000  }
0x34: {  	[tilespmem:s18], [sflag:$0x2] =	stream.indirect.gather [hbm4b:s1+s16], $0x80, s3, s16, $0xb8;
	[tilespmem:$0x1E400] =	vst v63  }
0x35: {  	_ =	swait.ge [sflag:s19], $0x4000  }
0x36: {  	[sflag:s19] =	ssyncset.done $0x0  }
0x37: {  	s3 =	simm.s32 $0x1500;
	[sflag:s19] =	ssyncadd.s32 $0xFFFFC000  }
0x38: {  	[spmem:s2] =	stream.indirect.scatter.add.f32 [tilespmem:s17], [sflag:$0x3], $0x80, s3, s16, $0xb8;
	[tilespmem:$0x1E400] =	vst v63  }
0x39: {  	_ =	swait.ge [sflag:s20], $0x4000  }
0x3a: {  	[sflag:s20] =	ssyncset.done $0x0  }
0x3b: {  	s3 =	simm.s32 $0x200;
	[sflag:s20] =	ssyncadd.s32 $0xFFFFC000  }
0x3c: {  	[tilespmem:s17], [sflag:$0x1] =	stream.indirect.gather [hbm4b:s1+s16], $0x80, s3, s16, $0xb8;
	[tilespmem:$0x1E400] =	vst v63  }
0x3d: {  	_ =	swait.ge [sflag:s21], $0x4000  }
0x3e: {  	[sflag:s21] =	ssyncset.done $0x0  }
0x3f: {  	s3 =	simm.s32 $0x1580;
	[sflag:s21] =	ssyncadd.s32 $0xFFFFC000  }
0x40: {  	[spmem:s2] =	stream.indirect.scatter.add.f32 [tilespmem:s18], [sflag:$0x4], $0x80, s3, s16, $0xb8;
	[tilespmem:$0x1E400] =	vst v63  }
0x41: {  	_ =	swait.ge [sflag:s22], $0x4000  }
0x42: {  	[sflag:s22] =	ssyncset.done $0x0  }
0x43: {  	s3 =	simm.s32 $0x280;
	[sflag:s22] =	ssyncadd.s32 $0xFFFFC000  }
0x44: {  	[tilespmem:s18], [sflag:$0x2] =	stream.indirect.gather [hbm4b:s1+s16], $0x80, s3, s16, $0xb8;
	[tilespmem:$0x1E400] =	vst v63  }
0x45: {  	_ =	swait.ge [sflag:s19], $0x4000  }
0x46: {  	s30 =	simm.s32 $0x1;
	[sflag:s19] =	ssyncset.done $0x0  }
0x47: {  	s31 =	simm.s32 $0x800;
	s0 =	simm.s32 $0x1600;
	[sflag:s19] =	ssyncadd.s32 $0xFFFFC000  }
.LBB2_2:
0x48: {  	[spmem:s2] =	stream.indirect.scatter.add.f32 [tilespmem:s17], [sflag:$0x3], $0x80, s0, s16, $0xb8;
	[tilespmem:$0x1E400] =	vst v63  }
0x49: {  	s30 =	sadd.s32 $0x2, s30;
	_ =	swait.ge [sflag:s20], $0x4000  }
0x4a: {  	s0 =	sshra.s32 s31, $0x2;
	p0 =	slt.u32 s30, $0x11;
	[sflag:s20] =	ssyncset.done $0x0  }
0x4b: {  	s3 =	sadd.s32 $0x100, s0;
	[sflag:s20] =	ssyncadd.s32 $0xFFFFC000  }
0x4c: {  	[tilespmem:s17], [sflag:$0x1] =	stream.indirect.gather [hbm4b:s1+s16], $0x80, s3, s16, $0xb8;
	[tilespmem:$0x1E400] =	vst v63  }
0x4d: {  	_ =	swait.ge [sflag:s21], $0x4000  }
0x4e: {  	[sflag:s21] =	ssyncset.done $0x0  }
0x4f: {  	s3 =	sadd.s32 $0x1480, s0;
	[sflag:s21] =	ssyncadd.s32 $0xFFFFC000  }
0x50: {  	[spmem:s2] =	stream.indirect.scatter.add.f32 [tilespmem:s18], [sflag:$0x4], $0x80, s3, s16, $0xb8;
	[tilespmem:$0x1E400] =	vst v63  }
0x51: {  	_ =	swait.ge [sflag:s22], $0x4000  }
0x52: {  	[sflag:s22] =	ssyncset.done $0x0  }
0x53: {  	s3 =	sadd.s32 $0x180, s0;
	[sflag:s22] =	ssyncadd.s32 $0xFFFFC000  }
0x54: {  	[tilespmem:s18], [sflag:$0x2] =	stream.indirect.gather [hbm4b:s1+s16], $0x80, s3, s16, $0xb8;
	[tilespmem:$0x1E400] =	vst v63  }
0x55: {  	_ =	swait.ge [sflag:s19], $0x4000  }
0x56: {  	[sflag:s19] =	ssyncset.done $0x0  }
0x57: {  	s3 =	sadd.s32 $0x1500, s0;
	[sflag:s19] =	ssyncadd.s32 $0xFFFFC000  }
0x58: {  	[spmem:s2] =	stream.indirect.scatter.add.f32 [tilespmem:s17], [sflag:$0x3], $0x80, s3, s16, $0xb8;
	[tilespmem:$0x1E400] =	vst v63  }
0x59: {  	_ =	swait.ge [sflag:s20], $0x4000  }
0x5a: {  	[sflag:s20] =	ssyncset.done $0x0  }
0x5b: {  	s3 =	sadd.s32 $0x200, s0;
	[sflag:s20] =	ssyncadd.s32 $0xFFFFC000  }
0x5c: {  	[tilespmem:s17], [sflag:$0x1] =	stream.indirect.gather [hbm4b:s1+s16], $0x80, s3, s16, $0xb8;
	[tilespmem:$0x1E400] =	vst v63  }
0x5d: {  	_ =	swait.ge [sflag:s21], $0x4000  }
0x5e: {  	[sflag:s21] =	ssyncset.done $0x0  }
0x5f: {  	s3 =	sadd.s32 $0x1580, s0;
	[sflag:s21] =	ssyncadd.s32 $0xFFFFC000  }
0x60: {  	[spmem:s2] =	stream.indirect.scatter.add.f32 [tilespmem:s18], [sflag:$0x4], $0x80, s3, s16, $0xb8;
	[tilespmem:$0x1E400] =	vst v63  }
0x61: {  	_ =	swait.ge [sflag:s22], $0x4000  }
0x62: {  	[sflag:s22] =	ssyncset.done $0x0  }
.Ltmp0:
0x63: {  	s3 =	sadd.s32 $0x280, s0;
	[sflag:s22] =	ssyncadd.s32 $0xFFFFC000;
	(pc) =	sbr.rel @p0 .LBB2_2-.Ltmp0, $4  }
0x64: {  	[tilespmem:s18], [sflag:$0x2] =	stream.indirect.gather [hbm4b:s1+s16], $0x80, s3, s16, $0xb8;
	[tilespmem:$0x1E400] =	vst v63  }
0x65: {  	_ =	swait.ge [sflag:s19], $0x4000  }
0x66: {  	[sflag:s19] =	ssyncset.done $0x0  }
0x67: {  	s31 =	sadd.s32 $0x800, s31;
	s0 =	sadd.s32 $0x1600, s0;
	[sflag:s19] =	ssyncadd.s32 $0xFFFFC000  }
0x68: {  	[spmem:s2] =	stream.indirect.scatter.add.f32 [tilespmem:s17], [sflag:$0x3], $0x80, s0, s16, $0xb8;
	[tilespmem:$0x1E400] =	vst v63  }
0x69: {  	_ =	swait.ge [sflag:s20], $0x4000  }
0x6a: {  	[sflag:s20] =	ssyncset.done $0x0  }
0x6b: {  	[sflag:s20] =	ssyncadd.s32 $0xFFFFC000  }
0x6c: {  	[tilespmem:s17], [sflag:$0x1] =	stream.indirect.gather [hbm4b:s1+s16], $0x80, s23, s16, $0xb8;
	[tilespmem:$0x1E400] =	vst v63  }
0x6d: {  	_ =	swait.ge [sflag:s21], $0x4000  }
0x6e: {  	[sflag:s21] =	ssyncset.done $0x0  }
0x6f: {  	[sflag:s21] =	ssyncadd.s32 $0xFFFFC000  }
0x70: {  	[spmem:s2] =	stream.indirect.scatter.add.f32 [tilespmem:s18], [sflag:$0x4], $0x80, s24, s16, $0xb8;
	[tilespmem:$0x1E400] =	vst v63  }
0x71: {  	_ =	swait.ge [sflag:s22], $0x4000  }
0x72: {  	[sflag:s22] =	ssyncset.done $0x0  }
0x73: {  	[sflag:s22] =	ssyncadd.s32 $0xFFFFC000  }
0x74: {  	[tilespmem:s18], [sflag:$0x2] =	stream.indirect.gather [hbm4b:s1+s16], $0x80, s25, s16, $0xb8;
	[tilespmem:$0x1E400] =	vst v63  }
0x75: {  	_ =	swait.ge [sflag:s19], $0x4000  }
0x76: {  	[sflag:s19] =	ssyncset.done $0x0  }
0x77: {  	[sflag:s19] =	ssyncadd.s32 $0xFFFFC000  }
0x78: {  	[spmem:s2] =	stream.indirect.scatter.add.f32 [tilespmem:s17], [sflag:$0x3], $0x80, s26, s16, $0xb8;
	[tilespmem:$0x1E400] =	vst v63  }
0x79: {  	_ =	swait.ge [sflag:s21], $0x4000  }
0x7a: {  	[sflag:s21] =	ssyncset.done $0x0  }
0x7b: {  	[sflag:s21] =	ssyncadd.s32 $0xFFFFC000  }
0x7c: {  	[spmem:s2] =	stream.indirect.scatter.add.f32 [tilespmem:s18], [sflag:$0x4], $0x80, s28, s16, $0xb8;
	[tilespmem:$0x1E400] =	vst v63  }
0x7d: {  	_ =	swait.ge [sflag:s20], $0x4000  }
0x7e: {  	[sflag:s20] =	ssyncset.done $0x0  }
0x7f: {  	[sflag:s20] =	ssyncadd.s32 $0xFFFFC000  }
0x80: {  	_ =	swait.ge [sflag:s22], $0x4000  }
0x81: {  	[sflag:s22] =	ssyncset.done $0x0  }
0x82: {  	s3 =	simm.s32 $0x0;
	[sflag:s22] =	ssyncadd.s32 $0xFFFFC000  }
0x83: {  	[tilespmem:s3], [sflag:$0x5] =	stream.linear.gather [hbm4b:s9+s3], $0x1400, $0x38;
	[tilespmem:$0x1E400] =	vst v63  }
0x84: {  	_ =	swait.ge [sflag:s14], $0x1400  }
0x85: {  	[sflag:s14] =	ssyncset.done $0x0  }
0x86: {  	[sflag:s14] =	ssyncadd.s32 $0xFFFFEC00  }
0x87: {  	[tilespmem:s15], [sflag:$0x5] =	stream.linear.gather [hbm4b:s10+s3], $0x1400, $0x38;
	[tilespmem:$0x1E400] =	vst v63  }
0x88: {  	_ =	swait.ge [sflag:s14], $0x1400  }
0x89: {  	[sflag:s14] =	ssyncset.done $0x0  }
0x8a: {  	[sflag:s14] =	ssyncadd.s32 $0xFFFFEC00  }
0x8b: {  	[tilespmem:s17], [sflag:$0x1] =	stream.indirect.gather [hbm4b:s1+s16], $0x80, s3, s16, $0xb8;
	[tilespmem:$0x1E400] =	vst v63  }
0x8c: {  	_ = 	snop  }
0x8d: {  	[tilespmem:s18], [sflag:$0x2] =	stream.indirect.gather [hbm4b:s1+s16], $0x80, s16, s16, $0xb8;
	[tilespmem:$0x1E400] =	vst v63  }
0x8e: {  	_ =	swait.ge [sflag:s19], $0x4000  }
0x8f: {  	[sflag:s19] =	ssyncset.done $0x0  }
0x90: {  	[sflag:s19] =	ssyncadd.s32 $0xFFFFC000  }
0x91: {  	[spmem:s2] =	stream.indirect.scatter.add.f32 [tilespmem:s17], [sflag:$0x3], $0x80, s15, s16, $0xb8;
	[tilespmem:$0x1E400] =	vst v63  }
0x92: {  	_ =	swait.ge [sflag:s20], $0x4000  }
0x93: {  	[sflag:s20] =	ssyncset.done $0x0  }
0x94: {  	s3 =	simm.s32 $0x100;
	[sflag:s20] =	ssyncadd.s32 $0xFFFFC000  }
0x95: {  	[tilespmem:s17], [sflag:$0x1] =	stream.indirect.gather [hbm4b:s1+s16], $0x80, s3, s16, $0xb8;
	[tilespmem:$0x1E400] =	vst v63  }
0x96: {  	_ =	swait.ge [sflag:s21], $0x4000  }
0x97: {  	[sflag:s21] =	ssyncset.done $0x0  }
0x98: {  	s3 =	simm.s32 $0x1480;
	[sflag:s21] =	ssyncadd.s32 $0xFFFFC000  }
0x99: {  	[spmem:s2] =	stream.indirect.scatter.add.f32 [tilespmem:s18], [sflag:$0x4], $0x80, s3, s16, $0xb8;
	[tilespmem:$0x1E400] =	vst v63  }
0x9a: {  	_ =	swait.ge [sflag:s22], $0x4000  }
0x9b: {  	[sflag:s22] =	ssyncset.done $0x0  }
0x9c: {  	s3 =	simm.s32 $0x180;
	[sflag:s22] =	ssyncadd.s32 $0xFFFFC000  }
0x9d: {  	[tilespmem:s18], [sflag:$0x2] =	stream.indirect.gather [hbm4b:s1+s16], $0x80, s3, s16, $0xb8;
	[tilespmem:$0x1E400] =	vst v63  }
0x9e: {  	_ =	swait.ge [sflag:s19], $0x4000  }
0x9f: {  	[sflag:s19] =	ssyncset.done $0x0  }
0xa0: {  	s3 =	simm.s32 $0x1500;
	[sflag:s19] =	ssyncadd.s32 $0xFFFFC000  }
0xa1: {  	[spmem:s2] =	stream.indirect.scatter.add.f32 [tilespmem:s17], [sflag:$0x3], $0x80, s3, s16, $0xb8;
	[tilespmem:$0x1E400] =	vst v63  }
0xa2: {  	_ =	swait.ge [sflag:s20], $0x4000  }
0xa3: {  	[sflag:s20] =	ssyncset.done $0x0  }
0xa4: {  	s3 =	simm.s32 $0x200;
	[sflag:s20] =	ssyncadd.s32 $0xFFFFC000  }
0xa5: {  	[tilespmem:s17], [sflag:$0x1] =	stream.indirect.gather [hbm4b:s1+s16], $0x80, s3, s16, $0xb8;
	[tilespmem:$0x1E400] =	vst v63  }
0xa6: {  	_ =	swait.ge [sflag:s21], $0x4000  }
0xa7: {  	[sflag:s21] =	ssyncset.done $0x0  }
0xa8: {  	s3 =	simm.s32 $0x1580;
	[sflag:s21] =	ssyncadd.s32 $0xFFFFC000  }
0xa9: {  	[spmem:s2] =	stream.indirect.scatter.add.f32 [tilespmem:s18], [sflag:$0x4], $0x80, s3, s16, $0xb8;
	[tilespmem:$0x1E400] =	vst v63  }
0xaa: {  	_ =	swait.ge [sflag:s22], $0x4000  }
0xab: {  	[sflag:s22] =	ssyncset.done $0x0  }
0xac: {  	s3 =	simm.s32 $0x280;
	[sflag:s22] =	ssyncadd.s32 $0xFFFFC000  }
0xad: {  	[tilespmem:s18], [sflag:$0x2] =	stream.indirect.gather [hbm4b:s1+s16], $0x80, s3, s16, $0xb8;
	[tilespmem:$0x1E400] =	vst v63  }
0xae: {  	_ =	swait.ge [sflag:s19], $0x4000  }
0xaf: {  	s30 =	simm.s32 $0x1;
	[sflag:s19] =	ssyncset.done $0x0  }
0xb0: {  	s0 =	simm.s32 $0x1600;
	s31 =	simm.s32 $0x800;
	[sflag:s19] =	ssyncadd.s32 $0xFFFFC000  }
.LBB2_4:
0xb1: {  	[spmem:s2] =	stream.indirect.scatter.add.f32 [tilespmem:s17], [sflag:$0x3], $0x80, s0, s16, $0xb8;
	[tilespmem:$0x1E400] =	vst v63  }
0xb2: {  	s30 =	sadd.s32 $0x2, s30;
	_ =	swait.ge [sflag:s20], $0x4000  }
0xb3: {  	s0 =	sshra.s32 s31, $0x2;
	p0 =	slt.u32 s30, $0x11;
	[sflag:s20] =	ssyncset.done $0x0  }
0xb4: {  	s3 =	sadd.s32 $0x100, s0;
	[sflag:s20] =	ssyncadd.s32 $0xFFFFC000  }
0xb5: {  	[tilespmem:s17], [sflag:$0x1] =	stream.indirect.gather [hbm4b:s1+s16], $0x80, s3, s16, $0xb8;
	[tilespmem:$0x1E400] =	vst v63  }
0xb6: {  	_ =	swait.ge [sflag:s21], $0x4000  }
0xb7: {  	[sflag:s21] =	ssyncset.done $0x0  }
0xb8: {  	s3 =	sadd.s32 $0x1480, s0;
	[sflag:s21] =	ssyncadd.s32 $0xFFFFC000  }
0xb9: {  	[spmem:s2] =	stream.indirect.scatter.add.f32 [tilespmem:s18], [sflag:$0x4], $0x80, s3, s16, $0xb8;
	[tilespmem:$0x1E400] =	vst v63  }
0xba: {  	_ =	swait.ge [sflag:s22], $0x4000  }
0xbb: {  	[sflag:s22] =	ssyncset.done $0x0  }
0xbc: {  	s3 =	sadd.s32 $0x180, s0;
	[sflag:s22] =	ssyncadd.s32 $0xFFFFC000  }
0xbd: {  	[tilespmem:s18], [sflag:$0x2] =	stream.indirect.gather [hbm4b:s1+s16], $0x80, s3, s16, $0xb8;
	[tilespmem:$0x1E400] =	vst v63  }
0xbe: {  	_ =	swait.ge [sflag:s19], $0x4000  }
0xbf: {  	[sflag:s19] =	ssyncset.done $0x0  }
0xc0: {  	s3 =	sadd.s32 $0x1500, s0;
	[sflag:s19] =	ssyncadd.s32 $0xFFFFC000  }
0xc1: {  	[spmem:s2] =	stream.indirect.scatter.add.f32 [tilespmem:s17], [sflag:$0x3], $0x80, s3, s16, $0xb8;
	[tilespmem:$0x1E400] =	vst v63  }
0xc2: {  	_ =	swait.ge [sflag:s20], $0x4000  }
0xc3: {  	[sflag:s20] =	ssyncset.done $0x0  }
0xc4: {  	s3 =	sadd.s32 $0x200, s0;
	[sflag:s20] =	ssyncadd.s32 $0xFFFFC000  }
0xc5: {  	[tilespmem:s17], [sflag:$0x1] =	stream.indirect.gather [hbm4b:s1+s16], $0x80, s3, s16, $0xb8;
	[tilespmem:$0x1E400] =	vst v63  }
0xc6: {  	_ =	swait.ge [sflag:s21], $0x4000  }
0xc7: {  	[sflag:s21] =	ssyncset.done $0x0  }
0xc8: {  	s3 =	sadd.s32 $0x1580, s0;
	[sflag:s21] =	ssyncadd.s32 $0xFFFFC000  }
0xc9: {  	[spmem:s2] =	stream.indirect.scatter.add.f32 [tilespmem:s18], [sflag:$0x4], $0x80, s3, s16, $0xb8;
	[tilespmem:$0x1E400] =	vst v63  }
0xca: {  	_ =	swait.ge [sflag:s22], $0x4000  }
0xcb: {  	[sflag:s22] =	ssyncset.done $0x0  }
.Ltmp1:
0xcc: {  	s3 =	sadd.s32 $0x280, s0;
	[sflag:s22] =	ssyncadd.s32 $0xFFFFC000;
	(pc) =	sbr.rel @p0 .LBB2_4-.Ltmp1, $4  }
0xcd: {  	[tilespmem:s18], [sflag:$0x2] =	stream.indirect.gather [hbm4b:s1+s16], $0x80, s3, s16, $0xb8;
	[tilespmem:$0x1E400] =	vst v63  }
0xce: {  	_ =	swait.ge [sflag:s19], $0x4000  }
0xcf: {  	[sflag:s19] =	ssyncset.done $0x0  }
0xd0: {  	s31 =	sadd.s32 $0x800, s31;
	s0 =	sadd.s32 $0x1600, s0;
	[sflag:s19] =	ssyncadd.s32 $0xFFFFC000  }
0xd1: {  	[spmem:s2] =	stream.indirect.scatter.add.f32 [tilespmem:s17], [sflag:$0x3], $0x80, s0, s16, $0xb8;
	[tilespmem:$0x1E400] =	vst v63  }
0xd2: {  	_ =	swait.ge [sflag:s20], $0x4000  }
0xd3: {  	[sflag:s20] =	ssyncset.done $0x0  }
0xd4: {  	[sflag:s20] =	ssyncadd.s32 $0xFFFFC000  }
0xd5: {  	[tilespmem:s17], [sflag:$0x1] =	stream.indirect.gather [hbm4b:s1+s16], $0x80, s23, s16, $0xb8;
	[tilespmem:$0x1E400] =	vst v63  }
0xd6: {  	_ =	swait.ge [sflag:s21], $0x4000  }
0xd7: {  	[sflag:s21] =	ssyncset.done $0x0  }
0xd8: {  	[sflag:s21] =	ssyncadd.s32 $0xFFFFC000  }
0xd9: {  	[spmem:s2] =	stream.indirect.scatter.add.f32 [tilespmem:s18], [sflag:$0x4], $0x80, s24, s16, $0xb8;
	[tilespmem:$0x1E400] =	vst v63  }
0xda: {  	_ =	swait.ge [sflag:s22], $0x4000  }
0xdb: {  	[sflag:s22] =	ssyncset.done $0x0  }
0xdc: {  	[sflag:s22] =	ssyncadd.s32 $0xFFFFC000  }
0xdd: {  	[tilespmem:s18], [sflag:$0x2] =	stream.indirect.gather [hbm4b:s1+s16], $0x80, s25, s16, $0xb8;
	[tilespmem:$0x1E400] =	vst v63  }
0xde: {  	_ =	swait.ge [sflag:s19], $0x4000  }
0xdf: {  	[sflag:s19] =	ssyncset.done $0x0  }
0xe0: {  	[sflag:s19] =	ssyncadd.s32 $0xFFFFC000  }
0xe1: {  	[spmem:s2] =	stream.indirect.scatter.add.f32 [tilespmem:s17], [sflag:$0x3], $0x80, s26, s16, $0xb8;
	[tilespmem:$0x1E400] =	vst v63  }
0xe2: {  	_ =	swait.ge [sflag:s21], $0x4000  }
0xe3: {  	[sflag:s21] =	ssyncset.done $0x0  }
0xe4: {  	[sflag:s21] =	ssyncadd.s32 $0xFFFFC000  }
0xe5: {  	[spmem:s2] =	stream.indirect.scatter.add.f32 [tilespmem:s18], [sflag:$0x4], $0x80, s28, s16, $0xb8;
	[tilespmem:$0x1E400] =	vst v63  }
0xe6: {  	_ =	swait.ge [sflag:s20], $0x4000  }
0xe7: {  	[sflag:s20] =	ssyncset.done $0x0  }
0xe8: {  	[sflag:s20] =	ssyncadd.s32 $0xFFFFC000  }
0xe9: {  	_ =	swait.ge [sflag:s22], $0x4000  }
0xea: {  	s29 =	sadd.s32 $0x1, s29;
	[sflag:s22] =	ssyncset.done $0x0  }
0xeb: {  	p0 =	sne.s32 s29, s12;
	[sflag:s22] =	ssyncadd.s32 $0xFFFFC000  }
.Ltmp2:
0xec: {  	[bflag:$0x0] =	sbarrier.arrive $0xFFFF;
	(pc) =	sbr.rel @p0 .LBB2_1-.Ltmp2, $4  }
0xed: {  	[hbm:s11], [sflag:s6] =	dma.local [spmem:s13], $0x2780  }
0xee: {  	_ =	swait.ge [sflag:s14], $0x2780  }
0xef: {  	[sflag:s14] =	ssyncset.done $0x0  }
0xf0: {  	[sflag:s14] =	ssyncadd.s32 $0xFFFFD880  }
0xf1: {  	_ =	sfence.sel $0x180000  }
0xf2: {  	[bflag:$0x0] =	sbarrier.arrive $0xFFFF  }
0xf3: {  	_ =	strace $0x9000004D  }
0xf4: {  	s0 =	stileid.u32;
	[bflag:$0x2] =	sbarrier.arrive $0xFFFF  }
0xf5: {  	p0 =	sne.s32 s0, $0x0;
	s0 =	rddreg [dreg:$0x4]  }
0xf6: {  	s0 =	sadd.s32 @!p0 $0x100000, s0  }
0xf7: {  	[sflag:s0] =	ssyncadd.tile.s32 @!p0 $0x1;
	_ =	shalt  }
.Lfunc_end2:
_tile_overlayer_lowered:
.L_overlay_start_2:
0xf8: {  	(tag) =	ssettag $0x2  }
0xf9: {  	s0 =	rddreg [dreg:$0x0];
	s2 =	stileid.u32  }
0xfa: {  	s1 =	rddreg [dreg:$0x1];
	p0 =	sne.s32 s2, $0x0  }
0xfb: {  	s3 =	rddreg [dreg:$0x2];
	[bflag:$0x3] =	sbarrier.arrive $0xFFFF;
	s2 =	simm.s32 @!p0 $0x1C05  }
0xfc: {  	[timem:s3], [sflag:s2] =	dma.local @!p0 [hbm:s0], s1  }
0xfd: {  	s0 =	simm.s32 @!p0 $0x5  }
0xfe: {  	_ =	swait.ge @!p0 [sflag:s0], s1  }
0xff: {  	s1 =	ssub.s32 @!p0 $0x0, s1;
	[sflag:s0] =	ssyncset.done @!p0 $0x0  }
0x100: {  	[sflag:s0] =	ssyncadd.s32 @!p0 s1  }
0x101: {  	[bflag:$0x3] =	sbarrier.arrive $0xFFFF  }
0x102: {  	_ =	shalt  }

// kernel: kernel.9.cloned.1.call-start
scs
__scs_entry_jumppad:
0x0: {  	(pc) =	sbr.rel $0x88, $3  }
0x1: {  	(tag) =	ssettag $0x0;
	lr =	simm.s32 $0x1  }
0x2: {  	[smem:$0x3F8D] =	sst lr;
	_ =	strace $0xD0000000  }
0x3: {  	_ = 	snop  }
0x4: {  	_ = 	snop  }
0x5: {  	_ = 	snop  }
0x6: {  	_ = 	snop  }
0x7: {  	_ = 	snop  }
__scs_overlays_trampoline_lowered:
0x8: {  	[smem:$0x3F9C] =	sst s0  }
0x9: {  	[smem:$0x3F9D] =	sst s1  }
0xa: {  	[smem:$0x3F9E] =	sst s2  }
0xb: {  	[smem:$0x3F9F] =	sst s3  }
0xc: {  	[smem:$0x3FA0] =	sst s4  }
0xd: {  	[smem:$0x3FA1] =	sst s5  }
0xe: {  	[smem:$0x3FA2] =	sst s6  }
0xf: {  	[smem:$0x3FA3] =	sst s7  }
0x10: {  	[smem:$0x3FA4] =	sst s8  }
0x11: {  	[smem:$0x3FA5] =	sst s9;
	s0 =	simm.s32 @!p0 $0x0  }
0x12: {  	s1 =	sld [smem:$0x3F8B];
	s0 =	simm.s32 @p0 $0x1  }
0x13: {  	[smem:$0x3FA6] =	sst s0;
	s0 =	simm.s32 @!p1 $0x0  }
0x14: {  	s2 =	sld [smem:$0x3F8A];
	s0 =	simm.s32 @p1 $0x1  }
0x15: {  	[smem:$0x3FA7] =	sst s0;
	s0 =	simm.s32 @!p2 $0x0  }
0x16: {  	s3 =	sld [smem:$0x3FDB];
	s0 =	simm.s32 @p2 $0x1  }
0x17: {  	s4 =	simm.s32 $0x1BF5;
	[smem:$0x3FA9] =	sst s0  }
0x18: {  	s0 =	sld [smem:$0x3F8C];
	_ =	swait.ge [sflag:s4], $0x0  }
0x19: {  	s7 =	sld [smem:$0x3F8D]  }
0x1a: {  	s8 =	sadd.s32 $0xFFFFE003, lr  }
0x1b: {  	s9 =	sadd.s32 $0xFFFFFEF7, lr;
	s5 =	simm.s32 $0xFFFFFFFF;
	p2 =	slt.u32 s8, $0xFFFFF086  }
0x1c: {  	p1 =	slt.u32 s9, $0xF7A;
	s5 =	simm.s32 @!p2 $0x0  }
0x1d: {  	s5 =	simm.s32 @p1 $0x1;
	p0 =	seq.s32 s7, s2  }
0x1e: {  	s7 =	smul.u32 @!p0 $0xF7A, s2;
	p2 =	seq.s32 @!p0 s5, $0x0  }
0x1f: {  	s9 =	smul.u32 $0xF7A, s1;
	s8 =	simm.s32 @!p0 $0x1BF5;
	p2 =	por !p2, p0  }
0x20: {  	[sflag:s8] =	ssyncset.s32 @!p0 $0xFFFFF086;
	s6 =	sadd.s32 @!p0 s3, s7;
	s7 =	simm.s32 @!p0 $0x108  }
0x21: {  	s3 =	sadd.s32 s3, s9;
	s6 =	sadd.s32 @!p0 $0x88, s6;
	s7 =	simm.s32 @p2 $0x1082  }
0x22: {  	[simem:s7], [sflag:s8] =	dma.local @!p0 [hbm:s6], $0xF7A  }
0x23: {  	s9 =	sor.u32 $0xD0000000, s2;
	s6 =	simm.s32 $0x108;
	_ =	swait.ge @!p0 [sflag:s8], $0x0  }
0x24: {  	s3 =	sadd.s32 $0x88, s3;
	s6 =	simm.s32 @!p1 $0x1082;
	[sflag:s4] =	ssyncset.s32 $0xFFFFF086  }
0x25: {  	[simem:s6], [sflag:s4] =	dma.local [hbm:s3], $0xF7A  }
0x26: {  	[smem:$0x3F8D] =	sst s1;
	(tag) =	ssettag s2;
	_ =	strace s9  }
0x27: {  	s1 =	sld [smem:$0x3F9D]  }
0x28: {  	s2 =	sld [smem:$0x3F9E]  }
0x29: {  	s4 =	sld [smem:$0x3FA0]  }
0x2a: {  	p0 =	seq.s32 s5, $0x0;
	s5 =	sld [smem:$0x3FA1]  }
0x2b: {  	s6 =	sld [smem:$0x3FA2]  }
0x2c: {  	s7 =	sld [smem:$0x3FA3]  }
0x2d: {  	s3 =	simm.s32 $0x108;
	s8 =	sld [smem:$0x3FA4]  }
0x2e: {  	s3 =	simm.s32 @!p0 $0x1082;
	s9 =	sld [smem:$0x3FA5]  }
0x2f: {  	lr =	sadd.s32 s0, s3;
	s0 =	sld [smem:$0x3F9C]  }
0x30: {  	s3 =	sld [smem:$0x3F9F]  }
0x31: {  	[smem:$0x3FA8] =	sst s10  }
0x32: {  	s10 =	sld [smem:$0x3FA6];
	_ =	sdelay $0x3  }
0x33: {  	p0 =	seq.s32 s10, $0x1;
	s10 =	sld [smem:$0x3FA8];
	_ =	sdelay $0x3  }
0x34: {  	[smem:$0x3FA8] =	sst s10  }
0x35: {  	s10 =	sld [smem:$0x3FA7];
	_ =	sdelay $0x3  }
0x36: {  	p1 =	seq.s32 s10, $0x1;
	s10 =	sld [smem:$0x3FA8];
	_ =	sdelay $0x3  }
0x37: {  	[smem:$0x3FA8] =	sst s10  }
0x38: {  	s10 =	sld [smem:$0x3FA9]  }
0x39: {  	_ = 	snop;
	(pc) =	sbr.ind lr, $3  }
0x3a: {  	_ = 	snop  }
0x3b: {  	_ = 	snop  }
0x3c: {  	p2 =	seq.s32 s10, $0x1;
	s10 =	sld [smem:$0x3FA8]  }
0x3d: {  	_ =	shalt  }
0x3e: {  	_ =	shalt  }
0x3f: {  	_ =	shalt  }
0x40: {  	_ =	shalt  }
0x41: {  	_ =	shalt  }
0x42: {  	_ =	shalt  }
0x43: {  	_ =	shalt  }
0x44: {  	_ =	shalt  }
0x45: {  	_ =	shalt  }
0x46: {  	_ =	shalt  }
0x47: {  	_ =	shalt  }
0x48: {  	_ =	shalt  }
0x49: {  	_ =	shalt  }
0x4a: {  	_ =	shalt  }
0x4b: {  	_ =	shalt  }
0x4c: {  	_ =	shalt  }
0x4d: {  	_ =	shalt  }
0x4e: {  	_ =	shalt  }
0x4f: {  	_ =	shalt  }
0x50: {  	_ =	shalt  }
0x51: {  	_ =	shalt  }
0x52: {  	_ =	shalt  }
0x53: {  	_ =	shalt  }
0x54: {  	_ =	shalt  }
0x55: {  	_ =	shalt  }
0x56: {  	_ =	shalt  }
0x57: {  	_ =	shalt  }
0x58: {  	_ =	shalt  }
0x59: {  	_ =	shalt  }
0x5a: {  	_ =	shalt  }
0x5b: {  	_ =	shalt  }
0x5c: {  	_ =	shalt  }
0x5d: {  	_ =	shalt  }
0x5e: {  	_ =	shalt  }
0x5f: {  	_ =	shalt  }
0x60: {  	_ =	shalt  }
0x61: {  	_ =	shalt  }
0x62: {  	_ =	shalt  }
0x63: {  	_ =	shalt  }
0x64: {  	_ =	shalt  }
0x65: {  	_ =	shalt  }
0x66: {  	_ =	shalt  }
0x67: {  	_ =	shalt  }
0x68: {  	_ =	shalt  }
0x69: {  	_ =	shalt  }
0x6a: {  	_ =	shalt  }
0x6b: {  	_ =	shalt  }
0x6c: {  	_ =	shalt  }
0x6d: {  	_ =	shalt  }
0x6e: {  	_ =	shalt  }
0x6f: {  	_ =	shalt  }
0x70: {  	_ =	shalt  }
0x71: {  	_ =	shalt  }
0x72: {  	_ =	shalt  }
0x73: {  	_ =	shalt  }
0x74: {  	_ =	shalt  }
0x75: {  	_ =	shalt  }
0x76: {  	_ =	shalt  }
0x77: {  	_ =	shalt  }
0x78: {  	_ =	shalt  }
0x79: {  	_ =	shalt  }
0x7a: {  	_ =	shalt  }
0x7b: {  	_ =	shalt  }
0x7c: {  	_ =	shalt  }
0x7d: {  	_ =	shalt  }
0x7e: {  	_ =	shalt  }
0x7f: {  	_ =	shalt  }
0x80: {  	_ =	shalt  }
0x81: {  	_ =	shalt  }
0x82: {  	_ =	shalt  }
0x83: {  	_ =	shalt  }
0x84: {  	_ =	shalt  }
0x85: {  	_ =	shalt  }
0x86: {  	_ =	shalt  }
0x87: {  	_ =	shalt  }
.Lfunc_end0:
.L_simem_size_0:
called_computation_lowered:
.L_overlay_start_0:
0x88: {  	s2 =	sld [smem:$0x3FD9]  }
0x89: {  	s3 =	sld [smem:$0x3FFE];
	_ =	sdelay $0x1  }
0x8a: {  	s1 =	srdreg.scid  }
0x8b: {  	s0 =	sand.u32 $0x1, s1  }
0x8c: {  	s14 =	sshll.u32 s0, $0xA;
	s2 =	sadd.s32 s3, s2  }
0x8d: {  	s2 =	sadd.s32 s2, s14  }
0x8e: {  	[smem:$0x3FB4] =	sst s2  }
0x8f: {  	_ = 	snop  }
0x90: {  	s2 =	sld [smem:$0x3FD0];
	_ =	sdelay $0x2  }
0x91: {  	s4 =	simm.s32 $0xA;
	s5 =	simm.s32 $0x10;
	s15 =	sld [smem:$0x3FC9]  }
0x92: {  	[smem:s5], [sflag:s4] =	dma.local [hbm:s2], $0x1  }
0x93: {  	_ =	swait.eq [sflag:s4], $0x1  }
0x94: {  	[sflag:s4] =	ssyncset.done $0x0  }
0x95: {  	[sflag:s4] =	ssyncadd.s32 $0xFFFFFFFF  }
0x96: {  	s16 =	sld [smem:$0x10];
	(tm) =	ssettm $0x1  }
0x97: {  	s17 =	sld [smem:$0x3FFB];
	_ =	sdelay $0x3  }
0x98: {  	_ =	strace s17  }
0x99: {  	s4 =	sld [smem:$0x3FFC];
	_ =	sdelay $0x3  }
0x9a: {  	_ =	strace s4  }
0x9b: {  	s4 =	sld [smem:$0x3FFD];
	_ =	sdelay $0x3  }
0x9c: {  	_ =	strace s4  }
0x9d: {  	_ =	strace $0x8FFFFFFF  }
0x9e: {  	s18 =	sld [smem:$0x3FDB];
	_ =	sdelay $0x1  }
0x9f: {  	s19 =	simm.s32 $_scs_section_size  }
0xa0: {  	s6 =	simm.s32 $_size__tile_overlayer_lowered;
	s7 =	simm.s32 $_tile_overlayer_lowered  }
0xa1: {  	s22 =	simm.s32 $0x1BFF;
	s21 =	sshll.u32 s7, $0x1;
	s4 =	sadd.s32 s19, s18  }
0xa2: {  	s8 =	simm.s32 $0x0;
	s20 =	sshll.u32 s6, $0x1;
	s6 =	sadd.s32 s21, s4  }
0xa3: {  	[timem:s8], [sflag:s22] =	dma.local [hbm:s6], s20  }
0xa4: {  	_ =	swait.ge [sflag:s22], s20  }
0xa5: {  	s5 =	ssub.s32 $0x0, s20;
	[sflag:s22] =	ssyncset.done $0x0  }
0xa6: {  	[sflag:s22] =	ssyncadd.s32 s5;
	_ =	sdelay $0x1  }
0xa7: {  	s23 =	simm.s32 $0x1B8B  }
0xa8: {  	_ =	swait.ge [sflag:s23], $0x1  }
0xa9: {  	[sflag:s23] =	ssyncset.done $0x0  }
0xaa: {  	s25 =	simm.s32 $0x1B8E;
	s24 =	sld [smem:$0x3FFE];
	[sflag:s23] =	ssyncadd.s32 $0xFFFFFFFF  }
0xab: {  	s26 =	simm.s32 $execute0_lowered;
	[smem:$0x3FD2] =	sst s25  }
0xac: {  	s6 =	sshll.u32 s26, $0x1;
	_ =	strace $0x80000046;
	[dreg:$0x1] =	wrdreg $0xFFFFFFFF  }
0xad: {  	s28 =	simm.s32 $_size_execute0_lowered;
	s4 =	sadd.s32 s4, s6;
	[dreg:$0x0] =	wrdreg $0x0  }
0xae: {  	s6 =	sshll.u32 s28, $0x1;
	[dreg:$0x2] =	wrdreg s4  }
0xaf: {  	[dreg:$0x3] =	wrdreg s6  }
0xb0: {  	[dreg:$0x4] =	wrdreg $0xC0  }
0xb1: {  	_ =	task [dreg:s8], $0x5FFFF  }
0xb2: {  	[dreg:$0x1] =	wrdreg $0xFFFFFFFF  }
0xb3: {  	[dreg:$0x0] =	wrdreg $0x60  }
0xb4: {  	[dreg:$0x2] =	wrdreg s15  }
0xb5: {  	[dreg:$0x3] =	wrdreg s16  }
0xb6: {  	[dreg:$0x4] =	wrdreg s24  }
0xb7: {  	[dreg:$0x5] =	wrdreg $0xA8000  }
0xb8: {  	[dreg:$0x6] =	wrdreg $0x9  }
0xb9: {  	_ =	task.clear_ibuf [dreg:s8], $0x7FFFF;
	_ =	strace $0x90000046  }
0xba: {  	s29 =	simm.s32 $0x9;
	_ =	strace $0x80000048  }
0xbb: {  	_ =	swait.ge [sflag:s29], $0x1  }
0xbc: {  	[sflag:s29] =	ssyncadd.s32 $0xFFFFFFFF  }
0xbd: {  	_ =	strace $0x90000048  }
0xbe: {  	_ =	sfence  }
0xbf: {  	s30 =	sld [smem:$0x0];
	_ =	sdelay $0x2  }
0xc0: {  	s31 =	sshll.u32 s1, $0xD;
	s1 =	sshrl.u32 s1, $0x2  }
0xc1: {  	s3 =	sand.u32 $0x4000, s31;
	s1 =	sadd.s32 s1, s30  }
0xc2: {  	s0 =	sor.u32 s3, s0;
	s1 =	sshll.u32 s1, $0x11  }
0xc3: {  	s0 =	sor.u32 s1, s0  }
0xc4: {  	s0 =	sadd.s32 $0x8F2B, s0  }
0xc5: {  	[sflag:s0] =	ssyncadd.remote.s32 $0x1  }
0xc6: {  	_ =	sfence.sel $0xFFFF  }
0xc7: {  	[dreg:$0x0] =	wrdreg $0xFFFFFFFF;
	(pc) =	sbr.abs _section_cstart, $3  }
0xc8: {  	[dreg:$0x1] =	wrdreg $0xFFFFFFFF  }
0xc9: {  	_ =	task.clear_ibuf [dreg:s8], $0x2FFFF;
	_ =	strace $0x9FFFFFFF  }
0xca: {  	(tm) =	ssettm $0x7FFFFFFF  }
0xcb: {  	_ =	shalt  }
tec
execute0_lowered:
.L_overlay_start_1:
0x0: {  	(tag) =	ssettag $0x1  }
0x1: {  	s1 =	rddreg [dreg:$0x0]  }
0x2: {  	s0 =	rddreg [dreg:$0x1]  }
0x3: {  	s6 =	rddreg [dreg:$0x2]  }
0x4: {  	s2 =	rddreg [dreg:$0x3]  }
0x5: {  	s3 =	srdreg.scid;
	s4 =	simm.s32 $0x0;
	s22 =	stileid.u32  }
0x6: {  	s16 =	simm.s32 $0x80;
	s17 =	simm.s32 $0x2800;
	s18 =	simm.s32 $0x6800  }
0x7: {  	s19 =	simm.s32 $0x1;
	s20 =	simm.s32 $0x3;
	s21 =	simm.s32 $0x2  }
0x8: {  	s28 =	simm.s32 $0x2780;
	s29 =	simm.s32 $0x0;
	s8 =	smul.u32 $0x13C00, s22  }
0x9: {  	s5 =	sand.u32 $0x1, s3;
	[smem:$0x7FF] =	sst s4;
	s9 =	smul.u32 $0x4F000, s22  }
0xa: {  	s10 =	sadd.s32 $0x3800, s6;
	s12 =	smul.u32 $0x2800, s22;
	s30 =	sshll.u32 s22, $0x6  }
0xb: {  	s22 =	simm.s32 $0x4;
	s7 =	smul.u32 $0x13C000, s5;
	_ =	strace $0x80000047  }
0xc: {  	s23 =	smul.u32 $0x28000, s5;
	s11 =	ssub.s32 $0x2, s5;
	s5 =	sadd.s32 $0xD800, s6  }
0xd: {  	s24 =	sshrl.u32 s11, $0x1;
	s25 =	sshrl.u32 s9, $0x2;
	s7 =	sadd.s32 s8, s7  }
0xe: {  	s14 =	ssub.s32 s11, s24;
	s26 =	sadd.s32 s12, s23;
	s15 =	sadd.s32 s25, s2  }
0xf: {  	s23 =	simm.s32 $0x1300;
	s24 =	simm.s32 $0x2680;
	s25 =	simm.s32 $0x1380  }
0x10: {  	s7 =	sshrl.u32 s7, $0x3;
	s8 =	sshrl.u32 s26, $0x3;
	s12 =	smax.u32 s14, $0x1  }
0x11: {  	s14 =	simm.s32 $0x5;
	s26 =	simm.s32 $0x2700;
	s13 =	sadd.s32 s7, s6  }
0x12: {  	s6 =	sor.u32 $0x1C05, s30;
	s7 =	sadd.s32 s0, s8;
	s31 =	sadd.s32 $0x280, s8  }
0x13: {  	s8 =	sadd.s32 s10, s8;
	s9 =	sadd.s32 s0, s31;
	s10 =	sadd.s32 s10, s31  }
0x14: {  	s11 =	sadd.s32 $0x10000, s13;
	s13 =	sshrl.u32 s15, $0x3;
	s15 =	simm.s32 $0x1400  }
.LBB2_1:
0x15: {  	[spmem:s13], [sflag:s6] =	dma.local [hbm:s5], $0x2780  }
0x16: {  	_ =	swait.ge [sflag:s14], $0x2780  }
0x17: {  	[sflag:s14] =	ssyncset.done $0x0  }
0x18: {  	[sflag:s14] =	ssyncadd.s32 $0xFFFFD880  }
0x19: {  	[bflag:$0x0] =	sbarrier.arrive $0xFFFF  }
0x1a: {  	[tilespmem:s4], [sflag:$0x5] =	stream.linear.gather [hbm4b:s7+s4], $0x1400, $0x38;
	[tilespmem:$0x1E400] =	vst v63  }
0x1b: {  	_ =	swait.ge [sflag:s14], $0x1400  }
0x1c: {  	[sflag:s14] =	ssyncset.done $0x0  }
0x1d: {  	[sflag:s14] =	ssyncadd.s32 $0xFFFFEC00  }
0x1e: {  	[tilespmem:s15], [sflag:$0x5] =	stream.linear.gather [hbm4b:s8+s4], $0x1400, $0x38;
	[tilespmem:$0x1E400] =	vst v63  }
0x1f: {  	_ =	swait.ge [sflag:s14], $0x1400  }
0x20: {  	[sflag:s14] =	ssyncset.done $0x0  }
0x21: {  	[sflag:s14] =	ssyncadd.s32 $0xFFFFEC00  }
0x22: {  	[tilespmem:s17], [sflag:$0x1] =	stream.indirect.gather [hbm4b:s1+s16], $0x80, s4, s16, $0xb8;
	[tilespmem:$0x1E400] =	vst v63  }
0x23: {  	_ = 	snop  }
0x24: {  	[tilespmem:s18], [sflag:$0x2] =	stream.indirect.gather [hbm4b:s1+s16], $0x80, s16, s16, $0xb8;
	[tilespmem:$0x1E400] =	vst v63  }
0x25: {  	_ =	swait.ge [sflag:s19], $0x4000  }
0x26: {  	[sflag:s19] =	ssyncset.done $0x0  }
0x27: {  	[sflag:s19] =	ssyncadd.s32 $0xFFFFC000  }
0x28: {  	[spmem:s2] =	stream.indirect.scatter.add.f32 [tilespmem:s17], [sflag:$0x3], $0x80, s15, s16, $0xb8;
	[tilespmem:$0x1E400] =	vst v63  }
0x29: {  	_ =	swait.ge [sflag:s20], $0x4000  }
0x2a: {  	[sflag:s20] =	ssyncset.done $0x0  }
0x2b: {  	s0 =	simm.s32 $0x100;
	[sflag:s20] =	ssyncadd.s32 $0xFFFFC000  }
0x2c: {  	[tilespmem:s17], [sflag:$0x1] =	stream.indirect.gather [hbm4b:s1+s16], $0x80, s0, s16, $0xb8;
	[tilespmem:$0x1E400] =	vst v63  }
0x2d: {  	_ =	swait.ge [sflag:s21], $0x4000  }
0x2e: {  	[sflag:s21] =	ssyncset.done $0x0  }
0x2f: {  	s3 =	simm.s32 $0x1480;
	[sflag:s21] =	ssyncadd.s32 $0xFFFFC000  }
0x30: {  	[spmem:s2] =	stream.indirect.scatter.add.f32 [tilespmem:s18], [sflag:$0x4], $0x80, s3, s16, $0xb8;
	[tilespmem:$0x1E400] =	vst v63  }
0x31: {  	_ =	swait.ge [sflag:s22], $0x4000  }
0x32: {  	[sflag:s22] =	ssyncset.done $0x0  }
0x33: {  	s3 =	simm.s32 $0x180;
	[sflag:s22] =	ssyncadd.s32 $0xFFFFC000  }
0x34: {  	[tilespmem:s18], [sflag:$0x2] =	stream.indirect.gather [hbm4b:s1+s16], $0x80, s3, s16, $0xb8;
	[tilespmem:$0x1E400] =	vst v63  }
0x35: {  	_ =	swait.ge [sflag:s19], $0x4000  }
0x36: {  	[sflag:s19] =	ssyncset.done $0x0  }
0x37: {  	s3 =	simm.s32 $0x1500;
	[sflag:s19] =	ssyncadd.s32 $0xFFFFC000  }
0x38: {  	[spmem:s2] =	stream.indirect.scatter.add.f32 [tilespmem:s17], [sflag:$0x3], $0x80, s3, s16, $0xb8;
	[tilespmem:$0x1E400] =	vst v63  }
0x39: {  	_ =	swait.ge [sflag:s20], $0x4000  }
0x3a: {  	[sflag:s20] =	ssyncset.done $0x0  }
0x3b: {  	s3 =	simm.s32 $0x200;
	[sflag:s20] =	ssyncadd.s32 $0xFFFFC000  }
0x3c: {  	[tilespmem:s17], [sflag:$0x1] =	stream.indirect.gather [hbm4b:s1+s16], $0x80, s3, s16, $0xb8;
	[tilespmem:$0x1E400] =	vst v63  }
0x3d: {  	_ =	swait.ge [sflag:s21], $0x4000  }
0x3e: {  	[sflag:s21] =	ssyncset.done $0x0  }
0x3f: {  	s3 =	simm.s32 $0x1580;
	[sflag:s21] =	ssyncadd.s32 $0xFFFFC000  }
0x40: {  	[spmem:s2] =	stream.indirect.scatter.add.f32 [tilespmem:s18], [sflag:$0x4], $0x80, s3, s16, $0xb8;
	[tilespmem:$0x1E400] =	vst v63  }
0x41: {  	_ =	swait.ge [sflag:s22], $0x4000  }
0x42: {  	[sflag:s22] =	ssyncset.done $0x0  }
0x43: {  	s3 =	simm.s32 $0x280;
	[sflag:s22] =	ssyncadd.s32 $0xFFFFC000  }
0x44: {  	[tilespmem:s18], [sflag:$0x2] =	stream.indirect.gather [hbm4b:s1+s16], $0x80, s3, s16, $0xb8;
	[tilespmem:$0x1E400] =	vst v63  }
0x45: {  	_ =	swait.ge [sflag:s19], $0x4000  }
0x46: {  	s30 =	simm.s32 $0x1;
	[sflag:s19] =	ssyncset.done $0x0  }
0x47: {  	s31 =	simm.s32 $0x800;
	s0 =	simm.s32 $0x1600;
	[sflag:s19] =	ssyncadd.s32 $0xFFFFC000  }
.LBB2_2:
0x48: {  	[spmem:s2] =	stream.indirect.scatter.add.f32 [tilespmem:s17], [sflag:$0x3], $0x80, s0, s16, $0xb8;
	[tilespmem:$0x1E400] =	vst v63  }
0x49: {  	s30 =	sadd.s32 $0x2, s30;
	_ =	swait.ge [sflag:s20], $0x4000  }
0x4a: {  	s0 =	sshra.s32 s31, $0x2;
	p0 =	slt.u32 s30, $0x11;
	[sflag:s20] =	ssyncset.done $0x0  }
0x4b: {  	s3 =	sadd.s32 $0x100, s0;
	[sflag:s20] =	ssyncadd.s32 $0xFFFFC000  }
0x4c: {  	[tilespmem:s17], [sflag:$0x1] =	stream.indirect.gather [hbm4b:s1+s16], $0x80, s3, s16, $0xb8;
	[tilespmem:$0x1E400] =	vst v63  }
0x4d: {  	_ =	swait.ge [sflag:s21], $0x4000  }
0x4e: {  	[sflag:s21] =	ssyncset.done $0x0  }
0x4f: {  	s3 =	sadd.s32 $0x1480, s0;
	[sflag:s21] =	ssyncadd.s32 $0xFFFFC000  }
0x50: {  	[spmem:s2] =	stream.indirect.scatter.add.f32 [tilespmem:s18], [sflag:$0x4], $0x80, s3, s16, $0xb8;
	[tilespmem:$0x1E400] =	vst v63  }
0x51: {  	_ =	swait.ge [sflag:s22], $0x4000  }
0x52: {  	[sflag:s22] =	ssyncset.done $0x0  }
0x53: {  	s3 =	sadd.s32 $0x180, s0;
	[sflag:s22] =	ssyncadd.s32 $0xFFFFC000  }
0x54: {  	[tilespmem:s18], [sflag:$0x2] =	stream.indirect.gather [hbm4b:s1+s16], $0x80, s3, s16, $0xb8;
	[tilespmem:$0x1E400] =	vst v63  }
0x55: {  	_ =	swait.ge [sflag:s19], $0x4000  }
0x56: {  	[sflag:s19] =	ssyncset.done $0x0  }
0x57: {  	s3 =	sadd.s32 $0x1500, s0;
	[sflag:s19] =	ssyncadd.s32 $0xFFFFC000  }
0x58: {  	[spmem:s2] =	stream.indirect.scatter.add.f32 [tilespmem:s17], [sflag:$0x3], $0x80, s3, s16, $0xb8;
	[tilespmem:$0x1E400] =	vst v63  }
0x59: {  	_ =	swait.ge [sflag:s20], $0x4000  }
0x5a: {  	[sflag:s20] =	ssyncset.done $0x0  }
0x5b: {  	s3 =	sadd.s32 $0x200, s0;
	[sflag:s20] =	ssyncadd.s32 $0xFFFFC000  }
0x5c: {  	[tilespmem:s17], [sflag:$0x1] =	stream.indirect.gather [hbm4b:s1+s16], $0x80, s3, s16, $0xb8;
	[tilespmem:$0x1E400] =	vst v63  }
0x5d: {  	_ =	swait.ge [sflag:s21], $0x4000  }
0x5e: {  	[sflag:s21] =	ssyncset.done $0x0  }
0x5f: {  	s3 =	sadd.s32 $0x1580, s0;
	[sflag:s21] =	ssyncadd.s32 $0xFFFFC000  }
0x60: {  	[spmem:s2] =	stream.indirect.scatter.add.f32 [tilespmem:s18], [sflag:$0x4], $0x80, s3, s16, $0xb8;
	[tilespmem:$0x1E400] =	vst v63  }
0x61: {  	_ =	swait.ge [sflag:s22], $0x4000  }
0x62: {  	[sflag:s22] =	ssyncset.done $0x0  }
.Ltmp0:
0x63: {  	s3 =	sadd.s32 $0x280, s0;
	[sflag:s22] =	ssyncadd.s32 $0xFFFFC000;
	(pc) =	sbr.rel @p0 .LBB2_2-.Ltmp0, $4  }
0x64: {  	[tilespmem:s18], [sflag:$0x2] =	stream.indirect.gather [hbm4b:s1+s16], $0x80, s3, s16, $0xb8;
	[tilespmem:$0x1E400] =	vst v63  }
0x65: {  	_ =	swait.ge [sflag:s19], $0x4000  }
0x66: {  	[sflag:s19] =	ssyncset.done $0x0  }
0x67: {  	s31 =	sadd.s32 $0x800, s31;
	s0 =	sadd.s32 $0x1600, s0;
	[sflag:s19] =	ssyncadd.s32 $0xFFFFC000  }
0x68: {  	[spmem:s2] =	stream.indirect.scatter.add.f32 [tilespmem:s17], [sflag:$0x3], $0x80, s0, s16, $0xb8;
	[tilespmem:$0x1E400] =	vst v63  }
0x69: {  	_ =	swait.ge [sflag:s20], $0x4000  }
0x6a: {  	[sflag:s20] =	ssyncset.done $0x0  }
0x6b: {  	[sflag:s20] =	ssyncadd.s32 $0xFFFFC000  }
0x6c: {  	[tilespmem:s17], [sflag:$0x1] =	stream.indirect.gather [hbm4b:s1+s16], $0x80, s23, s16, $0xb8;
	[tilespmem:$0x1E400] =	vst v63  }
0x6d: {  	_ =	swait.ge [sflag:s21], $0x4000  }
0x6e: {  	[sflag:s21] =	ssyncset.done $0x0  }
0x6f: {  	[sflag:s21] =	ssyncadd.s32 $0xFFFFC000  }
0x70: {  	[spmem:s2] =	stream.indirect.scatter.add.f32 [tilespmem:s18], [sflag:$0x4], $0x80, s24, s16, $0xb8;
	[tilespmem:$0x1E400] =	vst v63  }
0x71: {  	_ =	swait.ge [sflag:s22], $0x4000  }
0x72: {  	[sflag:s22] =	ssyncset.done $0x0  }
0x73: {  	[sflag:s22] =	ssyncadd.s32 $0xFFFFC000  }
0x74: {  	[tilespmem:s18], [sflag:$0x2] =	stream.indirect.gather [hbm4b:s1+s16], $0x80, s25, s16, $0xb8;
	[tilespmem:$0x1E400] =	vst v63  }
0x75: {  	_ =	swait.ge [sflag:s19], $0x4000  }
0x76: {  	[sflag:s19] =	ssyncset.done $0x0  }
0x77: {  	[sflag:s19] =	ssyncadd.s32 $0xFFFFC000  }
0x78: {  	[spmem:s2] =	stream.indirect.scatter.add.f32 [tilespmem:s17], [sflag:$0x3], $0x80, s26, s16, $0xb8;
	[tilespmem:$0x1E400] =	vst v63  }
0x79: {  	_ =	swait.ge [sflag:s21], $0x4000  }
0x7a: {  	[sflag:s21] =	ssyncset.done $0x0  }
0x7b: {  	[sflag:s21] =	ssyncadd.s32 $0xFFFFC000  }
0x7c: {  	[spmem:s2] =	stream.indirect.scatter.add.f32 [tilespmem:s18], [sflag:$0x4], $0x80, s28, s16, $0xb8;
	[tilespmem:$0x1E400] =	vst v63  }
0x7d: {  	_ =	swait.ge [sflag:s20], $0x4000  }
0x7e: {  	[sflag:s20] =	ssyncset.done $0x0  }
0x7f: {  	[sflag:s20] =	ssyncadd.s32 $0xFFFFC000  }
0x80: {  	_ =	swait.ge [sflag:s22], $0x4000  }
0x81: {  	[sflag:s22] =	ssyncset.done $0x0  }
0x82: {  	s3 =	simm.s32 $0x0;
	[sflag:s22] =	ssyncadd.s32 $0xFFFFC000  }
0x83: {  	[tilespmem:s3], [sflag:$0x5] =	stream.linear.gather [hbm4b:s9+s3], $0x1400, $0x38;
	[tilespmem:$0x1E400] =	vst v63  }
0x84: {  	_ =	swait.ge [sflag:s14], $0x1400  }
0x85: {  	[sflag:s14] =	ssyncset.done $0x0  }
0x86: {  	[sflag:s14] =	ssyncadd.s32 $0xFFFFEC00  }
0x87: {  	[tilespmem:s15], [sflag:$0x5] =	stream.linear.gather [hbm4b:s10+s3], $0x1400, $0x38;
	[tilespmem:$0x1E400] =	vst v63  }
0x88: {  	_ =	swait.ge [sflag:s14], $0x1400  }
0x89: {  	[sflag:s14] =	ssyncset.done $0x0  }
0x8a: {  	[sflag:s14] =	ssyncadd.s32 $0xFFFFEC00  }
0x8b: {  	[tilespmem:s17], [sflag:$0x1] =	stream.indirect.gather [hbm4b:s1+s16], $0x80, s3, s16, $0xb8;
	[tilespmem:$0x1E400] =	vst v63  }
0x8c: {  	_ = 	snop  }
0x8d: {  	[tilespmem:s18], [sflag:$0x2] =	stream.indirect.gather [hbm4b:s1+s16], $0x80, s16, s16, $0xb8;
	[tilespmem:$0x1E400] =	vst v63  }
0x8e: {  	_ =	swait.ge [sflag:s19], $0x4000  }
0x8f: {  	[sflag:s19] =	ssyncset.done $0x0  }
0x90: {  	[sflag:s19] =	ssyncadd.s32 $0xFFFFC000  }
0x91: {  	[spmem:s2] =	stream.indirect.scatter.add.f32 [tilespmem:s17], [sflag:$0x3], $0x80, s15, s16, $0xb8;
	[tilespmem:$0x1E400] =	vst v63  }
0x92: {  	_ =	swait.ge [sflag:s20], $0x4000  }
0x93: {  	[sflag:s20] =	ssyncset.done $0x0  }
0x94: {  	s3 =	simm.s32 $0x100;
	[sflag:s20] =	ssyncadd.s32 $0xFFFFC000  }
0x95: {  	[tilespmem:s17], [sflag:$0x1] =	stream.indirect.gather [hbm4b:s1+s16], $0x80, s3, s16, $0xb8;
	[tilespmem:$0x1E400] =	vst v63  }
0x96: {  	_ =	swait.ge [sflag:s21], $0x4000  }
0x97: {  	[sflag:s21] =	ssyncset.done $0x0  }
0x98: {  	s3 =	simm.s32 $0x1480;
	[sflag:s21] =	ssyncadd.s32 $0xFFFFC000  }
0x99: {  	[spmem:s2] =	stream.indirect.scatter.add.f32 [tilespmem:s18], [sflag:$0x4], $0x80, s3, s16, $0xb8;
	[tilespmem:$0x1E400] =	vst v63  }
0x9a: {  	_ =	swait.ge [sflag:s22], $0x4000  }
0x9b: {  	[sflag:s22] =	ssyncset.done $0x0  }
0x9c: {  	s3 =	simm.s32 $0x180;
	[sflag:s22] =	ssyncadd.s32 $0xFFFFC000  }
0x9d: {  	[tilespmem:s18], [sflag:$0x2] =	stream.indirect.gather [hbm4b:s1+s16], $0x80, s3, s16, $0xb8;
	[tilespmem:$0x1E400] =	vst v63  }
0x9e: {  	_ =	swait.ge [sflag:s19], $0x4000  }
0x9f: {  	[sflag:s19] =	ssyncset.done $0x0  }
0xa0: {  	s3 =	simm.s32 $0x1500;
	[sflag:s19] =	ssyncadd.s32 $0xFFFFC000  }
0xa1: {  	[spmem:s2] =	stream.indirect.scatter.add.f32 [tilespmem:s17], [sflag:$0x3], $0x80, s3, s16, $0xb8;
	[tilespmem:$0x1E400] =	vst v63  }
0xa2: {  	_ =	swait.ge [sflag:s20], $0x4000  }
0xa3: {  	[sflag:s20] =	ssyncset.done $0x0  }
0xa4: {  	s3 =	simm.s32 $0x200;
	[sflag:s20] =	ssyncadd.s32 $0xFFFFC000  }
0xa5: {  	[tilespmem:s17], [sflag:$0x1] =	stream.indirect.gather [hbm4b:s1+s16], $0x80, s3, s16, $0xb8;
	[tilespmem:$0x1E400] =	vst v63  }
0xa6: {  	_ =	swait.ge [sflag:s21], $0x4000  }
0xa7: {  	[sflag:s21] =	ssyncset.done $0x0  }
0xa8: {  	s3 =	simm.s32 $0x1580;
	[sflag:s21] =	ssyncadd.s32 $0xFFFFC000  }
0xa9: {  	[spmem:s2] =	stream.indirect.scatter.add.f32 [tilespmem:s18], [sflag:$0x4], $0x80, s3, s16, $0xb8;
	[tilespmem:$0x1E400] =	vst v63  }
0xaa: {  	_ =	swait.ge [sflag:s22], $0x4000  }
0xab: {  	[sflag:s22] =	ssyncset.done $0x0  }
0xac: {  	s3 =	simm.s32 $0x280;
	[sflag:s22] =	ssyncadd.s32 $0xFFFFC000  }
0xad: {  	[tilespmem:s18], [sflag:$0x2] =	stream.indirect.gather [hbm4b:s1+s16], $0x80, s3, s16, $0xb8;
	[tilespmem:$0x1E400] =	vst v63  }
0xae: {  	_ =	swait.ge [sflag:s19], $0x4000  }
0xaf: {  	s30 =	simm.s32 $0x1;
	[sflag:s19] =	ssyncset.done $0x0  }
0xb0: {  	s0 =	simm.s32 $0x1600;
	s31 =	simm.s32 $0x800;
	[sflag:s19] =	ssyncadd.s32 $0xFFFFC000  }
.LBB2_4:
0xb1: {  	[spmem:s2] =	stream.indirect.scatter.add.f32 [tilespmem:s17], [sflag:$0x3], $0x80, s0, s16, $0xb8;
	[tilespmem:$0x1E400] =	vst v63  }
0xb2: {  	s30 =	sadd.s32 $0x2, s30;
	_ =	swait.ge [sflag:s20], $0x4000  }
0xb3: {  	s0 =	sshra.s32 s31, $0x2;
	p0 =	slt.u32 s30, $0x11;
	[sflag:s20] =	ssyncset.done $0x0  }
0xb4: {  	s3 =	sadd.s32 $0x100, s0;
	[sflag:s20] =	ssyncadd.s32 $0xFFFFC000  }
0xb5: {  	[tilespmem:s17], [sflag:$0x1] =	stream.indirect.gather [hbm4b:s1+s16], $0x80, s3, s16, $0xb8;
	[tilespmem:$0x1E400] =	vst v63  }
0xb6: {  	_ =	swait.ge [sflag:s21], $0x4000  }
0xb7: {  	[sflag:s21] =	ssyncset.done $0x0  }
0xb8: {  	s3 =	sadd.s32 $0x1480, s0;
	[sflag:s21] =	ssyncadd.s32 $0xFFFFC000  }
0xb9: {  	[spmem:s2] =	stream.indirect.scatter.add.f32 [tilespmem:s18], [sflag:$0x4], $0x80, s3, s16, $0xb8;
	[tilespmem:$0x1E400] =	vst v63  }
0xba: {  	_ =	swait.ge [sflag:s22], $0x4000  }
0xbb: {  	[sflag:s22] =	ssyncset.done $0x0  }
0xbc: {  	s3 =	sadd.s32 $0x180, s0;
	[sflag:s22] =	ssyncadd.s32 $0xFFFFC000  }
0xbd: {  	[tilespmem:s18], [sflag:$0x2] =	stream.indirect.gather [hbm4b:s1+s16], $0x80, s3, s16, $0xb8;
	[tilespmem:$0x1E400] =	vst v63  }
0xbe: {  	_ =	swait.ge [sflag:s19], $0x4000  }
0xbf: {  	[sflag:s19] =	ssyncset.done $0x0  }
0xc0: {  	s3 =	sadd.s32 $0x1500, s0;
	[sflag:s19] =	ssyncadd.s32 $0xFFFFC000  }
0xc1: {  	[spmem:s2] =	stream.indirect.scatter.add.f32 [tilespmem:s17], [sflag:$0x3], $0x80, s3, s16, $0xb8;
	[tilespmem:$0x1E400] =	vst v63  }
0xc2: {  	_ =	swait.ge [sflag:s20], $0x4000  }
0xc3: {  	[sflag:s20] =	ssyncset.done $0x0  }
0xc4: {  	s3 =	sadd.s32 $0x200, s0;
	[sflag:s20] =	ssyncadd.s32 $0xFFFFC000  }
0xc5: {  	[tilespmem:s17], [sflag:$0x1] =	stream.indirect.gather [hbm4b:s1+s16], $0x80, s3, s16, $0xb8;
	[tilespmem:$0x1E400] =	vst v63  }
0xc6: {  	_ =	swait.ge [sflag:s21], $0x4000  }
0xc7: {  	[sflag:s21] =	ssyncset.done $0x0  }
0xc8: {  	s3 =	sadd.s32 $0x1580, s0;
	[sflag:s21] =	ssyncadd.s32 $0xFFFFC000  }
0xc9: {  	[spmem:s2] =	stream.indirect.scatter.add.f32 [tilespmem:s18], [sflag:$0x4], $0x80, s3, s16, $0xb8;
	[tilespmem:$0x1E400] =	vst v63  }
0xca: {  	_ =	swait.ge [sflag:s22], $0x4000  }
0xcb: {  	[sflag:s22] =	ssyncset.done $0x0  }
.Ltmp1:
0xcc: {  	s3 =	sadd.s32 $0x280, s0;
	[sflag:s22] =	ssyncadd.s32 $0xFFFFC000;
	(pc) =	sbr.rel @p0 .LBB2_4-.Ltmp1, $4  }
0xcd: {  	[tilespmem:s18], [sflag:$0x2] =	stream.indirect.gather [hbm4b:s1+s16], $0x80, s3, s16, $0xb8;
	[tilespmem:$0x1E400] =	vst v63  }
0xce: {  	_ =	swait.ge [sflag:s19], $0x4000  }
0xcf: {  	[sflag:s19] =	ssyncset.done $0x0  }
0xd0: {  	s31 =	sadd.s32 $0x800, s31;
	s0 =	sadd.s32 $0x1600, s0;
	[sflag:s19] =	ssyncadd.s32 $0xFFFFC000  }
0xd1: {  	[spmem:s2] =	stream.indirect.scatter.add.f32 [tilespmem:s17], [sflag:$0x3], $0x80, s0, s16, $0xb8;
	[tilespmem:$0x1E400] =	vst v63  }
0xd2: {  	_ =	swait.ge [sflag:s20], $0x4000  }
0xd3: {  	[sflag:s20] =	ssyncset.done $0x0  }
0xd4: {  	[sflag:s20] =	ssyncadd.s32 $0xFFFFC000  }
0xd5: {  	[tilespmem:s17], [sflag:$0x1] =	stream.indirect.gather [hbm4b:s1+s16], $0x80, s23, s16, $0xb8;
	[tilespmem:$0x1E400] =	vst v63  }
0xd6: {  	_ =	swait.ge [sflag:s21], $0x4000  }
0xd7: {  	[sflag:s21] =	ssyncset.done $0x0  }
0xd8: {  	[sflag:s21] =	ssyncadd.s32 $0xFFFFC000  }
0xd9: {  	[spmem:s2] =	stream.indirect.scatter.add.f32 [tilespmem:s18], [sflag:$0x4], $0x80, s24, s16, $0xb8;
	[tilespmem:$0x1E400] =	vst v63  }
0xda: {  	_ =	swait.ge [sflag:s22], $0x4000  }
0xdb: {  	[sflag:s22] =	ssyncset.done $0x0  }
0xdc: {  	[sflag:s22] =	ssyncadd.s32 $0xFFFFC000  }
0xdd: {  	[tilespmem:s18], [sflag:$0x2] =	stream.indirect.gather [hbm4b:s1+s16], $0x80, s25, s16, $0xb8;
	[tilespmem:$0x1E400] =	vst v63  }
0xde: {  	_ =	swait.ge [sflag:s19], $0x4000  }
0xdf: {  	[sflag:s19] =	ssyncset.done $0x0  }
0xe0: {  	[sflag:s19] =	ssyncadd.s32 $0xFFFFC000  }
0xe1: {  	[spmem:s2] =	stream.indirect.scatter.add.f32 [tilespmem:s17], [sflag:$0x3], $0x80, s26, s16, $0xb8;
	[tilespmem:$0x1E400] =	vst v63  }
0xe2: {  	_ =	swait.ge [sflag:s21], $0x4000  }
0xe3: {  	[sflag:s21] =	ssyncset.done $0x0  }
0xe4: {  	[sflag:s21] =	ssyncadd.s32 $0xFFFFC000  }
0xe5: {  	[spmem:s2] =	stream.indirect.scatter.add.f32 [tilespmem:s18], [sflag:$0x4], $0x80, s28, s16, $0xb8;
	[tilespmem:$0x1E400] =	vst v63  }
0xe6: {  	_ =	swait.ge [sflag:s20], $0x4000  }
0xe7: {  	[sflag:s20] =	ssyncset.done $0x0  }
0xe8: {  	[sflag:s20] =	ssyncadd.s32 $0xFFFFC000  }
0xe9: {  	_ =	swait.ge [sflag:s22], $0x4000  }
0xea: {  	s29 =	sadd.s32 $0x1, s29;
	[sflag:s22] =	ssyncset.done $0x0  }
0xeb: {  	p0 =	sne.s32 s29, s12;
	[sflag:s22] =	ssyncadd.s32 $0xFFFFC000  }
.Ltmp2:
0xec: {  	[bflag:$0x0] =	sbarrier.arrive $0xFFFF;
	(pc) =	sbr.rel @p0 .LBB2_1-.Ltmp2, $4  }
0xed: {  	[hbm:s11], [sflag:s6] =	dma.local [spmem:s13], $0x2780  }
0xee: {  	_ =	swait.ge [sflag:s14], $0x2780  }
0xef: {  	[sflag:s14] =	ssyncset.done $0x0  }
0xf0: {  	[sflag:s14] =	ssyncadd.s32 $0xFFFFD880  }
0xf1: {  	_ =	sfence.sel $0x180000  }
0xf2: {  	[bflag:$0x0] =	sbarrier.arrive $0xFFFF  }
0xf3: {  	_ =	strace $0x90000047  }
0xf4: {  	s0 =	stileid.u32;
	[bflag:$0x2] =	sbarrier.arrive $0xFFFF  }
0xf5: {  	p0 =	sne.s32 s0, $0x0;
	s0 =	rddreg [dreg:$0x4]  }
0xf6: {  	s0 =	sadd.s32 @!p0 $0x100000, s0  }
0xf7: {  	[sflag:s0] =	ssyncadd.tile.s32 @!p0 $0x1;
	_ =	shalt  }
.Lfunc_end2:
_tile_overlayer_lowered:
.L_overlay_start_2:
0xf8: {  	(tag) =	ssettag $0x2  }
0xf9: {  	s0 =	rddreg [dreg:$0x0];
	s2 =	stileid.u32  }
0xfa: {  	s1 =	rddreg [dreg:$0x1];
	p0 =	sne.s32 s2, $0x0  }
0xfb: {  	s3 =	rddreg [dreg:$0x2];
	[bflag:$0x3] =	sbarrier.arrive $0xFFFF;
	s2 =	simm.s32 @!p0 $0x1C05  }
0xfc: {  	[timem:s3], [sflag:s2] =	dma.local @!p0 [hbm:s0], s1  }
0xfd: {  	s0 =	simm.s32 @!p0 $0x5  }
0xfe: {  	_ =	swait.ge @!p0 [sflag:s0], s1  }
0xff: {  	s1 =	ssub.s32 @!p0 $0x0, s1;
	[sflag:s0] =	ssyncset.done @!p0 $0x0  }
0x100: {  	[sflag:s0] =	ssyncadd.s32 @!p0 s1  }
0x101: {  	[bflag:$0x3] =	sbarrier.arrive $0xFFFF  }
0x102: {  	_ =	shalt  }

</sc_bundles>
